<compile_context>
chip_gen: v7x
topology: tpu7x:2x2x1
jax: 0.10.2.dev20260603
libtpu: 0.0.44.dev20260713+nightly
codegen_flags: <defaults>
</compile_context>

<pallas_src>
import functools

import jax
import jax.numpy as jnp
from jax import lax
from jax.experimental import pallas as pl
from jax.experimental.pallas import tpu as pltpu
from jax.experimental.pallas import tpu_sc as plsc

TOPK = 64
PACK = 4
LANES = 16
UNROLL = 4



def _score_kernel(x_ref, w1_ref, w2_ref, w3_ref, b1_ref, b2_ref, b3_ref,
                  s1_ref, s2_ref, g1_ref, be1_ref, g2_ref, be2_ref, out_ref):
    B, Rb, _ = x_ref.shape
    rows = B * Rb
    x2 = x_ref[...].reshape(rows, 128)

    h1 = jnp.dot(x2.astype(jnp.bfloat16), w1_ref[...].astype(jnp.bfloat16),
                 preferred_element_type=jnp.float32)
    h1 = h1 + b1_ref[...][None, :]
    h1b = h1.reshape(B, Rb, 64)

    def bn_relu(hb, s_ref, g_ref, be_ref, nred):
        sb = jnp.sum(hb, axis=0)
        qb = jnp.sum(hb * hb, axis=0)
        s = s_ref[...]
        m = jnp.dot(sb, s, preferred_element_type=jnp.float32, precision=lax.Precision.HIGHEST) / nred
        q = jnp.dot(qb, s, preferred_element_type=jnp.float32, precision=lax.Precision.HIGHEST) / nred
        inv = 1.0 / jnp.sqrt(q - m * m + 1e-5)
        a = g_ref[...] * inv
        c = be_ref[...] - m * a
        st = s.T
        a_w = jnp.dot(a, st, preferred_element_type=jnp.float32, precision=lax.Precision.HIGHEST)
        c_w = jnp.dot(c, st, preferred_element_type=jnp.float32, precision=lax.Precision.HIGHEST)
        return jnp.maximum(hb * a_w[None, :, :] + c_w[None, :, :], 0.0)

    h1n = bn_relu(h1b, s1_ref, g1_ref, be1_ref, 32.0 * 16.0)

    h2 = jnp.dot(h1n.reshape(rows, 64).astype(jnp.bfloat16),
                 w2_ref[...].astype(jnp.bfloat16),
                 preferred_element_type=jnp.float32)
    h2 = h2 + b2_ref[...][None, :]
    h2n = bn_relu(h2.reshape(B, Rb, 32), s2_ref, g2_ref, be2_ref, 32.0 * 8.0)

    h3 = jnp.dot(h2n.reshape(rows, 32).astype(jnp.bfloat16),
                 w3_ref[...].astype(jnp.bfloat16),
                 preferred_element_type=jnp.float32)
    h3 = h3 + b3_ref[...][None, :]
    out_ref[...] = jnp.swapaxes(h3.reshape(B, Rb, PACK), 1, 2)


def _scores(x, w1, b1, g1, be1, w2, b2, g2, be2, w3, b3, rb=512,
            interpret=False):
    B, N, C = x.shape
    R = N // PACK
    xr = x.reshape(B, R, C * PACK)

    eye = jnp.eye(PACK, dtype=jnp.float32)
    w1p = jnp.kron(eye, w1.T)
    w2p = jnp.kron(eye, w2.T)
    w3p = jnp.kron(eye, w3.T)
    b1p = jnp.tile(b1, PACK)
    b2p = jnp.tile(b2, PACK)
    b3p = jnp.tile(b3, PACK)
    s1 = jnp.kron(eye, jnp.ones((16, 1), jnp.float32))
    s2 = jnp.kron(eye, jnp.ones((8, 1), jnp.float32))
    g1r = g1.reshape(R, PACK)
    be1r = be1.reshape(R, PACK)
    g2r = g2.reshape(R, PACK)
    be2r = be2.reshape(R, PACK)

    grid = (R // rb,)
    scores = pl.pallas_call(
        _score_kernel,
        grid=grid,
        in_specs=[
            pl.BlockSpec((B, rb, C * PACK), lambda i: (0, i, 0)),
            pl.BlockSpec((C * PACK, 64), lambda i: (0, 0)),
            pl.BlockSpec((64, 32), lambda i: (0, 0)),
            pl.BlockSpec((32, PACK), lambda i: (0, 0)),
            pl.BlockSpec((64,), lambda i: (0,)),
            pl.BlockSpec((32,), lambda i: (0,)),
            pl.BlockSpec((PACK,), lambda i: (0,)),
            pl.BlockSpec((64, PACK), lambda i: (0, 0)),
            pl.BlockSpec((32, PACK), lambda i: (0, 0)),
            pl.BlockSpec((rb, PACK), lambda i: (i, 0)),
            pl.BlockSpec((rb, PACK), lambda i: (i, 0)),
            pl.BlockSpec((rb, PACK), lambda i: (i, 0)),
            pl.BlockSpec((rb, PACK), lambda i: (i, 0)),
        ],
        out_specs=pl.BlockSpec((B, PACK, rb), lambda i: (0, 0, i)),
        out_shape=jax.ShapeDtypeStruct((B, PACK, R), jnp.float32),
        interpret=interpret,
    )(xr, w1p, w2p, w3p, b1p, b2p, b3p, s1, s2, g1r, be1r, g2r, be2r)
    return scores.reshape(B, N)



def _rev(v):
    return lax.rev(v, (0,))


def _ce(a, ai, b, bi):
    sel = a >= b
    return (jnp.where(sel, a, b), jnp.where(sel, ai, bi),
            jnp.where(sel, b, a), jnp.where(sel, bi, ai))


def _merge2(a, ai, b, bi):
    rb, rbi = _rev(b), _rev(bi)
    sel = a >= rb
    lk = jnp.where(sel, a, rb)
    li = jnp.where(sel, ai, rbi)
    hk = jnp.where(sel, rb, a)
    hi = jnp.where(sel, rbi, ai)
    lk, li = plsc.sort_key_val(lk, li, descending=True)
    hk, hi = plsc.sort_key_val(hk, hi, descending=True)
    return [lk, hk], [li, hi]


def _merge4(A, Ai, B, Bi):
    x = [A[0], A[1], _rev(B[1]), _rev(B[0])]
    xi = [Ai[0], Ai[1], _rev(Bi[1]), _rev(Bi[0])]
    t0, t0i, b0, b0i = _ce(x[0], xi[0], x[2], xi[2])
    t1, t1i, b1, b1i = _ce(x[1], xi[1], x[3], xi[3])
    u0, u0i, u1, u1i = _ce(t0, t0i, t1, t1i)
    v0, v0i, v1, v1i = _ce(b0, b0i, b1, b1i)
    ok, oi = [], []
    for kk, ii in ((u0, u0i), (u1, u1i), (v0, v0i), (v1, v1i)):
        kk, ii = plsc.sort_key_val(kk, ii, descending=True)
        ok.append(kk)
        oi.append(ii)
    return ok, oi


def _top64of128(bufk, bufi):
    sk, si = [], []
    for j in range(8):
        kk, ii = plsc.sort_key_val(bufk[j], bufi[j], descending=True)
        sk.append(kk)
        si.append(ii)
    m32k, m32i = [], []
    for j in range(4):
        K, I = _merge2(sk[2 * j], si[2 * j], sk[2 * j + 1], si[2 * j + 1])
        m32k.append(K)
        m32i.append(I)
    A, Ai = _merge4(m32k[0], m32i[0], m32k[1], m32i[1])
    B, Bi = _merge4(m32k[2], m32i[2], m32k[3], m32i[3])
    rB = [_rev(B[3]), _rev(B[2]), _rev(B[1]), _rev(B[0])]
    rBi = [_rev(Bi[3]), _rev(Bi[2]), _rev(Bi[1]), _rev(Bi[0])]
    ck, ci = [], []
    for j in range(4):
        sel = A[j] >= rB[j]
        ck.append(jnp.where(sel, A[j], rB[j]))
        ci.append(jnp.where(sel, Ai[j], rBi[j]))
    return ck, ci


def _sort64(ck, ci):
    t0, t0i, b0, b0i = _ce(ck[0], ci[0], ck[2], ci[2])
    t1, t1i, b1, b1i = _ce(ck[1], ci[1], ck[3], ci[3])
    u0, u0i, u1, u1i = _ce(t0, t0i, t1, t1i)
    v0, v0i, v1, v1i = _ce(b0, b0i, b1, b1i)
    ok, oi = [], []
    for kk, ii in ((u0, u0i), (u1, u1i), (v0, v0i), (v1, v1i)):
        kk, ii = plsc.sort_key_val(kk, ii, descending=True)
        ok.append(kk)
        oi.append(ii)
    return ok, oi


def _topk_sc(flat):
    B, N = flat.shape
    nv_total = N // LANES
    mesh = plsc.VectorSubcoreMesh(core_axis_name="c", subcore_axis_name="s")

    @functools.partial(
        pl.kernel,
        mesh=mesh,
        out_type=[jax.ShapeDtypeStruct((B, TOPK), jnp.float32),
                  jax.ShapeDtypeStruct((B, TOPK), jnp.int32)],
        scratch_types=[pltpu.VMEM((N,), jnp.float32),
                       pltpu.VMEM((8 * LANES,), jnp.float32),
                       pltpu.VMEM((8 * LANES,), jnp.int32),
                       pltpu.VMEM((TOPK,), jnp.float32),
                       pltpu.VMEM((TOPK,), jnp.int32)],
        compiler_params=pltpu.CompilerParams(needs_layout_passes=False),
    )
    def tk(scores_hbm, vals_hbm, idx_hbm, row_v, bufk_v, bufi_v,
           outv_v, outi_v):
        row = lax.axis_index("s") * 2 + lax.axis_index("c")
        pltpu.sync_copy(scores_hbm.at[row], row_v)

        neg = jnp.full((LANES,), -3.0e38, jnp.float32)
        zero_i = jnp.zeros((LANES,), jnp.int32)
        for j in range(8):
            bufk_v[pl.ds(LANES * j, LANES)] = neg
            bufi_v[pl.ds(LANES * j, LANES)] = zero_i
        iota = lax.iota(jnp.int32, LANES)

        def load_buf():
            bk = [bufk_v[pl.ds(LANES * j, LANES)] for j in range(8)]
            bi = [bufi_v[pl.ds(LANES * j, LANES)] for j in range(8)]
            return bk, bi

        def rebuild(nv_t):
            bk, bi = load_buf()
            ck, ci = _top64of128(bk, bi)
            for j in range(4):
                bufk_v[pl.ds(LANES * j, LANES)] = ck[j]
                bufi_v[pl.ds(LANES * j, LANES)] = ci[j]
            for j in range(4, 8):
                bufk_v[pl.ds(LANES * j, LANES)] = neg
                bufi_v[pl.ds(LANES * j, LANES)] = zero_i
            m = jnp.minimum(jnp.minimum(ck[0], ck[1]),
                            jnp.minimum(ck[2], ck[3]))
            s, _ = plsc.sort_key_val(m, m, descending=False)
            t2 = s[0]
            return jnp.int32(4), t2

        def body(i, carry):
            base = i * (LANES * UNROLL)
            vs = [row_v[pl.ds(base + LANES * u, LANES)]
                  for u in range(UNROLL)]
            t_old = carry[1]
            ms = [v > t_old for v in vs]
            anym = ms[0]
            for u in range(1, UNROLL):
                anym = anym | ms[u]

            def any_lanes(m):
                return plsc.all_reduce_population_count(m)[0] > 0

            def slow(c):
                nv, t = c
                for u in range(UNROLL):
                    def do_append(nv_t, u=u):
                        nv2, t2 = nv_t
                        bufk_v[pl.ds(nv2 * LANES, LANES)] = jnp.where(
                            ms[u], vs[u], -3.0e38)
                        bufi_v[pl.ds(nv2 * LANES, LANES)] = jnp.where(
                            ms[u], iota + (base + LANES * u), 0)
                        nv3 = nv2 + 1
                        return lax.cond(nv3 == 8, rebuild,
                                        lambda a: a, (nv3, t2))
                    nv, t = lax.cond(any_lanes(ms[u]), do_append,
                                     lambda a: a, (nv, t))
                return nv, t

            return lax.cond(any_lanes(anym), slow, lambda c: c, carry)

        nv, t = lax.fori_loop(0, nv_total // UNROLL, body,
                              (jnp.int32(4), jnp.float32(-3.0e38)))

        bk, bi = load_buf()
        ck, ci = _top64of128(bk, bi)
        sk, si = _sort64(ck, ci)
        rmask = jnp.int32(N // PACK - 1)
        rshift = (N // PACK).bit_length() - 1
        for j in range(4):
            outv_v[pl.ds(LANES * j, LANES)] = sk[j]
            outi_v[pl.ds(LANES * j, LANES)] = (
                (si[j] & rmask) * PACK
                + jnp.right_shift(si[j], jnp.int32(rshift)))
        pltpu.sync_copy(outv_v, vals_hbm.at[row])
        pltpu.sync_copy(outi_v, idx_hbm.at[row])

    return tk(flat)


def kernel(x, w1, b1, g1, be1, w2, b2, g2, be2, w3, b3):
    flat = _scores(x, w1, b1, g1, be1, w2, b2, g2, be2, w3, b3)
    _, idx0 = _topk_sc(flat)

    B = x.shape[0]
    idx_s = jnp.sort(idx0, axis=1)
    cand = idx_s.reshape(-1)
    xg = x[:, cand, :]
    g1g, be1g = g1[cand], be1[cand]
    g2g, be2g = g2[cand], be2[cand]

    def bn(h, g, b, eps=1e-5):
        m = jnp.mean(h, axis=(0, 2), keepdims=True)
        v = jnp.var(h, axis=(0, 2), keepdims=True)
        return (h - m) / jnp.sqrt(v + eps) * g[None, :, None] + b[None, :, None]

    h = xg @ w1.T + b1
    h = jax.nn.relu(bn(h, g1g, be1g))
    h = h @ w2.T + b2
    h = jax.nn.relu(bn(h, g2g, be2g))
    h = h @ w3.T + b3
    h = jax.nn.softplus(h)
    s = h.reshape(B, B, TOPK)
    rows = jnp.arange(B)
    block = s[rows, rows]
    vals, order = jax.lax.top_k(block, TOPK)
    idx = jnp.take_along_axis(idx_s, order, axis=1)
    return vals, idx

# --- scband reference (transcript-rebuilt; emitter-appended) ---
"""Pipeline reference for scband-weighting-layer-35064113005002 (READ-ONLY COPY).

The authoritative reference and input builder live on the scoring server;
editing this copy changes nothing except your own understanding.
"""

import jax, jax.numpy as jnp
import numpy as np

N_POINTS = 32768
BATCH = 32
K = 64


def setup_inputs(seed: int = 0) -> dict:
    key = jax.random.key(seed)
    ks = jax.random.split(key, 8)
    x = jax.random.normal(ks[0], (BATCH, N_POINTS, 32), dtype=jnp.float32)
    w1 = jax.random.normal(ks[1], (16, 32), dtype=jnp.float32) * (1.0 / np.sqrt(32.0))
    b1 = jnp.zeros((16,), jnp.float32)
    g1 = jnp.ones((N_POINTS,), jnp.float32)
    be1 = jnp.zeros((N_POINTS,), jnp.float32)
    w2 = jax.random.normal(ks[2], (8, 16), dtype=jnp.float32) * (1.0 / np.sqrt(16.0))
    b2 = jnp.zeros((8,), jnp.float32)
    g2 = jnp.ones((N_POINTS,), jnp.float32)
    be2 = jnp.zeros((N_POINTS,), jnp.float32)
    w3 = jax.random.normal(ks[3], (1, 8), dtype=jnp.float32) * (1.0 / np.sqrt(8.0))
    b3 = jnp.zeros((1,), jnp.float32)
    return {"x": x, "w1": w1, "b1": b1, "g1": g1, "be1": be1,
            "w2": w2, "b2": b2, "g2": g2, "be2": be2, "w3": w3, "b3": b3}


def _bn(h, g, b, eps=1e-5):
    # torch BatchNorm1d(num_features=n_points) on [B, n_points, C]: normalize over (B, C) per point channel
    m = jnp.mean(h, axis=(0, 2), keepdims=True)
    v = jnp.var(h, axis=(0, 2), keepdims=True)
    hn = (h - m) / jnp.sqrt(v + eps)
    return hn * g[None, :, None] + b[None, :, None]


def reference(x, w1, b1, g1, be1, w2, b2, g2, be2, w3, b3):
    h = x @ w1.T + b1
    h = jax.nn.relu(_bn(h, g1, be1))
    h = h @ w2.T + b2
    h = jax.nn.relu(_bn(h, g2, be2))
    h = h @ w3.T + b3
    h = jax.nn.softplus(h)
    flat = h.reshape(x.shape[0], -1)
    vals, idx = jax.lax.top_k(flat, K)
    return vals, idx

if __name__ == "__main__":
    import jax
    _d = setup_inputs()
    print(jax.jit(kernel)(*tuple(_d.values())))

</pallas_src>

<mosaic_0001>
#map = affine_map<(d0, d1) -> (0, 0)>
module attributes {stable_mosaic.version = 14 : i64} {
  func.func @tk(%arg0: i32, %arg1: i32, %arg2: memref<32x32768xf32, #tpu.memory_space<hbm>>, %arg3: memref<32x64xf32, #tpu.memory_space<hbm>>, %arg4: memref<32x64xi32, #tpu.memory_space<hbm>>, %arg5: memref<32768xf32, #tpu.memory_space<vmem>>, %arg6: memref<128xf32, #tpu.memory_space<vmem>>, %arg7: memref<128xi32, #tpu.memory_space<vmem>>, %arg8: memref<64xf32, #tpu.memory_space<vmem>>, %arg9: memref<64xi32, #tpu.memory_space<vmem>>) attributes {dimension_semantics = [#tpu.dimension_semantics<core_parallel>, #tpu.dimension_semantics<subcore_parallel>], iteration_bounds = array<i64: 2, 16>, scalar_prefetch = 0 : i64, scratch_operands = 5 : i64, tpu.core_type = #tpu.core_type<sc_vector_subcore>, window_params = [{transform_indices = #map}, {transform_indices = #map}, {transform_indices = #map}]} {
    %mul3A = arith.constant 2 : i32
    %mul3A_0 = arith.muli %arg1, %mul3A : i32
    %add3A = arith.addi %mul3A_0, %arg0 : i32
    "tpu.region"() ({
      %run_scoped3A = tpu.sem_alloc : memref<!tpu.dma_semaphore, #tpu.memory_space<semaphore_mem>>
      %dma_start3A = arith.constant 0 : i32
      %dma_start3A_447 = tpu.memref_slice %arg2[%add3A, %dma_start3A] : memref<32x32768xf32, #tpu.memory_space<hbm>> -> memref<1x32768xf32, #tpu.memory_space<hbm>>
      %dma_start3A_448 = tpu.memref_squeeze %dma_start3A_447 : memref<1x32768xf32, #tpu.memory_space<hbm>> -> memref<32768xf32, #tpu.memory_space<hbm>>
      %dma_start3A_449 = arith.constant 0 : i32
      %dma_start3A_450 = tpu.memref_slice %arg2[%add3A, %dma_start3A_449] : memref<32x32768xf32, #tpu.memory_space<hbm>> -> memref<1x32768xf32, #tpu.memory_space<hbm>>
      %dma_start3A_451 = tpu.memref_squeeze %dma_start3A_450 : memref<1x32768xf32, #tpu.memory_space<hbm>> -> memref<32768xf32, #tpu.memory_space<hbm>>
      tpu.enqueue_dma source(%dma_start3A_451 : memref<32768xf32, #tpu.memory_space<hbm>>) target(%arg5 : memref<32768xf32, #tpu.memory_space<vmem>>) target_semaphore(%run_scoped3A : memref<!tpu.dma_semaphore, #tpu.memory_space<semaphore_mem>>)
      %dma_wait3A = arith.constant 0 : i32
      %dma_wait3A_452 = tpu.memref_slice %arg2[%add3A, %dma_wait3A] : memref<32x32768xf32, #tpu.memory_space<hbm>> -> memref<1x32768xf32, #tpu.memory_space<hbm>>
      %dma_wait3A_453 = tpu.memref_squeeze %dma_wait3A_452 : memref<1x32768xf32, #tpu.memory_space<hbm>> -> memref<32768xf32, #tpu.memory_space<hbm>>
      %dma_wait3A_454 = arith.constant 0 : i32
      %dma_wait3A_455 = tpu.memref_slice %arg2[%add3A, %dma_wait3A_454] : memref<32x32768xf32, #tpu.memory_space<hbm>> -> memref<1x32768xf32, #tpu.memory_space<hbm>>
      %dma_wait3A_456 = tpu.memref_squeeze %dma_wait3A_455 : memref<1x32768xf32, #tpu.memory_space<hbm>> -> memref<32768xf32, #tpu.memory_space<hbm>>
      tpu.wait_dma2 semaphore(%run_scoped3A : memref<!tpu.dma_semaphore, #tpu.memory_space<semaphore_mem>>) src(%dma_wait3A_456 : memref<32768xf32, #tpu.memory_space<hbm>>) dst(%arg5 : memref<32768xf32, #tpu.memory_space<vmem>>)
      tpu.yield
    }) : () -> ()
    %broadcast_in_dim3A = arith.constant -3.000000e+38 : f32
    %broadcast_in_dim3A_1 = vector.broadcast %broadcast_in_dim3A : f32 to vector<16xf32>
    %broadcast_in_dim3A_2 = arith.constant 0 : i32
    %broadcast_in_dim3A_3 = vector.broadcast %broadcast_in_dim3A_2 : i32 to vector<16xi32>
    %swap3A = arith.constant 0 : index
    %swap3A_4 = tpu.vector_load %arg6[%swap3A] {strides = array<i32>} : memref<128xf32, #tpu.memory_space<vmem>>, vector<16xf32>,
    tpu.vector_store %arg6[%swap3A], %broadcast_in_dim3A_1 {strides = array<i32>} : memref<128xf32, #tpu.memory_space<vmem>>, vector<16xf32>,
    %swap3A_5 = arith.constant 0 : index
    %swap3A_6 = tpu.vector_load %arg7[%swap3A_5] {strides = array<i32>} : memref<128xi32, #tpu.memory_space<vmem>>, vector<16xi32>,
    tpu.vector_store %arg7[%swap3A_5], %broadcast_in_dim3A_3 {strides = array<i32>} : memref<128xi32, #tpu.memory_space<vmem>>, vector<16xi32>,
    %swap3A_7 = arith.constant 16 : index
    %swap3A_8 = tpu.vector_load %arg6[%swap3A_7] {strides = array<i32>} : memref<128xf32, #tpu.memory_space<vmem>>, vector<16xf32>,
    tpu.vector_store %arg6[%swap3A_7], %broadcast_in_dim3A_1 {strides = array<i32>} : memref<128xf32, #tpu.memory_space<vmem>>, vector<16xf32>,
    %swap3A_9 = arith.constant 16 : index
    %swap3A_10 = tpu.vector_load %arg7[%swap3A_9] {strides = array<i32>} : memref<128xi32, #tpu.memory_space<vmem>>, vector<16xi32>,
    tpu.vector_store %arg7[%swap3A_9], %broadcast_in_dim3A_3 {strides = array<i32>} : memref<128xi32, #tpu.memory_space<vmem>>, vector<16xi32>,
    %swap3A_11 = arith.constant 32 : index
    %swap3A_12 = tpu.vector_load %arg6[%swap3A_11] {strides = array<i32>} : memref<128xf32, #tpu.memory_space<vmem>>, vector<16xf32>,
    tpu.vector_store %arg6[%swap3A_11], %broadcast_in_dim3A_1 {strides = array<i32>} : memref<128xf32, #tpu.memory_space<vmem>>, vector<16xf32>,
    %swap3A_13 = arith.constant 32 : index
    %swap3A_14 = tpu.vector_load %arg7[%swap3A_13] {strides = array<i32>} : memref<128xi32, #tpu.memory_space<vmem>>, vector<16xi32>,
    tpu.vector_store %arg7[%swap3A_13], %broadcast_in_dim3A_3 {strides = array<i32>} : memref<128xi32, #tpu.memory_space<vmem>>, vector<16xi32>,
    %swap3A_15 = arith.constant 48 : index
    %swap3A_16 = tpu.vector_load %arg6[%swap3A_15] {strides = array<i32>} : memref<128xf32, #tpu.memory_space<vmem>>, vector<16xf32>,
    tpu.vector_store %arg6[%swap3A_15], %broadcast_in_dim3A_1 {strides = array<i32>} : memref<128xf32, #tpu.memory_space<vmem>>, vector<16xf32>,
    %swap3A_17 = arith.constant 48 : index
    %swap3A_18 = tpu.vector_load %arg7[%swap3A_17] {strides = array<i32>} : memref<128xi32, #tpu.memory_space<vmem>>, vector<16xi32>,
    tpu.vector_store %arg7[%swap3A_17], %broadcast_in_dim3A_3 {strides = array<i32>} : memref<128xi32, #tpu.memory_space<vmem>>, vector<16xi32>,
    %swap3A_19 = arith.constant 64 : index
    %swap3A_20 = tpu.vector_load %arg6[%swap3A_19] {strides = array<i32>} : memref<128xf32, #tpu.memory_space<vmem>>, vector<16xf32>,
    tpu.vector_store %arg6[%swap3A_19], %broadcast_in_dim3A_1 {strides = array<i32>} : memref<128xf32, #tpu.memory_space<vmem>>, vector<16xf32>,
    %swap3A_21 = arith.constant 64 : index
    %swap3A_22 = tpu.vector_load %arg7[%swap3A_21] {strides = array<i32>} : memref<128xi32, #tpu.memory_space<vmem>>, vector<16xi32>,
    tpu.vector_store %arg7[%swap3A_21], %broadcast_in_dim3A_3 {strides = array<i32>} : memref<128xi32, #tpu.memory_space<vmem>>, vector<16xi32>,
    %swap3A_23 = arith.constant 80 : index
    %swap3A_24 = tpu.vector_load %arg6[%swap3A_23] {strides = array<i32>} : memref<128xf32, #tpu.memory_space<vmem>>, vector<16xf32>,
    tpu.vector_store %arg6[%swap3A_23], %broadcast_in_dim3A_1 {strides = array<i32>} : memref<128xf32, #tpu.memory_space<vmem>>, vector<16xf32>,
    %swap3A_25 = arith.constant 80 : index
    %swap3A_26 = tpu.vector_load %arg7[%swap3A_25] {strides = array<i32>} : memref<128xi32, #tpu.memory_space<vmem>>, vector<16xi32>,
    tpu.vector_store %arg7[%swap3A_25], %broadcast_in_dim3A_3 {strides = array<i32>} : memref<128xi32, #tpu.memory_space<vmem>>, vector<16xi32>,
    %swap3A_27 = arith.constant 96 : index
    %swap3A_28 = tpu.vector_load %arg6[%swap3A_27] {strides = array<i32>} : memref<128xf32, #tpu.memory_space<vmem>>, vector<16xf32>,
    tpu.vector_store %arg6[%swap3A_27], %broadcast_in_dim3A_1 {strides = array<i32>} : memref<128xf32, #tpu.memory_space<vmem>>, vector<16xf32>,
    %swap3A_29 = arith.constant 96 : index
    %swap3A_30 = tpu.vector_load %arg7[%swap3A_29] {strides = array<i32>} : memref<128xi32, #tpu.memory_space<vmem>>, vector<16xi32>,
    tpu.vector_store %arg7[%swap3A_29], %broadcast_in_dim3A_3 {strides = array<i32>} : memref<128xi32, #tpu.memory_space<vmem>>, vector<16xi32>,
    %swap3A_31 = arith.constant 112 : index
    %swap3A_32 = tpu.vector_load %arg6[%swap3A_31] {strides = array<i32>} : memref<128xf32, #tpu.memory_space<vmem>>, vector<16xf32>,
    tpu.vector_store %arg6[%swap3A_31], %broadcast_in_dim3A_1 {strides = array<i32>} : memref<128xf32, #tpu.memory_space<vmem>>, vector<16xf32>,
    %swap3A_33 = arith.constant 112 : index
    %swap3A_34 = tpu.vector_load %arg7[%swap3A_33] {strides = array<i32>} : memref<128xi32, #tpu.memory_space<vmem>>, vector<16xi32>,
    tpu.vector_store %arg7[%swap3A_33], %broadcast_in_dim3A_3 {strides = array<i32>} : memref<128xi32, #tpu.memory_space<vmem>>, vector<16xi32>,
    %iota3A = tpu.iota {dimensions = array<i32: 0>} : vector<16xi32>
    %scan3A = arith.constant 4 : i32
    %scan3A_35 = arith.constant -3.000000e+38 : f32
    %scan3A_36 = arith.constant 0 : i32
    %scan3A_37 = arith.constant 512 : i32
    %scan3A_38 = arith.addi %scan3A_36, %scan3A_37 : i32
    %scan3A_39 = arith.constant 1 : i32
    %scan3A_40:2 = scf.for %scan3A_447 = %scan3A_36 to %scan3A_38 step %scan3A_39 iter_args(%scan3A_448 = %scan3A, %scan3A_449 = %scan3A_35) -> (i32, f32)  : i32 {
      %mul3A_450 = arith.constant 64 : i32
      %mul3A_451 = arith.muli %scan3A_447, %mul3A_450 : i32
      %add3A_452 = arith.constant 0 : i32
      %add3A_453 = arith.addi %mul3A_451, %add3A_452 : i32
      %get3A_454 = arith.index_cast %add3A_453 : i32 to index
      %get3A_455 = tpu.vector_load %arg5[%get3A_454] {strides = array<i32>} : memref<32768xf32, #tpu.memory_space<vmem>>, vector<16xf32>,
      %add3A_456 = arith.constant 16 : i32
      %add3A_457 = arith.addi %mul3A_451, %add3A_456 : i32
      %get3A_458 = arith.index_cast %add3A_457 : i32 to index
      %get3A_459 = tpu.vector_load %arg5[%get3A_458] {strides = array<i32>} : memref<32768xf32, #tpu.memory_space<vmem>>, vector<16xf32>,
      %add3A_460 = arith.constant 32 : i32
      %add3A_461 = arith.addi %mul3A_451, %add3A_460 : i32
      %get3A_462 = arith.index_cast %add3A_461 : i32 to index
      %get3A_463 = tpu.vector_load %arg5[%get3A_462] {strides = array<i32>} : memref<32768xf32, #tpu.memory_space<vmem>>, vector<16xf32>,
      %add3A_464 = arith.constant 48 : i32
      %add3A_465 = arith.addi %mul3A_451, %add3A_464 : i32
      %get3A_466 = arith.index_cast %add3A_465 : i32 to index
      %get3A_467 = tpu.vector_load %arg5[%get3A_466] {strides = array<i32>} : memref<32768xf32, #tpu.memory_space<vmem>>, vector<16xf32>,
      %gt3A = vector.broadcast %scan3A_449 : f32 to vector<16xf32>
      %gt3A_468 = arith.cmpf ogt, %get3A_455, %gt3A : vector<16xf32>
      %gt3A_469 = vector.broadcast %scan3A_449 : f32 to vector<16xf32>
      %gt3A_470 = arith.cmpf ogt, %get3A_459, %gt3A_469 : vector<16xf32>
      %gt3A_471 = vector.broadcast %scan3A_449 : f32 to vector<16xf32>
      %gt3A_472 = arith.cmpf ogt, %get3A_463, %gt3A_471 : vector<16xf32>
      %gt3A_473 = vector.broadcast %scan3A_449 : f32 to vector<16xf32>
      %gt3A_474 = arith.cmpf ogt, %get3A_467, %gt3A_473 : vector<16xf32>
      %or3A = arith.ori %gt3A_468, %gt3A_470 : vector<16xi1>
      %or3A_475 = arith.ori %or3A, %gt3A_472 : vector<16xi1>
      %or3A_476 = arith.ori %or3A_475, %gt3A_474 : vector<16xi1>
      %all_reduce_population_count3A = tpu.all_reduce %or3A_476 {dim = 0 : i64, kind = #tpu.reduction_kind<sum>} : vector<16xi1> -> vector<16xi32>
      %slice3A = vector.extract_strided_slice %all_reduce_population_count3A {offsets = [0], sizes = [1], strides = [1]} : vector<16xi32> to vector<1xi32>
      %squeeze3A = vector.extract %slice3A[0] : i32 from vector<1xi32>
      %gt3A_477 = arith.constant 0 : i32
      %gt3A_478 = arith.cmpi sgt, %squeeze3A, %gt3A_477 : i32
      %convert_element_type3A = arith.extui %gt3A_478 : i1 to i32
      %cond3A = arith.constant 0 : i32
      %cond3A_479 = arith.cmpi ne, %convert_element_type3A, %cond3A : i32
      %cond3A_480:2 = scf.if %cond3A_479 -> (i32, f32) {
        %all_reduce_population_count3A_481 = tpu.all_reduce %gt3A_468 {dim = 0 : i64, kind = #tpu.reduction_kind<sum>} : vector<16xi1> -> vector<16xi32>
        %slice3A_482 = vector.extract_strided_slice %all_reduce_population_count3A_481 {offsets = [0], sizes = [1], strides = [1]} : vector<16xi32> to vector<1xi32>
        %squeeze3A_483 = vector.extract %slice3A_482[0] : i32 from vector<1xi32>
        %gt3A_484 = arith.constant 0 : i32
        %gt3A_485 = arith.cmpi sgt, %squeeze3A_483, %gt3A_484 : i32
        %convert_element_type3A_486 = arith.extui %gt3A_485 : i1 to i32
        %cond3A_487 = arith.constant 0 : i32
        %cond3A_488 = arith.cmpi ne, %convert_element_type3A_486, %cond3A_487 : i32
        %cond3A_489:2 = scf.if %cond3A_488 -> (i32, f32) {
          %jit3A = arith.constant -3.000000e+38 : f32
          %broadcast_in_dim3A_517 = vector.broadcast %jit3A : f32 to vector<16xf32>
          %select_n3A_518 = arith.select %gt3A_468, %get3A_455, %broadcast_in_dim3A_517 : vector<16xi1>, vector<16xf32>
          %mul3A_519 = arith.constant 16 : i32
          %mul3A_520 = arith.muli %scan3A_448, %mul3A_519 : i32
          %swap3A_521 = arith.index_cast %mul3A_520 : i32 to index
          %swap3A_522 = tpu.vector_load %arg6[%swap3A_521] {strides = array<i32>} : memref<128xf32, #tpu.memory_space<vmem>>, vector<16xf32>,
          tpu.vector_store %arg6[%swap3A_521], %select_n3A_518 {strides = array<i32>} : memref<128xf32, #tpu.memory_space<vmem>>, vector<16xf32>,
          %add3A_523 = arith.constant 0 : i32
          %add3A_524 = arith.addi %mul3A_451, %add3A_523 : i32
          %add3A_525 = vector.broadcast %add3A_524 : i32 to vector<16xi32>
          %add3A_526 = arith.addi %iota3A, %add3A_525 : vector<16xi32>
          %jit3A_527 = arith.constant 0 : i32
          %broadcast_in_dim3A_528 = vector.broadcast %jit3A_527 : i32 to vector<16xi32>
          %select_n3A_529 = arith.select %gt3A_468, %add3A_526, %broadcast_in_dim3A_528 : vector<16xi1>, vector<16xi32>
          %mul3A_530 = arith.constant 16 : i32
          %mul3A_531 = arith.muli %scan3A_448, %mul3A_530 : i32
          %swap3A_532 = arith.index_cast %mul3A_531 : i32 to index
          %swap3A_533 = tpu.vector_load %arg7[%swap3A_532] {strides = array<i32>} : memref<128xi32, #tpu.memory_space<vmem>>, vector<16xi32>,
          tpu.vector_store %arg7[%swap3A_532], %select_n3A_529 {strides = array<i32>} : memref<128xi32, #tpu.memory_space<vmem>>, vector<16xi32>,
          %add3A_534 = arith.constant 1 : i32
          %add3A_535 = arith.addi %scan3A_448, %add3A_534 : i32
          %eq3A = arith.constant 8 : i32
          %eq3A_536 = arith.cmpi eq, %add3A_535, %eq3A : i32
          %convert_element_type3A_537 = arith.extui %eq3A_536 : i1 to i32
          %cond3A_538 = arith.constant 0 : i32
          %cond3A_539 = arith.cmpi ne, %convert_element_type3A_537, %cond3A_538 : i32
          %cond3A_540:2 = scf.if %cond3A_539 -> (i32, f32) {
            %get3A_541 = arith.constant 0 : index
            %get3A_542 = tpu.vector_load %arg6[%get3A_541] {strides = array<i32>} : memref<128xf32, #tpu.memory_space<vmem>>, vector<16xf32>,
            %get3A_543 = arith.constant 16 : index
            %get3A_544 = tpu.vector_load %arg6[%get3A_543] {strides = array<i32>} : memref<128xf32, #tpu.memory_space<vmem>>, vector<16xf32>,
            %get3A_545 = arith.constant 32 : index
            %get3A_546 = tpu.vector_load %arg6[%get3A_545] {strides = array<i32>} : memref<128xf32, #tpu.memory_space<vmem>>, vector<16xf32>,
            %get3A_547 = arith.constant 48 : index
            %get3A_548 = tpu.vector_load %arg6[%get3A_547] {strides = array<i32>} : memref<128xf32, #tpu.memory_space<vmem>>, vector<16xf32>,
            %get3A_549 = arith.constant 64 : index
            %get3A_550 = tpu.vector_load %arg6[%get3A_549] {strides = array<i32>} : memref<128xf32, #tpu.memory_space<vmem>>, vector<16xf32>,
            %get3A_551 = arith.constant 80 : index
            %get3A_552 = tpu.vector_load %arg6[%get3A_551] {strides = array<i32>} : memref<128xf32, #tpu.memory_space<vmem>>, vector<16xf32>,
            %get3A_553 = arith.constant 96 : index
            %get3A_554 = tpu.vector_load %arg6[%get3A_553] {strides = array<i32>} : memref<128xf32, #tpu.memory_space<vmem>>, vector<16xf32>,
            %get3A_555 = arith.constant 112 : index
            %get3A_556 = tpu.vector_load %arg6[%get3A_555] {strides = array<i32>} : memref<128xf32, #tpu.memory_space<vmem>>, vector<16xf32>,
            %get3A_557 = arith.constant 0 : index
            %get3A_558 = tpu.vector_load %arg7[%get3A_557] {strides = array<i32>} : memref<128xi32, #tpu.memory_space<vmem>>, vector<16xi32>,
            %get3A_559 = arith.constant 16 : index
            %get3A_560 = tpu.vector_load %arg7[%get3A_559] {strides = array<i32>} : memref<128xi32, #tpu.memory_space<vmem>>, vector<16xi32>,
            %get3A_561 = arith.constant 32 : index
            %get3A_562 = tpu.vector_load %arg7[%get3A_561] {strides = array<i32>} : memref<128xi32, #tpu.memory_space<vmem>>, vector<16xi32>,
            %get3A_563 = arith.constant 48 : index
            %get3A_564 = tpu.vector_load %arg7[%get3A_563] {strides = array<i32>} : memref<128xi32, #tpu.memory_space<vmem>>, vector<16xi32>,
            %get3A_565 = arith.constant 64 : index
            %get3A_566 = tpu.vector_load %arg7[%get3A_565] {strides = array<i32>} : memref<128xi32, #tpu.memory_space<vmem>>, vector<16xi32>,
            %get3A_567 = arith.constant 80 : index
            %get3A_568 = tpu.vector_load %arg7[%get3A_567] {strides = array<i32>} : memref<128xi32, #tpu.memory_space<vmem>>, vector<16xi32>,
            %get3A_569 = arith.constant 96 : index
            %get3A_570 = tpu.vector_load %arg7[%get3A_569] {strides = array<i32>} : memref<128xi32, #tpu.memory_space<vmem>>, vector<16xi32>,
            %get3A_571 = arith.constant 112 : index
            %get3A_572 = tpu.vector_load %arg7[%get3A_571] {strides = array<i32>} : memref<128xi32, #tpu.memory_space<vmem>>, vector<16xi32>,
            %masked_sort3A_573 = arith.constant dense<true> : vector<16xi1>
            %masked_sort3A_574, %masked_sort3A_575, %masked_sort3A_576 = tpu.sort %get3A_542, %get3A_558 masked %masked_sort3A_573 {descending = true} : (vector<16xf32>, vector<16xi32>, vector<16xi1>) -> (vector<16xi1>, vector<16xf32>, vector<16xi32>)
            %masked_sort3A_577 = arith.constant dense<true> : vector<16xi1>
            %masked_sort3A_578, %masked_sort3A_579, %masked_sort3A_580 = tpu.sort %get3A_544, %get3A_560 masked %masked_sort3A_577 {descending = true} : (vector<16xf32>, vector<16xi32>, vector<16xi1>) -> (vector<16xi1>, vector<16xf32>, vector<16xi32>)
            %masked_sort3A_581 = arith.constant dense<true> : vector<16xi1>
            %masked_sort3A_582, %masked_sort3A_583, %masked_sort3A_584 = tpu.sort %get3A_546, %get3A_562 masked %masked_sort3A_581 {descending = true} : (vector<16xf32>, vector<16xi32>, vector<16xi1>) -> (vector<16xi1>, vector<16xf32>, vector<16xi32>)
            %masked_sort3A_585 = arith.constant dense<true> : vector<16xi1>
            %masked_sort3A_586, %masked_sort3A_587, %masked_sort3A_588 = tpu.sort %get3A_548, %get3A_564 masked %masked_sort3A_585 {descending = true} : (vector<16xf32>, vector<16xi32>, vector<16xi1>) -> (vector<16xi1>, vector<16xf32>, vector<16xi32>)
            %masked_sort3A_589 = arith.constant dense<true> : vector<16xi1>
            %masked_sort3A_590, %masked_sort3A_591, %masked_sort3A_592 = tpu.sort %get3A_550, %get3A_566 masked %masked_sort3A_589 {descending = true} : (vector<16xf32>, vector<16xi32>, vector<16xi1>) -> (vector<16xi1>, vector<16xf32>, vector<16xi32>)
            %masked_sort3A_593 = arith.constant dense<true> : vector<16xi1>
            %masked_sort3A_594, %masked_sort3A_595, %masked_sort3A_596 = tpu.sort %get3A_552, %get3A_568 masked %masked_sort3A_593 {descending = true} : (vector<16xf32>, vector<16xi32>, vector<16xi1>) -> (vector<16xi1>, vector<16xf32>, vector<16xi32>)
            %masked_sort3A_597 = arith.constant dense<true> : vector<16xi1>
            %masked_sort3A_598, %masked_sort3A_599, %masked_sort3A_600 = tpu.sort %get3A_554, %get3A_570 masked %masked_sort3A_597 {descending = true} : (vector<16xf32>, vector<16xi32>, vector<16xi1>) -> (vector<16xi1>, vector<16xf32>, vector<16xi32>)
            %masked_sort3A_601 = arith.constant dense<true> : vector<16xi1>
            %masked_sort3A_602, %masked_sort3A_603, %masked_sort3A_604 = tpu.sort %get3A_556, %get3A_572 masked %masked_sort3A_601 {descending = true} : (vector<16xf32>, vector<16xi32>, vector<16xi1>) -> (vector<16xi1>, vector<16xf32>, vector<16xi32>)
            %rev3A_605 = arith.constant 15 : i32
            %rev3A_606 = vector.broadcast %rev3A_605 : i32 to vector<16xi32>
            %rev3A_607 = tpu.iota {dimensions = array<i32: 0>} : vector<16xi32>
            %rev3A_608 = arith.subi %rev3A_606, %rev3A_607 : vector<16xi32>
            %rev3A_609 = tpu.dynamic_gather %masked_sort3A_579[%rev3A_608] in [0] : vector<16xf32>, vector<16xi32> -> vector<16xf32>
            %rev3A_610 = arith.constant 15 : i32
            %rev3A_611 = vector.broadcast %rev3A_610 : i32 to vector<16xi32>
            %rev3A_612 = tpu.iota {dimensions = array<i32: 0>} : vector<16xi32>
            %rev3A_613 = arith.subi %rev3A_611, %rev3A_612 : vector<16xi32>
            %rev3A_614 = tpu.dynamic_gather %masked_sort3A_580[%rev3A_613] in [0] : vector<16xi32>, vector<16xi32> -> vector<16xi32>
            %ge3A_615 = arith.cmpf oge, %masked_sort3A_575, %rev3A_609 : vector<16xf32>
            %select_n3A_616 = arith.select %ge3A_615, %masked_sort3A_575, %rev3A_609 : vector<16xi1>, vector<16xf32>
            %select_n3A_617 = arith.select %ge3A_615, %masked_sort3A_576, %rev3A_614 : vector<16xi1>, vector<16xi32>
            %select_n3A_618 = arith.select %ge3A_615, %rev3A_609, %masked_sort3A_575 : vector<16xi1>, vector<16xf32>
            %select_n3A_619 = arith.select %ge3A_615, %rev3A_614, %masked_sort3A_576 : vector<16xi1>, vector<16xi32>
            %masked_sort3A_620 = arith.constant dense<true> : vector<16xi1>
            %masked_sort3A_621, %masked_sort3A_622, %masked_sort3A_623 = tpu.sort %select_n3A_616, %select_n3A_617 masked %masked_sort3A_620 {descending = true} : (vector<16xf32>, vector<16xi32>, vector<16xi1>) -> (vector<16xi1>, vector<16xf32>, vector<16xi32>)
            %masked_sort3A_624 = arith.constant dense<true> : vector<16xi1>
            %masked_sort3A_625, %masked_sort3A_626, %masked_sort3A_627 = tpu.sort %select_n3A_618, %select_n3A_619 masked %masked_sort3A_624 {descending = true} : (vector<16xf32>, vector<16xi32>, vector<16xi1>) -> (vector<16xi1>, vector<16xf32>, vector<16xi32>)
            %rev3A_628 = arith.constant 15 : i32
            %rev3A_629 = vector.broadcast %rev3A_628 : i32 to vector<16xi32>
            %rev3A_630 = tpu.iota {dimensions = array<i32: 0>} : vector<16xi32>
            %rev3A_631 = arith.subi %rev3A_629, %rev3A_630 : vector<16xi32>
            %rev3A_632 = tpu.dynamic_gather %masked_sort3A_587[%rev3A_631] in [0] : vector<16xf32>, vector<16xi32> -> vector<16xf32>
            %rev3A_633 = arith.constant 15 : i32
            %rev3A_634 = vector.broadcast %rev3A_633 : i32 to vector<16xi32>
            %rev3A_635 = tpu.iota {dimensions = array<i32: 0>} : vector<16xi32>
            %rev3A_636 = arith.subi %rev3A_634, %rev3A_635 : vector<16xi32>
            %rev3A_637 = tpu.dynamic_gather %masked_sort3A_588[%rev3A_636] in [0] : vector<16xi32>, vector<16xi32> -> vector<16xi32>
            %ge3A_638 = arith.cmpf oge, %masked_sort3A_583, %rev3A_632 : vector<16xf32>
            %select_n3A_639 = arith.select %ge3A_638, %masked_sort3A_583, %rev3A_632 : vector<16xi1>, vector<16xf32>
            %select_n3A_640 = arith.select %ge3A_638, %masked_sort3A_584, %rev3A_637 : vector<16xi1>, vector<16xi32>
            %select_n3A_641 = arith.select %ge3A_638, %rev3A_632, %masked_sort3A_583 : vector<16xi1>, vector<16xf32>
            %select_n3A_642 = arith.select %ge3A_638, %rev3A_637, %masked_sort3A_584 : vector<16xi1>, vector<16xi32>
            %masked_sort3A_643 = arith.constant dense<true> : vector<16xi1>
            %masked_sort3A_644, %masked_sort3A_645, %masked_sort3A_646 = tpu.sort %select_n3A_639, %select_n3A_640 masked %masked_sort3A_643 {descending = true} : (vector<16xf32>, vector<16xi32>, vector<16xi1>) -> (vector<16xi1>, vector<16xf32>, vector<16xi32>)
            %masked_sort3A_647 = arith.constant dense<true> : vector<16xi1>
            %masked_sort3A_648, %masked_sort3A_649, %masked_sort3A_650 = tpu.sort %select_n3A_641, %select_n3A_642 masked %masked_sort3A_647 {descending = true} : (vector<16xf32>, vector<16xi32>, vector<16xi1>) -> (vector<16xi1>, vector<16xf32>, vector<16xi32>)
            %rev3A_651 = arith.constant 15 : i32
            %rev3A_652 = vector.broadcast %rev3A_651 : i32 to vector<16xi32>
            %rev3A_653 = tpu.iota {dimensions = array<i32: 0>} : vector<16xi32>
            %rev3A_654 = arith.subi %rev3A_652, %rev3A_653 : vector<16xi32>
            %rev3A_655 = tpu.dynamic_gather %masked_sort3A_595[%rev3A_654] in [0] : vector<16xf32>, vector<16xi32> -> vector<16xf32>
            %rev3A_656 = arith.constant 15 : i32
            %rev3A_657 = vector.broadcast %rev3A_656 : i32 to vector<16xi32>
            %rev3A_658 = tpu.iota {dimensions = array<i32: 0>} : vector<16xi32>
            %rev3A_659 = arith.subi %rev3A_657, %rev3A_658 : vector<16xi32>
            %rev3A_660 = tpu.dynamic_gather %masked_sort3A_596[%rev3A_659] in [0] : vector<16xi32>, vector<16xi32> -> vector<16xi32>
            %ge3A_661 = arith.cmpf oge, %masked_sort3A_591, %rev3A_655 : vector<16xf32>
            %select_n3A_662 = arith.select %ge3A_661, %masked_sort3A_591, %rev3A_655 : vector<16xi1>, vector<16xf32>
            %select_n3A_663 = arith.select %ge3A_661, %masked_sort3A_592, %rev3A_660 : vector<16xi1>, vector<16xi32>
            %select_n3A_664 = arith.select %ge3A_661, %rev3A_655, %masked_sort3A_591 : vector<16xi1>, vector<16xf32>
            %select_n3A_665 = arith.select %ge3A_661, %rev3A_660, %masked_sort3A_592 : vector<16xi1>, vector<16xi32>
            %masked_sort3A_666 = arith.constant dense<true> : vector<16xi1>
            %masked_sort3A_667, %masked_sort3A_668, %masked_sort3A_669 = tpu.sort %select_n3A_662, %select_n3A_663 masked %masked_sort3A_666 {descending = true} : (vector<16xf32>, vector<16xi32>, vector<16xi1>) -> (vector<16xi1>, vector<16xf32>, vector<16xi32>)
            %masked_sort3A_670 = arith.constant dense<true> : vector<16xi1>
            %masked_sort3A_671, %masked_sort3A_672, %masked_sort3A_673 = tpu.sort %select_n3A_664, %select_n3A_665 masked %masked_sort3A_670 {descending = true} : (vector<16xf32>, vector<16xi32>, vector<16xi1>) -> (vector<16xi1>, vector<16xf32>, vector<16xi32>)
            %rev3A_674 = arith.constant 15 : i32
            %rev3A_675 = vector.broadcast %rev3A_674 : i32 to vector<16xi32>
            %rev3A_676 = tpu.iota {dimensions = array<i32: 0>} : vector<16xi32>
            %rev3A_677 = arith.subi %rev3A_675, %rev3A_676 : vector<16xi32>
            %rev3A_678 = tpu.dynamic_gather %masked_sort3A_603[%rev3A_677] in [0] : vector<16xf32>, vector<16xi32> -> vector<16xf32>
            %rev3A_679 = arith.constant 15 : i32
            %rev3A_680 = vector.broadcast %rev3A_679 : i32 to vector<16xi32>
            %rev3A_681 = tpu.iota {dimensions = array<i32: 0>} : vector<16xi32>
            %rev3A_682 = arith.subi %rev3A_680, %rev3A_681 : vector<16xi32>
            %rev3A_683 = tpu.dynamic_gather %masked_sort3A_604[%rev3A_682] in [0] : vector<16xi32>, vector<16xi32> -> vector<16xi32>
            %ge3A_684 = arith.cmpf oge, %masked_sort3A_599, %rev3A_678 : vector<16xf32>
            %select_n3A_685 = arith.select %ge3A_684, %masked_sort3A_599, %rev3A_678 : vector<16xi1>, vector<16xf32>
            %select_n3A_686 = arith.select %ge3A_684, %masked_sort3A_600, %rev3A_683 : vector<16xi1>, vector<16xi32>
            %select_n3A_687 = arith.select %ge3A_684, %rev3A_678, %masked_sort3A_599 : vector<16xi1>, vector<16xf32>
            %select_n3A_688 = arith.select %ge3A_684, %rev3A_683, %masked_sort3A_600 : vector<16xi1>, vector<16xi32>
            %masked_sort3A_689 = arith.constant dense<true> : vector<16xi1>
            %masked_sort3A_690, %masked_sort3A_691, %masked_sort3A_692 = tpu.sort %select_n3A_685, %select_n3A_686 masked %masked_sort3A_689 {descending = true} : (vector<16xf32>, vector<16xi32>, vector<16xi1>) -> (vector<16xi1>, vector<16xf32>, vector<16xi32>)
            %masked_sort3A_693 = arith.constant dense<true> : vector<16xi1>
            %masked_sort3A_694, %masked_sort3A_695, %masked_sort3A_696 = tpu.sort %select_n3A_687, %select_n3A_688 masked %masked_sort3A_693 {descending = true} : (vector<16xf32>, vector<16xi32>, vector<16xi1>) -> (vector<16xi1>, vector<16xf32>, vector<16xi32>)
            %rev3A_697 = arith.constant 15 : i32
            %rev3A_698 = vector.broadcast %rev3A_697 : i32 to vector<16xi32>
            %rev3A_699 = tpu.iota {dimensions = array<i32: 0>} : vector<16xi32>
            %rev3A_700 = arith.subi %rev3A_698, %rev3A_699 : vector<16xi32>
            %rev3A_701 = tpu.dynamic_gather %masked_sort3A_649[%rev3A_700] in [0] : vector<16xf32>, vector<16xi32> -> vector<16xf32>
            %rev3A_702 = arith.constant 15 : i32
            %rev3A_703 = vector.broadcast %rev3A_702 : i32 to vector<16xi32>
            %rev3A_704 = tpu.iota {dimensions = array<i32: 0>} : vector<16xi32>
            %rev3A_705 = arith.subi %rev3A_703, %rev3A_704 : vector<16xi32>
            %rev3A_706 = tpu.dynamic_gather %masked_sort3A_645[%rev3A_705] in [0] : vector<16xf32>, vector<16xi32> -> vector<16xf32>
            %rev3A_707 = arith.constant 15 : i32
            %rev3A_708 = vector.broadcast %rev3A_707 : i32 to vector<16xi32>
            %rev3A_709 = tpu.iota {dimensions = array<i32: 0>} : vector<16xi32>
            %rev3A_710 = arith.subi %rev3A_708, %rev3A_709 : vector<16xi32>
            %rev3A_711 = tpu.dynamic_gather %masked_sort3A_650[%rev3A_710] in [0] : vector<16xi32>, vector<16xi32> -> vector<16xi32>
            %rev3A_712 = arith.constant 15 : i32
            %rev3A_713 = vector.broadcast %rev3A_712 : i32 to vector<16xi32>
            %rev3A_714 = tpu.iota {dimensions = array<i32: 0>} : vector<16xi32>
            %rev3A_715 = arith.subi %rev3A_713, %rev3A_714 : vector<16xi32>
            %rev3A_716 = tpu.dynamic_gather %masked_sort3A_646[%rev3A_715] in [0] : vector<16xi32>, vector<16xi32> -> vector<16xi32>
            %ge3A_717 = arith.cmpf oge, %masked_sort3A_622, %rev3A_701 : vector<16xf32>
            %select_n3A_718 = arith.select %ge3A_717, %masked_sort3A_622, %rev3A_701 : vector<16xi1>, vector<16xf32>
            %select_n3A_719 = arith.select %ge3A_717, %masked_sort3A_623, %rev3A_711 : vector<16xi1>, vector<16xi32>
            %select_n3A_720 = arith.select %ge3A_717, %rev3A_701, %masked_sort3A_622 : vector<16xi1>, vector<16xf32>
            %select_n3A_721 = arith.select %ge3A_717, %rev3A_711, %masked_sort3A_623 : vector<16xi1>, vector<16xi32>
            %ge3A_722 = arith.cmpf oge, %masked_sort3A_626, %rev3A_706 : vector<16xf32>
            %select_n3A_723 = arith.select %ge3A_722, %masked_sort3A_626, %rev3A_706 : vector<16xi1>, vector<16xf32>
            %select_n3A_724 = arith.select %ge3A_722, %masked_sort3A_627, %rev3A_716 : vector<16xi1>, vector<16xi32>
            %select_n3A_725 = arith.select %ge3A_722, %rev3A_706, %masked_sort3A_626 : vector<16xi1>, vector<16xf32>
            %select_n3A_726 = arith.select %ge3A_722, %rev3A_716, %masked_sort3A_627 : vector<16xi1>, vector<16xi32>
            %ge3A_727 = arith.cmpf oge, %select_n3A_718, %select_n3A_723 : vector<16xf32>
            %select_n3A_728 = arith.select %ge3A_727, %select_n3A_718, %select_n3A_723 : vector<16xi1>, vector<16xf32>
            %select_n3A_729 = arith.select %ge3A_727, %select_n3A_719, %select_n3A_724 : vector<16xi1>, vector<16xi32>
            %select_n3A_730 = arith.select %ge3A_727, %select_n3A_723, %select_n3A_718 : vector<16xi1>, vector<16xf32>
            %select_n3A_731 = arith.select %ge3A_727, %select_n3A_724, %select_n3A_719 : vector<16xi1>, vector<16xi32>
            %ge3A_732 = arith.cmpf oge, %select_n3A_720, %select_n3A_725 : vector<16xf32>
            %select_n3A_733 = arith.select %ge3A_732, %select_n3A_720, %select_n3A_725 : vector<16xi1>, vector<16xf32>
            %select_n3A_734 = arith.select %ge3A_732, %select_n3A_721, %select_n3A_726 : vector<16xi1>, vector<16xi32>
            %select_n3A_735 = arith.select %ge3A_732, %select_n3A_725, %select_n3A_720 : vector<16xi1>, vector<16xf32>
            %select_n3A_736 = arith.select %ge3A_732, %select_n3A_726, %select_n3A_721 : vector<16xi1>, vector<16xi32>
            %masked_sort3A_737 = arith.constant dense<true> : vector<16xi1>
            %masked_sort3A_738, %masked_sort3A_739, %masked_sort3A_740 = tpu.sort %select_n3A_728, %select_n3A_729 masked %masked_sort3A_737 {descending = true} : (vector<16xf32>, vector<16xi32>, vector<16xi1>) -> (vector<16xi1>, vector<16xf32>, vector<16xi32>)
            %masked_sort3A_741 = arith.constant dense<true> : vector<16xi1>
            %masked_sort3A_742, %masked_sort3A_743, %masked_sort3A_744 = tpu.sort %select_n3A_730, %select_n3A_731 masked %masked_sort3A_741 {descending = true} : (vector<16xf32>, vector<16xi32>, vector<16xi1>) -> (vector<16xi1>, vector<16xf32>, vector<16xi32>)
            %masked_sort3A_745 = arith.constant dense<true> : vector<16xi1>
            %masked_sort3A_746, %masked_sort3A_747, %masked_sort3A_748 = tpu.sort %select_n3A_733, %select_n3A_734 masked %masked_sort3A_745 {descending = true} : (vector<16xf32>, vector<16xi32>, vector<16xi1>) -> (vector<16xi1>, vector<16xf32>, vector<16xi32>)
            %masked_sort3A_749 = arith.constant dense<true> : vector<16xi1>
            %masked_sort3A_750, %masked_sort3A_751, %masked_sort3A_752 = tpu.sort %select_n3A_735, %select_n3A_736 masked %masked_sort3A_749 {descending = true} : (vector<16xf32>, vector<16xi32>, vector<16xi1>) -> (vector<16xi1>, vector<16xf32>, vector<16xi32>)
            %rev3A_753 = arith.constant 15 : i32
            %rev3A_754 = vector.broadcast %rev3A_753 : i32 to vector<16xi32>
            %rev3A_755 = tpu.iota {dimensions = array<i32: 0>} : vector<16xi32>
            %rev3A_756 = arith.subi %rev3A_754, %rev3A_755 : vector<16xi32>
            %rev3A_757 = tpu.dynamic_gather %masked_sort3A_695[%rev3A_756] in [0] : vector<16xf32>, vector<16xi32> -> vector<16xf32>
            %rev3A_758 = arith.constant 15 : i32
            %rev3A_759 = vector.broadcast %rev3A_758 : i32 to vector<16xi32>
            %rev3A_760 = tpu.iota {dimensions = array<i32: 0>} : vector<16xi32>
            %rev3A_761 = arith.subi %rev3A_759, %rev3A_760 : vector<16xi32>
            %rev3A_762 = tpu.dynamic_gather %masked_sort3A_691[%rev3A_761] in [0] : vector<16xf32>, vector<16xi32> -> vector<16xf32>
            %rev3A_763 = arith.constant 15 : i32
            %rev3A_764 = vector.broadcast %rev3A_763 : i32 to vector<16xi32>
            %rev3A_765 = tpu.iota {dimensions = array<i32: 0>} : vector<16xi32>
            %rev3A_766 = arith.subi %rev3A_764, %rev3A_765 : vector<16xi32>
            %rev3A_767 = tpu.dynamic_gather %masked_sort3A_696[%rev3A_766] in [0] : vector<16xi32>, vector<16xi32> -> vector<16xi32>
            %rev3A_768 = arith.constant 15 : i32
            %rev3A_769 = vector.broadcast %rev3A_768 : i32 to vector<16xi32>
            %rev3A_770 = tpu.iota {dimensions = array<i32: 0>} : vector<16xi32>
            %rev3A_771 = arith.subi %rev3A_769, %rev3A_770 : vector<16xi32>
            %rev3A_772 = tpu.dynamic_gather %masked_sort3A_692[%rev3A_771] in [0] : vector<16xi32>, vector<16xi32> -> vector<16xi32>
            %ge3A_773 = arith.cmpf oge, %masked_sort3A_668, %rev3A_757 : vector<16xf32>
            %select_n3A_774 = arith.select %ge3A_773, %masked_sort3A_668, %rev3A_757 : vector<16xi1>, vector<16xf32>
            %select_n3A_775 = arith.select %ge3A_773, %masked_sort3A_669, %rev3A_767 : vector<16xi1>, vector<16xi32>
            %select_n3A_776 = arith.select %ge3A_773, %rev3A_757, %masked_sort3A_668 : vector<16xi1>, vector<16xf32>
            %select_n3A_777 = arith.select %ge3A_773, %rev3A_767, %masked_sort3A_669 : vector<16xi1>, vector<16xi32>
            %ge3A_778 = arith.cmpf oge, %masked_sort3A_672, %rev3A_762 : vector<16xf32>
            %select_n3A_779 = arith.select %ge3A_778, %masked_sort3A_672, %rev3A_762 : vector<16xi1>, vector<16xf32>
            %select_n3A_780 = arith.select %ge3A_778, %masked_sort3A_673, %rev3A_772 : vector<16xi1>, vector<16xi32>
            %select_n3A_781 = arith.select %ge3A_778, %rev3A_762, %masked_sort3A_672 : vector<16xi1>, vector<16xf32>
            %select_n3A_782 = arith.select %ge3A_778, %rev3A_772, %masked_sort3A_673 : vector<16xi1>, vector<16xi32>
            %ge3A_783 = arith.cmpf oge, %select_n3A_774, %select_n3A_779 : vector<16xf32>
            %select_n3A_784 = arith.select %ge3A_783, %select_n3A_774, %select_n3A_779 : vector<16xi1>, vector<16xf32>
            %select_n3A_785 = arith.select %ge3A_783, %select_n3A_775, %select_n3A_780 : vector<16xi1>, vector<16xi32>
            %select_n3A_786 = arith.select %ge3A_783, %select_n3A_779, %select_n3A_774 : vector<16xi1>, vector<16xf32>
            %select_n3A_787 = arith.select %ge3A_783, %select_n3A_780, %select_n3A_775 : vector<16xi1>, vector<16xi32>
            %ge3A_788 = arith.cmpf oge, %select_n3A_776, %select_n3A_781 : vector<16xf32>
            %select_n3A_789 = arith.select %ge3A_788, %select_n3A_776, %select_n3A_781 : vector<16xi1>, vector<16xf32>
            %select_n3A_790 = arith.select %ge3A_788, %select_n3A_777, %select_n3A_782 : vector<16xi1>, vector<16xi32>
            %select_n3A_791 = arith.select %ge3A_788, %select_n3A_781, %select_n3A_776 : vector<16xi1>, vector<16xf32>
            %select_n3A_792 = arith.select %ge3A_788, %select_n3A_782, %select_n3A_777 : vector<16xi1>, vector<16xi32>
            %masked_sort3A_793 = arith.constant dense<true> : vector<16xi1>
            %masked_sort3A_794, %masked_sort3A_795, %masked_sort3A_796 = tpu.sort %select_n3A_784, %select_n3A_785 masked %masked_sort3A_793 {descending = true} : (vector<16xf32>, vector<16xi32>, vector<16xi1>) -> (vector<16xi1>, vector<16xf32>, vector<16xi32>)
            %masked_sort3A_797 = arith.constant dense<true> : vector<16xi1>
            %masked_sort3A_798, %masked_sort3A_799, %masked_sort3A_800 = tpu.sort %select_n3A_786, %select_n3A_787 masked %masked_sort3A_797 {descending = true} : (vector<16xf32>, vector<16xi32>, vector<16xi1>) -> (vector<16xi1>, vector<16xf32>, vector<16xi32>)
            %masked_sort3A_801 = arith.constant dense<true> : vector<16xi1>
            %masked_sort3A_802, %masked_sort3A_803, %masked_sort3A_804 = tpu.sort %select_n3A_789, %select_n3A_790 masked %masked_sort3A_801 {descending = true} : (vector<16xf32>, vector<16xi32>, vector<16xi1>) -> (vector<16xi1>, vector<16xf32>, vector<16xi32>)
            %masked_sort3A_805 = arith.constant dense<true> : vector<16xi1>
            %masked_sort3A_806, %masked_sort3A_807, %masked_sort3A_808 = tpu.sort %select_n3A_791, %select_n3A_792 masked %masked_sort3A_805 {descending = true} : (vector<16xf32>, vector<16xi32>, vector<16xi1>) -> (vector<16xi1>, vector<16xf32>, vector<16xi32>)
            %rev3A_809 = arith.constant 15 : i32
            %rev3A_810 = vector.broadcast %rev3A_809 : i32 to vector<16xi32>
            %rev3A_811 = tpu.iota {dimensions = array<i32: 0>} : vector<16xi32>
            %rev3A_812 = arith.subi %rev3A_810, %rev3A_811 : vector<16xi32>
            %rev3A_813 = tpu.dynamic_gather %masked_sort3A_807[%rev3A_812] in [0] : vector<16xf32>, vector<16xi32> -> vector<16xf32>
            %rev3A_814 = arith.constant 15 : i32
            %rev3A_815 = vector.broadcast %rev3A_814 : i32 to vector<16xi32>
            %rev3A_816 = tpu.iota {dimensions = array<i32: 0>} : vector<16xi32>
            %rev3A_817 = arith.subi %rev3A_815, %rev3A_816 : vector<16xi32>
            %rev3A_818 = tpu.dynamic_gather %masked_sort3A_803[%rev3A_817] in [0] : vector<16xf32>, vector<16xi32> -> vector<16xf32>
            %rev3A_819 = arith.constant 15 : i32
            %rev3A_820 = vector.broadcast %rev3A_819 : i32 to vector<16xi32>
            %rev3A_821 = tpu.iota {dimensions = array<i32: 0>} : vector<16xi32>
            %rev3A_822 = arith.subi %rev3A_820, %rev3A_821 : vector<16xi32>
            %rev3A_823 = tpu.dynamic_gather %masked_sort3A_799[%rev3A_822] in [0] : vector<16xf32>, vector<16xi32> -> vector<16xf32>
            %rev3A_824 = arith.constant 15 : i32
            %rev3A_825 = vector.broadcast %rev3A_824 : i32 to vector<16xi32>
            %rev3A_826 = tpu.iota {dimensions = array<i32: 0>} : vector<16xi32>
            %rev3A_827 = arith.subi %rev3A_825, %rev3A_826 : vector<16xi32>
            %rev3A_828 = tpu.dynamic_gather %masked_sort3A_795[%rev3A_827] in [0] : vector<16xf32>, vector<16xi32> -> vector<16xf32>
            %rev3A_829 = arith.constant 15 : i32
            %rev3A_830 = vector.broadcast %rev3A_829 : i32 to vector<16xi32>
            %rev3A_831 = tpu.iota {dimensions = array<i32: 0>} : vector<16xi32>
            %rev3A_832 = arith.subi %rev3A_830, %rev3A_831 : vector<16xi32>
            %rev3A_833 = tpu.dynamic_gather %masked_sort3A_808[%rev3A_832] in [0] : vector<16xi32>, vector<16xi32> -> vector<16xi32>
            %rev3A_834 = arith.constant 15 : i32
            %rev3A_835 = vector.broadcast %rev3A_834 : i32 to vector<16xi32>
            %rev3A_836 = tpu.iota {dimensions = array<i32: 0>} : vector<16xi32>
            %rev3A_837 = arith.subi %rev3A_835, %rev3A_836 : vector<16xi32>
            %rev3A_838 = tpu.dynamic_gather %masked_sort3A_804[%rev3A_837] in [0] : vector<16xi32>, vector<16xi32> -> vector<16xi32>
            %rev3A_839 = arith.constant 15 : i32
            %rev3A_840 = vector.broadcast %rev3A_839 : i32 to vector<16xi32>
            %rev3A_841 = tpu.iota {dimensions = array<i32: 0>} : vector<16xi32>
            %rev3A_842 = arith.subi %rev3A_840, %rev3A_841 : vector<16xi32>
            %rev3A_843 = tpu.dynamic_gather %masked_sort3A_800[%rev3A_842] in [0] : vector<16xi32>, vector<16xi32> -> vector<16xi32>
            %rev3A_844 = arith.constant 15 : i32
            %rev3A_845 = vector.broadcast %rev3A_844 : i32 to vector<16xi32>
            %rev3A_846 = tpu.iota {dimensions = array<i32: 0>} : vector<16xi32>
            %rev3A_847 = arith.subi %rev3A_845, %rev3A_846 : vector<16xi32>
            %rev3A_848 = tpu.dynamic_gather %masked_sort3A_796[%rev3A_847] in [0] : vector<16xi32>, vector<16xi32> -> vector<16xi32>
            %ge3A_849 = arith.cmpf oge, %masked_sort3A_739, %rev3A_813 : vector<16xf32>
            %select_n3A_850 = arith.select %ge3A_849, %masked_sort3A_739, %rev3A_813 : vector<16xi1>, vector<16xf32>
            %select_n3A_851 = arith.select %ge3A_849, %masked_sort3A_740, %rev3A_833 : vector<16xi1>, vector<16xi32>
            %ge3A_852 = arith.cmpf oge, %masked_sort3A_743, %rev3A_818 : vector<16xf32>
            %select_n3A_853 = arith.select %ge3A_852, %masked_sort3A_743, %rev3A_818 : vector<16xi1>, vector<16xf32>
            %select_n3A_854 = arith.select %ge3A_852, %masked_sort3A_744, %rev3A_838 : vector<16xi1>, vector<16xi32>
            %ge3A_855 = arith.cmpf oge, %masked_sort3A_747, %rev3A_823 : vector<16xf32>
            %select_n3A_856 = arith.select %ge3A_855, %masked_sort3A_747, %rev3A_823 : vector<16xi1>, vector<16xf32>
            %select_n3A_857 = arith.select %ge3A_855, %masked_sort3A_748, %rev3A_843 : vector<16xi1>, vector<16xi32>
            %ge3A_858 = arith.cmpf oge, %masked_sort3A_751, %rev3A_828 : vector<16xf32>
            %select_n3A_859 = arith.select %ge3A_858, %masked_sort3A_751, %rev3A_828 : vector<16xi1>, vector<16xf32>
            %select_n3A_860 = arith.select %ge3A_858, %masked_sort3A_752, %rev3A_848 : vector<16xi1>, vector<16xi32>
            %swap3A_861 = arith.constant 0 : index
            %swap3A_862 = tpu.vector_load %arg6[%swap3A_861] {strides = array<i32>} : memref<128xf32, #tpu.memory_space<vmem>>, vector<16xf32>,
            tpu.vector_store %arg6[%swap3A_861], %select_n3A_850 {strides = array<i32>} : memref<128xf32, #tpu.memory_space<vmem>>, vector<16xf32>,
            %swap3A_863 = arith.constant 0 : index
            %swap3A_864 = tpu.vector_load %arg7[%swap3A_863] {strides = array<i32>} : memref<128xi32, #tpu.memory_space<vmem>>, vector<16xi32>,
            tpu.vector_store %arg7[%swap3A_863], %select_n3A_851 {strides = array<i32>} : memref<128xi32, #tpu.memory_space<vmem>>, vector<16xi32>,
            %swap3A_865 = arith.constant 16 : index
            %swap3A_866 = tpu.vector_load %arg6[%swap3A_865] {strides = array<i32>} : memref<128xf32, #tpu.memory_space<vmem>>, vector<16xf32>,
            tpu.vector_store %arg6[%swap3A_865], %select_n3A_853 {strides = array<i32>} : memref<128xf32, #tpu.memory_space<vmem>>, vector<16xf32>,
            %swap3A_867 = arith.constant 16 : index
            %swap3A_868 = tpu.vector_load %arg7[%swap3A_867] {strides = array<i32>} : memref<128xi32, #tpu.memory_space<vmem>>, vector<16xi32>,
            tpu.vector_store %arg7[%swap3A_867], %select_n3A_854 {strides = array<i32>} : memref<128xi32, #tpu.memory_space<vmem>>, vector<16xi32>,
            %swap3A_869 = arith.constant 32 : index
            %swap3A_870 = tpu.vector_load %arg6[%swap3A_869] {strides = array<i32>} : memref<128xf32, #tpu.memory_space<vmem>>, vector<16xf32>,
            tpu.vector_store %arg6[%swap3A_869], %select_n3A_856 {strides = array<i32>} : memref<128xf32, #tpu.memory_space<vmem>>, vector<16xf32>,
            %swap3A_871 = arith.constant 32 : index
            %swap3A_872 = tpu.vector_load %arg7[%swap3A_871] {strides = array<i32>} : memref<128xi32, #tpu.memory_space<vmem>>, vector<16xi32>,
            tpu.vector_store %arg7[%swap3A_871], %select_n3A_857 {strides = array<i32>} : memref<128xi32, #tpu.memory_space<vmem>>, vector<16xi32>,
            %swap3A_873 = arith.constant 48 : index
            %swap3A_874 = tpu.vector_load %arg6[%swap3A_873] {strides = array<i32>} : memref<128xf32, #tpu.memory_space<vmem>>, vector<16xf32>,
            tpu.vector_store %arg6[%swap3A_873], %select_n3A_859 {strides = array<i32>} : memref<128xf32, #tpu.memory_space<vmem>>, vector<16xf32>,
            %swap3A_875 = arith.constant 48 : index
            %swap3A_876 = tpu.vector_load %arg7[%swap3A_875] {strides = array<i32>} : memref<128xi32, #tpu.memory_space<vmem>>, vector<16xi32>,
            tpu.vector_store %arg7[%swap3A_875], %select_n3A_860 {strides = array<i32>} : memref<128xi32, #tpu.memory_space<vmem>>, vector<16xi32>,
            %swap3A_877 = arith.constant 64 : index
            %swap3A_878 = tpu.vector_load %arg6[%swap3A_877] {strides = array<i32>} : memref<128xf32, #tpu.memory_space<vmem>>, vector<16xf32>,
            tpu.vector_store %arg6[%swap3A_877], %broadcast_in_dim3A_1 {strides = array<i32>} : memref<128xf32, #tpu.memory_space<vmem>>, vector<16xf32>,
            %swap3A_879 = arith.constant 64 : index
            %swap3A_880 = tpu.vector_load %arg7[%swap3A_879] {strides = array<i32>} : memref<128xi32, #tpu.memory_space<vmem>>, vector<16xi32>,
            tpu.vector_store %arg7[%swap3A_879], %broadcast_in_dim3A_3 {strides = array<i32>} : memref<128xi32, #tpu.memory_space<vmem>>, vector<16xi32>,
            %swap3A_881 = arith.constant 80 : index
            %swap3A_882 = tpu.vector_load %arg6[%swap3A_881] {strides = array<i32>} : memref<128xf32, #tpu.memory_space<vmem>>, vector<16xf32>,
            tpu.vector_store %arg6[%swap3A_881], %broadcast_in_dim3A_1 {strides = array<i32>} : memref<128xf32, #tpu.memory_space<vmem>>, vector<16xf32>,
            %swap3A_883 = arith.constant 80 : index
            %swap3A_884 = tpu.vector_load %arg7[%swap3A_883] {strides = array<i32>} : memref<128xi32, #tpu.memory_space<vmem>>, vector<16xi32>,
            tpu.vector_store %arg7[%swap3A_883], %broadcast_in_dim3A_3 {strides = array<i32>} : memref<128xi32, #tpu.memory_space<vmem>>, vector<16xi32>,
            %swap3A_885 = arith.constant 96 : index
            %swap3A_886 = tpu.vector_load %arg6[%swap3A_885] {strides = array<i32>} : memref<128xf32, #tpu.memory_space<vmem>>, vector<16xf32>,
            tpu.vector_store %arg6[%swap3A_885], %broadcast_in_dim3A_1 {strides = array<i32>} : memref<128xf32, #tpu.memory_space<vmem>>, vector<16xf32>,
            %swap3A_887 = arith.constant 96 : index
            %swap3A_888 = tpu.vector_load %arg7[%swap3A_887] {strides = array<i32>} : memref<128xi32, #tpu.memory_space<vmem>>, vector<16xi32>,
            tpu.vector_store %arg7[%swap3A_887], %broadcast_in_dim3A_3 {strides = array<i32>} : memref<128xi32, #tpu.memory_space<vmem>>, vector<16xi32>,
            %swap3A_889 = arith.constant 112 : index
            %swap3A_890 = tpu.vector_load %arg6[%swap3A_889] {strides = array<i32>} : memref<128xf32, #tpu.memory_space<vmem>>, vector<16xf32>,
            tpu.vector_store %arg6[%swap3A_889], %broadcast_in_dim3A_1 {strides = array<i32>} : memref<128xf32, #tpu.memory_space<vmem>>, vector<16xf32>,
            %swap3A_891 = arith.constant 112 : index
            %swap3A_892 = tpu.vector_load %arg7[%swap3A_891] {strides = array<i32>} : memref<128xi32, #tpu.memory_space<vmem>>, vector<16xi32>,
            tpu.vector_store %arg7[%swap3A_891], %broadcast_in_dim3A_3 {strides = array<i32>} : memref<128xi32, #tpu.memory_space<vmem>>, vector<16xi32>,
            %min3A = arith.minimumf %select_n3A_850, %select_n3A_853 : vector<16xf32>
            %min3A_893 = arith.minimumf %select_n3A_856, %select_n3A_859 : vector<16xf32>
            %min3A_894 = arith.minimumf %min3A, %min3A_893 : vector<16xf32>
            %masked_sort3A_895 = arith.constant dense<true> : vector<16xi1>
            %masked_sort3A_896, %masked_sort3A_897, %masked_sort3A_898 = tpu.sort %min3A_894, %min3A_894 masked %masked_sort3A_895 : (vector<16xf32>, vector<16xf32>, vector<16xi1>) -> (vector<16xi1>, vector<16xf32>, vector<16xf32>)
            %slice3A_899 = vector.extract_strided_slice %masked_sort3A_897 {offsets = [0], sizes = [1], strides = [1]} : vector<16xf32> to vector<1xf32>
            %squeeze3A_900 = vector.extract %slice3A_899[0] : f32 from vector<1xf32>
            %cond3A_901 = arith.constant 4 : i32
            scf.yield %cond3A_901, %squeeze3A_900 : i32, f32
          } else {
            scf.yield %add3A_535, %scan3A_449 : i32, f32
          }
          scf.yield %cond3A_540#0, %cond3A_540#1 : i32, f32
        } else {
          scf.yield %scan3A_448, %scan3A_449 : i32, f32
        }
        %all_reduce_population_count3A_490 = tpu.all_reduce %gt3A_470 {dim = 0 : i64, kind = #tpu.reduction_kind<sum>} : vector<16xi1> -> vector<16xi32>
        %slice3A_491 = vector.extract_strided_slice %all_reduce_population_count3A_490 {offsets = [0], sizes = [1], strides = [1]} : vector<16xi32> to vector<1xi32>
        %squeeze3A_492 = vector.extract %slice3A_491[0] : i32 from vector<1xi32>
        %gt3A_493 = arith.constant 0 : i32
        %gt3A_494 = arith.cmpi sgt, %squeeze3A_492, %gt3A_493 : i32
        %convert_element_type3A_495 = arith.extui %gt3A_494 : i1 to i32
        %cond3A_496 = arith.constant 0 : i32
        %cond3A_497 = arith.cmpi ne, %convert_element_type3A_495, %cond3A_496 : i32
        %cond3A_498:2 = scf.if %cond3A_497 -> (i32, f32) {
          %jit3A = arith.constant -3.000000e+38 : f32
          %broadcast_in_dim3A_517 = vector.broadcast %jit3A : f32 to vector<16xf32>
          %select_n3A_518 = arith.select %gt3A_470, %get3A_459, %broadcast_in_dim3A_517 : vector<16xi1>, vector<16xf32>
          %mul3A_519 = arith.constant 16 : i32
          %mul3A_520 = arith.muli %cond3A_489#0, %mul3A_519 : i32
          %swap3A_521 = arith.index_cast %mul3A_520 : i32 to index
          %swap3A_522 = tpu.vector_load %arg6[%swap3A_521] {strides = array<i32>} : memref<128xf32, #tpu.memory_space<vmem>>, vector<16xf32>,
          tpu.vector_store %arg6[%swap3A_521], %select_n3A_518 {strides = array<i32>} : memref<128xf32, #tpu.memory_space<vmem>>, vector<16xf32>,
          %add3A_523 = arith.constant 16 : i32
          %add3A_524 = arith.addi %mul3A_451, %add3A_523 : i32
          %add3A_525 = vector.broadcast %add3A_524 : i32 to vector<16xi32>
          %add3A_526 = arith.addi %iota3A, %add3A_525 : vector<16xi32>
          %jit3A_527 = arith.constant 0 : i32
          %broadcast_in_dim3A_528 = vector.broadcast %jit3A_527 : i32 to vector<16xi32>
          %select_n3A_529 = arith.select %gt3A_470, %add3A_526, %broadcast_in_dim3A_528 : vector<16xi1>, vector<16xi32>
          %mul3A_530 = arith.constant 16 : i32
          %mul3A_531 = arith.muli %cond3A_489#0, %mul3A_530 : i32
          %swap3A_532 = arith.index_cast %mul3A_531 : i32 to index
          %swap3A_533 = tpu.vector_load %arg7[%swap3A_532] {strides = array<i32>} : memref<128xi32, #tpu.memory_space<vmem>>, vector<16xi32>,
          tpu.vector_store %arg7[%swap3A_532], %select_n3A_529 {strides = array<i32>} : memref<128xi32, #tpu.memory_space<vmem>>, vector<16xi32>,
          %add3A_534 = arith.constant 1 : i32
          %add3A_535 = arith.addi %cond3A_489#0, %add3A_534 : i32
          %eq3A = arith.constant 8 : i32
          %eq3A_536 = arith.cmpi eq, %add3A_535, %eq3A : i32
          %convert_element_type3A_537 = arith.extui %eq3A_536 : i1 to i32
          %cond3A_538 = arith.constant 0 : i32
          %cond3A_539 = arith.cmpi ne, %convert_element_type3A_537, %cond3A_538 : i32
          %cond3A_540:2 = scf.if %cond3A_539 -> (i32, f32) {
            %get3A_541 = arith.constant 0 : index
            %get3A_542 = tpu.vector_load %arg6[%get3A_541] {strides = array<i32>} : memref<128xf32, #tpu.memory_space<vmem>>, vector<16xf32>,
            %get3A_543 = arith.constant 16 : index
            %get3A_544 = tpu.vector_load %arg6[%get3A_543] {strides = array<i32>} : memref<128xf32, #tpu.memory_space<vmem>>, vector<16xf32>,
            %get3A_545 = arith.constant 32 : index
            %get3A_546 = tpu.vector_load %arg6[%get3A_545] {strides = array<i32>} : memref<128xf32, #tpu.memory_space<vmem>>, vector<16xf32>,
            %get3A_547 = arith.constant 48 : index
            %get3A_548 = tpu.vector_load %arg6[%get3A_547] {strides = array<i32>} : memref<128xf32, #tpu.memory_space<vmem>>, vector<16xf32>,
            %get3A_549 = arith.constant 64 : index
            %get3A_550 = tpu.vector_load %arg6[%get3A_549] {strides = array<i32>} : memref<128xf32, #tpu.memory_space<vmem>>, vector<16xf32>,
            %get3A_551 = arith.constant 80 : index
            %get3A_552 = tpu.vector_load %arg6[%get3A_551] {strides = array<i32>} : memref<128xf32, #tpu.memory_space<vmem>>, vector<16xf32>,
            %get3A_553 = arith.constant 96 : index
            %get3A_554 = tpu.vector_load %arg6[%get3A_553] {strides = array<i32>} : memref<128xf32, #tpu.memory_space<vmem>>, vector<16xf32>,
            %get3A_555 = arith.constant 112 : index
            %get3A_556 = tpu.vector_load %arg6[%get3A_555] {strides = array<i32>} : memref<128xf32, #tpu.memory_space<vmem>>, vector<16xf32>,
            %get3A_557 = arith.constant 0 : index
            %get3A_558 = tpu.vector_load %arg7[%get3A_557] {strides = array<i32>} : memref<128xi32, #tpu.memory_space<vmem>>, vector<16xi32>,
            %get3A_559 = arith.constant 16 : index
            %get3A_560 = tpu.vector_load %arg7[%get3A_559] {strides = array<i32>} : memref<128xi32, #tpu.memory_space<vmem>>, vector<16xi32>,
            %get3A_561 = arith.constant 32 : index
            %get3A_562 = tpu.vector_load %arg7[%get3A_561] {strides = array<i32>} : memref<128xi32, #tpu.memory_space<vmem>>, vector<16xi32>,
            %get3A_563 = arith.constant 48 : index
            %get3A_564 = tpu.vector_load %arg7[%get3A_563] {strides = array<i32>} : memref<128xi32, #tpu.memory_space<vmem>>, vector<16xi32>,
            %get3A_565 = arith.constant 64 : index
            %get3A_566 = tpu.vector_load %arg7[%get3A_565] {strides = array<i32>} : memref<128xi32, #tpu.memory_space<vmem>>, vector<16xi32>,
            %get3A_567 = arith.constant 80 : index
            %get3A_568 = tpu.vector_load %arg7[%get3A_567] {strides = array<i32>} : memref<128xi32, #tpu.memory_space<vmem>>, vector<16xi32>,
            %get3A_569 = arith.constant 96 : index
            %get3A_570 = tpu.vector_load %arg7[%get3A_569] {strides = array<i32>} : memref<128xi32, #tpu.memory_space<vmem>>, vector<16xi32>,
            %get3A_571 = arith.constant 112 : index
            %get3A_572 = tpu.vector_load %arg7[%get3A_571] {strides = array<i32>} : memref<128xi32, #tpu.memory_space<vmem>>, vector<16xi32>,
            %masked_sort3A_573 = arith.constant dense<true> : vector<16xi1>
            %masked_sort3A_574, %masked_sort3A_575, %masked_sort3A_576 = tpu.sort %get3A_542, %get3A_558 masked %masked_sort3A_573 {descending = true} : (vector<16xf32>, vector<16xi32>, vector<16xi1>) -> (vector<16xi1>, vector<16xf32>, vector<16xi32>)
            %masked_sort3A_577 = arith.constant dense<true> : vector<16xi1>
            %masked_sort3A_578, %masked_sort3A_579, %masked_sort3A_580 = tpu.sort %get3A_544, %get3A_560 masked %masked_sort3A_577 {descending = true} : (vector<16xf32>, vector<16xi32>, vector<16xi1>) -> (vector<16xi1>, vector<16xf32>, vector<16xi32>)
            %masked_sort3A_581 = arith.constant dense<true> : vector<16xi1>
            %masked_sort3A_582, %masked_sort3A_583, %masked_sort3A_584 = tpu.sort %get3A_546, %get3A_562 masked %masked_sort3A_581 {descending = true} : (vector<16xf32>, vector<16xi32>, vector<16xi1>) -> (vector<16xi1>, vector<16xf32>, vector<16xi32>)
            %masked_sort3A_585 = arith.constant dense<true> : vector<16xi1>
            %masked_sort3A_586, %masked_sort3A_587, %masked_sort3A_588 = tpu.sort %get3A_548, %get3A_564 masked %masked_sort3A_585 {descending = true} : (vector<16xf32>, vector<16xi32>, vector<16xi1>) -> (vector<16xi1>, vector<16xf32>, vector<16xi32>)
            %masked_sort3A_589 = arith.constant dense<true> : vector<16xi1>
            %masked_sort3A_590, %masked_sort3A_591, %masked_sort3A_592 = tpu.sort %get3A_550, %get3A_566 masked %masked_sort3A_589 {descending = true} : (vector<16xf32>, vector<16xi32>, vector<16xi1>) -> (vector<16xi1>, vector<16xf32>, vector<16xi32>)
            %masked_sort3A_593 = arith.constant dense<true> : vector<16xi1>
            %masked_sort3A_594, %masked_sort3A_595, %masked_sort3A_596 = tpu.sort %get3A_552, %get3A_568 masked %masked_sort3A_593 {descending = true} : (vector<16xf32>, vector<16xi32>, vector<16xi1>) -> (vector<16xi1>, vector<16xf32>, vector<16xi32>)
            %masked_sort3A_597 = arith.constant dense<true> : vector<16xi1>
            %masked_sort3A_598, %masked_sort3A_599, %masked_sort3A_600 = tpu.sort %get3A_554, %get3A_570 masked %masked_sort3A_597 {descending = true} : (vector<16xf32>, vector<16xi32>, vector<16xi1>) -> (vector<16xi1>, vector<16xf32>, vector<16xi32>)
            %masked_sort3A_601 = arith.constant dense<true> : vector<16xi1>
            %masked_sort3A_602, %masked_sort3A_603, %masked_sort3A_604 = tpu.sort %get3A_556, %get3A_572 masked %masked_sort3A_601 {descending = true} : (vector<16xf32>, vector<16xi32>, vector<16xi1>) -> (vector<16xi1>, vector<16xf32>, vector<16xi32>)
            %rev3A_605 = arith.constant 15 : i32
            %rev3A_606 = vector.broadcast %rev3A_605 : i32 to vector<16xi32>
            %rev3A_607 = tpu.iota {dimensions = array<i32: 0>} : vector<16xi32>
            %rev3A_608 = arith.subi %rev3A_606, %rev3A_607 : vector<16xi32>
            %rev3A_609 = tpu.dynamic_gather %masked_sort3A_579[%rev3A_608] in [0] : vector<16xf32>, vector<16xi32> -> vector<16xf32>
            %rev3A_610 = arith.constant 15 : i32
            %rev3A_611 = vector.broadcast %rev3A_610 : i32 to vector<16xi32>
            %rev3A_612 = tpu.iota {dimensions = array<i32: 0>} : vector<16xi32>
            %rev3A_613 = arith.subi %rev3A_611, %rev3A_612 : vector<16xi32>
            %rev3A_614 = tpu.dynamic_gather %masked_sort3A_580[%rev3A_613] in [0] : vector<16xi32>, vector<16xi32> -> vector<16xi32>
            %ge3A_615 = arith.cmpf oge, %masked_sort3A_575, %rev3A_609 : vector<16xf32>
            %select_n3A_616 = arith.select %ge3A_615, %masked_sort3A_575, %rev3A_609 : vector<16xi1>, vector<16xf32>
            %select_n3A_617 = arith.select %ge3A_615, %masked_sort3A_576, %rev3A_614 : vector<16xi1>, vector<16xi32>
            %select_n3A_618 = arith.select %ge3A_615, %rev3A_609, %masked_sort3A_575 : vector<16xi1>, vector<16xf32>
            %select_n3A_619 = arith.select %ge3A_615, %rev3A_614, %masked_sort3A_576 : vector<16xi1>, vector<16xi32>
            %masked_sort3A_620 = arith.constant dense<true> : vector<16xi1>
            %masked_sort3A_621, %masked_sort3A_622, %masked_sort3A_623 = tpu.sort %select_n3A_616, %select_n3A_617 masked %masked_sort3A_620 {descending = true} : (vector<16xf32>, vector<16xi32>, vector<16xi1>) -> (vector<16xi1>, vector<16xf32>, vector<16xi32>)
            %masked_sort3A_624 = arith.constant dense<true> : vector<16xi1>
            %masked_sort3A_625, %masked_sort3A_626, %masked_sort3A_627 = tpu.sort %select_n3A_618, %select_n3A_619 masked %masked_sort3A_624 {descending = true} : (vector<16xf32>, vector<16xi32>, vector<16xi1>) -> (vector<16xi1>, vector<16xf32>, vector<16xi32>)
            %rev3A_628 = arith.constant 15 : i32
            %rev3A_629 = vector.broadcast %rev3A_628 : i32 to vector<16xi32>
            %rev3A_630 = tpu.iota {dimensions = array<i32: 0>} : vector<16xi32>
            %rev3A_631 = arith.subi %rev3A_629, %rev3A_630 : vector<16xi32>
            %rev3A_632 = tpu.dynamic_gather %masked_sort3A_587[%rev3A_631] in [0] : vector<16xf32>, vector<16xi32> -> vector<16xf32>
            %rev3A_633 = arith.constant 15 : i32
            %rev3A_634 = vector.broadcast %rev3A_633 : i32 to vector<16xi32>
            %rev3A_635 = tpu.iota {dimensions = array<i32: 0>} : vector<16xi32>
            %rev3A_636 = arith.subi %rev3A_634, %rev3A_635 : vector<16xi32>
            %rev3A_637 = tpu.dynamic_gather %masked_sort3A_588[%rev3A_636] in [0] : vector<16xi32>, vector<16xi32> -> vector<16xi32>
            %ge3A_638 = arith.cmpf oge, %masked_sort3A_583, %rev3A_632 : vector<16xf32>
            %select_n3A_639 = arith.select %ge3A_638, %masked_sort3A_583, %rev3A_632 : vector<16xi1>, vector<16xf32>
            %select_n3A_640 = arith.select %ge3A_638, %masked_sort3A_584, %rev3A_637 : vector<16xi1>, vector<16xi32>
            %select_n3A_641 = arith.select %ge3A_638, %rev3A_632, %masked_sort3A_583 : vector<16xi1>, vector<16xf32>
            %select_n3A_642 = arith.select %ge3A_638, %rev3A_637, %masked_sort3A_584 : vector<16xi1>, vector<16xi32>
            %masked_sort3A_643 = arith.constant dense<true> : vector<16xi1>
            %masked_sort3A_644, %masked_sort3A_645, %masked_sort3A_646 = tpu.sort %select_n3A_639, %select_n3A_640 masked %masked_sort3A_643 {descending = true} : (vector<16xf32>, vector<16xi32>, vector<16xi1>) -> (vector<16xi1>, vector<16xf32>, vector<16xi32>)
            %masked_sort3A_647 = arith.constant dense<true> : vector<16xi1>
            %masked_sort3A_648, %masked_sort3A_649, %masked_sort3A_650 = tpu.sort %select_n3A_641, %select_n3A_642 masked %masked_sort3A_647 {descending = true} : (vector<16xf32>, vector<16xi32>, vector<16xi1>) -> (vector<16xi1>, vector<16xf32>, vector<16xi32>)
            %rev3A_651 = arith.constant 15 : i32
            %rev3A_652 = vector.broadcast %rev3A_651 : i32 to vector<16xi32>
            %rev3A_653 = tpu.iota {dimensions = array<i32: 0>} : vector<16xi32>
            %rev3A_654 = arith.subi %rev3A_652, %rev3A_653 : vector<16xi32>
            %rev3A_655 = tpu.dynamic_gather %masked_sort3A_595[%rev3A_654] in [0] : vector<16xf32>, vector<16xi32> -> vector<16xf32>
            %rev3A_656 = arith.constant 15 : i32
            %rev3A_657 = vector.broadcast %rev3A_656 : i32 to vector<16xi32>
            %rev3A_658 = tpu.iota {dimensions = array<i32: 0>} : vector<16xi32>
            %rev3A_659 = arith.subi %rev3A_657, %rev3A_658 : vector<16xi32>
            %rev3A_660 = tpu.dynamic_gather %masked_sort3A_596[%rev3A_659] in [0] : vector<16xi32>, vector<16xi32> -> vector<16xi32>
            %ge3A_661 = arith.cmpf oge, %masked_sort3A_591, %rev3A_655 : vector<16xf32>
            %select_n3A_662 = arith.select %ge3A_661, %masked_sort3A_591, %rev3A_655 : vector<16xi1>, vector<16xf32>
            %select_n3A_663 = arith.select %ge3A_661, %masked_sort3A_592, %rev3A_660 : vector<16xi1>, vector<16xi32>
            %select_n3A_664 = arith.select %ge3A_661, %rev3A_655, %masked_sort3A_591 : vector<16xi1>, vector<16xf32>
            %select_n3A_665 = arith.select %ge3A_661, %rev3A_660, %masked_sort3A_592 : vector<16xi1>, vector<16xi32>
            %masked_sort3A_666 = arith.constant dense<true> : vector<16xi1>
            %masked_sort3A_667, %masked_sort3A_668, %masked_sort3A_669 = tpu.sort %select_n3A_662, %select_n3A_663 masked %masked_sort3A_666 {descending = true} : (vector<16xf32>, vector<16xi32>, vector<16xi1>) -> (vector<16xi1>, vector<16xf32>, vector<16xi32>)
            %masked_sort3A_670 = arith.constant dense<true> : vector<16xi1>
            %masked_sort3A_671, %masked_sort3A_672, %masked_sort3A_673 = tpu.sort %select_n3A_664, %select_n3A_665 masked %masked_sort3A_670 {descending = true} : (vector<16xf32>, vector<16xi32>, vector<16xi1>) -> (vector<16xi1>, vector<16xf32>, vector<16xi32>)
            %rev3A_674 = arith.constant 15 : i32
            %rev3A_675 = vector.broadcast %rev3A_674 : i32 to vector<16xi32>
            %rev3A_676 = tpu.iota {dimensions = array<i32: 0>} : vector<16xi32>
            %rev3A_677 = arith.subi %rev3A_675, %rev3A_676 : vector<16xi32>
            %rev3A_678 = tpu.dynamic_gather %masked_sort3A_603[%rev3A_677] in [0] : vector<16xf32>, vector<16xi32> -> vector<16xf32>
            %rev3A_679 = arith.constant 15 : i32
            %rev3A_680 = vector.broadcast %rev3A_679 : i32 to vector<16xi32>
            %rev3A_681 = tpu.iota {dimensions = array<i32: 0>} : vector<16xi32>
            %rev3A_682 = arith.subi %rev3A_680, %rev3A_681 : vector<16xi32>
            %rev3A_683 = tpu.dynamic_gather %masked_sort3A_604[%rev3A_682] in [0] : vector<16xi32>, vector<16xi32> -> vector<16xi32>
            %ge3A_684 = arith.cmpf oge, %masked_sort3A_599, %rev3A_678 : vector<16xf32>
            %select_n3A_685 = arith.select %ge3A_684, %masked_sort3A_599, %rev3A_678 : vector<16xi1>, vector<16xf32>
            %select_n3A_686 = arith.select %ge3A_684, %masked_sort3A_600, %rev3A_683 : vector<16xi1>, vector<16xi32>
            %select_n3A_687 = arith.select %ge3A_684, %rev3A_678, %masked_sort3A_599 : vector<16xi1>, vector<16xf32>
            %select_n3A_688 = arith.select %ge3A_684, %rev3A_683, %masked_sort3A_600 : vector<16xi1>, vector<16xi32>
            %masked_sort3A_689 = arith.constant dense<true> : vector<16xi1>
            %masked_sort3A_690, %masked_sort3A_691, %masked_sort3A_692 = tpu.sort %select_n3A_685, %select_n3A_686 masked %masked_sort3A_689 {descending = true} : (vector<16xf32>, vector<16xi32>, vector<16xi1>) -> (vector<16xi1>, vector<16xf32>, vector<16xi32>)
            %masked_sort3A_693 = arith.constant dense<true> : vector<16xi1>
            %masked_sort3A_694, %masked_sort3A_695, %masked_sort3A_696 = tpu.sort %select_n3A_687, %select_n3A_688 masked %masked_sort3A_693 {descending = true} : (vector<16xf32>, vector<16xi32>, vector<16xi1>) -> (vector<16xi1>, vector<16xf32>, vector<16xi32>)
            %rev3A_697 = arith.constant 15 : i32
            %rev3A_698 = vector.broadcast %rev3A_697 : i32 to vector<16xi32>
            %rev3A_699 = tpu.iota {dimensions = array<i32: 0>} : vector<16xi32>
            %rev3A_700 = arith.subi %rev3A_698, %rev3A_699 : vector<16xi32>
            %rev3A_701 = tpu.dynamic_gather %masked_sort3A_649[%rev3A_700] in [0] : vector<16xf32>, vector<16xi32> -> vector<16xf32>
            %rev3A_702 = arith.constant 15 : i32
            %rev3A_703 = vector.broadcast %rev3A_702 : i32 to vector<16xi32>
            %rev3A_704 = tpu.iota {dimensions = array<i32: 0>} : vector<16xi32>
            %rev3A_705 = arith.subi %rev3A_703, %rev3A_704 : vector<16xi32>
            %rev3A_706 = tpu.dynamic_gather %masked_sort3A_645[%rev3A_705] in [0] : vector<16xf32>, vector<16xi32> -> vector<16xf32>
            %rev3A_707 = arith.constant 15 : i32
            %rev3A_708 = vector.broadcast %rev3A_707 : i32 to vector<16xi32>
            %rev3A_709 = tpu.iota {dimensions = array<i32: 0>} : vector<16xi32>
            %rev3A_710 = arith.subi %rev3A_708, %rev3A_709 : vector<16xi32>
            %rev3A_711 = tpu.dynamic_gather %masked_sort3A_650[%rev3A_710] in [0] : vector<16xi32>, vector<16xi32> -> vector<16xi32>
            %rev3A_712 = arith.constant 15 : i32
            %rev3A_713 = vector.broadcast %rev3A_712 : i32 to vector<16xi32>
            %rev3A_714 = tpu.iota {dimensions = array<i32: 0>} : vector<16xi32>
            %rev3A_715 = arith.subi %rev3A_713, %rev3A_714 : vector<16xi32>
            %rev3A_716 = tpu.dynamic_gather %masked_sort3A_646[%rev3A_715] in [0] : vector<16xi32>, vector<16xi32> -> vector<16xi32>
            %ge3A_717 = arith.cmpf oge, %masked_sort3A_622, %rev3A_701 : vector<16xf32>
            %select_n3A_718 = arith.select %ge3A_717, %masked_sort3A_622, %rev3A_701 : vector<16xi1>, vector<16xf32>
            %select_n3A_719 = arith.select %ge3A_717, %masked_sort3A_623, %rev3A_711 : vector<16xi1>, vector<16xi32>
            %select_n3A_720 = arith.select %ge3A_717, %rev3A_701, %masked_sort3A_622 : vector<16xi1>, vector<16xf32>
            %select_n3A_721 = arith.select %ge3A_717, %rev3A_711, %masked_sort3A_623 : vector<16xi1>, vector<16xi32>
            %ge3A_722 = arith.cmpf oge, %masked_sort3A_626, %rev3A_706 : vector<16xf32>
            %select_n3A_723 = arith.select %ge3A_722, %masked_sort3A_626, %rev3A_706 : vector<16xi1>, vector<16xf32>
            %select_n3A_724 = arith.select %ge3A_722, %masked_sort3A_627, %rev3A_716 : vector<16xi1>, vector<16xi32>
            %select_n3A_725 = arith.select %ge3A_722, %rev3A_706, %masked_sort3A_626 : vector<16xi1>, vector<16xf32>
            %select_n3A_726 = arith.select %ge3A_722, %rev3A_716, %masked_sort3A_627 : vector<16xi1>, vector<16xi32>
            %ge3A_727 = arith.cmpf oge, %select_n3A_718, %select_n3A_723 : vector<16xf32>
            %select_n3A_728 = arith.select %ge3A_727, %select_n3A_718, %select_n3A_723 : vector<16xi1>, vector<16xf32>
            %select_n3A_729 = arith.select %ge3A_727, %select_n3A_719, %select_n3A_724 : vector<16xi1>, vector<16xi32>
            %select_n3A_730 = arith.select %ge3A_727, %select_n3A_723, %select_n3A_718 : vector<16xi1>, vector<16xf32>
            %select_n3A_731 = arith.select %ge3A_727, %select_n3A_724, %select_n3A_719 : vector<16xi1>, vector<16xi32>
            %ge3A_732 = arith.cmpf oge, %select_n3A_720, %select_n3A_725 : vector<16xf32>
            %select_n3A_733 = arith.select %ge3A_732, %select_n3A_720, %select_n3A_725 : vector<16xi1>, vector<16xf32>
            %select_n3A_734 = arith.select %ge3A_732, %select_n3A_721, %select_n3A_726 : vector<16xi1>, vector<16xi32>
            %select_n3A_735 = arith.select %ge3A_732, %select_n3A_725, %select_n3A_720 : vector<16xi1>, vector<16xf32>
            %select_n3A_736 = arith.select %ge3A_732, %select_n3A_726, %select_n3A_721 : vector<16xi1>, vector<16xi32>
            %masked_sort3A_737 = arith.constant dense<true> : vector<16xi1>
            %masked_sort3A_738, %masked_sort3A_739, %masked_sort3A_740 = tpu.sort %select_n3A_728, %select_n3A_729 masked %masked_sort3A_737 {descending = true} : (vector<16xf32>, vector<16xi32>, vector<16xi1>) -> (vector<16xi1>, vector<16xf32>, vector<16xi32>)
            %masked_sort3A_741 = arith.constant dense<true> : vector<16xi1>
            %masked_sort3A_742, %masked_sort3A_743, %masked_sort3A_744 = tpu.sort %select_n3A_730, %select_n3A_731 masked %masked_sort3A_741 {descending = true} : (vector<16xf32>, vector<16xi32>, vector<16xi1>) -> (vector<16xi1>, vector<16xf32>, vector<16xi32>)
            %masked_sort3A_745 = arith.constant dense<true> : vector<16xi1>
            %masked_sort3A_746, %masked_sort3A_747, %masked_sort3A_748 = tpu.sort %select_n3A_733, %select_n3A_734 masked %masked_sort3A_745 {descending = true} : (vector<16xf32>, vector<16xi32>, vector<16xi1>) -> (vector<16xi1>, vector<16xf32>, vector<16xi32>)
            %masked_sort3A_749 = arith.constant dense<true> : vector<16xi1>
            %masked_sort3A_750, %masked_sort3A_751, %masked_sort3A_752 = tpu.sort %select_n3A_735, %select_n3A_736 masked %masked_sort3A_749 {descending = true} : (vector<16xf32>, vector<16xi32>, vector<16xi1>) -> (vector<16xi1>, vector<16xf32>, vector<16xi32>)
            %rev3A_753 = arith.constant 15 : i32
            %rev3A_754 = vector.broadcast %rev3A_753 : i32 to vector<16xi32>
            %rev3A_755 = tpu.iota {dimensions = array<i32: 0>} : vector<16xi32>
            %rev3A_756 = arith.subi %rev3A_754, %rev3A_755 : vector<16xi32>
            %rev3A_757 = tpu.dynamic_gather %masked_sort3A_695[%rev3A_756] in [0] : vector<16xf32>, vector<16xi32> -> vector<16xf32>
            %rev3A_758 = arith.constant 15 : i32
            %rev3A_759 = vector.broadcast %rev3A_758 : i32 to vector<16xi32>
            %rev3A_760 = tpu.iota {dimensions = array<i32: 0>} : vector<16xi32>
            %rev3A_761 = arith.subi %rev3A_759, %rev3A_760 : vector<16xi32>
            %rev3A_762 = tpu.dynamic_gather %masked_sort3A_691[%rev3A_761] in [0] : vector<16xf32>, vector<16xi32> -> vector<16xf32>
            %rev3A_763 = arith.constant 15 : i32
            %rev3A_764 = vector.broadcast %rev3A_763 : i32 to vector<16xi32>
            %rev3A_765 = tpu.iota {dimensions = array<i32: 0>} : vector<16xi32>
            %rev3A_766 = arith.subi %rev3A_764, %rev3A_765 : vector<16xi32>
            %rev3A_767 = tpu.dynamic_gather %masked_sort3A_696[%rev3A_766] in [0] : vector<16xi32>, vector<16xi32> -> vector<16xi32>
            %rev3A_768 = arith.constant 15 : i32
            %rev3A_769 = vector.broadcast %rev3A_768 : i32 to vector<16xi32>
            %rev3A_770 = tpu.iota {dimensions = array<i32: 0>} : vector<16xi32>
            %rev3A_771 = arith.subi %rev3A_769, %rev3A_770 : vector<16xi32>
            %rev3A_772 = tpu.dynamic_gather %masked_sort3A_692[%rev3A_771] in [0] : vector<16xi32>, vector<16xi32> -> vector<16xi32>
            %ge3A_773 = arith.cmpf oge, %masked_sort3A_668, %rev3A_757 : vector<16xf32>
            %select_n3A_774 = arith.select %ge3A_773, %masked_sort3A_668, %rev3A_757 : vector<16xi1>, vector<16xf32>
            %select_n3A_775 = arith.select %ge3A_773, %masked_sort3A_669, %rev3A_767 : vector<16xi1>, vector<16xi32>
            %select_n3A_776 = arith.select %ge3A_773, %rev3A_757, %masked_sort3A_668 : vector<16xi1>, vector<16xf32>
            %select_n3A_777 = arith.select %ge3A_773, %rev3A_767, %masked_sort3A_669 : vector<16xi1>, vector<16xi32>
            %ge3A_778 = arith.cmpf oge, %masked_sort3A_672, %rev3A_762 : vector<16xf32>
            %select_n3A_779 = arith.select %ge3A_778, %masked_sort3A_672, %rev3A_762 : vector<16xi1>, vector<16xf32>
            %select_n3A_780 = arith.select %ge3A_778, %masked_sort3A_673, %rev3A_772 : vector<16xi1>, vector<16xi32>
            %select_n3A_781 = arith.select %ge3A_778, %rev3A_762, %masked_sort3A_672 : vector<16xi1>, vector<16xf32>
            %select_n3A_782 = arith.select %ge3A_778, %rev3A_772, %masked_sort3A_673 : vector<16xi1>, vector<16xi32>
            %ge3A_783 = arith.cmpf oge, %select_n3A_774, %select_n3A_779 : vector<16xf32>
            %select_n3A_784 = arith.select %ge3A_783, %select_n3A_774, %select_n3A_779 : vector<16xi1>, vector<16xf32>
            %select_n3A_785 = arith.select %ge3A_783, %select_n3A_775, %select_n3A_780 : vector<16xi1>, vector<16xi32>
            %select_n3A_786 = arith.select %ge3A_783, %select_n3A_779, %select_n3A_774 : vector<16xi1>, vector<16xf32>
            %select_n3A_787 = arith.select %ge3A_783, %select_n3A_780, %select_n3A_775 : vector<16xi1>, vector<16xi32>
            %ge3A_788 = arith.cmpf oge, %select_n3A_776, %select_n3A_781 : vector<16xf32>
            %select_n3A_789 = arith.select %ge3A_788, %select_n3A_776, %select_n3A_781 : vector<16xi1>, vector<16xf32>
            %select_n3A_790 = arith.select %ge3A_788, %select_n3A_777, %select_n3A_782 : vector<16xi1>, vector<16xi32>
            %select_n3A_791 = arith.select %ge3A_788, %select_n3A_781, %select_n3A_776 : vector<16xi1>, vector<16xf32>
            %select_n3A_792 = arith.select %ge3A_788, %select_n3A_782, %select_n3A_777 : vector<16xi1>, vector<16xi32>
            %masked_sort3A_793 = arith.constant dense<true> : vector<16xi1>
            %masked_sort3A_794, %masked_sort3A_795, %masked_sort3A_796 = tpu.sort %select_n3A_784, %select_n3A_785 masked %masked_sort3A_793 {descending = true} : (vector<16xf32>, vector<16xi32>, vector<16xi1>) -> (vector<16xi1>, vector<16xf32>, vector<16xi32>)
            %masked_sort3A_797 = arith.constant dense<true> : vector<16xi1>
            %masked_sort3A_798, %masked_sort3A_799, %masked_sort3A_800 = tpu.sort %select_n3A_786, %select_n3A_787 masked %masked_sort3A_797 {descending = true} : (vector<16xf32>, vector<16xi32>, vector<16xi1>) -> (vector<16xi1>, vector<16xf32>, vector<16xi32>)
            %masked_sort3A_801 = arith.constant dense<true> : vector<16xi1>
            %masked_sort3A_802, %masked_sort3A_803, %masked_sort3A_804 = tpu.sort %select_n3A_789, %select_n3A_790 masked %masked_sort3A_801 {descending = true} : (vector<16xf32>, vector<16xi32>, vector<16xi1>) -> (vector<16xi1>, vector<16xf32>, vector<16xi32>)
            %masked_sort3A_805 = arith.constant dense<true> : vector<16xi1>
            %masked_sort3A_806, %masked_sort3A_807, %masked_sort3A_808 = tpu.sort %select_n3A_791, %select_n3A_792 masked %masked_sort3A_805 {descending = true} : (vector<16xf32>, vector<16xi32>, vector<16xi1>) -> (vector<16xi1>, vector<16xf32>, vector<16xi32>)
            %rev3A_809 = arith.constant 15 : i32
            %rev3A_810 = vector.broadcast %rev3A_809 : i32 to vector<16xi32>
            %rev3A_811 = tpu.iota {dimensions = array<i32: 0>} : vector<16xi32>
            %rev3A_812 = arith.subi %rev3A_810, %rev3A_811 : vector<16xi32>
            %rev3A_813 = tpu.dynamic_gather %masked_sort3A_807[%rev3A_812] in [0] : vector<16xf32>, vector<16xi32> -> vector<16xf32>
            %rev3A_814 = arith.constant 15 : i32
            %rev3A_815 = vector.broadcast %rev3A_814 : i32 to vector<16xi32>
            %rev3A_816 = tpu.iota {dimensions = array<i32: 0>} : vector<16xi32>
            %rev3A_817 = arith.subi %rev3A_815, %rev3A_816 : vector<16xi32>
            %rev3A_818 = tpu.dynamic_gather %masked_sort3A_803[%rev3A_817] in [0] : vector<16xf32>, vector<16xi32> -> vector<16xf32>
            %rev3A_819 = arith.constant 15 : i32
            %rev3A_820 = vector.broadcast %rev3A_819 : i32 to vector<16xi32>
            %rev3A_821 = tpu.iota {dimensions = array<i32: 0>} : vector<16xi32>
            %rev3A_822 = arith.subi %rev3A_820, %rev3A_821 : vector<16xi32>
            %rev3A_823 = tpu.dynamic_gather %masked_sort3A_799[%rev3A_822] in [0] : vector<16xf32>, vector<16xi32> -> vector<16xf32>
            %rev3A_824 = arith.constant 15 : i32
            %rev3A_825 = vector.broadcast %rev3A_824 : i32 to vector<16xi32>
            %rev3A_826 = tpu.iota {dimensions = array<i32: 0>} : vector<16xi32>
            %rev3A_827 = arith.subi %rev3A_825, %rev3A_826 : vector<16xi32>
            %rev3A_828 = tpu.dynamic_gather %masked_sort3A_795[%rev3A_827] in [0] : vector<16xf32>, vector<16xi32> -> vector<16xf32>
            %rev3A_829 = arith.constant 15 : i32
            %rev3A_830 = vector.broadcast %rev3A_829 : i32 to vector<16xi32>
            %rev3A_831 = tpu.iota {dimensions = array<i32: 0>} : vector<16xi32>
            %rev3A_832 = arith.subi %rev3A_830, %rev3A_831 : vector<16xi32>
            %rev3A_833 = tpu.dynamic_gather %masked_sort3A_808[%rev3A_832] in [0] : vector<16xi32>, vector<16xi32> -> vector<16xi32>
            %rev3A_834 = arith.constant 15 : i32
            %rev3A_835 = vector.broadcast %rev3A_834 : i32 to vector<16xi32>
            %rev3A_836 = tpu.iota {dimensions = array<i32: 0>} : vector<16xi32>
            %rev3A_837 = arith.subi %rev3A_835, %rev3A_836 : vector<16xi32>
            %rev3A_838 = tpu.dynamic_gather %masked_sort3A_804[%rev3A_837] in [0] : vector<16xi32>, vector<16xi32> -> vector<16xi32>
            %rev3A_839 = arith.constant 15 : i32
            %rev3A_840 = vector.broadcast %rev3A_839 : i32 to vector<16xi32>
            %rev3A_841 = tpu.iota {dimensions = array<i32: 0>} : vector<16xi32>
            %rev3A_842 = arith.subi %rev3A_840, %rev3A_841 : vector<16xi32>
            %rev3A_843 = tpu.dynamic_gather %masked_sort3A_800[%rev3A_842] in [0] : vector<16xi32>, vector<16xi32> -> vector<16xi32>
            %rev3A_844 = arith.constant 15 : i32
            %rev3A_845 = vector.broadcast %rev3A_844 : i32 to vector<16xi32>
            %rev3A_846 = tpu.iota {dimensions = array<i32: 0>} : vector<16xi32>
            %rev3A_847 = arith.subi %rev3A_845, %rev3A_846 : vector<16xi32>
            %rev3A_848 = tpu.dynamic_gather %masked_sort3A_796[%rev3A_847] in [0] : vector<16xi32>, vector<16xi32> -> vector<16xi32>
            %ge3A_849 = arith.cmpf oge, %masked_sort3A_739, %rev3A_813 : vector<16xf32>
            %select_n3A_850 = arith.select %ge3A_849, %masked_sort3A_739, %rev3A_813 : vector<16xi1>, vector<16xf32>
            %select_n3A_851 = arith.select %ge3A_849, %masked_sort3A_740, %rev3A_833 : vector<16xi1>, vector<16xi32>
            %ge3A_852 = arith.cmpf oge, %masked_sort3A_743, %rev3A_818 : vector<16xf32>
            %select_n3A_853 = arith.select %ge3A_852, %masked_sort3A_743, %rev3A_818 : vector<16xi1>, vector<16xf32>
            %select_n3A_854 = arith.select %ge3A_852, %masked_sort3A_744, %rev3A_838 : vector<16xi1>, vector<16xi32>
            %ge3A_855 = arith.cmpf oge, %masked_sort3A_747, %rev3A_823 : vector<16xf32>
            %select_n3A_856 = arith.select %ge3A_855, %masked_sort3A_747, %rev3A_823 : vector<16xi1>, vector<16xf32>
            %select_n3A_857 = arith.select %ge3A_855, %masked_sort3A_748, %rev3A_843 : vector<16xi1>, vector<16xi32>
            %ge3A_858 = arith.cmpf oge, %masked_sort3A_751, %rev3A_828 : vector<16xf32>
            %select_n3A_859 = arith.select %ge3A_858, %masked_sort3A_751, %rev3A_828 : vector<16xi1>, vector<16xf32>
            %select_n3A_860 = arith.select %ge3A_858, %masked_sort3A_752, %rev3A_848 : vector<16xi1>, vector<16xi32>
            %swap3A_861 = arith.constant 0 : index
            %swap3A_862 = tpu.vector_load %arg6[%swap3A_861] {strides = array<i32>} : memref<128xf32, #tpu.memory_space<vmem>>, vector<16xf32>,
            tpu.vector_store %arg6[%swap3A_861], %select_n3A_850 {strides = array<i32>} : memref<128xf32, #tpu.memory_space<vmem>>, vector<16xf32>,
            %swap3A_863 = arith.constant 0 : index
            %swap3A_864 = tpu.vector_load %arg7[%swap3A_863] {strides = array<i32>} : memref<128xi32, #tpu.memory_space<vmem>>, vector<16xi32>,
            tpu.vector_store %arg7[%swap3A_863], %select_n3A_851 {strides = array<i32>} : memref<128xi32, #tpu.memory_space<vmem>>, vector<16xi32>,
            %swap3A_865 = arith.constant 16 : index
            %swap3A_866 = tpu.vector_load %arg6[%swap3A_865] {strides = array<i32>} : memref<128xf32, #tpu.memory_space<vmem>>, vector<16xf32>,
            tpu.vector_store %arg6[%swap3A_865], %select_n3A_853 {strides = array<i32>} : memref<128xf32, #tpu.memory_space<vmem>>, vector<16xf32>,
            %swap3A_867 = arith.constant 16 : index
            %swap3A_868 = tpu.vector_load %arg7[%swap3A_867] {strides = array<i32>} : memref<128xi32, #tpu.memory_space<vmem>>, vector<16xi32>,
            tpu.vector_store %arg7[%swap3A_867], %select_n3A_854 {strides = array<i32>} : memref<128xi32, #tpu.memory_space<vmem>>, vector<16xi32>,
            %swap3A_869 = arith.constant 32 : index
            %swap3A_870 = tpu.vector_load %arg6[%swap3A_869] {strides = array<i32>} : memref<128xf32, #tpu.memory_space<vmem>>, vector<16xf32>,
            tpu.vector_store %arg6[%swap3A_869], %select_n3A_856 {strides = array<i32>} : memref<128xf32, #tpu.memory_space<vmem>>, vector<16xf32>,
            %swap3A_871 = arith.constant 32 : index
            %swap3A_872 = tpu.vector_load %arg7[%swap3A_871] {strides = array<i32>} : memref<128xi32, #tpu.memory_space<vmem>>, vector<16xi32>,
            tpu.vector_store %arg7[%swap3A_871], %select_n3A_857 {strides = array<i32>} : memref<128xi32, #tpu.memory_space<vmem>>, vector<16xi32>,
            %swap3A_873 = arith.constant 48 : index
            %swap3A_874 = tpu.vector_load %arg6[%swap3A_873] {strides = array<i32>} : memref<128xf32, #tpu.memory_space<vmem>>, vector<16xf32>,
            tpu.vector_store %arg6[%swap3A_873], %select_n3A_859 {strides = array<i32>} : memref<128xf32, #tpu.memory_space<vmem>>, vector<16xf32>,
            %swap3A_875 = arith.constant 48 : index
            %swap3A_876 = tpu.vector_load %arg7[%swap3A_875] {strides = array<i32>} : memref<128xi32, #tpu.memory_space<vmem>>, vector<16xi32>,
            tpu.vector_store %arg7[%swap3A_875], %select_n3A_860 {strides = array<i32>} : memref<128xi32, #tpu.memory_space<vmem>>, vector<16xi32>,
            %swap3A_877 = arith.constant 64 : index
            %swap3A_878 = tpu.vector_load %arg6[%swap3A_877] {strides = array<i32>} : memref<128xf32, #tpu.memory_space<vmem>>, vector<16xf32>,
            tpu.vector_store %arg6[%swap3A_877], %broadcast_in_dim3A_1 {strides = array<i32>} : memref<128xf32, #tpu.memory_space<vmem>>, vector<16xf32>,
            %swap3A_879 = arith.constant 64 : index
            %swap3A_880 = tpu.vector_load %arg7[%swap3A_879] {strides = array<i32>} : memref<128xi32, #tpu.memory_space<vmem>>, vector<16xi32>,
            tpu.vector_store %arg7[%swap3A_879], %broadcast_in_dim3A_3 {strides = array<i32>} : memref<128xi32, #tpu.memory_space<vmem>>, vector<16xi32>,
            %swap3A_881 = arith.constant 80 : index
            %swap3A_882 = tpu.vector_load %arg6[%swap3A_881] {strides = array<i32>} : memref<128xf32, #tpu.memory_space<vmem>>, vector<16xf32>,
            tpu.vector_store %arg6[%swap3A_881], %broadcast_in_dim3A_1 {strides = array<i32>} : memref<128xf32, #tpu.memory_space<vmem>>, vector<16xf32>,
            %swap3A_883 = arith.constant 80 : index
            %swap3A_884 = tpu.vector_load %arg7[%swap3A_883] {strides = array<i32>} : memref<128xi32, #tpu.memory_space<vmem>>, vector<16xi32>,
            tpu.vector_store %arg7[%swap3A_883], %broadcast_in_dim3A_3 {strides = array<i32>} : memref<128xi32, #tpu.memory_space<vmem>>, vector<16xi32>,
            %swap3A_885 = arith.constant 96 : index
            %swap3A_886 = tpu.vector_load %arg6[%swap3A_885] {strides = array<i32>} : memref<128xf32, #tpu.memory_space<vmem>>, vector<16xf32>,
            tpu.vector_store %arg6[%swap3A_885], %broadcast_in_dim3A_1 {strides = array<i32>} : memref<128xf32, #tpu.memory_space<vmem>>, vector<16xf32>,
            %swap3A_887 = arith.constant 96 : index
            %swap3A_888 = tpu.vector_load %arg7[%swap3A_887] {strides = array<i32>} : memref<128xi32, #tpu.memory_space<vmem>>, vector<16xi32>,
            tpu.vector_store %arg7[%swap3A_887], %broadcast_in_dim3A_3 {strides = array<i32>} : memref<128xi32, #tpu.memory_space<vmem>>, vector<16xi32>,
            %swap3A_889 = arith.constant 112 : index
            %swap3A_890 = tpu.vector_load %arg6[%swap3A_889] {strides = array<i32>} : memref<128xf32, #tpu.memory_space<vmem>>, vector<16xf32>,
            tpu.vector_store %arg6[%swap3A_889], %broadcast_in_dim3A_1 {strides = array<i32>} : memref<128xf32, #tpu.memory_space<vmem>>, vector<16xf32>,
            %swap3A_891 = arith.constant 112 : index
            %swap3A_892 = tpu.vector_load %arg7[%swap3A_891] {strides = array<i32>} : memref<128xi32, #tpu.memory_space<vmem>>, vector<16xi32>,
            tpu.vector_store %arg7[%swap3A_891], %broadcast_in_dim3A_3 {strides = array<i32>} : memref<128xi32, #tpu.memory_space<vmem>>, vector<16xi32>,
            %min3A = arith.minimumf %select_n3A_850, %select_n3A_853 : vector<16xf32>
            %min3A_893 = arith.minimumf %select_n3A_856, %select_n3A_859 : vector<16xf32>
            %min3A_894 = arith.minimumf %min3A, %min3A_893 : vector<16xf32>
            %masked_sort3A_895 = arith.constant dense<true> : vector<16xi1>
            %masked_sort3A_896, %masked_sort3A_897, %masked_sort3A_898 = tpu.sort %min3A_894, %min3A_894 masked %masked_sort3A_895 : (vector<16xf32>, vector<16xf32>, vector<16xi1>) -> (vector<16xi1>, vector<16xf32>, vector<16xf32>)
            %slice3A_899 = vector.extract_strided_slice %masked_sort3A_897 {offsets = [0], sizes = [1], strides = [1]} : vector<16xf32> to vector<1xf32>
            %squeeze3A_900 = vector.extract %slice3A_899[0] : f32 from vector<1xf32>
            %cond3A_901 = arith.constant 4 : i32
            scf.yield %cond3A_901, %squeeze3A_900 : i32, f32
          } else {
            scf.yield %add3A_535, %cond3A_489#1 : i32, f32
          }
          scf.yield %cond3A_540#0, %cond3A_540#1 : i32, f32
        } else {
          scf.yield %cond3A_489#0, %cond3A_489#1 : i32, f32
        }
        %all_reduce_population_count3A_499 = tpu.all_reduce %gt3A_472 {dim = 0 : i64, kind = #tpu.reduction_kind<sum>} : vector<16xi1> -> vector<16xi32>
        %slice3A_500 = vector.extract_strided_slice %all_reduce_population_count3A_499 {offsets = [0], sizes = [1], strides = [1]} : vector<16xi32> to vector<1xi32>
        %squeeze3A_501 = vector.extract %slice3A_500[0] : i32 from vector<1xi32>
        %gt3A_502 = arith.constant 0 : i32
        %gt3A_503 = arith.cmpi sgt, %squeeze3A_501, %gt3A_502 : i32
        %convert_element_type3A_504 = arith.extui %gt3A_503 : i1 to i32
        %cond3A_505 = arith.constant 0 : i32
        %cond3A_506 = arith.cmpi ne, %convert_element_type3A_504, %cond3A_505 : i32
        %cond3A_507:2 = scf.if %cond3A_506 -> (i32, f32) {
          %jit3A = arith.constant -3.000000e+38 : f32
          %broadcast_in_dim3A_517 = vector.broadcast %jit3A : f32 to vector<16xf32>
          %select_n3A_518 = arith.select %gt3A_472, %get3A_463, %broadcast_in_dim3A_517 : vector<16xi1>, vector<16xf32>
          %mul3A_519 = arith.constant 16 : i32
          %mul3A_520 = arith.muli %cond3A_498#0, %mul3A_519 : i32
          %swap3A_521 = arith.index_cast %mul3A_520 : i32 to index
          %swap3A_522 = tpu.vector_load %arg6[%swap3A_521] {strides = array<i32>} : memref<128xf32, #tpu.memory_space<vmem>>, vector<16xf32>,
          tpu.vector_store %arg6[%swap3A_521], %select_n3A_518 {strides = array<i32>} : memref<128xf32, #tpu.memory_space<vmem>>, vector<16xf32>,
          %add3A_523 = arith.constant 32 : i32
          %add3A_524 = arith.addi %mul3A_451, %add3A_523 : i32
          %add3A_525 = vector.broadcast %add3A_524 : i32 to vector<16xi32>
          %add3A_526 = arith.addi %iota3A, %add3A_525 : vector<16xi32>
          %jit3A_527 = arith.constant 0 : i32
          %broadcast_in_dim3A_528 = vector.broadcast %jit3A_527 : i32 to vector<16xi32>
          %select_n3A_529 = arith.select %gt3A_472, %add3A_526, %broadcast_in_dim3A_528 : vector<16xi1>, vector<16xi32>
          %mul3A_530 = arith.constant 16 : i32
          %mul3A_531 = arith.muli %cond3A_498#0, %mul3A_530 : i32
          %swap3A_532 = arith.index_cast %mul3A_531 : i32 to index
          %swap3A_533 = tpu.vector_load %arg7[%swap3A_532] {strides = array<i32>} : memref<128xi32, #tpu.memory_space<vmem>>, vector<16xi32>,
          tpu.vector_store %arg7[%swap3A_532], %select_n3A_529 {strides = array<i32>} : memref<128xi32, #tpu.memory_space<vmem>>, vector<16xi32>,
          %add3A_534 = arith.constant 1 : i32
          %add3A_535 = arith.addi %cond3A_498#0, %add3A_534 : i32
          %eq3A = arith.constant 8 : i32
          %eq3A_536 = arith.cmpi eq, %add3A_535, %eq3A : i32
          %convert_element_type3A_537 = arith.extui %eq3A_536 : i1 to i32
          %cond3A_538 = arith.constant 0 : i32
          %cond3A_539 = arith.cmpi ne, %convert_element_type3A_537, %cond3A_538 : i32
          %cond3A_540:2 = scf.if %cond3A_539 -> (i32, f32) {
            %get3A_541 = arith.constant 0 : index
            %get3A_542 = tpu.vector_load %arg6[%get3A_541] {strides = array<i32>} : memref<128xf32, #tpu.memory_space<vmem>>, vector<16xf32>,
            %get3A_543 = arith.constant 16 : index
            %get3A_544 = tpu.vector_load %arg6[%get3A_543] {strides = array<i32>} : memref<128xf32, #tpu.memory_space<vmem>>, vector<16xf32>,
            %get3A_545 = arith.constant 32 : index
            %get3A_546 = tpu.vector_load %arg6[%get3A_545] {strides = array<i32>} : memref<128xf32, #tpu.memory_space<vmem>>, vector<16xf32>,
            %get3A_547 = arith.constant 48 : index
            %get3A_548 = tpu.vector_load %arg6[%get3A_547] {strides = array<i32>} : memref<128xf32, #tpu.memory_space<vmem>>, vector<16xf32>,
            %get3A_549 = arith.constant 64 : index
            %get3A_550 = tpu.vector_load %arg6[%get3A_549] {strides = array<i32>} : memref<128xf32, #tpu.memory_space<vmem>>, vector<16xf32>,
            %get3A_551 = arith.constant 80 : index
            %get3A_552 = tpu.vector_load %arg6[%get3A_551] {strides = array<i32>} : memref<128xf32, #tpu.memory_space<vmem>>, vector<16xf32>,
            %get3A_553 = arith.constant 96 : index
            %get3A_554 = tpu.vector_load %arg6[%get3A_553] {strides = array<i32>} : memref<128xf32, #tpu.memory_space<vmem>>, vector<16xf32>,
            %get3A_555 = arith.constant 112 : index
            %get3A_556 = tpu.vector_load %arg6[%get3A_555] {strides = array<i32>} : memref<128xf32, #tpu.memory_space<vmem>>, vector<16xf32>,
            %get3A_557 = arith.constant 0 : index
            %get3A_558 = tpu.vector_load %arg7[%get3A_557] {strides = array<i32>} : memref<128xi32, #tpu.memory_space<vmem>>, vector<16xi32>,
            %get3A_559 = arith.constant 16 : index
            %get3A_560 = tpu.vector_load %arg7[%get3A_559] {strides = array<i32>} : memref<128xi32, #tpu.memory_space<vmem>>, vector<16xi32>,
            %get3A_561 = arith.constant 32 : index
            %get3A_562 = tpu.vector_load %arg7[%get3A_561] {strides = array<i32>} : memref<128xi32, #tpu.memory_space<vmem>>, vector<16xi32>,
            %get3A_563 = arith.constant 48 : index
            %get3A_564 = tpu.vector_load %arg7[%get3A_563] {strides = array<i32>} : memref<128xi32, #tpu.memory_space<vmem>>, vector<16xi32>,
            %get3A_565 = arith.constant 64 : index
            %get3A_566 = tpu.vector_load %arg7[%get3A_565] {strides = array<i32>} : memref<128xi32, #tpu.memory_space<vmem>>, vector<16xi32>,
            %get3A_567 = arith.constant 80 : index
            %get3A_568 = tpu.vector_load %arg7[%get3A_567] {strides = array<i32>} : memref<128xi32, #tpu.memory_space<vmem>>, vector<16xi32>,
            %get3A_569 = arith.constant 96 : index
            %get3A_570 = tpu.vector_load %arg7[%get3A_569] {strides = array<i32>} : memref<128xi32, #tpu.memory_space<vmem>>, vector<16xi32>,
            %get3A_571 = arith.constant 112 : index
            %get3A_572 = tpu.vector_load %arg7[%get3A_571] {strides = array<i32>} : memref<128xi32, #tpu.memory_space<vmem>>, vector<16xi32>,
            %masked_sort3A_573 = arith.constant dense<true> : vector<16xi1>
            %masked_sort3A_574, %masked_sort3A_575, %masked_sort3A_576 = tpu.sort %get3A_542, %get3A_558 masked %masked_sort3A_573 {descending = true} : (vector<16xf32>, vector<16xi32>, vector<16xi1>) -> (vector<16xi1>, vector<16xf32>, vector<16xi32>)
            %masked_sort3A_577 = arith.constant dense<true> : vector<16xi1>
            %masked_sort3A_578, %masked_sort3A_579, %masked_sort3A_580 = tpu.sort %get3A_544, %get3A_560 masked %masked_sort3A_577 {descending = true} : (vector<16xf32>, vector<16xi32>, vector<16xi1>) -> (vector<16xi1>, vector<16xf32>, vector<16xi32>)
            %masked_sort3A_581 = arith.constant dense<true> : vector<16xi1>
            %masked_sort3A_582, %masked_sort3A_583, %masked_sort3A_584 = tpu.sort %get3A_546, %get3A_562 masked %masked_sort3A_581 {descending = true} : (vector<16xf32>, vector<16xi32>, vector<16xi1>) -> (vector<16xi1>, vector<16xf32>, vector<16xi32>)
            %masked_sort3A_585 = arith.constant dense<true> : vector<16xi1>
            %masked_sort3A_586, %masked_sort3A_587, %masked_sort3A_588 = tpu.sort %get3A_548, %get3A_564 masked %masked_sort3A_585 {descending = true} : (vector<16xf32>, vector<16xi32>, vector<16xi1>) -> (vector<16xi1>, vector<16xf32>, vector<16xi32>)
            %masked_sort3A_589 = arith.constant dense<true> : vector<16xi1>
            %masked_sort3A_590, %masked_sort3A_591, %masked_sort3A_592 = tpu.sort %get3A_550, %get3A_566 masked %masked_sort3A_589 {descending = true} : (vector<16xf32>, vector<16xi32>, vector<16xi1>) -> (vector<16xi1>, vector<16xf32>, vector<16xi32>)
            %masked_sort3A_593 = arith.constant dense<true> : vector<16xi1>
            %masked_sort3A_594, %masked_sort3A_595, %masked_sort3A_596 = tpu.sort %get3A_552, %get3A_568 masked %masked_sort3A_593 {descending = true} : (vector<16xf32>, vector<16xi32>, vector<16xi1>) -> (vector<16xi1>, vector<16xf32>, vector<16xi32>)
            %masked_sort3A_597 = arith.constant dense<true> : vector<16xi1>
            %masked_sort3A_598, %masked_sort3A_599, %masked_sort3A_600 = tpu.sort %get3A_554, %get3A_570 masked %masked_sort3A_597 {descending = true} : (vector<16xf32>, vector<16xi32>, vector<16xi1>) -> (vector<16xi1>, vector<16xf32>, vector<16xi32>)
            %masked_sort3A_601 = arith.constant dense<true> : vector<16xi1>
            %masked_sort3A_602, %masked_sort3A_603, %masked_sort3A_604 = tpu.sort %get3A_556, %get3A_572 masked %masked_sort3A_601 {descending = true} : (vector<16xf32>, vector<16xi32>, vector<16xi1>) -> (vector<16xi1>, vector<16xf32>, vector<16xi32>)
            %rev3A_605 = arith.constant 15 : i32
            %rev3A_606 = vector.broadcast %rev3A_605 : i32 to vector<16xi32>
            %rev3A_607 = tpu.iota {dimensions = array<i32: 0>} : vector<16xi32>
            %rev3A_608 = arith.subi %rev3A_606, %rev3A_607 : vector<16xi32>
            %rev3A_609 = tpu.dynamic_gather %masked_sort3A_579[%rev3A_608] in [0] : vector<16xf32>, vector<16xi32> -> vector<16xf32>
            %rev3A_610 = arith.constant 15 : i32
            %rev3A_611 = vector.broadcast %rev3A_610 : i32 to vector<16xi32>
            %rev3A_612 = tpu.iota {dimensions = array<i32: 0>} : vector<16xi32>
            %rev3A_613 = arith.subi %rev3A_611, %rev3A_612 : vector<16xi32>
            %rev3A_614 = tpu.dynamic_gather %masked_sort3A_580[%rev3A_613] in [0] : vector<16xi32>, vector<16xi32> -> vector<16xi32>
            %ge3A_615 = arith.cmpf oge, %masked_sort3A_575, %rev3A_609 : vector<16xf32>
            %select_n3A_616 = arith.select %ge3A_615, %masked_sort3A_575, %rev3A_609 : vector<16xi1>, vector<16xf32>
            %select_n3A_617 = arith.select %ge3A_615, %masked_sort3A_576, %rev3A_614 : vector<16xi1>, vector<16xi32>
            %select_n3A_618 = arith.select %ge3A_615, %rev3A_609, %masked_sort3A_575 : vector<16xi1>, vector<16xf32>
            %select_n3A_619 = arith.select %ge3A_615, %rev3A_614, %masked_sort3A_576 : vector<16xi1>, vector<16xi32>
            %masked_sort3A_620 = arith.constant dense<true> : vector<16xi1>
            %masked_sort3A_621, %masked_sort3A_622, %masked_sort3A_623 = tpu.sort %select_n3A_616, %select_n3A_617 masked %masked_sort3A_620 {descending = true} : (vector<16xf32>, vector<16xi32>, vector<16xi1>) -> (vector<16xi1>, vector<16xf32>, vector<16xi32>)
            %masked_sort3A_624 = arith.constant dense<true> : vector<16xi1>
            %masked_sort3A_625, %masked_sort3A_626, %masked_sort3A_627 = tpu.sort %select_n3A_618, %select_n3A_619 masked %masked_sort3A_624 {descending = true} : (vector<16xf32>, vector<16xi32>, vector<16xi1>) -> (vector<16xi1>, vector<16xf32>, vector<16xi32>)
            %rev3A_628 = arith.constant 15 : i32
            %rev3A_629 = vector.broadcast %rev3A_628 : i32 to vector<16xi32>
            %rev3A_630 = tpu.iota {dimensions = array<i32: 0>} : vector<16xi32>
            %rev3A_631 = arith.subi %rev3A_629, %rev3A_630 : vector<16xi32>
            %rev3A_632 = tpu.dynamic_gather %masked_sort3A_587[%rev3A_631] in [0] : vector<16xf32>, vector<16xi32> -> vector<16xf32>
            %rev3A_633 = arith.constant 15 : i32
            %rev3A_634 = vector.broadcast %rev3A_633 : i32 to vector<16xi32>
            %rev3A_635 = tpu.iota {dimensions = array<i32: 0>} : vector<16xi32>
            %rev3A_636 = arith.subi %rev3A_634, %rev3A_635 : vector<16xi32>
            %rev3A_637 = tpu.dynamic_gather %masked_sort3A_588[%rev3A_636] in [0] : vector<16xi32>, vector<16xi32> -> vector<16xi32>
            %ge3A_638 = arith.cmpf oge, %masked_sort3A_583, %rev3A_632 : vector<16xf32>
            %select_n3A_639 = arith.select %ge3A_638, %masked_sort3A_583, %rev3A_632 : vector<16xi1>, vector<16xf32>
            %select_n3A_640 = arith.select %ge3A_638, %masked_sort3A_584, %rev3A_637 : vector<16xi1>, vector<16xi32>
            %select_n3A_641 = arith.select %ge3A_638, %rev3A_632, %masked_sort3A_583 : vector<16xi1>, vector<16xf32>
            %select_n3A_642 = arith.select %ge3A_638, %rev3A_637, %masked_sort3A_584 : vector<16xi1>, vector<16xi32>
            %masked_sort3A_643 = arith.constant dense<true> : vector<16xi1>
            %masked_sort3A_644, %masked_sort3A_645, %masked_sort3A_646 = tpu.sort %select_n3A_639, %select_n3A_640 masked %masked_sort3A_643 {descending = true} : (vector<16xf32>, vector<16xi32>, vector<16xi1>) -> (vector<16xi1>, vector<16xf32>, vector<16xi32>)
            %masked_sort3A_647 = arith.constant dense<true> : vector<16xi1>
            %masked_sort3A_648, %masked_sort3A_649, %masked_sort3A_650 = tpu.sort %select_n3A_641, %select_n3A_642 masked %masked_sort3A_647 {descending = true} : (vector<16xf32>, vector<16xi32>, vector<16xi1>) -> (vector<16xi1>, vector<16xf32>, vector<16xi32>)
            %rev3A_651 = arith.constant 15 : i32
            %rev3A_652 = vector.broadcast %rev3A_651 : i32 to vector<16xi32>
            %rev3A_653 = tpu.iota {dimensions = array<i32: 0>} : vector<16xi32>
            %rev3A_654 = arith.subi %rev3A_652, %rev3A_653 : vector<16xi32>
            %rev3A_655 = tpu.dynamic_gather %masked_sort3A_595[%rev3A_654] in [0] : vector<16xf32>, vector<16xi32> -> vector<16xf32>
            %rev3A_656 = arith.constant 15 : i32
            %rev3A_657 = vector.broadcast %rev3A_656 : i32 to vector<16xi32>
            %rev3A_658 = tpu.iota {dimensions = array<i32: 0>} : vector<16xi32>
            %rev3A_659 = arith.subi %rev3A_657, %rev3A_658 : vector<16xi32>
            %rev3A_660 = tpu.dynamic_gather %masked_sort3A_596[%rev3A_659] in [0] : vector<16xi32>, vector<16xi32> -> vector<16xi32>
            %ge3A_661 = arith.cmpf oge, %masked_sort3A_591, %rev3A_655 : vector<16xf32>
            %select_n3A_662 = arith.select %ge3A_661, %masked_sort3A_591, %rev3A_655 : vector<16xi1>, vector<16xf32>
            %select_n3A_663 = arith.select %ge3A_661, %masked_sort3A_592, %rev3A_660 : vector<16xi1>, vector<16xi32>
            %select_n3A_664 = arith.select %ge3A_661, %rev3A_655, %masked_sort3A_591 : vector<16xi1>, vector<16xf32>
            %select_n3A_665 = arith.select %ge3A_661, %rev3A_660, %masked_sort3A_592 : vector<16xi1>, vector<16xi32>
            %masked_sort3A_666 = arith.constant dense<true> : vector<16xi1>
            %masked_sort3A_667, %masked_sort3A_668, %masked_sort3A_669 = tpu.sort %select_n3A_662, %select_n3A_663 masked %masked_sort3A_666 {descending = true} : (vector<16xf32>, vector<16xi32>, vector<16xi1>) -> (vector<16xi1>, vector<16xf32>, vector<16xi32>)
            %masked_sort3A_670 = arith.constant dense<true> : vector<16xi1>
            %masked_sort3A_671, %masked_sort3A_672, %masked_sort3A_673 = tpu.sort %select_n3A_664, %select_n3A_665 masked %masked_sort3A_670 {descending = true} : (vector<16xf32>, vector<16xi32>, vector<16xi1>) -> (vector<16xi1>, vector<16xf32>, vector<16xi32>)
            %rev3A_674 = arith.constant 15 : i32
            %rev3A_675 = vector.broadcast %rev3A_674 : i32 to vector<16xi32>
            %rev3A_676 = tpu.iota {dimensions = array<i32: 0>} : vector<16xi32>
            %rev3A_677 = arith.subi %rev3A_675, %rev3A_676 : vector<16xi32>
            %rev3A_678 = tpu.dynamic_gather %masked_sort3A_603[%rev3A_677] in [0] : vector<16xf32>, vector<16xi32> -> vector<16xf32>
            %rev3A_679 = arith.constant 15 : i32
            %rev3A_680 = vector.broadcast %rev3A_679 : i32 to vector<16xi32>
            %rev3A_681 = tpu.iota {dimensions = array<i32: 0>} : vector<16xi32>
            %rev3A_682 = arith.subi %rev3A_680, %rev3A_681 : vector<16xi32>
            %rev3A_683 = tpu.dynamic_gather %masked_sort3A_604[%rev3A_682] in [0] : vector<16xi32>, vector<16xi32> -> vector<16xi32>
            %ge3A_684 = arith.cmpf oge, %masked_sort3A_599, %rev3A_678 : vector<16xf32>
            %select_n3A_685 = arith.select %ge3A_684, %masked_sort3A_599, %rev3A_678 : vector<16xi1>, vector<16xf32>
            %select_n3A_686 = arith.select %ge3A_684, %masked_sort3A_600, %rev3A_683 : vector<16xi1>, vector<16xi32>
            %select_n3A_687 = arith.select %ge3A_684, %rev3A_678, %masked_sort3A_599 : vector<16xi1>, vector<16xf32>
            %select_n3A_688 = arith.select %ge3A_684, %rev3A_683, %masked_sort3A_600 : vector<16xi1>, vector<16xi32>
            %masked_sort3A_689 = arith.constant dense<true> : vector<16xi1>
            %masked_sort3A_690, %masked_sort3A_691, %masked_sort3A_692 = tpu.sort %select_n3A_685, %select_n3A_686 masked %masked_sort3A_689 {descending = true} : (vector<16xf32>, vector<16xi32>, vector<16xi1>) -> (vector<16xi1>, vector<16xf32>, vector<16xi32>)
            %masked_sort3A_693 = arith.constant dense<true> : vector<16xi1>
            %masked_sort3A_694, %masked_sort3A_695, %masked_sort3A_696 = tpu.sort %select_n3A_687, %select_n3A_688 masked %masked_sort3A_693 {descending = true} : (vector<16xf32>, vector<16xi32>, vector<16xi1>) -> (vector<16xi1>, vector<16xf32>, vector<16xi32>)
            %rev3A_697 = arith.constant 15 : i32
            %rev3A_698 = vector.broadcast %rev3A_697 : i32 to vector<16xi32>
            %rev3A_699 = tpu.iota {dimensions = array<i32: 0>} : vector<16xi32>
            %rev3A_700 = arith.subi %rev3A_698, %rev3A_699 : vector<16xi32>
            %rev3A_701 = tpu.dynamic_gather %masked_sort3A_649[%rev3A_700] in [0] : vector<16xf32>, vector<16xi32> -> vector<16xf32>
            %rev3A_702 = arith.constant 15 : i32
            %rev3A_703 = vector.broadcast %rev3A_702 : i32 to vector<16xi32>
            %rev3A_704 = tpu.iota {dimensions = array<i32: 0>} : vector<16xi32>
            %rev3A_705 = arith.subi %rev3A_703, %rev3A_704 : vector<16xi32>
            %rev3A_706 = tpu.dynamic_gather %masked_sort3A_645[%rev3A_705] in [0] : vector<16xf32>, vector<16xi32> -> vector<16xf32>
            %rev3A_707 = arith.constant 15 : i32
            %rev3A_708 = vector.broadcast %rev3A_707 : i32 to vector<16xi32>
            %rev3A_709 = tpu.iota {dimensions = array<i32: 0>} : vector<16xi32>
            %rev3A_710 = arith.subi %rev3A_708, %rev3A_709 : vector<16xi32>
            %rev3A_711 = tpu.dynamic_gather %masked_sort3A_650[%rev3A_710] in [0] : vector<16xi32>, vector<16xi32> -> vector<16xi32>
            %rev3A_712 = arith.constant 15 : i32
            %rev3A_713 = vector.broadcast %rev3A_712 : i32 to vector<16xi32>
            %rev3A_714 = tpu.iota {dimensions = array<i32: 0>} : vector<16xi32>
            %rev3A_715 = arith.subi %rev3A_713, %rev3A_714 : vector<16xi32>
            %rev3A_716 = tpu.dynamic_gather %masked_sort3A_646[%rev3A_715] in [0] : vector<16xi32>, vector<16xi32> -> vector<16xi32>
            %ge3A_717 = arith.cmpf oge, %masked_sort3A_622, %rev3A_701 : vector<16xf32>
            %select_n3A_718 = arith.select %ge3A_717, %masked_sort3A_622, %rev3A_701 : vector<16xi1>, vector<16xf32>
            %select_n3A_719 = arith.select %ge3A_717, %masked_sort3A_623, %rev3A_711 : vector<16xi1>, vector<16xi32>
            %select_n3A_720 = arith.select %ge3A_717, %rev3A_701, %masked_sort3A_622 : vector<16xi1>, vector<16xf32>
            %select_n3A_721 = arith.select %ge3A_717, %rev3A_711, %masked_sort3A_623 : vector<16xi1>, vector<16xi32>
            %ge3A_722 = arith.cmpf oge, %masked_sort3A_626, %rev3A_706 : vector<16xf32>
            %select_n3A_723 = arith.select %ge3A_722, %masked_sort3A_626, %rev3A_706 : vector<16xi1>, vector<16xf32>
            %select_n3A_724 = arith.select %ge3A_722, %masked_sort3A_627, %rev3A_716 : vector<16xi1>, vector<16xi32>
            %select_n3A_725 = arith.select %ge3A_722, %rev3A_706, %masked_sort3A_626 : vector<16xi1>, vector<16xf32>
            %select_n3A_726 = arith.select %ge3A_722, %rev3A_716, %masked_sort3A_627 : vector<16xi1>, vector<16xi32>
            %ge3A_727 = arith.cmpf oge, %select_n3A_718, %select_n3A_723 : vector<16xf32>
            %select_n3A_728 = arith.select %ge3A_727, %select_n3A_718, %select_n3A_723 : vector<16xi1>, vector<16xf32>
            %select_n3A_729 = arith.select %ge3A_727, %select_n3A_719, %select_n3A_724 : vector<16xi1>, vector<16xi32>
            %select_n3A_730 = arith.select %ge3A_727, %select_n3A_723, %select_n3A_718 : vector<16xi1>, vector<16xf32>
            %select_n3A_731 = arith.select %ge3A_727, %select_n3A_724, %select_n3A_719 : vector<16xi1>, vector<16xi32>
            %ge3A_732 = arith.cmpf oge, %select_n3A_720, %select_n3A_725 : vector<16xf32>
            %select_n3A_733 = arith.select %ge3A_732, %select_n3A_720, %select_n3A_725 : vector<16xi1>, vector<16xf32>
            %select_n3A_734 = arith.select %ge3A_732, %select_n3A_721, %select_n3A_726 : vector<16xi1>, vector<16xi32>
            %select_n3A_735 = arith.select %ge3A_732, %select_n3A_725, %select_n3A_720 : vector<16xi1>, vector<16xf32>
            %select_n3A_736 = arith.select %ge3A_732, %select_n3A_726, %select_n3A_721 : vector<16xi1>, vector<16xi32>
            %masked_sort3A_737 = arith.constant dense<true> : vector<16xi1>
            %masked_sort3A_738, %masked_sort3A_739, %masked_sort3A_740 = tpu.sort %select_n3A_728, %select_n3A_729 masked %masked_sort3A_737 {descending = true} : (vector<16xf32>, vector<16xi32>, vector<16xi1>) -> (vector<16xi1>, vector<16xf32>, vector<16xi32>)
            %masked_sort3A_741 = arith.constant dense<true> : vector<16xi1>
            %masked_sort3A_742, %masked_sort3A_743, %masked_sort3A_744 = tpu.sort %select_n3A_730, %select_n3A_731 masked %masked_sort3A_741 {descending = true} : (vector<16xf32>, vector<16xi32>, vector<16xi1>) -> (vector<16xi1>, vector<16xf32>, vector<16xi32>)
            %masked_sort3A_745 = arith.constant dense<true> : vector<16xi1>
            %masked_sort3A_746, %masked_sort3A_747, %masked_sort3A_748 = tpu.sort %select_n3A_733, %select_n3A_734 masked %masked_sort3A_745 {descending = true} : (vector<16xf32>, vector<16xi32>, vector<16xi1>) -> (vector<16xi1>, vector<16xf32>, vector<16xi32>)
            %masked_sort3A_749 = arith.constant dense<true> : vector<16xi1>
            %masked_sort3A_750, %masked_sort3A_751, %masked_sort3A_752 = tpu.sort %select_n3A_735, %select_n3A_736 masked %masked_sort3A_749 {descending = true} : (vector<16xf32>, vector<16xi32>, vector<16xi1>) -> (vector<16xi1>, vector<16xf32>, vector<16xi32>)
            %rev3A_753 = arith.constant 15 : i32
            %rev3A_754 = vector.broadcast %rev3A_753 : i32 to vector<16xi32>
            %rev3A_755 = tpu.iota {dimensions = array<i32: 0>} : vector<16xi32>
            %rev3A_756 = arith.subi %rev3A_754, %rev3A_755 : vector<16xi32>
            %rev3A_757 = tpu.dynamic_gather %masked_sort3A_695[%rev3A_756] in [0] : vector<16xf32>, vector<16xi32> -> vector<16xf32>
            %rev3A_758 = arith.constant 15 : i32
            %rev3A_759 = vector.broadcast %rev3A_758 : i32 to vector<16xi32>
            %rev3A_760 = tpu.iota {dimensions = array<i32: 0>} : vector<16xi32>
            %rev3A_761 = arith.subi %rev3A_759, %rev3A_760 : vector<16xi32>
            %rev3A_762 = tpu.dynamic_gather %masked_sort3A_691[%rev3A_761] in [0] : vector<16xf32>, vector<16xi32> -> vector<16xf32>
            %rev3A_763 = arith.constant 15 : i32
            %rev3A_764 = vector.broadcast %rev3A_763 : i32 to vector<16xi32>
            %rev3A_765 = tpu.iota {dimensions = array<i32: 0>} : vector<16xi32>
            %rev3A_766 = arith.subi %rev3A_764, %rev3A_765 : vector<16xi32>
            %rev3A_767 = tpu.dynamic_gather %masked_sort3A_696[%rev3A_766] in [0] : vector<16xi32>, vector<16xi32> -> vector<16xi32>
            %rev3A_768 = arith.constant 15 : i32
            %rev3A_769 = vector.broadcast %rev3A_768 : i32 to vector<16xi32>
            %rev3A_770 = tpu.iota {dimensions = array<i32: 0>} : vector<16xi32>
            %rev3A_771 = arith.subi %rev3A_769, %rev3A_770 : vector<16xi32>
            %rev3A_772 = tpu.dynamic_gather %masked_sort3A_692[%rev3A_771] in [0] : vector<16xi32>, vector<16xi32> -> vector<16xi32>
            %ge3A_773 = arith.cmpf oge, %masked_sort3A_668, %rev3A_757 : vector<16xf32>
            %select_n3A_774 = arith.select %ge3A_773, %masked_sort3A_668, %rev3A_757 : vector<16xi1>, vector<16xf32>
            %select_n3A_775 = arith.select %ge3A_773, %masked_sort3A_669, %rev3A_767 : vector<16xi1>, vector<16xi32>
            %select_n3A_776 = arith.select %ge3A_773, %rev3A_757, %masked_sort3A_668 : vector<16xi1>, vector<16xf32>
            %select_n3A_777 = arith.select %ge3A_773, %rev3A_767, %masked_sort3A_669 : vector<16xi1>, vector<16xi32>
            %ge3A_778 = arith.cmpf oge, %masked_sort3A_672, %rev3A_762 : vector<16xf32>
            %select_n3A_779 = arith.select %ge3A_778, %masked_sort3A_672, %rev3A_762 : vector<16xi1>, vector<16xf32>
            %select_n3A_780 = arith.select %ge3A_778, %masked_sort3A_673, %rev3A_772 : vector<16xi1>, vector<16xi32>
            %select_n3A_781 = arith.select %ge3A_778, %rev3A_762, %masked_sort3A_672 : vector<16xi1>, vector<16xf32>
            %select_n3A_782 = arith.select %ge3A_778, %rev3A_772, %masked_sort3A_673 : vector<16xi1>, vector<16xi32>
            %ge3A_783 = arith.cmpf oge, %select_n3A_774, %select_n3A_779 : vector<16xf32>
            %select_n3A_784 = arith.select %ge3A_783, %select_n3A_774, %select_n3A_779 : vector<16xi1>, vector<16xf32>
            %select_n3A_785 = arith.select %ge3A_783, %select_n3A_775, %select_n3A_780 : vector<16xi1>, vector<16xi32>
            %select_n3A_786 = arith.select %ge3A_783, %select_n3A_779, %select_n3A_774 : vector<16xi1>, vector<16xf32>
            %select_n3A_787 = arith.select %ge3A_783, %select_n3A_780, %select_n3A_775 : vector<16xi1>, vector<16xi32>
            %ge3A_788 = arith.cmpf oge, %select_n3A_776, %select_n3A_781 : vector<16xf32>
            %select_n3A_789 = arith.select %ge3A_788, %select_n3A_776, %select_n3A_781 : vector<16xi1>, vector<16xf32>
            %select_n3A_790 = arith.select %ge3A_788, %select_n3A_777, %select_n3A_782 : vector<16xi1>, vector<16xi32>
            %select_n3A_791 = arith.select %ge3A_788, %select_n3A_781, %select_n3A_776 : vector<16xi1>, vector<16xf32>
            %select_n3A_792 = arith.select %ge3A_788, %select_n3A_782, %select_n3A_777 : vector<16xi1>, vector<16xi32>
            %masked_sort3A_793 = arith.constant dense<true> : vector<16xi1>
            %masked_sort3A_794, %masked_sort3A_795, %masked_sort3A_796 = tpu.sort %select_n3A_784, %select_n3A_785 masked %masked_sort3A_793 {descending = true} : (vector<16xf32>, vector<16xi32>, vector<16xi1>) -> (vector<16xi1>, vector<16xf32>, vector<16xi32>)
            %masked_sort3A_797 = arith.constant dense<true> : vector<16xi1>
            %masked_sort3A_798, %masked_sort3A_799, %masked_sort3A_800 = tpu.sort %select_n3A_786, %select_n3A_787 masked %masked_sort3A_797 {descending = true} : (vector<16xf32>, vector<16xi32>, vector<16xi1>) -> (vector<16xi1>, vector<16xf32>, vector<16xi32>)
            %masked_sort3A_801 = arith.constant dense<true> : vector<16xi1>
            %masked_sort3A_802, %masked_sort3A_803, %masked_sort3A_804 = tpu.sort %select_n3A_789, %select_n3A_790 masked %masked_sort3A_801 {descending = true} : (vector<16xf32>, vector<16xi32>, vector<16xi1>) -> (vector<16xi1>, vector<16xf32>, vector<16xi32>)
            %masked_sort3A_805 = arith.constant dense<true> : vector<16xi1>
            %masked_sort3A_806, %masked_sort3A_807, %masked_sort3A_808 = tpu.sort %select_n3A_791, %select_n3A_792 masked %masked_sort3A_805 {descending = true} : (vector<16xf32>, vector<16xi32>, vector<16xi1>) -> (vector<16xi1>, vector<16xf32>, vector<16xi32>)
            %rev3A_809 = arith.constant 15 : i32
            %rev3A_810 = vector.broadcast %rev3A_809 : i32 to vector<16xi32>
            %rev3A_811 = tpu.iota {dimensions = array<i32: 0>} : vector<16xi32>
            %rev3A_812 = arith.subi %rev3A_810, %rev3A_811 : vector<16xi32>
            %rev3A_813 = tpu.dynamic_gather %masked_sort3A_807[%rev3A_812] in [0] : vector<16xf32>, vector<16xi32> -> vector<16xf32>
            %rev3A_814 = arith.constant 15 : i32
            %rev3A_815 = vector.broadcast %rev3A_814 : i32 to vector<16xi32>
            %rev3A_816 = tpu.iota {dimensions = array<i32: 0>} : vector<16xi32>
            %rev3A_817 = arith.subi %rev3A_815, %rev3A_816 : vector<16xi32>
            %rev3A_818 = tpu.dynamic_gather %masked_sort3A_803[%rev3A_817] in [0] : vector<16xf32>, vector<16xi32> -> vector<16xf32>
            %rev3A_819 = arith.constant 15 : i32
            %rev3A_820 = vector.broadcast %rev3A_819 : i32 to vector<16xi32>
            %rev3A_821 = tpu.iota {dimensions = array<i32: 0>} : vector<16xi32>
            %rev3A_822 = arith.subi %rev3A_820, %rev3A_821 : vector<16xi32>
            %rev3A_823 = tpu.dynamic_gather %masked_sort3A_799[%rev3A_822] in [0] : vector<16xf32>, vector<16xi32> -> vector<16xf32>
            %rev3A_824 = arith.constant 15 : i32
            %rev3A_825 = vector.broadcast %rev3A_824 : i32 to vector<16xi32>
            %rev3A_826 = tpu.iota {dimensions = array<i32: 0>} : vector<16xi32>
            %rev3A_827 = arith.subi %rev3A_825, %rev3A_826 : vector<16xi32>
            %rev3A_828 = tpu.dynamic_gather %masked_sort3A_795[%rev3A_827] in [0] : vector<16xf32>, vector<16xi32> -> vector<16xf32>
            %rev3A_829 = arith.constant 15 : i32
            %rev3A_830 = vector.broadcast %rev3A_829 : i32 to vector<16xi32>
            %rev3A_831 = tpu.iota {dimensions = array<i32: 0>} : vector<16xi32>
            %rev3A_832 = arith.subi %rev3A_830, %rev3A_831 : vector<16xi32>
            %rev3A_833 = tpu.dynamic_gather %masked_sort3A_808[%rev3A_832] in [0] : vector<16xi32>, vector<16xi32> -> vector<16xi32>
            %rev3A_834 = arith.constant 15 : i32
            %rev3A_835 = vector.broadcast %rev3A_834 : i32 to vector<16xi32>
            %rev3A_836 = tpu.iota {dimensions = array<i32: 0>} : vector<16xi32>
            %rev3A_837 = arith.subi %rev3A_835, %rev3A_836 : vector<16xi32>
            %rev3A_838 = tpu.dynamic_gather %masked_sort3A_804[%rev3A_837] in [0] : vector<16xi32>, vector<16xi32> -> vector<16xi32>
            %rev3A_839 = arith.constant 15 : i32
            %rev3A_840 = vector.broadcast %rev3A_839 : i32 to vector<16xi32>
            %rev3A_841 = tpu.iota {dimensions = array<i32: 0>} : vector<16xi32>
            %rev3A_842 = arith.subi %rev3A_840, %rev3A_841 : vector<16xi32>
            %rev3A_843 = tpu.dynamic_gather %masked_sort3A_800[%rev3A_842] in [0] : vector<16xi32>, vector<16xi32> -> vector<16xi32>
            %rev3A_844 = arith.constant 15 : i32
            %rev3A_845 = vector.broadcast %rev3A_844 : i32 to vector<16xi32>
            %rev3A_846 = tpu.iota {dimensions = array<i32: 0>} : vector<16xi32>
            %rev3A_847 = arith.subi %rev3A_845, %rev3A_846 : vector<16xi32>
            %rev3A_848 = tpu.dynamic_gather %masked_sort3A_796[%rev3A_847] in [0] : vector<16xi32>, vector<16xi32> -> vector<16xi32>
            %ge3A_849 = arith.cmpf oge, %masked_sort3A_739, %rev3A_813 : vector<16xf32>
            %select_n3A_850 = arith.select %ge3A_849, %masked_sort3A_739, %rev3A_813 : vector<16xi1>, vector<16xf32>
            %select_n3A_851 = arith.select %ge3A_849, %masked_sort3A_740, %rev3A_833 : vector<16xi1>, vector<16xi32>
            %ge3A_852 = arith.cmpf oge, %masked_sort3A_743, %rev3A_818 : vector<16xf32>
            %select_n3A_853 = arith.select %ge3A_852, %masked_sort3A_743, %rev3A_818 : vector<16xi1>, vector<16xf32>
            %select_n3A_854 = arith.select %ge3A_852, %masked_sort3A_744, %rev3A_838 : vector<16xi1>, vector<16xi32>
            %ge3A_855 = arith.cmpf oge, %masked_sort3A_747, %rev3A_823 : vector<16xf32>
            %select_n3A_856 = arith.select %ge3A_855, %masked_sort3A_747, %rev3A_823 : vector<16xi1>, vector<16xf32>
            %select_n3A_857 = arith.select %ge3A_855, %masked_sort3A_748, %rev3A_843 : vector<16xi1>, vector<16xi32>
            %ge3A_858 = arith.cmpf oge, %masked_sort3A_751, %rev3A_828 : vector<16xf32>
            %select_n3A_859 = arith.select %ge3A_858, %masked_sort3A_751, %rev3A_828 : vector<16xi1>, vector<16xf32>
            %select_n3A_860 = arith.select %ge3A_858, %masked_sort3A_752, %rev3A_848 : vector<16xi1>, vector<16xi32>
            %swap3A_861 = arith.constant 0 : index
            %swap3A_862 = tpu.vector_load %arg6[%swap3A_861] {strides = array<i32>} : memref<128xf32, #tpu.memory_space<vmem>>, vector<16xf32>,
            tpu.vector_store %arg6[%swap3A_861], %select_n3A_850 {strides = array<i32>} : memref<128xf32, #tpu.memory_space<vmem>>, vector<16xf32>,
            %swap3A_863 = arith.constant 0 : index
            %swap3A_864 = tpu.vector_load %arg7[%swap3A_863] {strides = array<i32>} : memref<128xi32, #tpu.memory_space<vmem>>, vector<16xi32>,
            tpu.vector_store %arg7[%swap3A_863], %select_n3A_851 {strides = array<i32>} : memref<128xi32, #tpu.memory_space<vmem>>, vector<16xi32>,
            %swap3A_865 = arith.constant 16 : index
            %swap3A_866 = tpu.vector_load %arg6[%swap3A_865] {strides = array<i32>} : memref<128xf32, #tpu.memory_space<vmem>>, vector<16xf32>,
            tpu.vector_store %arg6[%swap3A_865], %select_n3A_853 {strides = array<i32>} : memref<128xf32, #tpu.memory_space<vmem>>, vector<16xf32>,
            %swap3A_867 = arith.constant 16 : index
            %swap3A_868 = tpu.vector_load %arg7[%swap3A_867] {strides = array<i32>} : memref<128xi32, #tpu.memory_space<vmem>>, vector<16xi32>,
            tpu.vector_store %arg7[%swap3A_867], %select_n3A_854 {strides = array<i32>} : memref<128xi32, #tpu.memory_space<vmem>>, vector<16xi32>,
            %swap3A_869 = arith.constant 32 : index
            %swap3A_870 = tpu.vector_load %arg6[%swap3A_869] {strides = array<i32>} : memref<128xf32, #tpu.memory_space<vmem>>, vector<16xf32>,
            tpu.vector_store %arg6[%swap3A_869], %select_n3A_856 {strides = array<i32>} : memref<128xf32, #tpu.memory_space<vmem>>, vector<16xf32>,
            %swap3A_871 = arith.constant 32 : index
            %swap3A_872 = tpu.vector_load %arg7[%swap3A_871] {strides = array<i32>} : memref<128xi32, #tpu.memory_space<vmem>>, vector<16xi32>,
            tpu.vector_store %arg7[%swap3A_871], %select_n3A_857 {strides = array<i32>} : memref<128xi32, #tpu.memory_space<vmem>>, vector<16xi32>,
            %swap3A_873 = arith.constant 48 : index
            %swap3A_874 = tpu.vector_load %arg6[%swap3A_873] {strides = array<i32>} : memref<128xf32, #tpu.memory_space<vmem>>, vector<16xf32>,
            tpu.vector_store %arg6[%swap3A_873], %select_n3A_859 {strides = array<i32>} : memref<128xf32, #tpu.memory_space<vmem>>, vector<16xf32>,
            %swap3A_875 = arith.constant 48 : index
            %swap3A_876 = tpu.vector_load %arg7[%swap3A_875] {strides = array<i32>} : memref<128xi32, #tpu.memory_space<vmem>>, vector<16xi32>,
            tpu.vector_store %arg7[%swap3A_875], %select_n3A_860 {strides = array<i32>} : memref<128xi32, #tpu.memory_space<vmem>>, vector<16xi32>,
            %swap3A_877 = arith.constant 64 : index
            %swap3A_878 = tpu.vector_load %arg6[%swap3A_877] {strides = array<i32>} : memref<128xf32, #tpu.memory_space<vmem>>, vector<16xf32>,
            tpu.vector_store %arg6[%swap3A_877], %broadcast_in_dim3A_1 {strides = array<i32>} : memref<128xf32, #tpu.memory_space<vmem>>, vector<16xf32>,
            %swap3A_879 = arith.constant 64 : index
            %swap3A_880 = tpu.vector_load %arg7[%swap3A_879] {strides = array<i32>} : memref<128xi32, #tpu.memory_space<vmem>>, vector<16xi32>,
            tpu.vector_store %arg7[%swap3A_879], %broadcast_in_dim3A_3 {strides = array<i32>} : memref<128xi32, #tpu.memory_space<vmem>>, vector<16xi32>,
            %swap3A_881 = arith.constant 80 : index
            %swap3A_882 = tpu.vector_load %arg6[%swap3A_881] {strides = array<i32>} : memref<128xf32, #tpu.memory_space<vmem>>, vector<16xf32>,
            tpu.vector_store %arg6[%swap3A_881], %broadcast_in_dim3A_1 {strides = array<i32>} : memref<128xf32, #tpu.memory_space<vmem>>, vector<16xf32>,
            %swap3A_883 = arith.constant 80 : index
            %swap3A_884 = tpu.vector_load %arg7[%swap3A_883] {strides = array<i32>} : memref<128xi32, #tpu.memory_space<vmem>>, vector<16xi32>,
            tpu.vector_store %arg7[%swap3A_883], %broadcast_in_dim3A_3 {strides = array<i32>} : memref<128xi32, #tpu.memory_space<vmem>>, vector<16xi32>,
            %swap3A_885 = arith.constant 96 : index
            %swap3A_886 = tpu.vector_load %arg6[%swap3A_885] {strides = array<i32>} : memref<128xf32, #tpu.memory_space<vmem>>, vector<16xf32>,
            tpu.vector_store %arg6[%swap3A_885], %broadcast_in_dim3A_1 {strides = array<i32>} : memref<128xf32, #tpu.memory_space<vmem>>, vector<16xf32>,
            %swap3A_887 = arith.constant 96 : index
            %swap3A_888 = tpu.vector_load %arg7[%swap3A_887] {strides = array<i32>} : memref<128xi32, #tpu.memory_space<vmem>>, vector<16xi32>,
            tpu.vector_store %arg7[%swap3A_887], %broadcast_in_dim3A_3 {strides = array<i32>} : memref<128xi32, #tpu.memory_space<vmem>>, vector<16xi32>,
            %swap3A_889 = arith.constant 112 : index
            %swap3A_890 = tpu.vector_load %arg6[%swap3A_889] {strides = array<i32>} : memref<128xf32, #tpu.memory_space<vmem>>, vector<16xf32>,
            tpu.vector_store %arg6[%swap3A_889], %broadcast_in_dim3A_1 {strides = array<i32>} : memref<128xf32, #tpu.memory_space<vmem>>, vector<16xf32>,
            %swap3A_891 = arith.constant 112 : index
            %swap3A_892 = tpu.vector_load %arg7[%swap3A_891] {strides = array<i32>} : memref<128xi32, #tpu.memory_space<vmem>>, vector<16xi32>,
            tpu.vector_store %arg7[%swap3A_891], %broadcast_in_dim3A_3 {strides = array<i32>} : memref<128xi32, #tpu.memory_space<vmem>>, vector<16xi32>,
            %min3A = arith.minimumf %select_n3A_850, %select_n3A_853 : vector<16xf32>
            %min3A_893 = arith.minimumf %select_n3A_856, %select_n3A_859 : vector<16xf32>
            %min3A_894 = arith.minimumf %min3A, %min3A_893 : vector<16xf32>
            %masked_sort3A_895 = arith.constant dense<true> : vector<16xi1>
            %masked_sort3A_896, %masked_sort3A_897, %masked_sort3A_898 = tpu.sort %min3A_894, %min3A_894 masked %masked_sort3A_895 : (vector<16xf32>, vector<16xf32>, vector<16xi1>) -> (vector<16xi1>, vector<16xf32>, vector<16xf32>)
            %slice3A_899 = vector.extract_strided_slice %masked_sort3A_897 {offsets = [0], sizes = [1], strides = [1]} : vector<16xf32> to vector<1xf32>
            %squeeze3A_900 = vector.extract %slice3A_899[0] : f32 from vector<1xf32>
            %cond3A_901 = arith.constant 4 : i32
            scf.yield %cond3A_901, %squeeze3A_900 : i32, f32
          } else {
            scf.yield %add3A_535, %cond3A_498#1 : i32, f32
          }
          scf.yield %cond3A_540#0, %cond3A_540#1 : i32, f32
        } else {
          scf.yield %cond3A_498#0, %cond3A_498#1 : i32, f32
        }
        %all_reduce_population_count3A_508 = tpu.all_reduce %gt3A_474 {dim = 0 : i64, kind = #tpu.reduction_kind<sum>} : vector<16xi1> -> vector<16xi32>
        %slice3A_509 = vector.extract_strided_slice %all_reduce_population_count3A_508 {offsets = [0], sizes = [1], strides = [1]} : vector<16xi32> to vector<1xi32>
        %squeeze3A_510 = vector.extract %slice3A_509[0] : i32 from vector<1xi32>
        %gt3A_511 = arith.constant 0 : i32
        %gt3A_512 = arith.cmpi sgt, %squeeze3A_510, %gt3A_511 : i32
        %convert_element_type3A_513 = arith.extui %gt3A_512 : i1 to i32
        %cond3A_514 = arith.constant 0 : i32
        %cond3A_515 = arith.cmpi ne, %convert_element_type3A_513, %cond3A_514 : i32
        %cond3A_516:2 = scf.if %cond3A_515 -> (i32, f32) {
          %jit3A = arith.constant -3.000000e+38 : f32
          %broadcast_in_dim3A_517 = vector.broadcast %jit3A : f32 to vector<16xf32>
          %select_n3A_518 = arith.select %gt3A_474, %get3A_467, %broadcast_in_dim3A_517 : vector<16xi1>, vector<16xf32>
          %mul3A_519 = arith.constant 16 : i32
          %mul3A_520 = arith.muli %cond3A_507#0, %mul3A_519 : i32
          %swap3A_521 = arith.index_cast %mul3A_520 : i32 to index
          %swap3A_522 = tpu.vector_load %arg6[%swap3A_521] {strides = array<i32>} : memref<128xf32, #tpu.memory_space<vmem>>, vector<16xf32>,
          tpu.vector_store %arg6[%swap3A_521], %select_n3A_518 {strides = array<i32>} : memref<128xf32, #tpu.memory_space<vmem>>, vector<16xf32>,
          %add3A_523 = arith.constant 48 : i32
          %add3A_524 = arith.addi %mul3A_451, %add3A_523 : i32
          %add3A_525 = vector.broadcast %add3A_524 : i32 to vector<16xi32>
          %add3A_526 = arith.addi %iota3A, %add3A_525 : vector<16xi32>
          %jit3A_527 = arith.constant 0 : i32
          %broadcast_in_dim3A_528 = vector.broadcast %jit3A_527 : i32 to vector<16xi32>
          %select_n3A_529 = arith.select %gt3A_474, %add3A_526, %broadcast_in_dim3A_528 : vector<16xi1>, vector<16xi32>
          %mul3A_530 = arith.constant 16 : i32
          %mul3A_531 = arith.muli %cond3A_507#0, %mul3A_530 : i32
          %swap3A_532 = arith.index_cast %mul3A_531 : i32 to index
          %swap3A_533 = tpu.vector_load %arg7[%swap3A_532] {strides = array<i32>} : memref<128xi32, #tpu.memory_space<vmem>>, vector<16xi32>,
          tpu.vector_store %arg7[%swap3A_532], %select_n3A_529 {strides = array<i32>} : memref<128xi32, #tpu.memory_space<vmem>>, vector<16xi32>,
          %add3A_534 = arith.constant 1 : i32
          %add3A_535 = arith.addi %cond3A_507#0, %add3A_534 : i32
          %eq3A = arith.constant 8 : i32
          %eq3A_536 = arith.cmpi eq, %add3A_535, %eq3A : i32
          %convert_element_type3A_537 = arith.extui %eq3A_536 : i1 to i32
          %cond3A_538 = arith.constant 0 : i32
          %cond3A_539 = arith.cmpi ne, %convert_element_type3A_537, %cond3A_538 : i32
          %cond3A_540:2 = scf.if %cond3A_539 -> (i32, f32) {
            %get3A_541 = arith.constant 0 : index
            %get3A_542 = tpu.vector_load %arg6[%get3A_541] {strides = array<i32>} : memref<128xf32, #tpu.memory_space<vmem>>, vector<16xf32>,
            %get3A_543 = arith.constant 16 : index
            %get3A_544 = tpu.vector_load %arg6[%get3A_543] {strides = array<i32>} : memref<128xf32, #tpu.memory_space<vmem>>, vector<16xf32>,
            %get3A_545 = arith.constant 32 : index
            %get3A_546 = tpu.vector_load %arg6[%get3A_545] {strides = array<i32>} : memref<128xf32, #tpu.memory_space<vmem>>, vector<16xf32>,
            %get3A_547 = arith.constant 48 : index
            %get3A_548 = tpu.vector_load %arg6[%get3A_547] {strides = array<i32>} : memref<128xf32, #tpu.memory_space<vmem>>, vector<16xf32>,
            %get3A_549 = arith.constant 64 : index
            %get3A_550 = tpu.vector_load %arg6[%get3A_549] {strides = array<i32>} : memref<128xf32, #tpu.memory_space<vmem>>, vector<16xf32>,
            %get3A_551 = arith.constant 80 : index
            %get3A_552 = tpu.vector_load %arg6[%get3A_551] {strides = array<i32>} : memref<128xf32, #tpu.memory_space<vmem>>, vector<16xf32>,
            %get3A_553 = arith.constant 96 : index
            %get3A_554 = tpu.vector_load %arg6[%get3A_553] {strides = array<i32>} : memref<128xf32, #tpu.memory_space<vmem>>, vector<16xf32>,
            %get3A_555 = arith.constant 112 : index
            %get3A_556 = tpu.vector_load %arg6[%get3A_555] {strides = array<i32>} : memref<128xf32, #tpu.memory_space<vmem>>, vector<16xf32>,
            %get3A_557 = arith.constant 0 : index
            %get3A_558 = tpu.vector_load %arg7[%get3A_557] {strides = array<i32>} : memref<128xi32, #tpu.memory_space<vmem>>, vector<16xi32>,
            %get3A_559 = arith.constant 16 : index
            %get3A_560 = tpu.vector_load %arg7[%get3A_559] {strides = array<i32>} : memref<128xi32, #tpu.memory_space<vmem>>, vector<16xi32>,
            %get3A_561 = arith.constant 32 : index
            %get3A_562 = tpu.vector_load %arg7[%get3A_561] {strides = array<i32>} : memref<128xi32, #tpu.memory_space<vmem>>, vector<16xi32>,
            %get3A_563 = arith.constant 48 : index
            %get3A_564 = tpu.vector_load %arg7[%get3A_563] {strides = array<i32>} : memref<128xi32, #tpu.memory_space<vmem>>, vector<16xi32>,
            %get3A_565 = arith.constant 64 : index
            %get3A_566 = tpu.vector_load %arg7[%get3A_565] {strides = array<i32>} : memref<128xi32, #tpu.memory_space<vmem>>, vector<16xi32>,
            %get3A_567 = arith.constant 80 : index
            %get3A_568 = tpu.vector_load %arg7[%get3A_567] {strides = array<i32>} : memref<128xi32, #tpu.memory_space<vmem>>, vector<16xi32>,
            %get3A_569 = arith.constant 96 : index
            %get3A_570 = tpu.vector_load %arg7[%get3A_569] {strides = array<i32>} : memref<128xi32, #tpu.memory_space<vmem>>, vector<16xi32>,
            %get3A_571 = arith.constant 112 : index
            %get3A_572 = tpu.vector_load %arg7[%get3A_571] {strides = array<i32>} : memref<128xi32, #tpu.memory_space<vmem>>, vector<16xi32>,
            %masked_sort3A_573 = arith.constant dense<true> : vector<16xi1>
            %masked_sort3A_574, %masked_sort3A_575, %masked_sort3A_576 = tpu.sort %get3A_542, %get3A_558 masked %masked_sort3A_573 {descending = true} : (vector<16xf32>, vector<16xi32>, vector<16xi1>) -> (vector<16xi1>, vector<16xf32>, vector<16xi32>)
            %masked_sort3A_577 = arith.constant dense<true> : vector<16xi1>
            %masked_sort3A_578, %masked_sort3A_579, %masked_sort3A_580 = tpu.sort %get3A_544, %get3A_560 masked %masked_sort3A_577 {descending = true} : (vector<16xf32>, vector<16xi32>, vector<16xi1>) -> (vector<16xi1>, vector<16xf32>, vector<16xi32>)
            %masked_sort3A_581 = arith.constant dense<true> : vector<16xi1>
            %masked_sort3A_582, %masked_sort3A_583, %masked_sort3A_584 = tpu.sort %get3A_546, %get3A_562 masked %masked_sort3A_581 {descending = true} : (vector<16xf32>, vector<16xi32>, vector<16xi1>) -> (vector<16xi1>, vector<16xf32>, vector<16xi32>)
            %masked_sort3A_585 = arith.constant dense<true> : vector<16xi1>
            %masked_sort3A_586, %masked_sort3A_587, %masked_sort3A_588 = tpu.sort %get3A_548, %get3A_564 masked %masked_sort3A_585 {descending = true} : (vector<16xf32>, vector<16xi32>, vector<16xi1>) -> (vector<16xi1>, vector<16xf32>, vector<16xi32>)
            %masked_sort3A_589 = arith.constant dense<true> : vector<16xi1>
            %masked_sort3A_590, %masked_sort3A_591, %masked_sort3A_592 = tpu.sort %get3A_550, %get3A_566 masked %masked_sort3A_589 {descending = true} : (vector<16xf32>, vector<16xi32>, vector<16xi1>) -> (vector<16xi1>, vector<16xf32>, vector<16xi32>)
            %masked_sort3A_593 = arith.constant dense<true> : vector<16xi1>
            %masked_sort3A_594, %masked_sort3A_595, %masked_sort3A_596 = tpu.sort %get3A_552, %get3A_568 masked %masked_sort3A_593 {descending = true} : (vector<16xf32>, vector<16xi32>, vector<16xi1>) -> (vector<16xi1>, vector<16xf32>, vector<16xi32>)
            %masked_sort3A_597 = arith.constant dense<true> : vector<16xi1>
            %masked_sort3A_598, %masked_sort3A_599, %masked_sort3A_600 = tpu.sort %get3A_554, %get3A_570 masked %masked_sort3A_597 {descending = true} : (vector<16xf32>, vector<16xi32>, vector<16xi1>) -> (vector<16xi1>, vector<16xf32>, vector<16xi32>)
            %masked_sort3A_601 = arith.constant dense<true> : vector<16xi1>
            %masked_sort3A_602, %masked_sort3A_603, %masked_sort3A_604 = tpu.sort %get3A_556, %get3A_572 masked %masked_sort3A_601 {descending = true} : (vector<16xf32>, vector<16xi32>, vector<16xi1>) -> (vector<16xi1>, vector<16xf32>, vector<16xi32>)
            %rev3A_605 = arith.constant 15 : i32
            %rev3A_606 = vector.broadcast %rev3A_605 : i32 to vector<16xi32>
            %rev3A_607 = tpu.iota {dimensions = array<i32: 0>} : vector<16xi32>
            %rev3A_608 = arith.subi %rev3A_606, %rev3A_607 : vector<16xi32>
            %rev3A_609 = tpu.dynamic_gather %masked_sort3A_579[%rev3A_608] in [0] : vector<16xf32>, vector<16xi32> -> vector<16xf32>
            %rev3A_610 = arith.constant 15 : i32
            %rev3A_611 = vector.broadcast %rev3A_610 : i32 to vector<16xi32>
            %rev3A_612 = tpu.iota {dimensions = array<i32: 0>} : vector<16xi32>
            %rev3A_613 = arith.subi %rev3A_611, %rev3A_612 : vector<16xi32>
            %rev3A_614 = tpu.dynamic_gather %masked_sort3A_580[%rev3A_613] in [0] : vector<16xi32>, vector<16xi32> -> vector<16xi32>
            %ge3A_615 = arith.cmpf oge, %masked_sort3A_575, %rev3A_609 : vector<16xf32>
            %select_n3A_616 = arith.select %ge3A_615, %masked_sort3A_575, %rev3A_609 : vector<16xi1>, vector<16xf32>
            %select_n3A_617 = arith.select %ge3A_615, %masked_sort3A_576, %rev3A_614 : vector<16xi1>, vector<16xi32>
            %select_n3A_618 = arith.select %ge3A_615, %rev3A_609, %masked_sort3A_575 : vector<16xi1>, vector<16xf32>
            %select_n3A_619 = arith.select %ge3A_615, %rev3A_614, %masked_sort3A_576 : vector<16xi1>, vector<16xi32>
            %masked_sort3A_620 = arith.constant dense<true> : vector<16xi1>
            %masked_sort3A_621, %masked_sort3A_622, %masked_sort3A_623 = tpu.sort %select_n3A_616, %select_n3A_617 masked %masked_sort3A_620 {descending = true} : (vector<16xf32>, vector<16xi32>, vector<16xi1>) -> (vector<16xi1>, vector<16xf32>, vector<16xi32>)
            %masked_sort3A_624 = arith.constant dense<true> : vector<16xi1>
            %masked_sort3A_625, %masked_sort3A_626, %masked_sort3A_627 = tpu.sort %select_n3A_618, %select_n3A_619 masked %masked_sort3A_624 {descending = true} : (vector<16xf32>, vector<16xi32>, vector<16xi1>) -> (vector<16xi1>, vector<16xf32>, vector<16xi32>)
            %rev3A_628 = arith.constant 15 : i32
            %rev3A_629 = vector.broadcast %rev3A_628 : i32 to vector<16xi32>
            %rev3A_630 = tpu.iota {dimensions = array<i32: 0>} : vector<16xi32>
            %rev3A_631 = arith.subi %rev3A_629, %rev3A_630 : vector<16xi32>
            %rev3A_632 = tpu.dynamic_gather %masked_sort3A_587[%rev3A_631] in [0] : vector<16xf32>, vector<16xi32> -> vector<16xf32>
            %rev3A_633 = arith.constant 15 : i32
            %rev3A_634 = vector.broadcast %rev3A_633 : i32 to vector<16xi32>
            %rev3A_635 = tpu.iota {dimensions = array<i32: 0>} : vector<16xi32>
            %rev3A_636 = arith.subi %rev3A_634, %rev3A_635 : vector<16xi32>
            %rev3A_637 = tpu.dynamic_gather %masked_sort3A_588[%rev3A_636] in [0] : vector<16xi32>, vector<16xi32> -> vector<16xi32>
            %ge3A_638 = arith.cmpf oge, %masked_sort3A_583, %rev3A_632 : vector<16xf32>
            %select_n3A_639 = arith.select %ge3A_638, %masked_sort3A_583, %rev3A_632 : vector<16xi1>, vector<16xf32>
            %select_n3A_640 = arith.select %ge3A_638, %masked_sort3A_584, %rev3A_637 : vector<16xi1>, vector<16xi32>
            %select_n3A_641 = arith.select %ge3A_638, %rev3A_632, %masked_sort3A_583 : vector<16xi1>, vector<16xf32>
            %select_n3A_642 = arith.select %ge3A_638, %rev3A_637, %masked_sort3A_584 : vector<16xi1>, vector<16xi32>
            %masked_sort3A_643 = arith.constant dense<true> : vector<16xi1>
            %masked_sort3A_644, %masked_sort3A_645, %masked_sort3A_646 = tpu.sort %select_n3A_639, %select_n3A_640 masked %masked_sort3A_643 {descending = true} : (vector<16xf32>, vector<16xi32>, vector<16xi1>) -> (vector<16xi1>, vector<16xf32>, vector<16xi32>)
            %masked_sort3A_647 = arith.constant dense<true> : vector<16xi1>
            %masked_sort3A_648, %masked_sort3A_649, %masked_sort3A_650 = tpu.sort %select_n3A_641, %select_n3A_642 masked %masked_sort3A_647 {descending = true} : (vector<16xf32>, vector<16xi32>, vector<16xi1>) -> (vector<16xi1>, vector<16xf32>, vector<16xi32>)
            %rev3A_651 = arith.constant 15 : i32
            %rev3A_652 = vector.broadcast %rev3A_651 : i32 to vector<16xi32>
            %rev3A_653 = tpu.iota {dimensions = array<i32: 0>} : vector<16xi32>
            %rev3A_654 = arith.subi %rev3A_652, %rev3A_653 : vector<16xi32>
            %rev3A_655 = tpu.dynamic_gather %masked_sort3A_595[%rev3A_654] in [0] : vector<16xf32>, vector<16xi32> -> vector<16xf32>
            %rev3A_656 = arith.constant 15 : i32
            %rev3A_657 = vector.broadcast %rev3A_656 : i32 to vector<16xi32>
            %rev3A_658 = tpu.iota {dimensions = array<i32: 0>} : vector<16xi32>
            %rev3A_659 = arith.subi %rev3A_657, %rev3A_658 : vector<16xi32>
            %rev3A_660 = tpu.dynamic_gather %masked_sort3A_596[%rev3A_659] in [0] : vector<16xi32>, vector<16xi32> -> vector<16xi32>
            %ge3A_661 = arith.cmpf oge, %masked_sort3A_591, %rev3A_655 : vector<16xf32>
            %select_n3A_662 = arith.select %ge3A_661, %masked_sort3A_591, %rev3A_655 : vector<16xi1>, vector<16xf32>
            %select_n3A_663 = arith.select %ge3A_661, %masked_sort3A_592, %rev3A_660 : vector<16xi1>, vector<16xi32>
            %select_n3A_664 = arith.select %ge3A_661, %rev3A_655, %masked_sort3A_591 : vector<16xi1>, vector<16xf32>
            %select_n3A_665 = arith.select %ge3A_661, %rev3A_660, %masked_sort3A_592 : vector<16xi1>, vector<16xi32>
            %masked_sort3A_666 = arith.constant dense<true> : vector<16xi1>
            %masked_sort3A_667, %masked_sort3A_668, %masked_sort3A_669 = tpu.sort %select_n3A_662, %select_n3A_663 masked %masked_sort3A_666 {descending = true} : (vector<16xf32>, vector<16xi32>, vector<16xi1>) -> (vector<16xi1>, vector<16xf32>, vector<16xi32>)
            %masked_sort3A_670 = arith.constant dense<true> : vector<16xi1>
            %masked_sort3A_671, %masked_sort3A_672, %masked_sort3A_673 = tpu.sort %select_n3A_664, %select_n3A_665 masked %masked_sort3A_670 {descending = true} : (vector<16xf32>, vector<16xi32>, vector<16xi1>) -> (vector<16xi1>, vector<16xf32>, vector<16xi32>)
            %rev3A_674 = arith.constant 15 : i32
            %rev3A_675 = vector.broadcast %rev3A_674 : i32 to vector<16xi32>
            %rev3A_676 = tpu.iota {dimensions = array<i32: 0>} : vector<16xi32>
            %rev3A_677 = arith.subi %rev3A_675, %rev3A_676 : vector<16xi32>
            %rev3A_678 = tpu.dynamic_gather %masked_sort3A_603[%rev3A_677] in [0] : vector<16xf32>, vector<16xi32> -> vector<16xf32>
            %rev3A_679 = arith.constant 15 : i32
            %rev3A_680 = vector.broadcast %rev3A_679 : i32 to vector<16xi32>
            %rev3A_681 = tpu.iota {dimensions = array<i32: 0>} : vector<16xi32>
            %rev3A_682 = arith.subi %rev3A_680, %rev3A_681 : vector<16xi32>
            %rev3A_683 = tpu.dynamic_gather %masked_sort3A_604[%rev3A_682] in [0] : vector<16xi32>, vector<16xi32> -> vector<16xi32>
            %ge3A_684 = arith.cmpf oge, %masked_sort3A_599, %rev3A_678 : vector<16xf32>
            %select_n3A_685 = arith.select %ge3A_684, %masked_sort3A_599, %rev3A_678 : vector<16xi1>, vector<16xf32>
            %select_n3A_686 = arith.select %ge3A_684, %masked_sort3A_600, %rev3A_683 : vector<16xi1>, vector<16xi32>
            %select_n3A_687 = arith.select %ge3A_684, %rev3A_678, %masked_sort3A_599 : vector<16xi1>, vector<16xf32>
            %select_n3A_688 = arith.select %ge3A_684, %rev3A_683, %masked_sort3A_600 : vector<16xi1>, vector<16xi32>
            %masked_sort3A_689 = arith.constant dense<true> : vector<16xi1>
            %masked_sort3A_690, %masked_sort3A_691, %masked_sort3A_692 = tpu.sort %select_n3A_685, %select_n3A_686 masked %masked_sort3A_689 {descending = true} : (vector<16xf32>, vector<16xi32>, vector<16xi1>) -> (vector<16xi1>, vector<16xf32>, vector<16xi32>)
            %masked_sort3A_693 = arith.constant dense<true> : vector<16xi1>
            %masked_sort3A_694, %masked_sort3A_695, %masked_sort3A_696 = tpu.sort %select_n3A_687, %select_n3A_688 masked %masked_sort3A_693 {descending = true} : (vector<16xf32>, vector<16xi32>, vector<16xi1>) -> (vector<16xi1>, vector<16xf32>, vector<16xi32>)
            %rev3A_697 = arith.constant 15 : i32
            %rev3A_698 = vector.broadcast %rev3A_697 : i32 to vector<16xi32>
            %rev3A_699 = tpu.iota {dimensions = array<i32: 0>} : vector<16xi32>
            %rev3A_700 = arith.subi %rev3A_698, %rev3A_699 : vector<16xi32>
            %rev3A_701 = tpu.dynamic_gather %masked_sort3A_649[%rev3A_700] in [0] : vector<16xf32>, vector<16xi32> -> vector<16xf32>
            %rev3A_702 = arith.constant 15 : i32
            %rev3A_703 = vector.broadcast %rev3A_702 : i32 to vector<16xi32>
            %rev3A_704 = tpu.iota {dimensions = array<i32: 0>} : vector<16xi32>
            %rev3A_705 = arith.subi %rev3A_703, %rev3A_704 : vector<16xi32>
            %rev3A_706 = tpu.dynamic_gather %masked_sort3A_645[%rev3A_705] in [0] : vector<16xf32>, vector<16xi32> -> vector<16xf32>
            %rev3A_707 = arith.constant 15 : i32
            %rev3A_708 = vector.broadcast %rev3A_707 : i32 to vector<16xi32>
            %rev3A_709 = tpu.iota {dimensions = array<i32: 0>} : vector<16xi32>
            %rev3A_710 = arith.subi %rev3A_708, %rev3A_709 : vector<16xi32>
            %rev3A_711 = tpu.dynamic_gather %masked_sort3A_650[%rev3A_710] in [0] : vector<16xi32>, vector<16xi32> -> vector<16xi32>
            %rev3A_712 = arith.constant 15 : i32
            %rev3A_713 = vector.broadcast %rev3A_712 : i32 to vector<16xi32>
            %rev3A_714 = tpu.iota {dimensions = array<i32: 0>} : vector<16xi32>
            %rev3A_715 = arith.subi %rev3A_713, %rev3A_714 : vector<16xi32>
            %rev3A_716 = tpu.dynamic_gather %masked_sort3A_646[%rev3A_715] in [0] : vector<16xi32>, vector<16xi32> -> vector<16xi32>
            %ge3A_717 = arith.cmpf oge, %masked_sort3A_622, %rev3A_701 : vector<16xf32>
            %select_n3A_718 = arith.select %ge3A_717, %masked_sort3A_622, %rev3A_701 : vector<16xi1>, vector<16xf32>
            %select_n3A_719 = arith.select %ge3A_717, %masked_sort3A_623, %rev3A_711 : vector<16xi1>, vector<16xi32>
            %select_n3A_720 = arith.select %ge3A_717, %rev3A_701, %masked_sort3A_622 : vector<16xi1>, vector<16xf32>
            %select_n3A_721 = arith.select %ge3A_717, %rev3A_711, %masked_sort3A_623 : vector<16xi1>, vector<16xi32>
            %ge3A_722 = arith.cmpf oge, %masked_sort3A_626, %rev3A_706 : vector<16xf32>
            %select_n3A_723 = arith.select %ge3A_722, %masked_sort3A_626, %rev3A_706 : vector<16xi1>, vector<16xf32>
            %select_n3A_724 = arith.select %ge3A_722, %masked_sort3A_627, %rev3A_716 : vector<16xi1>, vector<16xi32>
            %select_n3A_725 = arith.select %ge3A_722, %rev3A_706, %masked_sort3A_626 : vector<16xi1>, vector<16xf32>
            %select_n3A_726 = arith.select %ge3A_722, %rev3A_716, %masked_sort3A_627 : vector<16xi1>, vector<16xi32>
            %ge3A_727 = arith.cmpf oge, %select_n3A_718, %select_n3A_723 : vector<16xf32>
            %select_n3A_728 = arith.select %ge3A_727, %select_n3A_718, %select_n3A_723 : vector<16xi1>, vector<16xf32>
            %select_n3A_729 = arith.select %ge3A_727, %select_n3A_719, %select_n3A_724 : vector<16xi1>, vector<16xi32>
            %select_n3A_730 = arith.select %ge3A_727, %select_n3A_723, %select_n3A_718 : vector<16xi1>, vector<16xf32>
            %select_n3A_731 = arith.select %ge3A_727, %select_n3A_724, %select_n3A_719 : vector<16xi1>, vector<16xi32>
            %ge3A_732 = arith.cmpf oge, %select_n3A_720, %select_n3A_725 : vector<16xf32>
            %select_n3A_733 = arith.select %ge3A_732, %select_n3A_720, %select_n3A_725 : vector<16xi1>, vector<16xf32>
            %select_n3A_734 = arith.select %ge3A_732, %select_n3A_721, %select_n3A_726 : vector<16xi1>, vector<16xi32>
            %select_n3A_735 = arith.select %ge3A_732, %select_n3A_725, %select_n3A_720 : vector<16xi1>, vector<16xf32>
            %select_n3A_736 = arith.select %ge3A_732, %select_n3A_726, %select_n3A_721 : vector<16xi1>, vector<16xi32>
            %masked_sort3A_737 = arith.constant dense<true> : vector<16xi1>
            %masked_sort3A_738, %masked_sort3A_739, %masked_sort3A_740 = tpu.sort %select_n3A_728, %select_n3A_729 masked %masked_sort3A_737 {descending = true} : (vector<16xf32>, vector<16xi32>, vector<16xi1>) -> (vector<16xi1>, vector<16xf32>, vector<16xi32>)
            %masked_sort3A_741 = arith.constant dense<true> : vector<16xi1>
            %masked_sort3A_742, %masked_sort3A_743, %masked_sort3A_744 = tpu.sort %select_n3A_730, %select_n3A_731 masked %masked_sort3A_741 {descending = true} : (vector<16xf32>, vector<16xi32>, vector<16xi1>) -> (vector<16xi1>, vector<16xf32>, vector<16xi32>)
            %masked_sort3A_745 = arith.constant dense<true> : vector<16xi1>
            %masked_sort3A_746, %masked_sort3A_747, %masked_sort3A_748 = tpu.sort %select_n3A_733, %select_n3A_734 masked %masked_sort3A_745 {descending = true} : (vector<16xf32>, vector<16xi32>, vector<16xi1>) -> (vector<16xi1>, vector<16xf32>, vector<16xi32>)
            %masked_sort3A_749 = arith.constant dense<true> : vector<16xi1>
            %masked_sort3A_750, %masked_sort3A_751, %masked_sort3A_752 = tpu.sort %select_n3A_735, %select_n3A_736 masked %masked_sort3A_749 {descending = true} : (vector<16xf32>, vector<16xi32>, vector<16xi1>) -> (vector<16xi1>, vector<16xf32>, vector<16xi32>)
            %rev3A_753 = arith.constant 15 : i32
            %rev3A_754 = vector.broadcast %rev3A_753 : i32 to vector<16xi32>
            %rev3A_755 = tpu.iota {dimensions = array<i32: 0>} : vector<16xi32>
            %rev3A_756 = arith.subi %rev3A_754, %rev3A_755 : vector<16xi32>
            %rev3A_757 = tpu.dynamic_gather %masked_sort3A_695[%rev3A_756] in [0] : vector<16xf32>, vector<16xi32> -> vector<16xf32>
            %rev3A_758 = arith.constant 15 : i32
            %rev3A_759 = vector.broadcast %rev3A_758 : i32 to vector<16xi32>
            %rev3A_760 = tpu.iota {dimensions = array<i32: 0>} : vector<16xi32>
            %rev3A_761 = arith.subi %rev3A_759, %rev3A_760 : vector<16xi32>
            %rev3A_762 = tpu.dynamic_gather %masked_sort3A_691[%rev3A_761] in [0] : vector<16xf32>, vector<16xi32> -> vector<16xf32>
            %rev3A_763 = arith.constant 15 : i32
            %rev3A_764 = vector.broadcast %rev3A_763 : i32 to vector<16xi32>
            %rev3A_765 = tpu.iota {dimensions = array<i32: 0>} : vector<16xi32>
            %rev3A_766 = arith.subi %rev3A_764, %rev3A_765 : vector<16xi32>
            %rev3A_767 = tpu.dynamic_gather %masked_sort3A_696[%rev3A_766] in [0] : vector<16xi32>, vector<16xi32> -> vector<16xi32>
            %rev3A_768 = arith.constant 15 : i32
            %rev3A_769 = vector.broadcast %rev3A_768 : i32 to vector<16xi32>
            %rev3A_770 = tpu.iota {dimensions = array<i32: 0>} : vector<16xi32>
            %rev3A_771 = arith.subi %rev3A_769, %rev3A_770 : vector<16xi32>
            %rev3A_772 = tpu.dynamic_gather %masked_sort3A_692[%rev3A_771] in [0] : vector<16xi32>, vector<16xi32> -> vector<16xi32>
            %ge3A_773 = arith.cmpf oge, %masked_sort3A_668, %rev3A_757 : vector<16xf32>
            %select_n3A_774 = arith.select %ge3A_773, %masked_sort3A_668, %rev3A_757 : vector<16xi1>, vector<16xf32>
            %select_n3A_775 = arith.select %ge3A_773, %masked_sort3A_669, %rev3A_767 : vector<16xi1>, vector<16xi32>
            %select_n3A_776 = arith.select %ge3A_773, %rev3A_757, %masked_sort3A_668 : vector<16xi1>, vector<16xf32>
            %select_n3A_777 = arith.select %ge3A_773, %rev3A_767, %masked_sort3A_669 : vector<16xi1>, vector<16xi32>
            %ge3A_778 = arith.cmpf oge, %masked_sort3A_672, %rev3A_762 : vector<16xf32>
            %select_n3A_779 = arith.select %ge3A_778, %masked_sort3A_672, %rev3A_762 : vector<16xi1>, vector<16xf32>
            %select_n3A_780 = arith.select %ge3A_778, %masked_sort3A_673, %rev3A_772 : vector<16xi1>, vector<16xi32>
            %select_n3A_781 = arith.select %ge3A_778, %rev3A_762, %masked_sort3A_672 : vector<16xi1>, vector<16xf32>
            %select_n3A_782 = arith.select %ge3A_778, %rev3A_772, %masked_sort3A_673 : vector<16xi1>, vector<16xi32>
            %ge3A_783 = arith.cmpf oge, %select_n3A_774, %select_n3A_779 : vector<16xf32>
            %select_n3A_784 = arith.select %ge3A_783, %select_n3A_774, %select_n3A_779 : vector<16xi1>, vector<16xf32>
            %select_n3A_785 = arith.select %ge3A_783, %select_n3A_775, %select_n3A_780 : vector<16xi1>, vector<16xi32>
            %select_n3A_786 = arith.select %ge3A_783, %select_n3A_779, %select_n3A_774 : vector<16xi1>, vector<16xf32>
            %select_n3A_787 = arith.select %ge3A_783, %select_n3A_780, %select_n3A_775 : vector<16xi1>, vector<16xi32>
            %ge3A_788 = arith.cmpf oge, %select_n3A_776, %select_n3A_781 : vector<16xf32>
            %select_n3A_789 = arith.select %ge3A_788, %select_n3A_776, %select_n3A_781 : vector<16xi1>, vector<16xf32>
            %select_n3A_790 = arith.select %ge3A_788, %select_n3A_777, %select_n3A_782 : vector<16xi1>, vector<16xi32>
            %select_n3A_791 = arith.select %ge3A_788, %select_n3A_781, %select_n3A_776 : vector<16xi1>, vector<16xf32>
            %select_n3A_792 = arith.select %ge3A_788, %select_n3A_782, %select_n3A_777 : vector<16xi1>, vector<16xi32>
            %masked_sort3A_793 = arith.constant dense<true> : vector<16xi1>
            %masked_sort3A_794, %masked_sort3A_795, %masked_sort3A_796 = tpu.sort %select_n3A_784, %select_n3A_785 masked %masked_sort3A_793 {descending = true} : (vector<16xf32>, vector<16xi32>, vector<16xi1>) -> (vector<16xi1>, vector<16xf32>, vector<16xi32>)
            %masked_sort3A_797 = arith.constant dense<true> : vector<16xi1>
            %masked_sort3A_798, %masked_sort3A_799, %masked_sort3A_800 = tpu.sort %select_n3A_786, %select_n3A_787 masked %masked_sort3A_797 {descending = true} : (vector<16xf32>, vector<16xi32>, vector<16xi1>) -> (vector<16xi1>, vector<16xf32>, vector<16xi32>)
            %masked_sort3A_801 = arith.constant dense<true> : vector<16xi1>
            %masked_sort3A_802, %masked_sort3A_803, %masked_sort3A_804 = tpu.sort %select_n3A_789, %select_n3A_790 masked %masked_sort3A_801 {descending = true} : (vector<16xf32>, vector<16xi32>, vector<16xi1>) -> (vector<16xi1>, vector<16xf32>, vector<16xi32>)
            %masked_sort3A_805 = arith.constant dense<true> : vector<16xi1>
            %masked_sort3A_806, %masked_sort3A_807, %masked_sort3A_808 = tpu.sort %select_n3A_791, %select_n3A_792 masked %masked_sort3A_805 {descending = true} : (vector<16xf32>, vector<16xi32>, vector<16xi1>) -> (vector<16xi1>, vector<16xf32>, vector<16xi32>)
            %rev3A_809 = arith.constant 15 : i32
            %rev3A_810 = vector.broadcast %rev3A_809 : i32 to vector<16xi32>
            %rev3A_811 = tpu.iota {dimensions = array<i32: 0>} : vector<16xi32>
            %rev3A_812 = arith.subi %rev3A_810, %rev3A_811 : vector<16xi32>
            %rev3A_813 = tpu.dynamic_gather %masked_sort3A_807[%rev3A_812] in [0] : vector<16xf32>, vector<16xi32> -> vector<16xf32>
            %rev3A_814 = arith.constant 15 : i32
            %rev3A_815 = vector.broadcast %rev3A_814 : i32 to vector<16xi32>
            %rev3A_816 = tpu.iota {dimensions = array<i32: 0>} : vector<16xi32>
            %rev3A_817 = arith.subi %rev3A_815, %rev3A_816 : vector<16xi32>
            %rev3A_818 = tpu.dynamic_gather %masked_sort3A_803[%rev3A_817] in [0] : vector<16xf32>, vector<16xi32> -> vector<16xf32>
            %rev3A_819 = arith.constant 15 : i32
            %rev3A_820 = vector.broadcast %rev3A_819 : i32 to vector<16xi32>
            %rev3A_821 = tpu.iota {dimensions = array<i32: 0>} : vector<16xi32>
            %rev3A_822 = arith.subi %rev3A_820, %rev3A_821 : vector<16xi32>
            %rev3A_823 = tpu.dynamic_gather %masked_sort3A_799[%rev3A_822] in [0] : vector<16xf32>, vector<16xi32> -> vector<16xf32>
            %rev3A_824 = arith.constant 15 : i32
            %rev3A_825 = vector.broadcast %rev3A_824 : i32 to vector<16xi32>
            %rev3A_826 = tpu.iota {dimensions = array<i32: 0>} : vector<16xi32>
            %rev3A_827 = arith.subi %rev3A_825, %rev3A_826 : vector<16xi32>
            %rev3A_828 = tpu.dynamic_gather %masked_sort3A_795[%rev3A_827] in [0] : vector<16xf32>, vector<16xi32> -> vector<16xf32>
            %rev3A_829 = arith.constant 15 : i32
            %rev3A_830 = vector.broadcast %rev3A_829 : i32 to vector<16xi32>
            %rev3A_831 = tpu.iota {dimensions = array<i32: 0>} : vector<16xi32>
            %rev3A_832 = arith.subi %rev3A_830, %rev3A_831 : vector<16xi32>
            %rev3A_833 = tpu.dynamic_gather %masked_sort3A_808[%rev3A_832] in [0] : vector<16xi32>, vector<16xi32> -> vector<16xi32>
            %rev3A_834 = arith.constant 15 : i32
            %rev3A_835 = vector.broadcast %rev3A_834 : i32 to vector<16xi32>
            %rev3A_836 = tpu.iota {dimensions = array<i32: 0>} : vector<16xi32>
            %rev3A_837 = arith.subi %rev3A_835, %rev3A_836 : vector<16xi32>
            %rev3A_838 = tpu.dynamic_gather %masked_sort3A_804[%rev3A_837] in [0] : vector<16xi32>, vector<16xi32> -> vector<16xi32>
            %rev3A_839 = arith.constant 15 : i32
            %rev3A_840 = vector.broadcast %rev3A_839 : i32 to vector<16xi32>
            %rev3A_841 = tpu.iota {dimensions = array<i32: 0>} : vector<16xi32>
            %rev3A_842 = arith.subi %rev3A_840, %rev3A_841 : vector<16xi32>
            %rev3A_843 = tpu.dynamic_gather %masked_sort3A_800[%rev3A_842] in [0] : vector<16xi32>, vector<16xi32> -> vector<16xi32>
            %rev3A_844 = arith.constant 15 : i32
            %rev3A_845 = vector.broadcast %rev3A_844 : i32 to vector<16xi32>
            %rev3A_846 = tpu.iota {dimensions = array<i32: 0>} : vector<16xi32>
            %rev3A_847 = arith.subi %rev3A_845, %rev3A_846 : vector<16xi32>
            %rev3A_848 = tpu.dynamic_gather %masked_sort3A_796[%rev3A_847] in [0] : vector<16xi32>, vector<16xi32> -> vector<16xi32>
            %ge3A_849 = arith.cmpf oge, %masked_sort3A_739, %rev3A_813 : vector<16xf32>
            %select_n3A_850 = arith.select %ge3A_849, %masked_sort3A_739, %rev3A_813 : vector<16xi1>, vector<16xf32>
            %select_n3A_851 = arith.select %ge3A_849, %masked_sort3A_740, %rev3A_833 : vector<16xi1>, vector<16xi32>
            %ge3A_852 = arith.cmpf oge, %masked_sort3A_743, %rev3A_818 : vector<16xf32>
            %select_n3A_853 = arith.select %ge3A_852, %masked_sort3A_743, %rev3A_818 : vector<16xi1>, vector<16xf32>
            %select_n3A_854 = arith.select %ge3A_852, %masked_sort3A_744, %rev3A_838 : vector<16xi1>, vector<16xi32>
            %ge3A_855 = arith.cmpf oge, %masked_sort3A_747, %rev3A_823 : vector<16xf32>
            %select_n3A_856 = arith.select %ge3A_855, %masked_sort3A_747, %rev3A_823 : vector<16xi1>, vector<16xf32>
            %select_n3A_857 = arith.select %ge3A_855, %masked_sort3A_748, %rev3A_843 : vector<16xi1>, vector<16xi32>
            %ge3A_858 = arith.cmpf oge, %masked_sort3A_751, %rev3A_828 : vector<16xf32>
            %select_n3A_859 = arith.select %ge3A_858, %masked_sort3A_751, %rev3A_828 : vector<16xi1>, vector<16xf32>
            %select_n3A_860 = arith.select %ge3A_858, %masked_sort3A_752, %rev3A_848 : vector<16xi1>, vector<16xi32>
            %swap3A_861 = arith.constant 0 : index
            %swap3A_862 = tpu.vector_load %arg6[%swap3A_861] {strides = array<i32>} : memref<128xf32, #tpu.memory_space<vmem>>, vector<16xf32>,
            tpu.vector_store %arg6[%swap3A_861], %select_n3A_850 {strides = array<i32>} : memref<128xf32, #tpu.memory_space<vmem>>, vector<16xf32>,
            %swap3A_863 = arith.constant 0 : index
            %swap3A_864 = tpu.vector_load %arg7[%swap3A_863] {strides = array<i32>} : memref<128xi32, #tpu.memory_space<vmem>>, vector<16xi32>,
            tpu.vector_store %arg7[%swap3A_863], %select_n3A_851 {strides = array<i32>} : memref<128xi32, #tpu.memory_space<vmem>>, vector<16xi32>,
            %swap3A_865 = arith.constant 16 : index
            %swap3A_866 = tpu.vector_load %arg6[%swap3A_865] {strides = array<i32>} : memref<128xf32, #tpu.memory_space<vmem>>, vector<16xf32>,
            tpu.vector_store %arg6[%swap3A_865], %select_n3A_853 {strides = array<i32>} : memref<128xf32, #tpu.memory_space<vmem>>, vector<16xf32>,
            %swap3A_867 = arith.constant 16 : index
            %swap3A_868 = tpu.vector_load %arg7[%swap3A_867] {strides = array<i32>} : memref<128xi32, #tpu.memory_space<vmem>>, vector<16xi32>,
            tpu.vector_store %arg7[%swap3A_867], %select_n3A_854 {strides = array<i32>} : memref<128xi32, #tpu.memory_space<vmem>>, vector<16xi32>,
            %swap3A_869 = arith.constant 32 : index
            %swap3A_870 = tpu.vector_load %arg6[%swap3A_869] {strides = array<i32>} : memref<128xf32, #tpu.memory_space<vmem>>, vector<16xf32>,
            tpu.vector_store %arg6[%swap3A_869], %select_n3A_856 {strides = array<i32>} : memref<128xf32, #tpu.memory_space<vmem>>, vector<16xf32>,
            %swap3A_871 = arith.constant 32 : index
            %swap3A_872 = tpu.vector_load %arg7[%swap3A_871] {strides = array<i32>} : memref<128xi32, #tpu.memory_space<vmem>>, vector<16xi32>,
            tpu.vector_store %arg7[%swap3A_871], %select_n3A_857 {strides = array<i32>} : memref<128xi32, #tpu.memory_space<vmem>>, vector<16xi32>,
            %swap3A_873 = arith.constant 48 : index
            %swap3A_874 = tpu.vector_load %arg6[%swap3A_873] {strides = array<i32>} : memref<128xf32, #tpu.memory_space<vmem>>, vector<16xf32>,
            tpu.vector_store %arg6[%swap3A_873], %select_n3A_859 {strides = array<i32>} : memref<128xf32, #tpu.memory_space<vmem>>, vector<16xf32>,
            %swap3A_875 = arith.constant 48 : index
            %swap3A_876 = tpu.vector_load %arg7[%swap3A_875] {strides = array<i32>} : memref<128xi32, #tpu.memory_space<vmem>>, vector<16xi32>,
            tpu.vector_store %arg7[%swap3A_875], %select_n3A_860 {strides = array<i32>} : memref<128xi32, #tpu.memory_space<vmem>>, vector<16xi32>,
            %swap3A_877 = arith.constant 64 : index
            %swap3A_878 = tpu.vector_load %arg6[%swap3A_877] {strides = array<i32>} : memref<128xf32, #tpu.memory_space<vmem>>, vector<16xf32>,
            tpu.vector_store %arg6[%swap3A_877], %broadcast_in_dim3A_1 {strides = array<i32>} : memref<128xf32, #tpu.memory_space<vmem>>, vector<16xf32>,
            %swap3A_879 = arith.constant 64 : index
            %swap3A_880 = tpu.vector_load %arg7[%swap3A_879] {strides = array<i32>} : memref<128xi32, #tpu.memory_space<vmem>>, vector<16xi32>,
            tpu.vector_store %arg7[%swap3A_879], %broadcast_in_dim3A_3 {strides = array<i32>} : memref<128xi32, #tpu.memory_space<vmem>>, vector<16xi32>,
            %swap3A_881 = arith.constant 80 : index
            %swap3A_882 = tpu.vector_load %arg6[%swap3A_881] {strides = array<i32>} : memref<128xf32, #tpu.memory_space<vmem>>, vector<16xf32>,
            tpu.vector_store %arg6[%swap3A_881], %broadcast_in_dim3A_1 {strides = array<i32>} : memref<128xf32, #tpu.memory_space<vmem>>, vector<16xf32>,
            %swap3A_883 = arith.constant 80 : index
            %swap3A_884 = tpu.vector_load %arg7[%swap3A_883] {strides = array<i32>} : memref<128xi32, #tpu.memory_space<vmem>>, vector<16xi32>,
            tpu.vector_store %arg7[%swap3A_883], %broadcast_in_dim3A_3 {strides = array<i32>} : memref<128xi32, #tpu.memory_space<vmem>>, vector<16xi32>,
            %swap3A_885 = arith.constant 96 : index
            %swap3A_886 = tpu.vector_load %arg6[%swap3A_885] {strides = array<i32>} : memref<128xf32, #tpu.memory_space<vmem>>, vector<16xf32>,
            tpu.vector_store %arg6[%swap3A_885], %broadcast_in_dim3A_1 {strides = array<i32>} : memref<128xf32, #tpu.memory_space<vmem>>, vector<16xf32>,
            %swap3A_887 = arith.constant 96 : index
            %swap3A_888 = tpu.vector_load %arg7[%swap3A_887] {strides = array<i32>} : memref<128xi32, #tpu.memory_space<vmem>>, vector<16xi32>,
            tpu.vector_store %arg7[%swap3A_887], %broadcast_in_dim3A_3 {strides = array<i32>} : memref<128xi32, #tpu.memory_space<vmem>>, vector<16xi32>,
            %swap3A_889 = arith.constant 112 : index
            %swap3A_890 = tpu.vector_load %arg6[%swap3A_889] {strides = array<i32>} : memref<128xf32, #tpu.memory_space<vmem>>, vector<16xf32>,
            tpu.vector_store %arg6[%swap3A_889], %broadcast_in_dim3A_1 {strides = array<i32>} : memref<128xf32, #tpu.memory_space<vmem>>, vector<16xf32>,
            %swap3A_891 = arith.constant 112 : index
            %swap3A_892 = tpu.vector_load %arg7[%swap3A_891] {strides = array<i32>} : memref<128xi32, #tpu.memory_space<vmem>>, vector<16xi32>,
            tpu.vector_store %arg7[%swap3A_891], %broadcast_in_dim3A_3 {strides = array<i32>} : memref<128xi32, #tpu.memory_space<vmem>>, vector<16xi32>,
            %min3A = arith.minimumf %select_n3A_850, %select_n3A_853 : vector<16xf32>
            %min3A_893 = arith.minimumf %select_n3A_856, %select_n3A_859 : vector<16xf32>
            %min3A_894 = arith.minimumf %min3A, %min3A_893 : vector<16xf32>
            %masked_sort3A_895 = arith.constant dense<true> : vector<16xi1>
            %masked_sort3A_896, %masked_sort3A_897, %masked_sort3A_898 = tpu.sort %min3A_894, %min3A_894 masked %masked_sort3A_895 : (vector<16xf32>, vector<16xf32>, vector<16xi1>) -> (vector<16xi1>, vector<16xf32>, vector<16xf32>)
            %slice3A_899 = vector.extract_strided_slice %masked_sort3A_897 {offsets = [0], sizes = [1], strides = [1]} : vector<16xf32> to vector<1xf32>
            %squeeze3A_900 = vector.extract %slice3A_899[0] : f32 from vector<1xf32>
            %cond3A_901 = arith.constant 4 : i32
            scf.yield %cond3A_901, %squeeze3A_900 : i32, f32
          } else {
            scf.yield %add3A_535, %cond3A_507#1 : i32, f32
          }
          scf.yield %cond3A_540#0, %cond3A_540#1 : i32, f32
        } else {
          scf.yield %cond3A_507#0, %cond3A_507#1 : i32, f32
        }
        scf.yield %cond3A_516#0, %cond3A_516#1 : i32, f32
      } else {
        scf.yield %scan3A_448, %scan3A_449 : i32, f32
      }
      scf.yield %cond3A_480#0, %cond3A_480#1 : i32, f32
    }
    %scan3A_41 = arith.constant 512 : i32
    %get3A = arith.constant 0 : index
    %get3A_42 = tpu.vector_load %arg6[%get3A] {strides = array<i32>} : memref<128xf32, #tpu.memory_space<vmem>>, vector<16xf32>,
    %get3A_43 = arith.constant 16 : index
    %get3A_44 = tpu.vector_load %arg6[%get3A_43] {strides = array<i32>} : memref<128xf32, #tpu.memory_space<vmem>>, vector<16xf32>,
    %get3A_45 = arith.constant 32 : index
    %get3A_46 = tpu.vector_load %arg6[%get3A_45] {strides = array<i32>} : memref<128xf32, #tpu.memory_space<vmem>>, vector<16xf32>,
    %get3A_47 = arith.constant 48 : index
    %get3A_48 = tpu.vector_load %arg6[%get3A_47] {strides = array<i32>} : memref<128xf32, #tpu.memory_space<vmem>>, vector<16xf32>,
    %get3A_49 = arith.constant 64 : index
    %get3A_50 = tpu.vector_load %arg6[%get3A_49] {strides = array<i32>} : memref<128xf32, #tpu.memory_space<vmem>>, vector<16xf32>,
    %get3A_51 = arith.constant 80 : index
    %get3A_52 = tpu.vector_load %arg6[%get3A_51] {strides = array<i32>} : memref<128xf32, #tpu.memory_space<vmem>>, vector<16xf32>,
    %get3A_53 = arith.constant 96 : index
    %get3A_54 = tpu.vector_load %arg6[%get3A_53] {strides = array<i32>} : memref<128xf32, #tpu.memory_space<vmem>>, vector<16xf32>,
    %get3A_55 = arith.constant 112 : index
    %get3A_56 = tpu.vector_load %arg6[%get3A_55] {strides = array<i32>} : memref<128xf32, #tpu.memory_space<vmem>>, vector<16xf32>,
    %get3A_57 = arith.constant 0 : index
    %get3A_58 = tpu.vector_load %arg7[%get3A_57] {strides = array<i32>} : memref<128xi32, #tpu.memory_space<vmem>>, vector<16xi32>,
    %get3A_59 = arith.constant 16 : index
    %get3A_60 = tpu.vector_load %arg7[%get3A_59] {strides = array<i32>} : memref<128xi32, #tpu.memory_space<vmem>>, vector<16xi32>,
    %get3A_61 = arith.constant 32 : index
    %get3A_62 = tpu.vector_load %arg7[%get3A_61] {strides = array<i32>} : memref<128xi32, #tpu.memory_space<vmem>>, vector<16xi32>,
    %get3A_63 = arith.constant 48 : index
    %get3A_64 = tpu.vector_load %arg7[%get3A_63] {strides = array<i32>} : memref<128xi32, #tpu.memory_space<vmem>>, vector<16xi32>,
    %get3A_65 = arith.constant 64 : index
    %get3A_66 = tpu.vector_load %arg7[%get3A_65] {strides = array<i32>} : memref<128xi32, #tpu.memory_space<vmem>>, vector<16xi32>,
    %get3A_67 = arith.constant 80 : index
    %get3A_68 = tpu.vector_load %arg7[%get3A_67] {strides = array<i32>} : memref<128xi32, #tpu.memory_space<vmem>>, vector<16xi32>,
    %get3A_69 = arith.constant 96 : index
    %get3A_70 = tpu.vector_load %arg7[%get3A_69] {strides = array<i32>} : memref<128xi32, #tpu.memory_space<vmem>>, vector<16xi32>,
    %get3A_71 = arith.constant 112 : index
    %get3A_72 = tpu.vector_load %arg7[%get3A_71] {strides = array<i32>} : memref<128xi32, #tpu.memory_space<vmem>>, vector<16xi32>,
    %masked_sort3A = arith.constant dense<true> : vector<16xi1>
    %masked_sort3A_73, %masked_sort3A_74, %masked_sort3A_75 = tpu.sort %get3A_42, %get3A_58 masked %masked_sort3A {descending = true} : (vector<16xf32>, vector<16xi32>, vector<16xi1>) -> (vector<16xi1>, vector<16xf32>, vector<16xi32>)
    %masked_sort3A_76 = arith.constant dense<true> : vector<16xi1>
    %masked_sort3A_77, %masked_sort3A_78, %masked_sort3A_79 = tpu.sort %get3A_44, %get3A_60 masked %masked_sort3A_76 {descending = true} : (vector<16xf32>, vector<16xi32>, vector<16xi1>) -> (vector<16xi1>, vector<16xf32>, vector<16xi32>)
    %masked_sort3A_80 = arith.constant dense<true> : vector<16xi1>
    %masked_sort3A_81, %masked_sort3A_82, %masked_sort3A_83 = tpu.sort %get3A_46, %get3A_62 masked %masked_sort3A_80 {descending = true} : (vector<16xf32>, vector<16xi32>, vector<16xi1>) -> (vector<16xi1>, vector<16xf32>, vector<16xi32>)
    %masked_sort3A_84 = arith.constant dense<true> : vector<16xi1>
    %masked_sort3A_85, %masked_sort3A_86, %masked_sort3A_87 = tpu.sort %get3A_48, %get3A_64 masked %masked_sort3A_84 {descending = true} : (vector<16xf32>, vector<16xi32>, vector<16xi1>) -> (vector<16xi1>, vector<16xf32>, vector<16xi32>)
    %masked_sort3A_88 = arith.constant dense<true> : vector<16xi1>
    %masked_sort3A_89, %masked_sort3A_90, %masked_sort3A_91 = tpu.sort %get3A_50, %get3A_66 masked %masked_sort3A_88 {descending = true} : (vector<16xf32>, vector<16xi32>, vector<16xi1>) -> (vector<16xi1>, vector<16xf32>, vector<16xi32>)
    %masked_sort3A_92 = arith.constant dense<true> : vector<16xi1>
    %masked_sort3A_93, %masked_sort3A_94, %masked_sort3A_95 = tpu.sort %get3A_52, %get3A_68 masked %masked_sort3A_92 {descending = true} : (vector<16xf32>, vector<16xi32>, vector<16xi1>) -> (vector<16xi1>, vector<16xf32>, vector<16xi32>)
    %masked_sort3A_96 = arith.constant dense<true> : vector<16xi1>
    %masked_sort3A_97, %masked_sort3A_98, %masked_sort3A_99 = tpu.sort %get3A_54, %get3A_70 masked %masked_sort3A_96 {descending = true} : (vector<16xf32>, vector<16xi32>, vector<16xi1>) -> (vector<16xi1>, vector<16xf32>, vector<16xi32>)
    %masked_sort3A_100 = arith.constant dense<true> : vector<16xi1>
    %masked_sort3A_101, %masked_sort3A_102, %masked_sort3A_103 = tpu.sort %get3A_56, %get3A_72 masked %masked_sort3A_100 {descending = true} : (vector<16xf32>, vector<16xi32>, vector<16xi1>) -> (vector<16xi1>, vector<16xf32>, vector<16xi32>)
    %rev3A = arith.constant 15 : i32
    %rev3A_104 = vector.broadcast %rev3A : i32 to vector<16xi32>
    %rev3A_105 = tpu.iota {dimensions = array<i32: 0>} : vector<16xi32>
    %rev3A_106 = arith.subi %rev3A_104, %rev3A_105 : vector<16xi32>
    %rev3A_107 = tpu.dynamic_gather %masked_sort3A_78[%rev3A_106] in [0] : vector<16xf32>, vector<16xi32> -> vector<16xf32>
    %rev3A_108 = arith.constant 15 : i32
    %rev3A_109 = vector.broadcast %rev3A_108 : i32 to vector<16xi32>
    %rev3A_110 = tpu.iota {dimensions = array<i32: 0>} : vector<16xi32>
    %rev3A_111 = arith.subi %rev3A_109, %rev3A_110 : vector<16xi32>
    %rev3A_112 = tpu.dynamic_gather %masked_sort3A_79[%rev3A_111] in [0] : vector<16xi32>, vector<16xi32> -> vector<16xi32>
    %ge3A = arith.cmpf oge, %masked_sort3A_74, %rev3A_107 : vector<16xf32>
    %select_n3A = arith.select %ge3A, %masked_sort3A_74, %rev3A_107 : vector<16xi1>, vector<16xf32>
    %select_n3A_113 = arith.select %ge3A, %masked_sort3A_75, %rev3A_112 : vector<16xi1>, vector<16xi32>
    %select_n3A_114 = arith.select %ge3A, %rev3A_107, %masked_sort3A_74 : vector<16xi1>, vector<16xf32>
    %select_n3A_115 = arith.select %ge3A, %rev3A_112, %masked_sort3A_75 : vector<16xi1>, vector<16xi32>
    %masked_sort3A_116 = arith.constant dense<true> : vector<16xi1>
    %masked_sort3A_117, %masked_sort3A_118, %masked_sort3A_119 = tpu.sort %select_n3A, %select_n3A_113 masked %masked_sort3A_116 {descending = true} : (vector<16xf32>, vector<16xi32>, vector<16xi1>) -> (vector<16xi1>, vector<16xf32>, vector<16xi32>)
    %masked_sort3A_120 = arith.constant dense<true> : vector<16xi1>
    %masked_sort3A_121, %masked_sort3A_122, %masked_sort3A_123 = tpu.sort %select_n3A_114, %select_n3A_115 masked %masked_sort3A_120 {descending = true} : (vector<16xf32>, vector<16xi32>, vector<16xi1>) -> (vector<16xi1>, vector<16xf32>, vector<16xi32>)
    %rev3A_124 = arith.constant 15 : i32
    %rev3A_125 = vector.broadcast %rev3A_124 : i32 to vector<16xi32>
    %rev3A_126 = tpu.iota {dimensions = array<i32: 0>} : vector<16xi32>
    %rev3A_127 = arith.subi %rev3A_125, %rev3A_126 : vector<16xi32>
    %rev3A_128 = tpu.dynamic_gather %masked_sort3A_86[%rev3A_127] in [0] : vector<16xf32>, vector<16xi32> -> vector<16xf32>
    %rev3A_129 = arith.constant 15 : i32
    %rev3A_130 = vector.broadcast %rev3A_129 : i32 to vector<16xi32>
    %rev3A_131 = tpu.iota {dimensions = array<i32: 0>} : vector<16xi32>
    %rev3A_132 = arith.subi %rev3A_130, %rev3A_131 : vector<16xi32>
    %rev3A_133 = tpu.dynamic_gather %masked_sort3A_87[%rev3A_132] in [0] : vector<16xi32>, vector<16xi32> -> vector<16xi32>
    %ge3A_134 = arith.cmpf oge, %masked_sort3A_82, %rev3A_128 : vector<16xf32>
    %select_n3A_135 = arith.select %ge3A_134, %masked_sort3A_82, %rev3A_128 : vector<16xi1>, vector<16xf32>
    %select_n3A_136 = arith.select %ge3A_134, %masked_sort3A_83, %rev3A_133 : vector<16xi1>, vector<16xi32>
    %select_n3A_137 = arith.select %ge3A_134, %rev3A_128, %masked_sort3A_82 : vector<16xi1>, vector<16xf32>
    %select_n3A_138 = arith.select %ge3A_134, %rev3A_133, %masked_sort3A_83 : vector<16xi1>, vector<16xi32>
    %masked_sort3A_139 = arith.constant dense<true> : vector<16xi1>
    %masked_sort3A_140, %masked_sort3A_141, %masked_sort3A_142 = tpu.sort %select_n3A_135, %select_n3A_136 masked %masked_sort3A_139 {descending = true} : (vector<16xf32>, vector<16xi32>, vector<16xi1>) -> (vector<16xi1>, vector<16xf32>, vector<16xi32>)
    %masked_sort3A_143 = arith.constant dense<true> : vector<16xi1>
    %masked_sort3A_144, %masked_sort3A_145, %masked_sort3A_146 = tpu.sort %select_n3A_137, %select_n3A_138 masked %masked_sort3A_143 {descending = true} : (vector<16xf32>, vector<16xi32>, vector<16xi1>) -> (vector<16xi1>, vector<16xf32>, vector<16xi32>)
    %rev3A_147 = arith.constant 15 : i32
    %rev3A_148 = vector.broadcast %rev3A_147 : i32 to vector<16xi32>
    %rev3A_149 = tpu.iota {dimensions = array<i32: 0>} : vector<16xi32>
    %rev3A_150 = arith.subi %rev3A_148, %rev3A_149 : vector<16xi32>
    %rev3A_151 = tpu.dynamic_gather %masked_sort3A_94[%rev3A_150] in [0] : vector<16xf32>, vector<16xi32> -> vector<16xf32>
    %rev3A_152 = arith.constant 15 : i32
    %rev3A_153 = vector.broadcast %rev3A_152 : i32 to vector<16xi32>
    %rev3A_154 = tpu.iota {dimensions = array<i32: 0>} : vector<16xi32>
    %rev3A_155 = arith.subi %rev3A_153, %rev3A_154 : vector<16xi32>
    %rev3A_156 = tpu.dynamic_gather %masked_sort3A_95[%rev3A_155] in [0] : vector<16xi32>, vector<16xi32> -> vector<16xi32>
    %ge3A_157 = arith.cmpf oge, %masked_sort3A_90, %rev3A_151 : vector<16xf32>
    %select_n3A_158 = arith.select %ge3A_157, %masked_sort3A_90, %rev3A_151 : vector<16xi1>, vector<16xf32>
    %select_n3A_159 = arith.select %ge3A_157, %masked_sort3A_91, %rev3A_156 : vector<16xi1>, vector<16xi32>
    %select_n3A_160 = arith.select %ge3A_157, %rev3A_151, %masked_sort3A_90 : vector<16xi1>, vector<16xf32>
    %select_n3A_161 = arith.select %ge3A_157, %rev3A_156, %masked_sort3A_91 : vector<16xi1>, vector<16xi32>
    %masked_sort3A_162 = arith.constant dense<true> : vector<16xi1>
    %masked_sort3A_163, %masked_sort3A_164, %masked_sort3A_165 = tpu.sort %select_n3A_158, %select_n3A_159 masked %masked_sort3A_162 {descending = true} : (vector<16xf32>, vector<16xi32>, vector<16xi1>) -> (vector<16xi1>, vector<16xf32>, vector<16xi32>)
    %masked_sort3A_166 = arith.constant dense<true> : vector<16xi1>
    %masked_sort3A_167, %masked_sort3A_168, %masked_sort3A_169 = tpu.sort %select_n3A_160, %select_n3A_161 masked %masked_sort3A_166 {descending = true} : (vector<16xf32>, vector<16xi32>, vector<16xi1>) -> (vector<16xi1>, vector<16xf32>, vector<16xi32>)
    %rev3A_170 = arith.constant 15 : i32
    %rev3A_171 = vector.broadcast %rev3A_170 : i32 to vector<16xi32>
    %rev3A_172 = tpu.iota {dimensions = array<i32: 0>} : vector<16xi32>
    %rev3A_173 = arith.subi %rev3A_171, %rev3A_172 : vector<16xi32>
    %rev3A_174 = tpu.dynamic_gather %masked_sort3A_102[%rev3A_173] in [0] : vector<16xf32>, vector<16xi32> -> vector<16xf32>
    %rev3A_175 = arith.constant 15 : i32
    %rev3A_176 = vector.broadcast %rev3A_175 : i32 to vector<16xi32>
    %rev3A_177 = tpu.iota {dimensions = array<i32: 0>} : vector<16xi32>
    %rev3A_178 = arith.subi %rev3A_176, %rev3A_177 : vector<16xi32>
    %rev3A_179 = tpu.dynamic_gather %masked_sort3A_103[%rev3A_178] in [0] : vector<16xi32>, vector<16xi32> -> vector<16xi32>
    %ge3A_180 = arith.cmpf oge, %masked_sort3A_98, %rev3A_174 : vector<16xf32>
    %select_n3A_181 = arith.select %ge3A_180, %masked_sort3A_98, %rev3A_174 : vector<16xi1>, vector<16xf32>
    %select_n3A_182 = arith.select %ge3A_180, %masked_sort3A_99, %rev3A_179 : vector<16xi1>, vector<16xi32>
    %select_n3A_183 = arith.select %ge3A_180, %rev3A_174, %masked_sort3A_98 : vector<16xi1>, vector<16xf32>
    %select_n3A_184 = arith.select %ge3A_180, %rev3A_179, %masked_sort3A_99 : vector<16xi1>, vector<16xi32>
    %masked_sort3A_185 = arith.constant dense<true> : vector<16xi1>
    %masked_sort3A_186, %masked_sort3A_187, %masked_sort3A_188 = tpu.sort %select_n3A_181, %select_n3A_182 masked %masked_sort3A_185 {descending = true} : (vector<16xf32>, vector<16xi32>, vector<16xi1>) -> (vector<16xi1>, vector<16xf32>, vector<16xi32>)
    %masked_sort3A_189 = arith.constant dense<true> : vector<16xi1>
    %masked_sort3A_190, %masked_sort3A_191, %masked_sort3A_192 = tpu.sort %select_n3A_183, %select_n3A_184 masked %masked_sort3A_189 {descending = true} : (vector<16xf32>, vector<16xi32>, vector<16xi1>) -> (vector<16xi1>, vector<16xf32>, vector<16xi32>)
    %rev3A_193 = arith.constant 15 : i32
    %rev3A_194 = vector.broadcast %rev3A_193 : i32 to vector<16xi32>
    %rev3A_195 = tpu.iota {dimensions = array<i32: 0>} : vector<16xi32>
    %rev3A_196 = arith.subi %rev3A_194, %rev3A_195 : vector<16xi32>
    %rev3A_197 = tpu.dynamic_gather %masked_sort3A_145[%rev3A_196] in [0] : vector<16xf32>, vector<16xi32> -> vector<16xf32>
    %rev3A_198 = arith.constant 15 : i32
    %rev3A_199 = vector.broadcast %rev3A_198 : i32 to vector<16xi32>
    %rev3A_200 = tpu.iota {dimensions = array<i32: 0>} : vector<16xi32>
    %rev3A_201 = arith.subi %rev3A_199, %rev3A_200 : vector<16xi32>
    %rev3A_202 = tpu.dynamic_gather %masked_sort3A_141[%rev3A_201] in [0] : vector<16xf32>, vector<16xi32> -> vector<16xf32>
    %rev3A_203 = arith.constant 15 : i32
    %rev3A_204 = vector.broadcast %rev3A_203 : i32 to vector<16xi32>
    %rev3A_205 = tpu.iota {dimensions = array<i32: 0>} : vector<16xi32>
    %rev3A_206 = arith.subi %rev3A_204, %rev3A_205 : vector<16xi32>
    %rev3A_207 = tpu.dynamic_gather %masked_sort3A_146[%rev3A_206] in [0] : vector<16xi32>, vector<16xi32> -> vector<16xi32>
    %rev3A_208 = arith.constant 15 : i32
    %rev3A_209 = vector.broadcast %rev3A_208 : i32 to vector<16xi32>
    %rev3A_210 = tpu.iota {dimensions = array<i32: 0>} : vector<16xi32>
    %rev3A_211 = arith.subi %rev3A_209, %rev3A_210 : vector<16xi32>
    %rev3A_212 = tpu.dynamic_gather %masked_sort3A_142[%rev3A_211] in [0] : vector<16xi32>, vector<16xi32> -> vector<16xi32>
    %ge3A_213 = arith.cmpf oge, %masked_sort3A_118, %rev3A_197 : vector<16xf32>
    %select_n3A_214 = arith.select %ge3A_213, %masked_sort3A_118, %rev3A_197 : vector<16xi1>, vector<16xf32>
    %select_n3A_215 = arith.select %ge3A_213, %masked_sort3A_119, %rev3A_207 : vector<16xi1>, vector<16xi32>
    %select_n3A_216 = arith.select %ge3A_213, %rev3A_197, %masked_sort3A_118 : vector<16xi1>, vector<16xf32>
    %select_n3A_217 = arith.select %ge3A_213, %rev3A_207, %masked_sort3A_119 : vector<16xi1>, vector<16xi32>
    %ge3A_218 = arith.cmpf oge, %masked_sort3A_122, %rev3A_202 : vector<16xf32>
    %select_n3A_219 = arith.select %ge3A_218, %masked_sort3A_122, %rev3A_202 : vector<16xi1>, vector<16xf32>
    %select_n3A_220 = arith.select %ge3A_218, %masked_sort3A_123, %rev3A_212 : vector<16xi1>, vector<16xi32>
    %select_n3A_221 = arith.select %ge3A_218, %rev3A_202, %masked_sort3A_122 : vector<16xi1>, vector<16xf32>
    %select_n3A_222 = arith.select %ge3A_218, %rev3A_212, %masked_sort3A_123 : vector<16xi1>, vector<16xi32>
    %ge3A_223 = arith.cmpf oge, %select_n3A_214, %select_n3A_219 : vector<16xf32>
    %select_n3A_224 = arith.select %ge3A_223, %select_n3A_214, %select_n3A_219 : vector<16xi1>, vector<16xf32>
    %select_n3A_225 = arith.select %ge3A_223, %select_n3A_215, %select_n3A_220 : vector<16xi1>, vector<16xi32>
    %select_n3A_226 = arith.select %ge3A_223, %select_n3A_219, %select_n3A_214 : vector<16xi1>, vector<16xf32>
    %select_n3A_227 = arith.select %ge3A_223, %select_n3A_220, %select_n3A_215 : vector<16xi1>, vector<16xi32>
    %ge3A_228 = arith.cmpf oge, %select_n3A_216, %select_n3A_221 : vector<16xf32>
    %select_n3A_229 = arith.select %ge3A_228, %select_n3A_216, %select_n3A_221 : vector<16xi1>, vector<16xf32>
    %select_n3A_230 = arith.select %ge3A_228, %select_n3A_217, %select_n3A_222 : vector<16xi1>, vector<16xi32>
    %select_n3A_231 = arith.select %ge3A_228, %select_n3A_221, %select_n3A_216 : vector<16xi1>, vector<16xf32>
    %select_n3A_232 = arith.select %ge3A_228, %select_n3A_222, %select_n3A_217 : vector<16xi1>, vector<16xi32>
    %masked_sort3A_233 = arith.constant dense<true> : vector<16xi1>
    %masked_sort3A_234, %masked_sort3A_235, %masked_sort3A_236 = tpu.sort %select_n3A_224, %select_n3A_225 masked %masked_sort3A_233 {descending = true} : (vector<16xf32>, vector<16xi32>, vector<16xi1>) -> (vector<16xi1>, vector<16xf32>, vector<16xi32>)
    %masked_sort3A_237 = arith.constant dense<true> : vector<16xi1>
    %masked_sort3A_238, %masked_sort3A_239, %masked_sort3A_240 = tpu.sort %select_n3A_226, %select_n3A_227 masked %masked_sort3A_237 {descending = true} : (vector<16xf32>, vector<16xi32>, vector<16xi1>) -> (vector<16xi1>, vector<16xf32>, vector<16xi32>)
    %masked_sort3A_241 = arith.constant dense<true> : vector<16xi1>
    %masked_sort3A_242, %masked_sort3A_243, %masked_sort3A_244 = tpu.sort %select_n3A_229, %select_n3A_230 masked %masked_sort3A_241 {descending = true} : (vector<16xf32>, vector<16xi32>, vector<16xi1>) -> (vector<16xi1>, vector<16xf32>, vector<16xi32>)
    %masked_sort3A_245 = arith.constant dense<true> : vector<16xi1>
    %masked_sort3A_246, %masked_sort3A_247, %masked_sort3A_248 = tpu.sort %select_n3A_231, %select_n3A_232 masked %masked_sort3A_245 {descending = true} : (vector<16xf32>, vector<16xi32>, vector<16xi1>) -> (vector<16xi1>, vector<16xf32>, vector<16xi32>)
    %rev3A_249 = arith.constant 15 : i32
    %rev3A_250 = vector.broadcast %rev3A_249 : i32 to vector<16xi32>
    %rev3A_251 = tpu.iota {dimensions = array<i32: 0>} : vector<16xi32>
    %rev3A_252 = arith.subi %rev3A_250, %rev3A_251 : vector<16xi32>
    %rev3A_253 = tpu.dynamic_gather %masked_sort3A_191[%rev3A_252] in [0] : vector<16xf32>, vector<16xi32> -> vector<16xf32>
    %rev3A_254 = arith.constant 15 : i32
    %rev3A_255 = vector.broadcast %rev3A_254 : i32 to vector<16xi32>
    %rev3A_256 = tpu.iota {dimensions = array<i32: 0>} : vector<16xi32>
    %rev3A_257 = arith.subi %rev3A_255, %rev3A_256 : vector<16xi32>
    %rev3A_258 = tpu.dynamic_gather %masked_sort3A_187[%rev3A_257] in [0] : vector<16xf32>, vector<16xi32> -> vector<16xf32>
    %rev3A_259 = arith.constant 15 : i32
    %rev3A_260 = vector.broadcast %rev3A_259 : i32 to vector<16xi32>
    %rev3A_261 = tpu.iota {dimensions = array<i32: 0>} : vector<16xi32>
    %rev3A_262 = arith.subi %rev3A_260, %rev3A_261 : vector<16xi32>
    %rev3A_263 = tpu.dynamic_gather %masked_sort3A_192[%rev3A_262] in [0] : vector<16xi32>, vector<16xi32> -> vector<16xi32>
    %rev3A_264 = arith.constant 15 : i32
    %rev3A_265 = vector.broadcast %rev3A_264 : i32 to vector<16xi32>
    %rev3A_266 = tpu.iota {dimensions = array<i32: 0>} : vector<16xi32>
    %rev3A_267 = arith.subi %rev3A_265, %rev3A_266 : vector<16xi32>
    %rev3A_268 = tpu.dynamic_gather %masked_sort3A_188[%rev3A_267] in [0] : vector<16xi32>, vector<16xi32> -> vector<16xi32>
    %ge3A_269 = arith.cmpf oge, %masked_sort3A_164, %rev3A_253 : vector<16xf32>
    %select_n3A_270 = arith.select %ge3A_269, %masked_sort3A_164, %rev3A_253 : vector<16xi1>, vector<16xf32>
    %select_n3A_271 = arith.select %ge3A_269, %masked_sort3A_165, %rev3A_263 : vector<16xi1>, vector<16xi32>
    %select_n3A_272 = arith.select %ge3A_269, %rev3A_253, %masked_sort3A_164 : vector<16xi1>, vector<16xf32>
    %select_n3A_273 = arith.select %ge3A_269, %rev3A_263, %masked_sort3A_165 : vector<16xi1>, vector<16xi32>
    %ge3A_274 = arith.cmpf oge, %masked_sort3A_168, %rev3A_258 : vector<16xf32>
    %select_n3A_275 = arith.select %ge3A_274, %masked_sort3A_168, %rev3A_258 : vector<16xi1>, vector<16xf32>
    %select_n3A_276 = arith.select %ge3A_274, %masked_sort3A_169, %rev3A_268 : vector<16xi1>, vector<16xi32>
    %select_n3A_277 = arith.select %ge3A_274, %rev3A_258, %masked_sort3A_168 : vector<16xi1>, vector<16xf32>
    %select_n3A_278 = arith.select %ge3A_274, %rev3A_268, %masked_sort3A_169 : vector<16xi1>, vector<16xi32>
    %ge3A_279 = arith.cmpf oge, %select_n3A_270, %select_n3A_275 : vector<16xf32>
    %select_n3A_280 = arith.select %ge3A_279, %select_n3A_270, %select_n3A_275 : vector<16xi1>, vector<16xf32>
    %select_n3A_281 = arith.select %ge3A_279, %select_n3A_271, %select_n3A_276 : vector<16xi1>, vector<16xi32>
    %select_n3A_282 = arith.select %ge3A_279, %select_n3A_275, %select_n3A_270 : vector<16xi1>, vector<16xf32>
    %select_n3A_283 = arith.select %ge3A_279, %select_n3A_276, %select_n3A_271 : vector<16xi1>, vector<16xi32>
    %ge3A_284 = arith.cmpf oge, %select_n3A_272, %select_n3A_277 : vector<16xf32>
    %select_n3A_285 = arith.select %ge3A_284, %select_n3A_272, %select_n3A_277 : vector<16xi1>, vector<16xf32>
    %select_n3A_286 = arith.select %ge3A_284, %select_n3A_273, %select_n3A_278 : vector<16xi1>, vector<16xi32>
    %select_n3A_287 = arith.select %ge3A_284, %select_n3A_277, %select_n3A_272 : vector<16xi1>, vector<16xf32>
    %select_n3A_288 = arith.select %ge3A_284, %select_n3A_278, %select_n3A_273 : vector<16xi1>, vector<16xi32>
    %masked_sort3A_289 = arith.constant dense<true> : vector<16xi1>
    %masked_sort3A_290, %masked_sort3A_291, %masked_sort3A_292 = tpu.sort %select_n3A_280, %select_n3A_281 masked %masked_sort3A_289 {descending = true} : (vector<16xf32>, vector<16xi32>, vector<16xi1>) -> (vector<16xi1>, vector<16xf32>, vector<16xi32>)
    %masked_sort3A_293 = arith.constant dense<true> : vector<16xi1>
    %masked_sort3A_294, %masked_sort3A_295, %masked_sort3A_296 = tpu.sort %select_n3A_282, %select_n3A_283 masked %masked_sort3A_293 {descending = true} : (vector<16xf32>, vector<16xi32>, vector<16xi1>) -> (vector<16xi1>, vector<16xf32>, vector<16xi32>)
    %masked_sort3A_297 = arith.constant dense<true> : vector<16xi1>
    %masked_sort3A_298, %masked_sort3A_299, %masked_sort3A_300 = tpu.sort %select_n3A_285, %select_n3A_286 masked %masked_sort3A_297 {descending = true} : (vector<16xf32>, vector<16xi32>, vector<16xi1>) -> (vector<16xi1>, vector<16xf32>, vector<16xi32>)
    %masked_sort3A_301 = arith.constant dense<true> : vector<16xi1>
    %masked_sort3A_302, %masked_sort3A_303, %masked_sort3A_304 = tpu.sort %select_n3A_287, %select_n3A_288 masked %masked_sort3A_301 {descending = true} : (vector<16xf32>, vector<16xi32>, vector<16xi1>) -> (vector<16xi1>, vector<16xf32>, vector<16xi32>)
    %rev3A_305 = arith.constant 15 : i32
    %rev3A_306 = vector.broadcast %rev3A_305 : i32 to vector<16xi32>
    %rev3A_307 = tpu.iota {dimensions = array<i32: 0>} : vector<16xi32>
    %rev3A_308 = arith.subi %rev3A_306, %rev3A_307 : vector<16xi32>
    %rev3A_309 = tpu.dynamic_gather %masked_sort3A_303[%rev3A_308] in [0] : vector<16xf32>, vector<16xi32> -> vector<16xf32>
    %rev3A_310 = arith.constant 15 : i32
    %rev3A_311 = vector.broadcast %rev3A_310 : i32 to vector<16xi32>
    %rev3A_312 = tpu.iota {dimensions = array<i32: 0>} : vector<16xi32>
    %rev3A_313 = arith.subi %rev3A_311, %rev3A_312 : vector<16xi32>
    %rev3A_314 = tpu.dynamic_gather %masked_sort3A_299[%rev3A_313] in [0] : vector<16xf32>, vector<16xi32> -> vector<16xf32>
    %rev3A_315 = arith.constant 15 : i32
    %rev3A_316 = vector.broadcast %rev3A_315 : i32 to vector<16xi32>
    %rev3A_317 = tpu.iota {dimensions = array<i32: 0>} : vector<16xi32>
    %rev3A_318 = arith.subi %rev3A_316, %rev3A_317 : vector<16xi32>
    %rev3A_319 = tpu.dynamic_gather %masked_sort3A_295[%rev3A_318] in [0] : vector<16xf32>, vector<16xi32> -> vector<16xf32>
    %rev3A_320 = arith.constant 15 : i32
    %rev3A_321 = vector.broadcast %rev3A_320 : i32 to vector<16xi32>
    %rev3A_322 = tpu.iota {dimensions = array<i32: 0>} : vector<16xi32>
    %rev3A_323 = arith.subi %rev3A_321, %rev3A_322 : vector<16xi32>
    %rev3A_324 = tpu.dynamic_gather %masked_sort3A_291[%rev3A_323] in [0] : vector<16xf32>, vector<16xi32> -> vector<16xf32>
    %rev3A_325 = arith.constant 15 : i32
    %rev3A_326 = vector.broadcast %rev3A_325 : i32 to vector<16xi32>
    %rev3A_327 = tpu.iota {dimensions = array<i32: 0>} : vector<16xi32>
    %rev3A_328 = arith.subi %rev3A_326, %rev3A_327 : vector<16xi32>
    %rev3A_329 = tpu.dynamic_gather %masked_sort3A_304[%rev3A_328] in [0] : vector<16xi32>, vector<16xi32> -> vector<16xi32>
    %rev3A_330 = arith.constant 15 : i32
    %rev3A_331 = vector.broadcast %rev3A_330 : i32 to vector<16xi32>
    %rev3A_332 = tpu.iota {dimensions = array<i32: 0>} : vector<16xi32>
    %rev3A_333 = arith.subi %rev3A_331, %rev3A_332 : vector<16xi32>
    %rev3A_334 = tpu.dynamic_gather %masked_sort3A_300[%rev3A_333] in [0] : vector<16xi32>, vector<16xi32> -> vector<16xi32>
    %rev3A_335 = arith.constant 15 : i32
    %rev3A_336 = vector.broadcast %rev3A_335 : i32 to vector<16xi32>
    %rev3A_337 = tpu.iota {dimensions = array<i32: 0>} : vector<16xi32>
    %rev3A_338 = arith.subi %rev3A_336, %rev3A_337 : vector<16xi32>
    %rev3A_339 = tpu.dynamic_gather %masked_sort3A_296[%rev3A_338] in [0] : vector<16xi32>, vector<16xi32> -> vector<16xi32>
    %rev3A_340 = arith.constant 15 : i32
    %rev3A_341 = vector.broadcast %rev3A_340 : i32 to vector<16xi32>
    %rev3A_342 = tpu.iota {dimensions = array<i32: 0>} : vector<16xi32>
    %rev3A_343 = arith.subi %rev3A_341, %rev3A_342 : vector<16xi32>
    %rev3A_344 = tpu.dynamic_gather %masked_sort3A_292[%rev3A_343] in [0] : vector<16xi32>, vector<16xi32> -> vector<16xi32>
    %ge3A_345 = arith.cmpf oge, %masked_sort3A_235, %rev3A_309 : vector<16xf32>
    %select_n3A_346 = arith.select %ge3A_345, %masked_sort3A_235, %rev3A_309 : vector<16xi1>, vector<16xf32>
    %select_n3A_347 = arith.select %ge3A_345, %masked_sort3A_236, %rev3A_329 : vector<16xi1>, vector<16xi32>
    %ge3A_348 = arith.cmpf oge, %masked_sort3A_239, %rev3A_314 : vector<16xf32>
    %select_n3A_349 = arith.select %ge3A_348, %masked_sort3A_239, %rev3A_314 : vector<16xi1>, vector<16xf32>
    %select_n3A_350 = arith.select %ge3A_348, %masked_sort3A_240, %rev3A_334 : vector<16xi1>, vector<16xi32>
    %ge3A_351 = arith.cmpf oge, %masked_sort3A_243, %rev3A_319 : vector<16xf32>
    %select_n3A_352 = arith.select %ge3A_351, %masked_sort3A_243, %rev3A_319 : vector<16xi1>, vector<16xf32>
    %select_n3A_353 = arith.select %ge3A_351, %masked_sort3A_244, %rev3A_339 : vector<16xi1>, vector<16xi32>
    %ge3A_354 = arith.cmpf oge, %masked_sort3A_247, %rev3A_324 : vector<16xf32>
    %select_n3A_355 = arith.select %ge3A_354, %masked_sort3A_247, %rev3A_324 : vector<16xi1>, vector<16xf32>
    %select_n3A_356 = arith.select %ge3A_354, %masked_sort3A_248, %rev3A_344 : vector<16xi1>, vector<16xi32>
    %ge3A_357 = arith.cmpf oge, %select_n3A_346, %select_n3A_352 : vector<16xf32>
    %select_n3A_358 = arith.select %ge3A_357, %select_n3A_346, %select_n3A_352 : vector<16xi1>, vector<16xf32>
    %select_n3A_359 = arith.select %ge3A_357, %select_n3A_347, %select_n3A_353 : vector<16xi1>, vector<16xi32>
    %select_n3A_360 = arith.select %ge3A_357, %select_n3A_352, %select_n3A_346 : vector<16xi1>, vector<16xf32>
    %select_n3A_361 = arith.select %ge3A_357, %select_n3A_353, %select_n3A_347 : vector<16xi1>, vector<16xi32>
    %ge3A_362 = arith.cmpf oge, %select_n3A_349, %select_n3A_355 : vector<16xf32>
    %select_n3A_363 = arith.select %ge3A_362, %select_n3A_349, %select_n3A_355 : vector<16xi1>, vector<16xf32>
    %select_n3A_364 = arith.select %ge3A_362, %select_n3A_350, %select_n3A_356 : vector<16xi1>, vector<16xi32>
    %select_n3A_365 = arith.select %ge3A_362, %select_n3A_355, %select_n3A_349 : vector<16xi1>, vector<16xf32>
    %select_n3A_366 = arith.select %ge3A_362, %select_n3A_356, %select_n3A_350 : vector<16xi1>, vector<16xi32>
    %ge3A_367 = arith.cmpf oge, %select_n3A_358, %select_n3A_363 : vector<16xf32>
    %select_n3A_368 = arith.select %ge3A_367, %select_n3A_358, %select_n3A_363 : vector<16xi1>, vector<16xf32>
    %select_n3A_369 = arith.select %ge3A_367, %select_n3A_359, %select_n3A_364 : vector<16xi1>, vector<16xi32>
    %select_n3A_370 = arith.select %ge3A_367, %select_n3A_363, %select_n3A_358 : vector<16xi1>, vector<16xf32>
    %select_n3A_371 = arith.select %ge3A_367, %select_n3A_364, %select_n3A_359 : vector<16xi1>, vector<16xi32>
    %ge3A_372 = arith.cmpf oge, %select_n3A_360, %select_n3A_365 : vector<16xf32>
    %select_n3A_373 = arith.select %ge3A_372, %select_n3A_360, %select_n3A_365 : vector<16xi1>, vector<16xf32>
    %select_n3A_374 = arith.select %ge3A_372, %select_n3A_361, %select_n3A_366 : vector<16xi1>, vector<16xi32>
    %select_n3A_375 = arith.select %ge3A_372, %select_n3A_365, %select_n3A_360 : vector<16xi1>, vector<16xf32>
    %select_n3A_376 = arith.select %ge3A_372, %select_n3A_366, %select_n3A_361 : vector<16xi1>, vector<16xi32>
    %masked_sort3A_377 = arith.constant dense<true> : vector<16xi1>
    %masked_sort3A_378, %masked_sort3A_379, %masked_sort3A_380 = tpu.sort %select_n3A_368, %select_n3A_369 masked %masked_sort3A_377 {descending = true} : (vector<16xf32>, vector<16xi32>, vector<16xi1>) -> (vector<16xi1>, vector<16xf32>, vector<16xi32>)
    %masked_sort3A_381 = arith.constant dense<true> : vector<16xi1>
    %masked_sort3A_382, %masked_sort3A_383, %masked_sort3A_384 = tpu.sort %select_n3A_370, %select_n3A_371 masked %masked_sort3A_381 {descending = true} : (vector<16xf32>, vector<16xi32>, vector<16xi1>) -> (vector<16xi1>, vector<16xf32>, vector<16xi32>)
    %masked_sort3A_385 = arith.constant dense<true> : vector<16xi1>
    %masked_sort3A_386, %masked_sort3A_387, %masked_sort3A_388 = tpu.sort %select_n3A_373, %select_n3A_374 masked %masked_sort3A_385 {descending = true} : (vector<16xf32>, vector<16xi32>, vector<16xi1>) -> (vector<16xi1>, vector<16xf32>, vector<16xi32>)
    %masked_sort3A_389 = arith.constant dense<true> : vector<16xi1>
    %masked_sort3A_390, %masked_sort3A_391, %masked_sort3A_392 = tpu.sort %select_n3A_375, %select_n3A_376 masked %masked_sort3A_389 {descending = true} : (vector<16xf32>, vector<16xi32>, vector<16xi1>) -> (vector<16xi1>, vector<16xf32>, vector<16xi32>)
    %swap3A_393 = arith.constant 0 : index
    %swap3A_394 = tpu.vector_load %arg8[%swap3A_393] {strides = array<i32>} : memref<64xf32, #tpu.memory_space<vmem>>, vector<16xf32>,
    tpu.vector_store %arg8[%swap3A_393], %masked_sort3A_379 {strides = array<i32>} : memref<64xf32, #tpu.memory_space<vmem>>, vector<16xf32>,
    %and3A = arith.constant 8191 : i32
    %and3A_395 = vector.broadcast %and3A : i32 to vector<16xi32>
    %and3A_396 = arith.andi %masked_sort3A_380, %and3A_395 : vector<16xi32>
    %mul3A_397 = arith.constant 4 : i32
    %mul3A_398 = vector.broadcast %mul3A_397 : i32 to vector<16xi32>
    %mul3A_399 = arith.muli %and3A_396, %mul3A_398 : vector<16xi32>
    %shift_right_arithmetic3A = arith.constant 13 : i32
    %shift_right_arithmetic3A_400 = vector.broadcast %shift_right_arithmetic3A : i32 to vector<16xi32>
    %shift_right_arithmetic3A_401 = arith.shrsi %masked_sort3A_380, %shift_right_arithmetic3A_400 : vector<16xi32>
    %add3A_402 = arith.addi %mul3A_399, %shift_right_arithmetic3A_401 : vector<16xi32>
    %swap3A_403 = arith.constant 0 : index
    %swap3A_404 = tpu.vector_load %arg9[%swap3A_403] {strides = array<i32>} : memref<64xi32, #tpu.memory_space<vmem>>, vector<16xi32>,
    tpu.vector_store %arg9[%swap3A_403], %add3A_402 {strides = array<i32>} : memref<64xi32, #tpu.memory_space<vmem>>, vector<16xi32>,
    %swap3A_405 = arith.constant 16 : index
    %swap3A_406 = tpu.vector_load %arg8[%swap3A_405] {strides = array<i32>} : memref<64xf32, #tpu.memory_space<vmem>>, vector<16xf32>,
    tpu.vector_store %arg8[%swap3A_405], %masked_sort3A_383 {strides = array<i32>} : memref<64xf32, #tpu.memory_space<vmem>>, vector<16xf32>,
    %and3A_407 = arith.constant 8191 : i32
    %and3A_408 = vector.broadcast %and3A_407 : i32 to vector<16xi32>
    %and3A_409 = arith.andi %masked_sort3A_384, %and3A_408 : vector<16xi32>
    %mul3A_410 = arith.constant 4 : i32
    %mul3A_411 = vector.broadcast %mul3A_410 : i32 to vector<16xi32>
    %mul3A_412 = arith.muli %and3A_409, %mul3A_411 : vector<16xi32>
    %shift_right_arithmetic3A_413 = arith.constant 13 : i32
    %shift_right_arithmetic3A_414 = vector.broadcast %shift_right_arithmetic3A_413 : i32 to vector<16xi32>
    %shift_right_arithmetic3A_415 = arith.shrsi %masked_sort3A_384, %shift_right_arithmetic3A_414 : vector<16xi32>
    %add3A_416 = arith.addi %mul3A_412, %shift_right_arithmetic3A_415 : vector<16xi32>
    %swap3A_417 = arith.constant 16 : index
    %swap3A_418 = tpu.vector_load %arg9[%swap3A_417] {strides = array<i32>} : memref<64xi32, #tpu.memory_space<vmem>>, vector<16xi32>,
    tpu.vector_store %arg9[%swap3A_417], %add3A_416 {strides = array<i32>} : memref<64xi32, #tpu.memory_space<vmem>>, vector<16xi32>,
    %swap3A_419 = arith.constant 32 : index
    %swap3A_420 = tpu.vector_load %arg8[%swap3A_419] {strides = array<i32>} : memref<64xf32, #tpu.memory_space<vmem>>, vector<16xf32>,
    tpu.vector_store %arg8[%swap3A_419], %masked_sort3A_387 {strides = array<i32>} : memref<64xf32, #tpu.memory_space<vmem>>, vector<16xf32>,
    %and3A_421 = arith.constant 8191 : i32
    %and3A_422 = vector.broadcast %and3A_421 : i32 to vector<16xi32>
    %and3A_423 = arith.andi %masked_sort3A_388, %and3A_422 : vector<16xi32>
    %mul3A_424 = arith.constant 4 : i32
    %mul3A_425 = vector.broadcast %mul3A_424 : i32 to vector<16xi32>
    %mul3A_426 = arith.muli %and3A_423, %mul3A_425 : vector<16xi32>
    %shift_right_arithmetic3A_427 = arith.constant 13 : i32
    %shift_right_arithmetic3A_428 = vector.broadcast %shift_right_arithmetic3A_427 : i32 to vector<16xi32>
    %shift_right_arithmetic3A_429 = arith.shrsi %masked_sort3A_388, %shift_right_arithmetic3A_428 : vector<16xi32>
    %add3A_430 = arith.addi %mul3A_426, %shift_right_arithmetic3A_429 : vector<16xi32>
    %swap3A_431 = arith.constant 32 : index
    %swap3A_432 = tpu.vector_load %arg9[%swap3A_431] {strides = array<i32>} : memref<64xi32, #tpu.memory_space<vmem>>, vector<16xi32>,
    tpu.vector_store %arg9[%swap3A_431], %add3A_430 {strides = array<i32>} : memref<64xi32, #tpu.memory_space<vmem>>, vector<16xi32>,
    %swap3A_433 = arith.constant 48 : index
    %swap3A_434 = tpu.vector_load %arg8[%swap3A_433] {strides = array<i32>} : memref<64xf32, #tpu.memory_space<vmem>>, vector<16xf32>,
    tpu.vector_store %arg8[%swap3A_433], %masked_sort3A_391 {strides = array<i32>} : memref<64xf32, #tpu.memory_space<vmem>>, vector<16xf32>,
    %and3A_435 = arith.constant 8191 : i32
    %and3A_436 = vector.broadcast %and3A_435 : i32 to vector<16xi32>
    %and3A_437 = arith.andi %masked_sort3A_392, %and3A_436 : vector<16xi32>
    %mul3A_438 = arith.constant 4 : i32
    %mul3A_439 = vector.broadcast %mul3A_438 : i32 to vector<16xi32>
    %mul3A_440 = arith.muli %and3A_437, %mul3A_439 : vector<16xi32>
    %shift_right_arithmetic3A_441 = arith.constant 13 : i32
    %shift_right_arithmetic3A_442 = vector.broadcast %shift_right_arithmetic3A_441 : i32 to vector<16xi32>
    %shift_right_arithmetic3A_443 = arith.shrsi %masked_sort3A_392, %shift_right_arithmetic3A_442 : vector<16xi32>
    %add3A_444 = arith.addi %mul3A_440, %shift_right_arithmetic3A_443 : vector<16xi32>
    %swap3A_445 = arith.constant 48 : index
    %swap3A_446 = tpu.vector_load %arg9[%swap3A_445] {strides = array<i32>} : memref<64xi32, #tpu.memory_space<vmem>>, vector<16xi32>,
    tpu.vector_store %arg9[%swap3A_445], %add3A_444 {strides = array<i32>} : memref<64xi32, #tpu.memory_space<vmem>>, vector<16xi32>,
    "tpu.region"() ({
      %run_scoped3A = tpu.sem_alloc : memref<!tpu.dma_semaphore, #tpu.memory_space<semaphore_mem>>
      %dma_start3A = arith.constant 0 : i32
      %dma_start3A_447 = tpu.memref_slice %arg3[%add3A, %dma_start3A] : memref<32x64xf32, #tpu.memory_space<hbm>> -> memref<1x64xf32, #tpu.memory_space<hbm>>
      %dma_start3A_448 = tpu.memref_squeeze %dma_start3A_447 : memref<1x64xf32, #tpu.memory_space<hbm>> -> memref<64xf32, #tpu.memory_space<hbm>>
      %dma_start3A_449 = arith.constant 0 : i32
      %dma_start3A_450 = tpu.memref_slice %arg3[%add3A, %dma_start3A_449] : memref<32x64xf32, #tpu.memory_space<hbm>> -> memref<1x64xf32, #tpu.memory_space<hbm>>
      %dma_start3A_451 = tpu.memref_squeeze %dma_start3A_450 : memref<1x64xf32, #tpu.memory_space<hbm>> -> memref<64xf32, #tpu.memory_space<hbm>>
      tpu.enqueue_dma source(%arg8 : memref<64xf32, #tpu.memory_space<vmem>>) target(%dma_start3A_451 : memref<64xf32, #tpu.memory_space<hbm>>) target_semaphore(%run_scoped3A : memref<!tpu.dma_semaphore, #tpu.memory_space<semaphore_mem>>)
      %dma_wait3A = arith.constant 0 : i32
      %dma_wait3A_452 = tpu.memref_slice %arg3[%add3A, %dma_wait3A] : memref<32x64xf32, #tpu.memory_space<hbm>> -> memref<1x64xf32, #tpu.memory_space<hbm>>
      %dma_wait3A_453 = tpu.memref_squeeze %dma_wait3A_452 : memref<1x64xf32, #tpu.memory_space<hbm>> -> memref<64xf32, #tpu.memory_space<hbm>>
      %dma_wait3A_454 = arith.constant 0 : i32
      %dma_wait3A_455 = tpu.memref_slice %arg3[%add3A, %dma_wait3A_454] : memref<32x64xf32, #tpu.memory_space<hbm>> -> memref<1x64xf32, #tpu.memory_space<hbm>>
      %dma_wait3A_456 = tpu.memref_squeeze %dma_wait3A_455 : memref<1x64xf32, #tpu.memory_space<hbm>> -> memref<64xf32, #tpu.memory_space<hbm>>
      tpu.wait_dma2 semaphore(%run_scoped3A : memref<!tpu.dma_semaphore, #tpu.memory_space<semaphore_mem>>) src(%arg8 : memref<64xf32, #tpu.memory_space<vmem>>) dst(%dma_wait3A_456 : memref<64xf32, #tpu.memory_space<hbm>>)
      tpu.yield
    }) : () -> ()
    "tpu.region"() ({
      %run_scoped3A = tpu.sem_alloc : memref<!tpu.dma_semaphore, #tpu.memory_space<semaphore_mem>>
      %dma_start3A = arith.constant 0 : i32
      %dma_start3A_447 = tpu.memref_slice %arg4[%add3A, %dma_start3A] : memref<32x64xi32, #tpu.memory_space<hbm>> -> memref<1x64xi32, #tpu.memory_space<hbm>>
      %dma_start3A_448 = tpu.memref_squeeze %dma_start3A_447 : memref<1x64xi32, #tpu.memory_space<hbm>> -> memref<64xi32, #tpu.memory_space<hbm>>
      %dma_start3A_449 = arith.constant 0 : i32
      %dma_start3A_450 = tpu.memref_slice %arg4[%add3A, %dma_start3A_449] : memref<32x64xi32, #tpu.memory_space<hbm>> -> memref<1x64xi32, #tpu.memory_space<hbm>>
      %dma_start3A_451 = tpu.memref_squeeze %dma_start3A_450 : memref<1x64xi32, #tpu.memory_space<hbm>> -> memref<64xi32, #tpu.memory_space<hbm>>
      tpu.enqueue_dma source(%arg9 : memref<64xi32, #tpu.memory_space<vmem>>) target(%dma_start3A_451 : memref<64xi32, #tpu.memory_space<hbm>>) target_semaphore(%run_scoped3A : memref<!tpu.dma_semaphore, #tpu.memory_space<semaphore_mem>>)
      %dma_wait3A = arith.constant 0 : i32
      %dma_wait3A_452 = tpu.memref_slice %arg4[%add3A, %dma_wait3A] : memref<32x64xi32, #tpu.memory_space<hbm>> -> memref<1x64xi32, #tpu.memory_space<hbm>>
      %dma_wait3A_453 = tpu.memref_squeeze %dma_wait3A_452 : memref<1x64xi32, #tpu.memory_space<hbm>> -> memref<64xi32, #tpu.memory_space<hbm>>
      %dma_wait3A_454 = arith.constant 0 : i32
      %dma_wait3A_455 = tpu.memref_slice %arg4[%add3A, %dma_wait3A_454] : memref<32x64xi32, #tpu.memory_space<hbm>> -> memref<1x64xi32, #tpu.memory_space<hbm>>
      %dma_wait3A_456 = tpu.memref_squeeze %dma_wait3A_455 : memref<1x64xi32, #tpu.memory_space<hbm>> -> memref<64xi32, #tpu.memory_space<hbm>>
      tpu.wait_dma2 semaphore(%run_scoped3A : memref<!tpu.dma_semaphore, #tpu.memory_space<semaphore_mem>>) src(%arg9 : memref<64xi32, #tpu.memory_space<vmem>>) dst(%dma_wait3A_456 : memref<64xi32, #tpu.memory_space<hbm>>)
      tpu.yield
    }) : () -> ()
    return
  }
}

module attributes {stable_mosaic.version = 14 : i64} {
  func.func @_score_kernel(%arg0: i32, %arg1: memref<32x512x128xf32, #tpu.memory_space<vmem>>, %arg2: memref<128x64xf32, #tpu.memory_space<vmem>>, %arg3: memref<64x32xf32, #tpu.memory_space<vmem>>, %arg4: memref<32x4xf32, #tpu.memory_space<vmem>>, %arg5: memref<64xf32, #tpu.memory_space<vmem>>, %arg6: memref<32xf32, #tpu.memory_space<vmem>>, %arg7: memref<4xf32, #tpu.memory_space<vmem>>, %arg8: memref<64x4xf32, #tpu.memory_space<vmem>>, %arg9: memref<32x4xf32, #tpu.memory_space<vmem>>, %arg10: memref<512x4xf32, #tpu.memory_space<vmem>>, %arg11: memref<512x4xf32, #tpu.memory_space<vmem>>, %arg12: memref<512x4xf32, #tpu.memory_space<vmem>>, %arg13: memref<512x4xf32, #tpu.memory_space<vmem>>, %arg14: memref<32x4x512xf32, #tpu.memory_space<vmem>>) attributes {dimension_semantics = [#tpu.dimension_semantics<arbitrary>], iteration_bounds = array<i64: 16>, scalar_prefetch = 0 : i64, scratch_operands = 0 : i64, tpu.core_type = #tpu.core_type<tc>, window_params = [{transform_indices = @transform_0, window_bounds = array<i64: 32, 512, 128>}, {pipeline_mode = #tpu.pipeline_mode<synchronous>, transform_indices = @transform_1, window_bounds = array<i64: 128, 64>}, {pipeline_mode = #tpu.pipeline_mode<synchronous>, transform_indices = @transform_2, window_bounds = array<i64: 64, 32>}, {pipeline_mode = #tpu.pipeline_mode<synchronous>, transform_indices = @transform_3, window_bounds = array<i64: 32, 4>}, {pipeline_mode = #tpu.pipeline_mode<synchronous>, transform_indices = @transform_4, window_bounds = array<i64: 64>}, {pipeline_mode = #tpu.pipeline_mode<synchronous>, transform_indices = @transform_5, window_bounds = array<i64: 32>}, {pipeline_mode = #tpu.pipeline_mode<synchronous>, transform_indices = @transform_6, window_bounds = array<i64: 4>}, {pipeline_mode = #tpu.pipeline_mode<synchronous>, transform_indices = @transform_7, window_bounds = array<i64: 64, 4>}, {pipeline_mode = #tpu.pipeline_mode<synchronous>, transform_indices = @transform_8, window_bounds = array<i64: 32, 4>}, {transform_indices = @transform_9, window_bounds = array<i64: 512, 4>}, {transform_indices = @transform_10, window_bounds = array<i64: 512, 4>}, {transform_indices = @transform_11, window_bounds = array<i64: 512, 4>}, {transform_indices = @transform_12, window_bounds = array<i64: 512, 4>}, {transform_indices = @transform_13, window_bounds = array<i64: 32, 4, 512>}]} {
    %get3A = arith.constant 0 : index
    %get3A_0 = arith.constant 0 : index
    %get3A_1 = arith.constant 0 : index
    %get3A_2 = vector.load %arg1[%get3A, %get3A_0, %get3A_1] : memref<32x512x128xf32, #tpu.memory_space<vmem>>, vector<32x512x128xf32>
    %reshape3A = vector.shape_cast %get3A_2 : vector<32x512x128xf32> to vector<16384x128xf32>
    %convert_element_type3A = arith.truncf %reshape3A : vector<16384x128xf32> to vector<16384x128xbf16>
    %get3A_3 = arith.constant 0 : index
    %get3A_4 = arith.constant 0 : index
    %get3A_5 = vector.load %arg2[%get3A_3, %get3A_4] : memref<128x64xf32, #tpu.memory_space<vmem>>, vector<128x64xf32>
    %convert_element_type3A_6 = arith.truncf %get3A_5 : vector<128x64xf32> to vector<128x64xbf16>
    %dot_general3A = arith.constant dense<0.000000e+00> : vector<16384x64xf32>
    %dot_general3A_7 = tpu.matmul %convert_element_type3A, %convert_element_type3A_6, %dot_general3A {dimension_numbers = #tpu.dot_dimension_numbers<[1], [0], [0], [1], [0, 0, 1, 1], [], []>, transpose_lhs_hint = false} : vector<16384x128xbf16>, vector<128x64xbf16>, vector<16384x64xf32> -> vector<16384x64xf32>
    %get3A_8 = arith.constant 0 : index
    %get3A_9 = vector.load %arg5[%get3A_8] : memref<64xf32, #tpu.memory_space<vmem>>, vector<64xf32>
    %broadcast_in_dim3A = vector.shape_cast %get3A_9 : vector<64xf32> to vector<1x64xf32>
    %add3A = vector.broadcast %broadcast_in_dim3A : vector<1x64xf32> to vector<16384x64xf32>
    %add3A_10 = arith.addf %dot_general3A_7, %add3A : vector<16384x64xf32>
    %reshape3A_11 = vector.shape_cast %add3A_10 : vector<16384x64xf32> to vector<32x512x64xf32>
    %reduce_sum3A = arith.constant dense<0.000000e+00> : vector<512x64xf32>
    %reduce_sum3A_12 = vector.multi_reduction <add>, %reshape3A_11, %reduce_sum3A [0] : vector<32x512x64xf32> to vector<512x64xf32>
    %mul3A = arith.mulf %reshape3A_11, %reshape3A_11 : vector<32x512x64xf32>
    %reduce_sum3A_13 = arith.constant dense<0.000000e+00> : vector<512x64xf32>
    %reduce_sum3A_14 = vector.multi_reduction <add>, %mul3A, %reduce_sum3A_13 [0] : vector<32x512x64xf32> to vector<512x64xf32>
    %get3A_15 = arith.constant 0 : index
    %get3A_16 = arith.constant 0 : index
    %get3A_17 = vector.load %arg8[%get3A_15, %get3A_16] : memref<64x4xf32, #tpu.memory_space<vmem>>, vector<64x4xf32>
    %dot_general3A_18 = arith.constant dense<0.000000e+00> : vector<512x4xf32>
    %dot_general3A_19 = tpu.matmul %reduce_sum3A_12, %get3A_17, %dot_general3A_18 {dimension_numbers = #tpu.dot_dimension_numbers<[1], [0], [0], [1], [0, 0, 1, 1], [], []>, precision = #tpu.contract_precision<fp32>, transpose_lhs_hint = false} : vector<512x64xf32>, vector<64x4xf32>, vector<512x4xf32> -> vector<512x4xf32>
    %div3A = arith.constant 5.120000e+02 : f32
    %div3A_20 = vector.broadcast %div3A : f32 to vector<512x4xf32>
    %div3A_21 = arith.divf %dot_general3A_19, %div3A_20 : vector<512x4xf32>
    %dot_general3A_22 = arith.constant dense<0.000000e+00> : vector<512x4xf32>
    %dot_general3A_23 = tpu.matmul %reduce_sum3A_14, %get3A_17, %dot_general3A_22 {dimension_numbers = #tpu.dot_dimension_numbers<[1], [0], [0], [1], [0, 0, 1, 1], [], []>, precision = #tpu.contract_precision<fp32>, transpose_lhs_hint = false} : vector<512x64xf32>, vector<64x4xf32>, vector<512x4xf32> -> vector<512x4xf32>
    %div3A_24 = arith.constant 5.120000e+02 : f32
    %div3A_25 = vector.broadcast %div3A_24 : f32 to vector<512x4xf32>
    %div3A_26 = arith.divf %dot_general3A_23, %div3A_25 : vector<512x4xf32>
    %mul3A_27 = arith.mulf %div3A_21, %div3A_21 : vector<512x4xf32>
    %sub3A = arith.subf %div3A_26, %mul3A_27 : vector<512x4xf32>
    %add3A_28 = arith.constant 9.99999974E-6 : f32
    %add3A_29 = vector.broadcast %add3A_28 : f32 to vector<512x4xf32>
    %add3A_30 = arith.addf %sub3A, %add3A_29 : vector<512x4xf32>
    %sqrt3A = math.sqrt %add3A_30 : vector<512x4xf32>
    %div3A_31 = arith.constant 1.000000e+00 : f32
    %div3A_32 = vector.broadcast %div3A_31 : f32 to vector<512x4xf32>
    %div3A_33 = arith.divf %div3A_32, %sqrt3A : vector<512x4xf32>
    %get3A_34 = arith.constant 0 : index
    %get3A_35 = arith.constant 0 : index
    %get3A_36 = vector.load %arg10[%get3A_34, %get3A_35] : memref<512x4xf32, #tpu.memory_space<vmem>>, vector<512x4xf32>
    %mul3A_37 = arith.mulf %get3A_36, %div3A_33 : vector<512x4xf32>
    %get3A_38 = arith.constant 0 : index
    %get3A_39 = arith.constant 0 : index
    %get3A_40 = vector.load %arg11[%get3A_38, %get3A_39] : memref<512x4xf32, #tpu.memory_space<vmem>>, vector<512x4xf32>
    %mul3A_41 = arith.mulf %div3A_21, %mul3A_37 : vector<512x4xf32>
    %sub3A_42 = arith.subf %get3A_40, %mul3A_41 : vector<512x4xf32>
    %transpose3A = tpu.transpose %get3A_17, [1, 0] : vector<64x4xf32> -> vector<4x64xf32>
    %dot_general3A_43 = arith.constant dense<0.000000e+00> : vector<512x64xf32>
    %dot_general3A_44 = tpu.matmul %mul3A_37, %transpose3A, %dot_general3A_43 {dimension_numbers = #tpu.dot_dimension_numbers<[1], [0], [0], [1], [0, 0, 1, 1], [], []>, precision = #tpu.contract_precision<fp32>, transpose_lhs_hint = false} : vector<512x4xf32>, vector<4x64xf32>, vector<512x64xf32> -> vector<512x64xf32>
    %dot_general3A_45 = arith.constant dense<0.000000e+00> : vector<512x64xf32>
    %dot_general3A_46 = tpu.matmul %sub3A_42, %transpose3A, %dot_general3A_45 {dimension_numbers = #tpu.dot_dimension_numbers<[1], [0], [0], [1], [0, 0, 1, 1], [], []>, precision = #tpu.contract_precision<fp32>, transpose_lhs_hint = false} : vector<512x4xf32>, vector<4x64xf32>, vector<512x64xf32> -> vector<512x64xf32>
    %broadcast_in_dim3A_47 = vector.shape_cast %dot_general3A_44 : vector<512x64xf32> to vector<1x512x64xf32>
    %mul3A_48 = vector.broadcast %broadcast_in_dim3A_47 : vector<1x512x64xf32> to vector<32x512x64xf32>
    %mul3A_49 = arith.mulf %reshape3A_11, %mul3A_48 : vector<32x512x64xf32>
    %broadcast_in_dim3A_50 = vector.shape_cast %dot_general3A_46 : vector<512x64xf32> to vector<1x512x64xf32>
    %add3A_51 = vector.broadcast %broadcast_in_dim3A_50 : vector<1x512x64xf32> to vector<32x512x64xf32>
    %add3A_52 = arith.addf %mul3A_49, %add3A_51 : vector<32x512x64xf32>
    %max3A = arith.constant 0.000000e+00 : f32
    %max3A_53 = vector.broadcast %max3A : f32 to vector<32x512x64xf32>
    %max3A_54 = arith.maximumf %add3A_52, %max3A_53 : vector<32x512x64xf32>
    %reshape3A_55 = vector.shape_cast %max3A_54 : vector<32x512x64xf32> to vector<16384x64xf32>
    %convert_element_type3A_56 = arith.truncf %reshape3A_55 : vector<16384x64xf32> to vector<16384x64xbf16>
    %get3A_57 = arith.constant 0 : index
    %get3A_58 = arith.constant 0 : index
    %get3A_59 = vector.load %arg3[%get3A_57, %get3A_58] : memref<64x32xf32, #tpu.memory_space<vmem>>, vector<64x32xf32>
    %convert_element_type3A_60 = arith.truncf %get3A_59 : vector<64x32xf32> to vector<64x32xbf16>
    %dot_general3A_61 = arith.constant dense<0.000000e+00> : vector<16384x32xf32>
    %dot_general3A_62 = tpu.matmul %convert_element_type3A_56, %convert_element_type3A_60, %dot_general3A_61 {dimension_numbers = #tpu.dot_dimension_numbers<[1], [0], [0], [1], [0, 0, 1, 1], [], []>, transpose_lhs_hint = false} : vector<16384x64xbf16>, vector<64x32xbf16>, vector<16384x32xf32> -> vector<16384x32xf32>
    %get3A_63 = arith.constant 0 : index
    %get3A_64 = vector.load %arg6[%get3A_63] : memref<32xf32, #tpu.memory_space<vmem>>, vector<32xf32>
    %broadcast_in_dim3A_65 = vector.shape_cast %get3A_64 : vector<32xf32> to vector<1x32xf32>
    %add3A_66 = vector.broadcast %broadcast_in_dim3A_65 : vector<1x32xf32> to vector<16384x32xf32>
    %add3A_67 = arith.addf %dot_general3A_62, %add3A_66 : vector<16384x32xf32>
    %reshape3A_68 = vector.shape_cast %add3A_67 : vector<16384x32xf32> to vector<32x512x32xf32>
    %reduce_sum3A_69 = arith.constant dense<0.000000e+00> : vector<512x32xf32>
    %reduce_sum3A_70 = vector.multi_reduction <add>, %reshape3A_68, %reduce_sum3A_69 [0] : vector<32x512x32xf32> to vector<512x32xf32>
    %mul3A_71 = arith.mulf %reshape3A_68, %reshape3A_68 : vector<32x512x32xf32>
    %reduce_sum3A_72 = arith.constant dense<0.000000e+00> : vector<512x32xf32>
    %reduce_sum3A_73 = vector.multi_reduction <add>, %mul3A_71, %reduce_sum3A_72 [0] : vector<32x512x32xf32> to vector<512x32xf32>
    %get3A_74 = arith.constant 0 : index
    %get3A_75 = arith.constant 0 : index
    %get3A_76 = vector.load %arg9[%get3A_74, %get3A_75] : memref<32x4xf32, #tpu.memory_space<vmem>>, vector<32x4xf32>
    %dot_general3A_77 = arith.constant dense<0.000000e+00> : vector<512x4xf32>
    %dot_general3A_78 = tpu.matmul %reduce_sum3A_70, %get3A_76, %dot_general3A_77 {dimension_numbers = #tpu.dot_dimension_numbers<[1], [0], [0], [1], [0, 0, 1, 1], [], []>, precision = #tpu.contract_precision<fp32>, transpose_lhs_hint = false} : vector<512x32xf32>, vector<32x4xf32>, vector<512x4xf32> -> vector<512x4xf32>
    %div3A_79 = arith.constant 2.560000e+02 : f32
    %div3A_80 = vector.broadcast %div3A_79 : f32 to vector<512x4xf32>
    %div3A_81 = arith.divf %dot_general3A_78, %div3A_80 : vector<512x4xf32>
    %dot_general3A_82 = arith.constant dense<0.000000e+00> : vector<512x4xf32>
    %dot_general3A_83 = tpu.matmul %reduce_sum3A_73, %get3A_76, %dot_general3A_82 {dimension_numbers = #tpu.dot_dimension_numbers<[1], [0], [0], [1], [0, 0, 1, 1], [], []>, precision = #tpu.contract_precision<fp32>, transpose_lhs_hint = false} : vector<512x32xf32>, vector<32x4xf32>, vector<512x4xf32> -> vector<512x4xf32>
    %div3A_84 = arith.constant 2.560000e+02 : f32
    %div3A_85 = vector.broadcast %div3A_84 : f32 to vector<512x4xf32>
    %div3A_86 = arith.divf %dot_general3A_83, %div3A_85 : vector<512x4xf32>
    %mul3A_87 = arith.mulf %div3A_81, %div3A_81 : vector<512x4xf32>
    %sub3A_88 = arith.subf %div3A_86, %mul3A_87 : vector<512x4xf32>
    %add3A_89 = arith.constant 9.99999974E-6 : f32
    %add3A_90 = vector.broadcast %add3A_89 : f32 to vector<512x4xf32>
    %add3A_91 = arith.addf %sub3A_88, %add3A_90 : vector<512x4xf32>
    %sqrt3A_92 = math.sqrt %add3A_91 : vector<512x4xf32>
    %div3A_93 = arith.constant 1.000000e+00 : f32
    %div3A_94 = vector.broadcast %div3A_93 : f32 to vector<512x4xf32>
    %div3A_95 = arith.divf %div3A_94, %sqrt3A_92 : vector<512x4xf32>
    %get3A_96 = arith.constant 0 : index
    %get3A_97 = arith.constant 0 : index
    %get3A_98 = vector.load %arg12[%get3A_96, %get3A_97] : memref<512x4xf32, #tpu.memory_space<vmem>>, vector<512x4xf32>
    %mul3A_99 = arith.mulf %get3A_98, %div3A_95 : vector<512x4xf32>
    %get3A_100 = arith.constant 0 : index
    %get3A_101 = arith.constant 0 : index
    %get3A_102 = vector.load %arg13[%get3A_100, %get3A_101] : memref<512x4xf32, #tpu.memory_space<vmem>>, vector<512x4xf32>
    %mul3A_103 = arith.mulf %div3A_81, %mul3A_99 : vector<512x4xf32>
    %sub3A_104 = arith.subf %get3A_102, %mul3A_103 : vector<512x4xf32>
    %transpose3A_105 = tpu.transpose %get3A_76, [1, 0] : vector<32x4xf32> -> vector<4x32xf32>
    %dot_general3A_106 = arith.constant dense<0.000000e+00> : vector<512x32xf32>
    %dot_general3A_107 = tpu.matmul %mul3A_99, %transpose3A_105, %dot_general3A_106 {dimension_numbers = #tpu.dot_dimension_numbers<[1], [0], [0], [1], [0, 0, 1, 1], [], []>, precision = #tpu.contract_precision<fp32>, transpose_lhs_hint = false} : vector<512x4xf32>, vector<4x32xf32>, vector<512x32xf32> -> vector<512x32xf32>
    %dot_general3A_108 = arith.constant dense<0.000000e+00> : vector<512x32xf32>
    %dot_general3A_109 = tpu.matmul %sub3A_104, %transpose3A_105, %dot_general3A_108 {dimension_numbers = #tpu.dot_dimension_numbers<[1], [0], [0], [1], [0, 0, 1, 1], [], []>, precision = #tpu.contract_precision<fp32>, transpose_lhs_hint = false} : vector<512x4xf32>, vector<4x32xf32>, vector<512x32xf32> -> vector<512x32xf32>
    %broadcast_in_dim3A_110 = vector.shape_cast %dot_general3A_107 : vector<512x32xf32> to vector<1x512x32xf32>
    %mul3A_111 = vector.broadcast %broadcast_in_dim3A_110 : vector<1x512x32xf32> to vector<32x512x32xf32>
    %mul3A_112 = arith.mulf %reshape3A_68, %mul3A_111 : vector<32x512x32xf32>
    %broadcast_in_dim3A_113 = vector.shape_cast %dot_general3A_109 : vector<512x32xf32> to vector<1x512x32xf32>
    %add3A_114 = vector.broadcast %broadcast_in_dim3A_113 : vector<1x512x32xf32> to vector<32x512x32xf32>
    %add3A_115 = arith.addf %mul3A_112, %add3A_114 : vector<32x512x32xf32>
    %max3A_116 = arith.constant 0.000000e+00 : f32
    %max3A_117 = vector.broadcast %max3A_116 : f32 to vector<32x512x32xf32>
    %max3A_118 = arith.maximumf %add3A_115, %max3A_117 : vector<32x512x32xf32>
    %reshape3A_119 = vector.shape_cast %max3A_118 : vector<32x512x32xf32> to vector<16384x32xf32>
    %convert_element_type3A_120 = arith.truncf %reshape3A_119 : vector<16384x32xf32> to vector<16384x32xbf16>
    %get3A_121 = arith.constant 0 : index
    %get3A_122 = arith.constant 0 : index
    %get3A_123 = vector.load %arg4[%get3A_121, %get3A_122] : memref<32x4xf32, #tpu.memory_space<vmem>>, vector<32x4xf32>
    %convert_element_type3A_124 = arith.truncf %get3A_123 : vector<32x4xf32> to vector<32x4xbf16>
    %dot_general3A_125 = arith.constant dense<0.000000e+00> : vector<16384x4xf32>
    %dot_general3A_126 = tpu.matmul %convert_element_type3A_120, %convert_element_type3A_124, %dot_general3A_125 {dimension_numbers = #tpu.dot_dimension_numbers<[1], [0], [0], [1], [0, 0, 1, 1], [], []>, transpose_lhs_hint = false} : vector<16384x32xbf16>, vector<32x4xbf16>, vector<16384x4xf32> -> vector<16384x4xf32>
    %get3A_127 = arith.constant 0 : index
    %get3A_128 = vector.load %arg7[%get3A_127] : memref<4xf32, #tpu.memory_space<vmem>>, vector<4xf32>
    %broadcast_in_dim3A_129 = vector.shape_cast %get3A_128 : vector<4xf32> to vector<1x4xf32>
    %add3A_130 = vector.broadcast %broadcast_in_dim3A_129 : vector<1x4xf32> to vector<16384x4xf32>
    %add3A_131 = arith.addf %dot_general3A_126, %add3A_130 : vector<16384x4xf32>
    %reshape3A_132 = vector.shape_cast %add3A_131 : vector<16384x4xf32> to vector<32x512x4xf32>
    %transpose3A_133 = tpu.transpose %reshape3A_132, [0, 2, 1] : vector<32x512x4xf32> -> vector<32x4x512xf32>
    %swap3A = arith.constant 0 : index
    %swap3A_134 = arith.constant 0 : index
    %swap3A_135 = arith.constant 0 : index
    %swap3A_136 = vector.load %arg14[%swap3A, %swap3A_134, %swap3A_135] : memref<32x4x512xf32, #tpu.memory_space<vmem>>, vector<32x4x512xf32>
    tpu.vector_store %arg14[%swap3A, %swap3A_134, %swap3A_135], %transpose3A_133 {strides = array<i32>} : memref<32x4x512xf32, #tpu.memory_space<vmem>>, vector<32x4x512xf32>,
    return
  }
  func.func @transform_0(%arg0: i32) -> (i32, i32, i32) {
    %c0_i32 = arith.constant 0 : i32
    %c0_i32_0 = arith.constant 0 : i32
    %c0_i32_1 = arith.constant 0 : i32
    return %c0_i32, %arg0, %c0_i32_0 : i32, i32, i32
  }
  func.func @transform_1(%arg0: i32) -> (i32, i32) {
    %c0_i32 = arith.constant 0 : i32
    %c0_i32_0 = arith.constant 0 : i32
    %c0_i32_1 = arith.constant 0 : i32
    return %c0_i32, %c0_i32_0 : i32, i32
  }
  func.func @transform_2(%arg0: i32) -> (i32, i32) {
    %c0_i32 = arith.constant 0 : i32
    %c0_i32_0 = arith.constant 0 : i32
    %c0_i32_1 = arith.constant 0 : i32
    return %c0_i32, %c0_i32_0 : i32, i32
  }
  func.func @transform_3(%arg0: i32) -> (i32, i32) {
    %c0_i32 = arith.constant 0 : i32
    %c0_i32_0 = arith.constant 0 : i32
    %c0_i32_1 = arith.constant 0 : i32
    return %c0_i32, %c0_i32_0 : i32, i32
  }
  func.func @transform_4(%arg0: i32) -> i32 {
    %c0_i32 = arith.constant 0 : i32
    %c0_i32_0 = arith.constant 0 : i32
    return %c0_i32 : i32
  }
  func.func @transform_5(%arg0: i32) -> i32 {
    %c0_i32 = arith.constant 0 : i32
    %c0_i32_0 = arith.constant 0 : i32
    return %c0_i32 : i32
  }
  func.func @transform_6(%arg0: i32) -> i32 {
    %c0_i32 = arith.constant 0 : i32
    %c0_i32_0 = arith.constant 0 : i32
    return %c0_i32 : i32
  }
  func.func @transform_7(%arg0: i32) -> (i32, i32) {
    %c0_i32 = arith.constant 0 : i32
    %c0_i32_0 = arith.constant 0 : i32
    %c0_i32_1 = arith.constant 0 : i32
    return %c0_i32, %c0_i32_0 : i32, i32
  }
  func.func @transform_8(%arg0: i32) -> (i32, i32) {
    %c0_i32 = arith.constant 0 : i32
    %c0_i32_0 = arith.constant 0 : i32
    %c0_i32_1 = arith.constant 0 : i32
    return %c0_i32, %c0_i32_0 : i32, i32
  }
  func.func @transform_9(%arg0: i32) -> (i32, i32) {
    %c0_i32 = arith.constant 0 : i32
    %c0_i32_0 = arith.constant 0 : i32
    return %arg0, %c0_i32 : i32, i32
  }
  func.func @transform_10(%arg0: i32) -> (i32, i32) {
    %c0_i32 = arith.constant 0 : i32
    %c0_i32_0 = arith.constant 0 : i32
    return %arg0, %c0_i32 : i32, i32
  }
  func.func @transform_11(%arg0: i32) -> (i32, i32) {
    %c0_i32 = arith.constant 0 : i32
    %c0_i32_0 = arith.constant 0 : i32
    return %arg0, %c0_i32 : i32, i32
  }
  func.func @transform_12(%arg0: i32) -> (i32, i32) {
    %c0_i32 = arith.constant 0 : i32
    %c0_i32_0 = arith.constant 0 : i32
    return %arg0, %c0_i32 : i32, i32
  }
  func.func @transform_13(%arg0: i32) -> (i32, i32, i32) {
    %c0_i32 = arith.constant 0 : i32
    %c0_i32_0 = arith.constant 0 : i32
    %c0_i32_1 = arith.constant 0 : i32
    return %c0_i32, %c0_i32_0, %arg0 : i32, i32, i32
  }
}

</mosaic_0001>

<sc_bundles>
// kernel: gather_offload_async_start.1
scs
__scs_entry_jumppad:
0x0: {  	(pc) =	sbr.rel $0x88, $3  }
0x1: {  	(tag) =	ssettag $0x0;
	lr =	simm.s32 $0x1  }
0x2: {  	[smem:$0x3F96] =	sst lr;
	_ =	strace $0xD0000000  }
0x3: {  	_ = 	snop  }
0x4: {  	_ = 	snop  }
0x5: {  	_ = 	snop  }
0x6: {  	_ = 	snop  }
0x7: {  	_ = 	snop  }
__scs_overlays_trampoline_lowered:
0x8: {  	[smem:$0x3FA5] =	sst s0  }
0x9: {  	[smem:$0x3FA6] =	sst s1  }
0xa: {  	[smem:$0x3FA7] =	sst s2  }
0xb: {  	[smem:$0x3FA8] =	sst s3  }
0xc: {  	[smem:$0x3FA9] =	sst s4  }
0xd: {  	[smem:$0x3FAA] =	sst s5  }
0xe: {  	[smem:$0x3FAB] =	sst s6  }
0xf: {  	[smem:$0x3FAC] =	sst s7  }
0x10: {  	[smem:$0x3FAD] =	sst s8  }
0x11: {  	[smem:$0x3FAE] =	sst s9;
	s0 =	simm.s32 @!p0 $0x0  }
0x12: {  	s1 =	sld [smem:$0x3F94];
	s0 =	simm.s32 @p0 $0x1  }
0x13: {  	[smem:$0x3FAF] =	sst s0;
	s0 =	simm.s32 @!p1 $0x0  }
0x14: {  	s2 =	sld [smem:$0x3F93];
	s0 =	simm.s32 @p1 $0x1  }
0x15: {  	[smem:$0x3FB0] =	sst s0;
	s0 =	simm.s32 @!p2 $0x0  }
0x16: {  	s3 =	sld [smem:$0x3FDB];
	s0 =	simm.s32 @p2 $0x1  }
0x17: {  	s4 =	simm.s32 $0x1BF5;
	[smem:$0x3FB2] =	sst s0  }
0x18: {  	s0 =	sld [smem:$0x3F95];
	_ =	swait.ge [sflag:s4], $0x0  }
0x19: {  	s7 =	sld [smem:$0x3F96]  }
0x1a: {  	s8 =	sadd.s32 $0xFFFFE003, lr  }
0x1b: {  	s9 =	sadd.s32 $0xFFFFFEF7, lr;
	s5 =	simm.s32 $0xFFFFFFFF;
	p2 =	slt.u32 s8, $0xFFFFF086  }
0x1c: {  	p1 =	slt.u32 s9, $0xF7A;
	s5 =	simm.s32 @!p2 $0x0  }
0x1d: {  	s5 =	simm.s32 @p1 $0x1;
	p0 =	seq.s32 s7, s2  }
0x1e: {  	s7 =	smul.u32 @!p0 $0xF7A, s2;
	p2 =	seq.s32 @!p0 s5, $0x0  }
0x1f: {  	s9 =	smul.u32 $0xF7A, s1;
	s8 =	simm.s32 @!p0 $0x1BF5;
	p2 =	por !p2, p0  }
0x20: {  	[sflag:s8] =	ssyncset.s32 @!p0 $0xFFFFF086;
	s6 =	sadd.s32 @!p0 s3, s7;
	s7 =	simm.s32 @!p0 $0x108  }
0x21: {  	s3 =	sadd.s32 s3, s9;
	s6 =	sadd.s32 @!p0 $0x88, s6;
	s7 =	simm.s32 @p2 $0x1082  }
0x22: {  	[simem:s7], [sflag:s8] =	dma.local @!p0 [hbm:s6], $0xF7A  }
0x23: {  	s9 =	sor.u32 $0xD0000000, s2;
	s6 =	simm.s32 $0x108;
	_ =	swait.ge @!p0 [sflag:s8], $0x0  }
0x24: {  	s3 =	sadd.s32 $0x88, s3;
	s6 =	simm.s32 @!p1 $0x1082;
	[sflag:s4] =	ssyncset.s32 $0xFFFFF086  }
0x25: {  	[simem:s6], [sflag:s4] =	dma.local [hbm:s3], $0xF7A  }
0x26: {  	[smem:$0x3F96] =	sst s1;
	(tag) =	ssettag s2;
	_ =	strace s9  }
0x27: {  	s1 =	sld [smem:$0x3FA6]  }
0x28: {  	s2 =	sld [smem:$0x3FA7]  }
0x29: {  	s4 =	sld [smem:$0x3FA9]  }
0x2a: {  	p0 =	seq.s32 s5, $0x0;
	s5 =	sld [smem:$0x3FAA]  }
0x2b: {  	s6 =	sld [smem:$0x3FAB]  }
0x2c: {  	s7 =	sld [smem:$0x3FAC]  }
0x2d: {  	s3 =	simm.s32 $0x108;
	s8 =	sld [smem:$0x3FAD]  }
0x2e: {  	s3 =	simm.s32 @!p0 $0x1082;
	s9 =	sld [smem:$0x3FAE]  }
0x2f: {  	lr =	sadd.s32 s0, s3;
	s0 =	sld [smem:$0x3FA5]  }
0x30: {  	s3 =	sld [smem:$0x3FA8]  }
0x31: {  	[smem:$0x3FB1] =	sst s10  }
0x32: {  	s10 =	sld [smem:$0x3FAF];
	_ =	sdelay $0x3  }
0x33: {  	p0 =	seq.s32 s10, $0x1;
	s10 =	sld [smem:$0x3FB1];
	_ =	sdelay $0x3  }
0x34: {  	[smem:$0x3FB1] =	sst s10  }
0x35: {  	s10 =	sld [smem:$0x3FB0];
	_ =	sdelay $0x3  }
0x36: {  	p1 =	seq.s32 s10, $0x1;
	s10 =	sld [smem:$0x3FB1];
	_ =	sdelay $0x3  }
0x37: {  	[smem:$0x3FB1] =	sst s10  }
0x38: {  	s10 =	sld [smem:$0x3FB2]  }
0x39: {  	_ = 	snop;
	(pc) =	sbr.ind lr, $3  }
0x3a: {  	_ = 	snop  }
0x3b: {  	_ = 	snop  }
0x3c: {  	p2 =	seq.s32 s10, $0x1;
	s10 =	sld [smem:$0x3FB1]  }
0x3d: {  	_ =	shalt  }
0x3e: {  	_ =	shalt  }
0x3f: {  	_ =	shalt  }
0x40: {  	_ =	shalt  }
0x41: {  	_ =	shalt  }
0x42: {  	_ =	shalt  }
0x43: {  	_ =	shalt  }
0x44: {  	_ =	shalt  }
0x45: {  	_ =	shalt  }
0x46: {  	_ =	shalt  }
0x47: {  	_ =	shalt  }
0x48: {  	_ =	shalt  }
0x49: {  	_ =	shalt  }
0x4a: {  	_ =	shalt  }
0x4b: {  	_ =	shalt  }
0x4c: {  	_ =	shalt  }
0x4d: {  	_ =	shalt  }
0x4e: {  	_ =	shalt  }
0x4f: {  	_ =	shalt  }
0x50: {  	_ =	shalt  }
0x51: {  	_ =	shalt  }
0x52: {  	_ =	shalt  }
0x53: {  	_ =	shalt  }
0x54: {  	_ =	shalt  }
0x55: {  	_ =	shalt  }
0x56: {  	_ =	shalt  }
0x57: {  	_ =	shalt  }
0x58: {  	_ =	shalt  }
0x59: {  	_ =	shalt  }
0x5a: {  	_ =	shalt  }
0x5b: {  	_ =	shalt  }
0x5c: {  	_ =	shalt  }
0x5d: {  	_ =	shalt  }
0x5e: {  	_ =	shalt  }
0x5f: {  	_ =	shalt  }
0x60: {  	_ =	shalt  }
0x61: {  	_ =	shalt  }
0x62: {  	_ =	shalt  }
0x63: {  	_ =	shalt  }
0x64: {  	_ =	shalt  }
0x65: {  	_ =	shalt  }
0x66: {  	_ =	shalt  }
0x67: {  	_ =	shalt  }
0x68: {  	_ =	shalt  }
0x69: {  	_ =	shalt  }
0x6a: {  	_ =	shalt  }
0x6b: {  	_ =	shalt  }
0x6c: {  	_ =	shalt  }
0x6d: {  	_ =	shalt  }
0x6e: {  	_ =	shalt  }
0x6f: {  	_ =	shalt  }
0x70: {  	_ =	shalt  }
0x71: {  	_ =	shalt  }
0x72: {  	_ =	shalt  }
0x73: {  	_ =	shalt  }
0x74: {  	_ =	shalt  }
0x75: {  	_ =	shalt  }
0x76: {  	_ =	shalt  }
0x77: {  	_ =	shalt  }
0x78: {  	_ =	shalt  }
0x79: {  	_ =	shalt  }
0x7a: {  	_ =	shalt  }
0x7b: {  	_ =	shalt  }
0x7c: {  	_ =	shalt  }
0x7d: {  	_ =	shalt  }
0x7e: {  	_ =	shalt  }
0x7f: {  	_ =	shalt  }
0x80: {  	_ =	shalt  }
0x81: {  	_ =	shalt  }
0x82: {  	_ =	shalt  }
0x83: {  	_ =	shalt  }
0x84: {  	_ =	shalt  }
0x85: {  	_ =	shalt  }
0x86: {  	_ =	shalt  }
0x87: {  	_ =	shalt  }
.Lfunc_end0:
.L_simem_size_0:
called_computation.1_lowered:
.L_overlay_start_0:
0x88: {  	s2 =	sld [smem:$0x3FD9]  }
0x89: {  	s3 =	sld [smem:$0x3FFE];
	_ =	sdelay $0x1  }
0x8a: {  	s1 =	srdreg.scid  }
0x8b: {  	s0 =	sand.u32 $0x1, s1  }
0x8c: {  	s14 =	sshll.u32 s0, $0xA;
	s2 =	sadd.s32 s3, s2  }
0x8d: {  	s2 =	sadd.s32 s2, s14  }
0x8e: {  	[smem:$0x3FBD] =	sst s2  }
0x8f: {  	_ = 	snop  }
0x90: {  	s2 =	sld [smem:$0x3FD0];
	_ =	sdelay $0x2  }
0x91: {  	s4 =	simm.s32 $0xB;
	s5 =	simm.s32 $0x10;
	s15 =	sld [smem:$0x3FC5]  }
0x92: {  	[smem:s5], [sflag:s4] =	dma.local [hbm:s2], $0x1  }
0x93: {  	_ =	swait.eq [sflag:s4], $0x1  }
0x94: {  	[sflag:s4] =	ssyncset.done $0x0  }
0x95: {  	[sflag:s4] =	ssyncadd.s32 $0xFFFFFFFF  }
0x96: {  	s16 =	sld [smem:$0x11];
	(tm) =	ssettm $0x1  }
0x97: {  	s17 =	sld [smem:$0x3FFB];
	_ =	sdelay $0x3  }
0x98: {  	_ =	strace s17  }
0x99: {  	s4 =	sld [smem:$0x3FFC];
	_ =	sdelay $0x3  }
0x9a: {  	_ =	strace s4  }
0x9b: {  	s4 =	sld [smem:$0x3FFD];
	_ =	sdelay $0x3  }
0x9c: {  	_ =	strace s4  }
0x9d: {  	_ =	strace $0x8FFFFFFF  }
0x9e: {  	s18 =	sld [smem:$0x3FDB];
	_ =	sdelay $0x1  }
0x9f: {  	s19 =	simm.s32 $_scs_section_size  }
0xa0: {  	s6 =	simm.s32 $_size__tile_overlayer_lowered;
	s7 =	simm.s32 $_tile_overlayer_lowered  }
0xa1: {  	s22 =	simm.s32 $0x1BFF;
	s21 =	sshll.u32 s7, $0x1;
	s4 =	sadd.s32 s19, s18  }
0xa2: {  	s8 =	simm.s32 $0x0;
	s20 =	sshll.u32 s6, $0x1;
	s6 =	sadd.s32 s21, s4  }
0xa3: {  	[timem:s8], [sflag:s22] =	dma.local [hbm:s6], s20  }
0xa4: {  	_ =	swait.ge [sflag:s22], s20  }
0xa5: {  	s5 =	ssub.s32 $0x0, s20;
	[sflag:s22] =	ssyncset.done $0x0  }
0xa6: {  	[sflag:s22] =	ssyncadd.s32 s5;
	_ =	sdelay $0x1  }
0xa7: {  	s23 =	simm.s32 $0x1B8B  }
0xa8: {  	_ =	swait.ge [sflag:s23], $0x1  }
0xa9: {  	[sflag:s23] =	ssyncset.done $0x0  }
0xaa: {  	s25 =	simm.s32 $0x1B8E;
	s24 =	sld [smem:$0x3FFE];
	[sflag:s23] =	ssyncadd.s32 $0xFFFFFFFF  }
0xab: {  	s26 =	simm.s32 $execute0_lowered;
	[smem:$0x3FD2] =	sst s25  }
0xac: {  	s6 =	sshll.u32 s26, $0x1;
	_ =	strace $0x80000049;
	[dreg:$0x1] =	wrdreg $0xFFFFFFFF  }
0xad: {  	s28 =	simm.s32 $_size_execute0_lowered;
	s4 =	sadd.s32 s4, s6;
	[dreg:$0x0] =	wrdreg $0x0  }
0xae: {  	s6 =	sshll.u32 s28, $0x1;
	[dreg:$0x2] =	wrdreg s4  }
0xaf: {  	[dreg:$0x3] =	wrdreg s6  }
0xb0: {  	[dreg:$0x4] =	wrdreg $0xC0  }
0xb1: {  	_ =	task [dreg:s8], $0x5FFFF  }
0xb2: {  	[dreg:$0x1] =	wrdreg $0xFFFFFFFF  }
0xb3: {  	[dreg:$0x0] =	wrdreg $0x60  }
0xb4: {  	[dreg:$0x2] =	wrdreg s15  }
0xb5: {  	[dreg:$0x3] =	wrdreg s16  }
0xb6: {  	[dreg:$0x4] =	wrdreg s24  }
0xb7: {  	[dreg:$0x5] =	wrdreg $0xA  }
0xb8: {  	_ =	task.clear_ibuf [dreg:s8], $0x6FFFF;
	_ =	strace $0x90000049  }
0xb9: {  	s29 =	simm.s32 $0xA;
	_ =	strace $0x8000004B  }
0xba: {  	_ =	swait.ge [sflag:s29], $0x1  }
0xbb: {  	[sflag:s29] =	ssyncadd.s32 $0xFFFFFFFF  }
0xbc: {  	_ =	strace $0x9000004B  }
0xbd: {  	_ =	sfence  }
0xbe: {  	s30 =	sld [smem:$0x0];
	_ =	sdelay $0x2  }
0xbf: {  	s31 =	sshll.u32 s1, $0xD;
	s1 =	sshrl.u32 s1, $0x2  }
0xc0: {  	s3 =	sand.u32 $0x4000, s31;
	s1 =	sadd.s32 s1, s30  }
0xc1: {  	s0 =	sor.u32 s3, s0;
	s1 =	sshll.u32 s1, $0x11  }
0xc2: {  	s0 =	sor.u32 s1, s0  }
0xc3: {  	s0 =	sadd.s32 $0x8F2B, s0  }
0xc4: {  	[sflag:s0] =	ssyncadd.remote.s32 $0x1  }
0xc5: {  	_ =	sfence.sel $0xFFFF  }
0xc6: {  	[dreg:$0x0] =	wrdreg $0xFFFFFFFF;
	(pc) =	sbr.abs _section_cstart, $3  }
0xc7: {  	[dreg:$0x1] =	wrdreg $0xFFFFFFFF  }
0xc8: {  	_ =	task.clear_ibuf [dreg:s8], $0x2FFFF;
	_ =	strace $0x9FFFFFFF  }
0xc9: {  	(tm) =	ssettm $0x7FFFFFFF  }
tec
execute0_lowered:
.L_overlay_start_1:
0x0: {  	(tag) =	ssettag $0x1  }
0x1: {  	s1 =	srdreg.scid;
	s2 =	rddreg [dreg:$0x0]  }
0x2: {  	s0 =	stileid.u32;
	s3 =	rddreg [dreg:$0x1];
	s1 =	sshll.u32 s1, $0x5  }
0x3: {  	s6 =	rddreg [dreg:$0x2];
	s4 =	sshll.u32 s0, $0x6;
	s1 =	sand.u32 $0x20, s1  }
0x4: {  	s7 =	simm.s32 $0x1;
	s30 =	simm.s32 $0x2;
	s4 =	sor.u32 s4, s1  }
0x5: {  	s31 =	simm.s32 $0x3;
	s11 =	simm.s32 $0x0;
	s5 =	ssub.s32 $0x800, s4  }
0x6: {  	s9 =	simm.s32 $0x0;
	s6 =	sadd.s32 $0x600, s6;
	s8 =	sand.u32 $0x3E0, s5  }
0x7: {  	s1 =	rddreg [dreg:$0x3];
	_ =	strace $0x8000004A;
	p0 =	sne.s32 s8, $0x0  }
0x8: {  	[sflag:s7] =	ssyncpa.u1 $0x0;
	s5 =	sshrl.u32 s5, $0xA;
	s7 =	simm.s32 @!p0 $0x0  }
0x9: {  	s10 =	smov.u32 s4;
	[sflag:s30] =	ssyncpa.u1 $0x0;
	s5 =	sadd.s32 s7, s5  }
0xa: {  	[sflag:s31] =	ssyncpa.u1 $0x0;
	s8 =	simm.s32 $0x0;
	s7 =	sadd.s32 $0x1, s5  }
.LBB2_1:
0xb: {  	p0 =	sge.u32 s9, s5  }
0xc: {  	s31 =	sadd.s32 $0xFFFFFFFF, s9;
	s12 =	sxor.u32 @!p0 $0xFFFFFFFF, s8;
	s13 =	sshrl.u32 @!p0 s10, $0x3  }
0xd: {  	s14 =	sand.u32 @!p0 $0x7, s10;
	s12 =	sand.u32 @!p0 $0x20, s12;
	s13 =	sadd.s32 @!p0 s3, s13  }
0xe: {  	[tilespmem:s12], [sflag:$0x2] =	stream.linear.gather @!p0 [hbm4b:s13+s14], $0x20, $0x38;
	[tilespmem:$0x80] =	vst v63  }
0xf: {  	p0 =	sge.u32 s31, s5  }
0x10: {  	s12 =	simm.s32 @!p0 $0x2  }
0x11: {  	_ =	swait.ge @!p0 [sflag:s12], $0x20  }
0x12: {  	[sflag:s12] =	ssyncset.done @!p0 $0x0  }
0x13: {  	[sflag:s12] =	ssyncadd.s32 @!p0 $0xFFFFFFE0;
	s12 =	sand.u32 @!p0 $0x20, s8  }
0x14: {  	(ifvalue) =	ssetifvalue @!p0 $0x7FFFFFFF;
	v0 =	vld.msk @!p0 [tilespmem:s12+$0x0 ss:$0x1], $0xffff;
	_ =	sdelay $0x4  }
0x15: {  	vm0 =	vgt.s32 @!p0 v0, $0x0  }
0x16: {  	v0 =	vnsel @!p0 vm0, $0x0, v0  }
0x17: {  	v0 =	vmin.u32 @!p0 v0, $0x7FFF;
	_ =	sdelay $0x2  }
0x18: {  	s14 =	simm.s32 @!p0 $0x0  }
0x19: {  	s13 =	sor.u32 @!p0 $0x40, s12;
	(ifvalue) =	ssetifvalue @!p0 $0x7FFFFFFF;
	s15 =	sor.u32 @!p0 $0x10, s12;
	vm0 =	vmmov @!p0 $0xffff  }
0x1a: {  	[tilespmem:s13], [sflag:$0x1] =	stream.indirect_vreg.gather @!p0 [hbm4b:s2+s14], $0x1, v0, vm0, $0x4038;
	[tilespmem:$0x80] =	vst v63  }
0x1b: {  	v0 =	vld.msk @!p0 [tilespmem:s15+$0x0 ss:$0x1], $0xffff;
	_ =	sdelay $0x4  }
0x1c: {  	vm1 =	vgt.s32 @!p0 v0, $0x0  }
0x1d: {  	v0 =	vnsel @!p0 vm1, $0x0, v0  }
0x1e: {  	v0 =	vmin.u32 @!p0 v0, $0x7FFF;
	_ =	sdelay $0x3  }
0x1f: {  	s12 =	sor.u32 @!p0 $0x50, s12;
	(ifvalue) =	ssetifvalue @!p0 $0x7FFFFFFF  }
0x20: {  	[tilespmem:s12], [sflag:$0x1] =	stream.indirect_vreg.gather @!p0 [hbm4b:s2+s14], $0x1, v0, vm0, $0x4038;
	[tilespmem:$0x80] =	vst v63  }
0x21: {  	s12 =	simm.s32 @!p0 $0x1  }
0x22: {  	_ =	swait.ge @!p0 [sflag:s12], $0x20  }
0x23: {  	s14 =	sshrl.u32 @!p0 s11, $0x3;
	[sflag:s12] =	ssyncset.done @!p0 $0x0  }
0x24: {  	s11 =	sand.u32 @!p0 $0x7, s11;
	[sflag:s12] =	ssyncadd.s32 @!p0 $0xFFFFFFE0;
	s12 =	sadd.s32 @!p0 s6, s14  }
0x25: {  	[hbm4b:s12+s11] =	stream.linear.scatter @!p0 [tilespmem:s13], [sflag:$0x3], $0x20, $0x38;
	[tilespmem:$0x80] =	vst v63  }
0x26: {  	s13 =	sadd.s32 $0x400, s10  }
0x27: {  	p1 =	sgt.s32 s13, $0x7FF  }
0x28: {  	s13 =	smov.u32 @p1 s4;
	p1 =	sne.s32 s9, s7  }
.Ltmp0:
0x29: {  	p0 =	slt.u32 s9, $0x2;
	(pc) =	sbr.rel @p1 .LBB2_1-.Ltmp0, $4  }
0x2a: {  	s12 =	simm.s32 @!p0 $0x3  }
0x2b: {  	_ =	swait.ge @!p0 [sflag:s12], $0x20  }
0x2c: {  	s8 =	sadd.s32 $0x20, s8;
	s11 =	smov.u32 s10;
	[sflag:s12] =	ssyncset.done @!p0 $0x0  }
0x2d: {  	s9 =	sadd.s32 $0x1, s9;
	s10 =	smov.u32 s13;
	[sflag:s12] =	ssyncadd.s32 @!p0 $0xFFFFFFE0  }
0x2e: {  	_ =	sfence.sel $0x180000  }
0x2f: {  	s2 =	simm.s32 $0x2;
	[bflag:$0x0] =	sbarrier.arrive $0xFFFF  }
0x30: {  	s30 =	simm.s32 $0x3;
	[sflag:s2] =	ssyncpa.u1 $0x1  }
0x31: {  	s31 =	simm.s32 $0x1;
	[sflag:s30] =	ssyncpa.u1 $0x1  }
0x32: {  	[sflag:s31] =	ssyncpa.u1 $0x1  }
0x33: {  	p0 =	sne.s32 s0, $0x0;
	_ =	strace $0x9000004A  }
0x34: {  	s0 =	sadd.s32 @!p0 $0x100000, s1;
	[bflag:$0x2] =	sbarrier.arrive $0xFFFF  }
0x35: {  	[sflag:s0] =	ssyncadd.tile.s32 @!p0 $0x1;
	_ =	shalt  }
.Lfunc_end2:
_tile_overlayer_lowered:
.L_overlay_start_2:
0x36: {  	(tag) =	ssettag $0x2  }
0x37: {  	s0 =	rddreg [dreg:$0x0];
	s2 =	stileid.u32  }
0x38: {  	s1 =	rddreg [dreg:$0x1];
	p0 =	sne.s32 s2, $0x0  }
0x39: {  	s3 =	rddreg [dreg:$0x2];
	[bflag:$0x3] =	sbarrier.arrive $0xFFFF;
	s2 =	simm.s32 @!p0 $0x1C01  }
0x3a: {  	[timem:s3], [sflag:s2] =	dma.local @!p0 [hbm:s0], s1  }
0x3b: {  	s0 =	simm.s32 @!p0 $0x1  }
0x3c: {  	_ =	swait.ge @!p0 [sflag:s0], s1  }
0x3d: {  	s1 =	ssub.s32 @!p0 $0x0, s1;
	[sflag:s0] =	ssyncset.done @!p0 $0x0  }
0x3e: {  	[sflag:s0] =	ssyncadd.s32 @!p0 s1  }
0x3f: {  	[bflag:$0x3] =	sbarrier.arrive $0xFFFF  }
0x40: {  	_ =	shalt  }

// kernel: gather_offload_async_start.2
scs
__scs_entry_jumppad:
0x0: {  	(pc) =	sbr.rel $0x88, $3  }
0x1: {  	(tag) =	ssettag $0x0;
	lr =	simm.s32 $0x1  }
0x2: {  	[smem:$0x3F96] =	sst lr;
	_ =	strace $0xD0000000  }
0x3: {  	_ = 	snop  }
0x4: {  	_ = 	snop  }
0x5: {  	_ = 	snop  }
0x6: {  	_ = 	snop  }
0x7: {  	_ = 	snop  }
__scs_overlays_trampoline_lowered:
0x8: {  	[smem:$0x3FA5] =	sst s0  }
0x9: {  	[smem:$0x3FA6] =	sst s1  }
0xa: {  	[smem:$0x3FA7] =	sst s2  }
0xb: {  	[smem:$0x3FA8] =	sst s3  }
0xc: {  	[smem:$0x3FA9] =	sst s4  }
0xd: {  	[smem:$0x3FAA] =	sst s5  }
0xe: {  	[smem:$0x3FAB] =	sst s6  }
0xf: {  	[smem:$0x3FAC] =	sst s7  }
0x10: {  	[smem:$0x3FAD] =	sst s8  }
0x11: {  	[smem:$0x3FAE] =	sst s9;
	s0 =	simm.s32 @!p0 $0x0  }
0x12: {  	s1 =	sld [smem:$0x3F94];
	s0 =	simm.s32 @p0 $0x1  }
0x13: {  	[smem:$0x3FAF] =	sst s0;
	s0 =	simm.s32 @!p1 $0x0  }
0x14: {  	s2 =	sld [smem:$0x3F93];
	s0 =	simm.s32 @p1 $0x1  }
0x15: {  	[smem:$0x3FB0] =	sst s0;
	s0 =	simm.s32 @!p2 $0x0  }
0x16: {  	s3 =	sld [smem:$0x3FDB];
	s0 =	simm.s32 @p2 $0x1  }
0x17: {  	s4 =	simm.s32 $0x1BF5;
	[smem:$0x3FB2] =	sst s0  }
0x18: {  	s0 =	sld [smem:$0x3F95];
	_ =	swait.ge [sflag:s4], $0x0  }
0x19: {  	s7 =	sld [smem:$0x3F96]  }
0x1a: {  	s8 =	sadd.s32 $0xFFFFE003, lr  }
0x1b: {  	s9 =	sadd.s32 $0xFFFFFEF7, lr;
	s5 =	simm.s32 $0xFFFFFFFF;
	p2 =	slt.u32 s8, $0xFFFFF086  }
0x1c: {  	p1 =	slt.u32 s9, $0xF7A;
	s5 =	simm.s32 @!p2 $0x0  }
0x1d: {  	s5 =	simm.s32 @p1 $0x1;
	p0 =	seq.s32 s7, s2  }
0x1e: {  	s7 =	smul.u32 @!p0 $0xF7A, s2;
	p2 =	seq.s32 @!p0 s5, $0x0  }
0x1f: {  	s9 =	smul.u32 $0xF7A, s1;
	s8 =	simm.s32 @!p0 $0x1BF5;
	p2 =	por !p2, p0  }
0x20: {  	[sflag:s8] =	ssyncset.s32 @!p0 $0xFFFFF086;
	s6 =	sadd.s32 @!p0 s3, s7;
	s7 =	simm.s32 @!p0 $0x108  }
0x21: {  	s3 =	sadd.s32 s3, s9;
	s6 =	sadd.s32 @!p0 $0x88, s6;
	s7 =	simm.s32 @p2 $0x1082  }
0x22: {  	[simem:s7], [sflag:s8] =	dma.local @!p0 [hbm:s6], $0xF7A  }
0x23: {  	s9 =	sor.u32 $0xD0000000, s2;
	s6 =	simm.s32 $0x108;
	_ =	swait.ge @!p0 [sflag:s8], $0x0  }
0x24: {  	s3 =	sadd.s32 $0x88, s3;
	s6 =	simm.s32 @!p1 $0x1082;
	[sflag:s4] =	ssyncset.s32 $0xFFFFF086  }
0x25: {  	[simem:s6], [sflag:s4] =	dma.local [hbm:s3], $0xF7A  }
0x26: {  	[smem:$0x3F96] =	sst s1;
	(tag) =	ssettag s2;
	_ =	strace s9  }
0x27: {  	s1 =	sld [smem:$0x3FA6]  }
0x28: {  	s2 =	sld [smem:$0x3FA7]  }
0x29: {  	s4 =	sld [smem:$0x3FA9]  }
0x2a: {  	p0 =	seq.s32 s5, $0x0;
	s5 =	sld [smem:$0x3FAA]  }
0x2b: {  	s6 =	sld [smem:$0x3FAB]  }
0x2c: {  	s7 =	sld [smem:$0x3FAC]  }
0x2d: {  	s3 =	simm.s32 $0x108;
	s8 =	sld [smem:$0x3FAD]  }
0x2e: {  	s3 =	simm.s32 @!p0 $0x1082;
	s9 =	sld [smem:$0x3FAE]  }
0x2f: {  	lr =	sadd.s32 s0, s3;
	s0 =	sld [smem:$0x3FA5]  }
0x30: {  	s3 =	sld [smem:$0x3FA8]  }
0x31: {  	[smem:$0x3FB1] =	sst s10  }
0x32: {  	s10 =	sld [smem:$0x3FAF];
	_ =	sdelay $0x3  }
0x33: {  	p0 =	seq.s32 s10, $0x1;
	s10 =	sld [smem:$0x3FB1];
	_ =	sdelay $0x3  }
0x34: {  	[smem:$0x3FB1] =	sst s10  }
0x35: {  	s10 =	sld [smem:$0x3FB0];
	_ =	sdelay $0x3  }
0x36: {  	p1 =	seq.s32 s10, $0x1;
	s10 =	sld [smem:$0x3FB1];
	_ =	sdelay $0x3  }
0x37: {  	[smem:$0x3FB1] =	sst s10  }
0x38: {  	s10 =	sld [smem:$0x3FB2]  }
0x39: {  	_ = 	snop;
	(pc) =	sbr.ind lr, $3  }
0x3a: {  	_ = 	snop  }
0x3b: {  	_ = 	snop  }
0x3c: {  	p2 =	seq.s32 s10, $0x1;
	s10 =	sld [smem:$0x3FB1]  }
0x3d: {  	_ =	shalt  }
0x3e: {  	_ =	shalt  }
0x3f: {  	_ =	shalt  }
0x40: {  	_ =	shalt  }
0x41: {  	_ =	shalt  }
0x42: {  	_ =	shalt  }
0x43: {  	_ =	shalt  }
0x44: {  	_ =	shalt  }
0x45: {  	_ =	shalt  }
0x46: {  	_ =	shalt  }
0x47: {  	_ =	shalt  }
0x48: {  	_ =	shalt  }
0x49: {  	_ =	shalt  }
0x4a: {  	_ =	shalt  }
0x4b: {  	_ =	shalt  }
0x4c: {  	_ =	shalt  }
0x4d: {  	_ =	shalt  }
0x4e: {  	_ =	shalt  }
0x4f: {  	_ =	shalt  }
0x50: {  	_ =	shalt  }
0x51: {  	_ =	shalt  }
0x52: {  	_ =	shalt  }
0x53: {  	_ =	shalt  }
0x54: {  	_ =	shalt  }
0x55: {  	_ =	shalt  }
0x56: {  	_ =	shalt  }
0x57: {  	_ =	shalt  }
0x58: {  	_ =	shalt  }
0x59: {  	_ =	shalt  }
0x5a: {  	_ =	shalt  }
0x5b: {  	_ =	shalt  }
0x5c: {  	_ =	shalt  }
0x5d: {  	_ =	shalt  }
0x5e: {  	_ =	shalt  }
0x5f: {  	_ =	shalt  }
0x60: {  	_ =	shalt  }
0x61: {  	_ =	shalt  }
0x62: {  	_ =	shalt  }
0x63: {  	_ =	shalt  }
0x64: {  	_ =	shalt  }
0x65: {  	_ =	shalt  }
0x66: {  	_ =	shalt  }
0x67: {  	_ =	shalt  }
0x68: {  	_ =	shalt  }
0x69: {  	_ =	shalt  }
0x6a: {  	_ =	shalt  }
0x6b: {  	_ =	shalt  }
0x6c: {  	_ =	shalt  }
0x6d: {  	_ =	shalt  }
0x6e: {  	_ =	shalt  }
0x6f: {  	_ =	shalt  }
0x70: {  	_ =	shalt  }
0x71: {  	_ =	shalt  }
0x72: {  	_ =	shalt  }
0x73: {  	_ =	shalt  }
0x74: {  	_ =	shalt  }
0x75: {  	_ =	shalt  }
0x76: {  	_ =	shalt  }
0x77: {  	_ =	shalt  }
0x78: {  	_ =	shalt  }
0x79: {  	_ =	shalt  }
0x7a: {  	_ =	shalt  }
0x7b: {  	_ =	shalt  }
0x7c: {  	_ =	shalt  }
0x7d: {  	_ =	shalt  }
0x7e: {  	_ =	shalt  }
0x7f: {  	_ =	shalt  }
0x80: {  	_ =	shalt  }
0x81: {  	_ =	shalt  }
0x82: {  	_ =	shalt  }
0x83: {  	_ =	shalt  }
0x84: {  	_ =	shalt  }
0x85: {  	_ =	shalt  }
0x86: {  	_ =	shalt  }
0x87: {  	_ =	shalt  }
.Lfunc_end0:
.L_simem_size_0:
called_computation.2_lowered:
.L_overlay_start_0:
0x88: {  	s2 =	sld [smem:$0x3FD9]  }
0x89: {  	s3 =	sld [smem:$0x3FFE];
	_ =	sdelay $0x1  }
0x8a: {  	s1 =	srdreg.scid  }
0x8b: {  	s0 =	sand.u32 $0x1, s1  }
0x8c: {  	s16 =	sshll.u32 s0, $0xA;
	s2 =	sadd.s32 s3, s2  }
0x8d: {  	s2 =	sadd.s32 s2, s16  }
0x8e: {  	[smem:$0x3FBD] =	sst s2  }
0x8f: {  	_ = 	snop  }
0x90: {  	s17 =	sld [smem:$0x3FD0];
	_ =	sdelay $0x2  }
0x91: {  	s5 =	simm.s32 $0xB;
	s4 =	simm.s32 $0x10;
	s2 =	sld [smem:$0x3FC2]  }
0x92: {  	[smem:s4], [sflag:s5] =	dma.local [hbm:s17], $0x1  }
0x93: {  	_ =	swait.eq [sflag:s5], $0x1  }
0x94: {  	[sflag:s5] =	ssyncset.done $0x0  }
0x95: {  	s18 =	sld [smem:$0x10];
	[sflag:s5] =	ssyncadd.s32 $0xFFFFFFFF  }
0x96: {  	s19 =	sld [smem:$0x11];
	(tm) =	ssettm $0x1  }
0x97: {  	s20 =	sld [smem:$0x3FFB];
	_ =	sdelay $0x3  }
0x98: {  	_ =	strace s20  }
0x99: {  	s3 =	sld [smem:$0x3FFC];
	_ =	sdelay $0x3  }
0x9a: {  	_ =	strace s3  }
0x9b: {  	s3 =	sld [smem:$0x3FFD];
	_ =	sdelay $0x3  }
0x9c: {  	_ =	strace s3  }
0x9d: {  	_ =	strace $0x8FFFFFFF  }
0x9e: {  	s21 =	sld [smem:$0x3FDB];
	_ =	sdelay $0x1  }
0x9f: {  	s6 =	simm.s32 $_scs_section_size  }
0xa0: {  	s7 =	simm.s32 $_size__tile_overlayer_lowered;
	s8 =	simm.s32 $_tile_overlayer_lowered  }
0xa1: {  	s9 =	simm.s32 $0x1BFF;
	s22 =	sshll.u32 s8, $0x1;
	s6 =	sadd.s32 s6, s21  }
0xa2: {  	s23 =	simm.s32 $0x0;
	s7 =	sshll.u32 s7, $0x1;
	s8 =	sadd.s32 s22, s6  }
0xa3: {  	[timem:s23], [sflag:s9] =	dma.local [hbm:s8], s7  }
0xa4: {  	_ =	swait.ge [sflag:s9], s7  }
0xa5: {  	s7 =	ssub.s32 $0x0, s7;
	[sflag:s9] =	ssyncset.done $0x0  }
0xa6: {  	[sflag:s9] =	ssyncadd.s32 s7;
	_ =	sdelay $0x1  }
0xa7: {  	s24 =	simm.s32 $0x1B8B  }
0xa8: {  	_ =	swait.ge [sflag:s24], $0x1  }
0xa9: {  	[sflag:s24] =	ssyncset.done $0x0  }
0xaa: {  	[sflag:s24] =	ssyncadd.s32 $0xFFFFFFFF  }
0xab: {  	s7 =	sld [smem:$0x0]  }
0xac: {  	s8 =	sand.u32 $0xFFFFFFFE, s1  }
0xad: {  	p0 =	sne.s32 s1, s8  }
0xae: {  	s8 =	sshll.u32 @p0 s8, $0xE  }
0xaf: {  	s8 =	sadd.s32 @p0 $0x11B8D, s8;
	s9 =	sshll.u32 @p0 s7, $0x11  }
0xb0: {  	s8 =	sor.u32 @p0 s9, s8  }
0xb1: {  	[sflag:s8] =	ssyncadd.remote.s32 @p0 $0x1;
	_ =	sdelay $0x1  }
0xb2: {  	s8 =	simm.s32 @p0 $0x1B8D  }
0xb3: {  	_ =	swait.eq @p0 [sflag:s8], $0x1  }
0xb4: {  	[sflag:s8] =	ssyncadd.s32 @p0 $0xFFFFFFFF  }
0xb5: {  	s9 =	sshll.u32 @!p0 s1, $0xE  }
0xb6: {  	s9 =	sor.u32 @!p0 $0x4000, s9;
	s8 =	simm.s32 @!p0 $0x1B8D  }
0xb7: {  	s7 =	sshll.u32 @!p0 s7, $0x11;
	s9 =	sadd.s32 @!p0 $0x11B8D, s9;
	_ =	swait.eq @!p0 [sflag:s8], $0x1  }
0xb8: {  	s7 =	sor.u32 @!p0 s7, s9;
	[sflag:s8] =	ssyncadd.s32 @!p0 $0xFFFFFFFF  }
0xb9: {  	s25 =	simm.s32 $0x1B8E;
	[sflag:s7] =	ssyncadd.remote.s32 @!p0 $0x1  }
0xba: {  	s26 =	simm.s32 $execute0_lowered;
	[smem:$0x3FD2] =	sst s25  }
0xbb: {  	s7 =	sshll.u32 s26, $0x1;
	_ =	strace $0x80000052;
	[dreg:$0x1] =	wrdreg $0xFFFFFFFF  }
0xbc: {  	s28 =	simm.s32 $_size_execute0_lowered;
	s6 =	sadd.s32 s6, s7;
	[dreg:$0x0] =	wrdreg $0x0  }
0xbd: {  	s7 =	sshll.u32 s28, $0x1;
	[dreg:$0x2] =	wrdreg s6  }
0xbe: {  	[dreg:$0x3] =	wrdreg s7  }
0xbf: {  	[dreg:$0x4] =	wrdreg $0xC0  }
0xc0: {  	_ =	task [dreg:s23], $0x5FFFF  }
0xc1: {  	[dreg:$0x1] =	wrdreg $0xFFFFFFFF  }
0xc2: {  	[dreg:$0x0] =	wrdreg $0x60  }
0xc3: {  	[dreg:$0x2] =	wrdreg s2  }
0xc4: {  	[dreg:$0x3] =	wrdreg s19  }
0xc5: {  	[dreg:$0x4] =	wrdreg s18  }
0xc6: {  	[dreg:$0x5] =	wrdreg $0x9  }
0xc7: {  	_ =	task.clear_ibuf [dreg:s23], $0x6FFFF;
	_ =	strace $0x90000052  }
0xc8: {  	s29 =	simm.s32 $0x9;
	_ =	strace $0x80000054  }
0xc9: {  	_ =	swait.ge [sflag:s29], $0x1  }
0xca: {  	[sflag:s29] =	ssyncadd.s32 $0xFFFFFFFF  }
0xcb: {  	_ =	strace $0x90000054  }
0xcc: {  	_ =	sfence  }
0xcd: {  	s30 =	sld [smem:$0x0];
	_ =	sdelay $0x2  }
0xce: {  	s31 =	sshll.u32 s1, $0xD;
	s1 =	sshrl.u32 s1, $0x2  }
0xcf: {  	s4 =	sand.u32 $0x4000, s31;
	s1 =	sadd.s32 s1, s30  }
0xd0: {  	s0 =	sor.u32 s4, s0;
	s1 =	sshll.u32 s1, $0x11  }
0xd1: {  	s0 =	sor.u32 s1, s0  }
0xd2: {  	s0 =	sadd.s32 $0x8F2B, s0  }
0xd3: {  	[sflag:s0] =	ssyncadd.remote.s32 $0x1  }
0xd4: {  	_ =	sfence.sel $0xFFFF  }
0xd5: {  	[dreg:$0x0] =	wrdreg $0xFFFFFFFF;
	(pc) =	sbr.abs _section_cstart, $3  }
0xd6: {  	[dreg:$0x1] =	wrdreg $0xFFFFFFFF  }
0xd7: {  	_ =	task.clear_ibuf [dreg:s23], $0x2FFFF;
	_ =	strace $0x9FFFFFFF  }
0xd8: {  	(tm) =	ssettm $0x7FFFFFFF  }
0xd9: {  	_ =	shalt  }
tec
execute0_lowered:
.L_overlay_start_1:
0x0: {  	(tag) =	ssettag $0x1  }
0x1: {  	s1 =	srdreg.scid  }
0x2: {  	s2 =	rddreg [dreg:$0x0];
	s0 =	stileid.u32;
	s1 =	sshll.u32 s1, $0x5  }
0x3: {  	s3 =	rddreg [dreg:$0x1];
	s5 =	sshll.u32 s0, $0x6;
	s1 =	sand.u32 $0x20, s1  }
0x4: {  	s4 =	rddreg [dreg:$0x2];
	s7 =	simm.s32 $0x1;
	s5 =	sor.u32 s5, s1  }
0x5: {  	s30 =	simm.s32 $0x2;
	s31 =	simm.s32 $0x3;
	s6 =	ssub.s32 $0x800, s5  }
0x6: {  	s11 =	simm.s32 $0x0;
	s9 =	simm.s32 $0x0;
	s8 =	sand.u32 $0x3E0, s6  }
0x7: {  	s1 =	rddreg [dreg:$0x3];
	_ =	strace $0x80000053;
	p0 =	sne.s32 s8, $0x0  }
0x8: {  	[sflag:s7] =	ssyncpa.u1 $0x0;
	s6 =	sshrl.u32 s6, $0xA;
	s7 =	simm.s32 @!p0 $0x0  }
0x9: {  	s10 =	smov.u32 s5;
	[sflag:s30] =	ssyncpa.u1 $0x0;
	s6 =	sadd.s32 s7, s6  }
0xa: {  	[sflag:s31] =	ssyncpa.u1 $0x0;
	s8 =	simm.s32 $0x0;
	s7 =	sadd.s32 $0x1, s6  }
.LBB2_1:
0xb: {  	p0 =	sge.u32 s9, s6  }
0xc: {  	s31 =	sadd.s32 $0xFFFFFFFF, s9;
	s12 =	sxor.u32 @!p0 $0xFFFFFFFF, s8;
	s13 =	sshrl.u32 @!p0 s10, $0x3  }
0xd: {  	s14 =	sand.u32 @!p0 $0x7, s10;
	s12 =	sand.u32 @!p0 $0x20, s12;
	s13 =	sadd.s32 @!p0 s3, s13  }
0xe: {  	[tilespmem:s12], [sflag:$0x2] =	stream.linear.gather @!p0 [hbm4b:s13+s14], $0x20, $0x38;
	[tilespmem:$0x80] =	vst v63  }
0xf: {  	p0 =	sge.u32 s31, s6  }
0x10: {  	s12 =	simm.s32 @!p0 $0x2  }
0x11: {  	_ =	swait.ge @!p0 [sflag:s12], $0x20  }
0x12: {  	[sflag:s12] =	ssyncset.done @!p0 $0x0  }
0x13: {  	[sflag:s12] =	ssyncadd.s32 @!p0 $0xFFFFFFE0;
	s12 =	sand.u32 @!p0 $0x20, s8  }
0x14: {  	(ifvalue) =	ssetifvalue @!p0 $0x7FFFFFFF;
	v0 =	vld.msk @!p0 [tilespmem:s12+$0x0 ss:$0x1], $0xffff;
	_ =	sdelay $0x4  }
0x15: {  	vm0 =	vgt.s32 @!p0 v0, $0x0  }
0x16: {  	v0 =	vnsel @!p0 vm0, $0x0, v0  }
0x17: {  	v0 =	vmin.u32 @!p0 v0, $0x7FFF;
	_ =	sdelay $0x2  }
0x18: {  	s14 =	simm.s32 @!p0 $0x0  }
0x19: {  	s13 =	sor.u32 @!p0 $0x40, s12;
	(ifvalue) =	ssetifvalue @!p0 $0x7FFFFFFF;
	s15 =	sor.u32 @!p0 $0x10, s12;
	vm0 =	vmmov @!p0 $0xffff  }
0x1a: {  	[tilespmem:s13], [sflag:$0x1] =	stream.indirect_vreg.gather @!p0 [hbm4b:s2+s14], $0x1, v0, vm0, $0x4038;
	[tilespmem:$0x80] =	vst v63  }
0x1b: {  	v0 =	vld.msk @!p0 [tilespmem:s15+$0x0 ss:$0x1], $0xffff;
	_ =	sdelay $0x4  }
0x1c: {  	vm1 =	vgt.s32 @!p0 v0, $0x0  }
0x1d: {  	v0 =	vnsel @!p0 vm1, $0x0, v0  }
0x1e: {  	v0 =	vmin.u32 @!p0 v0, $0x7FFF;
	_ =	sdelay $0x3  }
0x1f: {  	s12 =	sor.u32 @!p0 $0x50, s12;
	(ifvalue) =	ssetifvalue @!p0 $0x7FFFFFFF  }
0x20: {  	[tilespmem:s12], [sflag:$0x1] =	stream.indirect_vreg.gather @!p0 [hbm4b:s2+s14], $0x1, v0, vm0, $0x4038;
	[tilespmem:$0x80] =	vst v63  }
0x21: {  	s12 =	simm.s32 @!p0 $0x1  }
0x22: {  	_ =	swait.ge @!p0 [sflag:s12], $0x20  }
0x23: {  	s14 =	sshrl.u32 @!p0 s11, $0x3;
	[sflag:s12] =	ssyncset.done @!p0 $0x0  }
0x24: {  	s11 =	sand.u32 @!p0 $0x7, s11;
	[sflag:s12] =	ssyncadd.s32 @!p0 $0xFFFFFFE0;
	s12 =	sadd.s32 @!p0 s4, s14  }
0x25: {  	[hbm4b:s12+s11] =	stream.linear.scatter @!p0 [tilespmem:s13], [sflag:$0x3], $0x20, $0x38;
	[tilespmem:$0x80] =	vst v63  }
0x26: {  	s13 =	sadd.s32 $0x400, s10  }
0x27: {  	p1 =	sgt.s32 s13, $0x7FF  }
0x28: {  	s13 =	smov.u32 @p1 s5;
	p1 =	sne.s32 s9, s7  }
.Ltmp0:
0x29: {  	p0 =	slt.u32 s9, $0x2;
	(pc) =	sbr.rel @p1 .LBB2_1-.Ltmp0, $4  }
0x2a: {  	s12 =	simm.s32 @!p0 $0x3  }
0x2b: {  	_ =	swait.ge @!p0 [sflag:s12], $0x20  }
0x2c: {  	s8 =	sadd.s32 $0x20, s8;
	s11 =	smov.u32 s10;
	[sflag:s12] =	ssyncset.done @!p0 $0x0  }
0x2d: {  	s9 =	sadd.s32 $0x1, s9;
	s10 =	smov.u32 s13;
	[sflag:s12] =	ssyncadd.s32 @!p0 $0xFFFFFFE0  }
0x2e: {  	_ =	sfence.sel $0x180000  }
0x2f: {  	s2 =	simm.s32 $0x2;
	[bflag:$0x0] =	sbarrier.arrive $0xFFFF  }
0x30: {  	s30 =	simm.s32 $0x3;
	[sflag:s2] =	ssyncpa.u1 $0x1  }
0x31: {  	s31 =	simm.s32 $0x1;
	[sflag:s30] =	ssyncpa.u1 $0x1  }
0x32: {  	[sflag:s31] =	ssyncpa.u1 $0x1  }
0x33: {  	p0 =	sne.s32 s0, $0x0;
	_ =	strace $0x90000053  }
0x34: {  	s0 =	sadd.s32 @!p0 $0x100000, s1;
	[bflag:$0x2] =	sbarrier.arrive $0xFFFF  }
0x35: {  	[sflag:s0] =	ssyncadd.tile.s32 @!p0 $0x1;
	_ =	shalt  }
.Lfunc_end2:
_tile_overlayer_lowered:
.L_overlay_start_2:
0x36: {  	(tag) =	ssettag $0x2  }
0x37: {  	s0 =	rddreg [dreg:$0x0];
	s2 =	stileid.u32  }
0x38: {  	s1 =	rddreg [dreg:$0x1];
	p0 =	sne.s32 s2, $0x0  }
0x39: {  	s3 =	rddreg [dreg:$0x2];
	[bflag:$0x3] =	sbarrier.arrive $0xFFFF;
	s2 =	simm.s32 @!p0 $0x1C01  }
0x3a: {  	[timem:s3], [sflag:s2] =	dma.local @!p0 [hbm:s0], s1  }
0x3b: {  	s0 =	simm.s32 @!p0 $0x1  }
0x3c: {  	_ =	swait.ge @!p0 [sflag:s0], s1  }
0x3d: {  	s1 =	ssub.s32 @!p0 $0x0, s1;
	[sflag:s0] =	ssyncset.done @!p0 $0x0  }
0x3e: {  	[sflag:s0] =	ssyncadd.s32 @!p0 s1  }
0x3f: {  	[bflag:$0x3] =	sbarrier.arrive $0xFFFF  }
0x40: {  	_ =	shalt  }

// kernel: gather_offload_async_start.3
scs
__scs_entry_jumppad:
0x0: {  	(pc) =	sbr.rel $0x88, $3  }
0x1: {  	(tag) =	ssettag $0x0;
	lr =	simm.s32 $0x1  }
0x2: {  	[smem:$0x3F96] =	sst lr;
	_ =	strace $0xD0000000  }
0x3: {  	_ = 	snop  }
0x4: {  	_ = 	snop  }
0x5: {  	_ = 	snop  }
0x6: {  	_ = 	snop  }
0x7: {  	_ = 	snop  }
__scs_overlays_trampoline_lowered:
0x8: {  	[smem:$0x3FA5] =	sst s0  }
0x9: {  	[smem:$0x3FA6] =	sst s1  }
0xa: {  	[smem:$0x3FA7] =	sst s2  }
0xb: {  	[smem:$0x3FA8] =	sst s3  }
0xc: {  	[smem:$0x3FA9] =	sst s4  }
0xd: {  	[smem:$0x3FAA] =	sst s5  }
0xe: {  	[smem:$0x3FAB] =	sst s6  }
0xf: {  	[smem:$0x3FAC] =	sst s7  }
0x10: {  	[smem:$0x3FAD] =	sst s8  }
0x11: {  	[smem:$0x3FAE] =	sst s9;
	s0 =	simm.s32 @!p0 $0x0  }
0x12: {  	s1 =	sld [smem:$0x3F94];
	s0 =	simm.s32 @p0 $0x1  }
0x13: {  	[smem:$0x3FAF] =	sst s0;
	s0 =	simm.s32 @!p1 $0x0  }
0x14: {  	s2 =	sld [smem:$0x3F93];
	s0 =	simm.s32 @p1 $0x1  }
0x15: {  	[smem:$0x3FB0] =	sst s0;
	s0 =	simm.s32 @!p2 $0x0  }
0x16: {  	s3 =	sld [smem:$0x3FDB];
	s0 =	simm.s32 @p2 $0x1  }
0x17: {  	s4 =	simm.s32 $0x1BF5;
	[smem:$0x3FB2] =	sst s0  }
0x18: {  	s0 =	sld [smem:$0x3F95];
	_ =	swait.ge [sflag:s4], $0x0  }
0x19: {  	s7 =	sld [smem:$0x3F96]  }
0x1a: {  	s8 =	sadd.s32 $0xFFFFE003, lr  }
0x1b: {  	s9 =	sadd.s32 $0xFFFFFEF7, lr;
	s5 =	simm.s32 $0xFFFFFFFF;
	p2 =	slt.u32 s8, $0xFFFFF086  }
0x1c: {  	p1 =	slt.u32 s9, $0xF7A;
	s5 =	simm.s32 @!p2 $0x0  }
0x1d: {  	s5 =	simm.s32 @p1 $0x1;
	p0 =	seq.s32 s7, s2  }
0x1e: {  	s7 =	smul.u32 @!p0 $0xF7A, s2;
	p2 =	seq.s32 @!p0 s5, $0x0  }
0x1f: {  	s9 =	smul.u32 $0xF7A, s1;
	s8 =	simm.s32 @!p0 $0x1BF5;
	p2 =	por !p2, p0  }
0x20: {  	[sflag:s8] =	ssyncset.s32 @!p0 $0xFFFFF086;
	s6 =	sadd.s32 @!p0 s3, s7;
	s7 =	simm.s32 @!p0 $0x108  }
0x21: {  	s3 =	sadd.s32 s3, s9;
	s6 =	sadd.s32 @!p0 $0x88, s6;
	s7 =	simm.s32 @p2 $0x1082  }
0x22: {  	[simem:s7], [sflag:s8] =	dma.local @!p0 [hbm:s6], $0xF7A  }
0x23: {  	s9 =	sor.u32 $0xD0000000, s2;
	s6 =	simm.s32 $0x108;
	_ =	swait.ge @!p0 [sflag:s8], $0x0  }
0x24: {  	s3 =	sadd.s32 $0x88, s3;
	s6 =	simm.s32 @!p1 $0x1082;
	[sflag:s4] =	ssyncset.s32 $0xFFFFF086  }
0x25: {  	[simem:s6], [sflag:s4] =	dma.local [hbm:s3], $0xF7A  }
0x26: {  	[smem:$0x3F96] =	sst s1;
	(tag) =	ssettag s2;
	_ =	strace s9  }
0x27: {  	s1 =	sld [smem:$0x3FA6]  }
0x28: {  	s2 =	sld [smem:$0x3FA7]  }
0x29: {  	s4 =	sld [smem:$0x3FA9]  }
0x2a: {  	p0 =	seq.s32 s5, $0x0;
	s5 =	sld [smem:$0x3FAA]  }
0x2b: {  	s6 =	sld [smem:$0x3FAB]  }
0x2c: {  	s7 =	sld [smem:$0x3FAC]  }
0x2d: {  	s3 =	simm.s32 $0x108;
	s8 =	sld [smem:$0x3FAD]  }
0x2e: {  	s3 =	simm.s32 @!p0 $0x1082;
	s9 =	sld [smem:$0x3FAE]  }
0x2f: {  	lr =	sadd.s32 s0, s3;
	s0 =	sld [smem:$0x3FA5]  }
0x30: {  	s3 =	sld [smem:$0x3FA8]  }
0x31: {  	[smem:$0x3FB1] =	sst s10  }
0x32: {  	s10 =	sld [smem:$0x3FAF];
	_ =	sdelay $0x3  }
0x33: {  	p0 =	seq.s32 s10, $0x1;
	s10 =	sld [smem:$0x3FB1];
	_ =	sdelay $0x3  }
0x34: {  	[smem:$0x3FB1] =	sst s10  }
0x35: {  	s10 =	sld [smem:$0x3FB0];
	_ =	sdelay $0x3  }
0x36: {  	p1 =	seq.s32 s10, $0x1;
	s10 =	sld [smem:$0x3FB1];
	_ =	sdelay $0x3  }
0x37: {  	[smem:$0x3FB1] =	sst s10  }
0x38: {  	s10 =	sld [smem:$0x3FB2]  }
0x39: {  	_ = 	snop;
	(pc) =	sbr.ind lr, $3  }
0x3a: {  	_ = 	snop  }
0x3b: {  	_ = 	snop  }
0x3c: {  	p2 =	seq.s32 s10, $0x1;
	s10 =	sld [smem:$0x3FB1]  }
0x3d: {  	_ =	shalt  }
0x3e: {  	_ =	shalt  }
0x3f: {  	_ =	shalt  }
0x40: {  	_ =	shalt  }
0x41: {  	_ =	shalt  }
0x42: {  	_ =	shalt  }
0x43: {  	_ =	shalt  }
0x44: {  	_ =	shalt  }
0x45: {  	_ =	shalt  }
0x46: {  	_ =	shalt  }
0x47: {  	_ =	shalt  }
0x48: {  	_ =	shalt  }
0x49: {  	_ =	shalt  }
0x4a: {  	_ =	shalt  }
0x4b: {  	_ =	shalt  }
0x4c: {  	_ =	shalt  }
0x4d: {  	_ =	shalt  }
0x4e: {  	_ =	shalt  }
0x4f: {  	_ =	shalt  }
0x50: {  	_ =	shalt  }
0x51: {  	_ =	shalt  }
0x52: {  	_ =	shalt  }
0x53: {  	_ =	shalt  }
0x54: {  	_ =	shalt  }
0x55: {  	_ =	shalt  }
0x56: {  	_ =	shalt  }
0x57: {  	_ =	shalt  }
0x58: {  	_ =	shalt  }
0x59: {  	_ =	shalt  }
0x5a: {  	_ =	shalt  }
0x5b: {  	_ =	shalt  }
0x5c: {  	_ =	shalt  }
0x5d: {  	_ =	shalt  }
0x5e: {  	_ =	shalt  }
0x5f: {  	_ =	shalt  }
0x60: {  	_ =	shalt  }
0x61: {  	_ =	shalt  }
0x62: {  	_ =	shalt  }
0x63: {  	_ =	shalt  }
0x64: {  	_ =	shalt  }
0x65: {  	_ =	shalt  }
0x66: {  	_ =	shalt  }
0x67: {  	_ =	shalt  }
0x68: {  	_ =	shalt  }
0x69: {  	_ =	shalt  }
0x6a: {  	_ =	shalt  }
0x6b: {  	_ =	shalt  }
0x6c: {  	_ =	shalt  }
0x6d: {  	_ =	shalt  }
0x6e: {  	_ =	shalt  }
0x6f: {  	_ =	shalt  }
0x70: {  	_ =	shalt  }
0x71: {  	_ =	shalt  }
0x72: {  	_ =	shalt  }
0x73: {  	_ =	shalt  }
0x74: {  	_ =	shalt  }
0x75: {  	_ =	shalt  }
0x76: {  	_ =	shalt  }
0x77: {  	_ =	shalt  }
0x78: {  	_ =	shalt  }
0x79: {  	_ =	shalt  }
0x7a: {  	_ =	shalt  }
0x7b: {  	_ =	shalt  }
0x7c: {  	_ =	shalt  }
0x7d: {  	_ =	shalt  }
0x7e: {  	_ =	shalt  }
0x7f: {  	_ =	shalt  }
0x80: {  	_ =	shalt  }
0x81: {  	_ =	shalt  }
0x82: {  	_ =	shalt  }
0x83: {  	_ =	shalt  }
0x84: {  	_ =	shalt  }
0x85: {  	_ =	shalt  }
0x86: {  	_ =	shalt  }
0x87: {  	_ =	shalt  }
.Lfunc_end0:
.L_simem_size_0:
called_computation.3_lowered:
.L_overlay_start_0:
0x88: {  	s2 =	sld [smem:$0x3FD9]  }
0x89: {  	s3 =	sld [smem:$0x3FFE];
	_ =	sdelay $0x1  }
0x8a: {  	s1 =	srdreg.scid  }
0x8b: {  	s0 =	sand.u32 $0x1, s1  }
0x8c: {  	s14 =	sshll.u32 s0, $0xA;
	s2 =	sadd.s32 s3, s2  }
0x8d: {  	s2 =	sadd.s32 s2, s14  }
0x8e: {  	[smem:$0x3FBD] =	sst s2  }
0x8f: {  	_ = 	snop  }
0x90: {  	s2 =	sld [smem:$0x3FD0];
	_ =	sdelay $0x2  }
0x91: {  	s4 =	simm.s32 $0xB;
	s5 =	simm.s32 $0x10;
	s15 =	sld [smem:$0x3FC1]  }
0x92: {  	[smem:s5], [sflag:s4] =	dma.local [hbm:s2], $0x1  }
0x93: {  	_ =	swait.eq [sflag:s4], $0x1  }
0x94: {  	[sflag:s4] =	ssyncset.done $0x0  }
0x95: {  	[sflag:s4] =	ssyncadd.s32 $0xFFFFFFFF  }
0x96: {  	s16 =	sld [smem:$0x11];
	(tm) =	ssettm $0x1  }
0x97: {  	s17 =	sld [smem:$0x3FFB];
	_ =	sdelay $0x3  }
0x98: {  	_ =	strace s17  }
0x99: {  	s4 =	sld [smem:$0x3FFC];
	_ =	sdelay $0x3  }
0x9a: {  	_ =	strace s4  }
0x9b: {  	s4 =	sld [smem:$0x3FFD];
	_ =	sdelay $0x3  }
0x9c: {  	_ =	strace s4  }
0x9d: {  	_ =	strace $0x8FFFFFFF  }
0x9e: {  	s18 =	sld [smem:$0x3FDB];
	_ =	sdelay $0x1  }
0x9f: {  	s19 =	simm.s32 $_scs_section_size  }
0xa0: {  	s6 =	simm.s32 $_size__tile_overlayer_lowered;
	s7 =	simm.s32 $_tile_overlayer_lowered  }
0xa1: {  	s22 =	simm.s32 $0x1BFF;
	s21 =	sshll.u32 s7, $0x1;
	s4 =	sadd.s32 s19, s18  }
0xa2: {  	s8 =	simm.s32 $0x0;
	s20 =	sshll.u32 s6, $0x1;
	s6 =	sadd.s32 s21, s4  }
0xa3: {  	[timem:s8], [sflag:s22] =	dma.local [hbm:s6], s20  }
0xa4: {  	_ =	swait.ge [sflag:s22], s20  }
0xa5: {  	s5 =	ssub.s32 $0x0, s20;
	[sflag:s22] =	ssyncset.done $0x0  }
0xa6: {  	[sflag:s22] =	ssyncadd.s32 s5;
	_ =	sdelay $0x1  }
0xa7: {  	s23 =	simm.s32 $0x1B8B  }
0xa8: {  	_ =	swait.ge [sflag:s23], $0x1  }
0xa9: {  	[sflag:s23] =	ssyncset.done $0x0  }
0xaa: {  	s25 =	simm.s32 $0x1B8E;
	s24 =	sld [smem:$0x3FFE];
	[sflag:s23] =	ssyncadd.s32 $0xFFFFFFFF  }
0xab: {  	s26 =	simm.s32 $execute0_lowered;
	[smem:$0x3FD2] =	sst s25  }
0xac: {  	s6 =	sshll.u32 s26, $0x1;
	_ =	strace $0x8000004F;
	[dreg:$0x1] =	wrdreg $0xFFFFFFFF  }
0xad: {  	s28 =	simm.s32 $_size_execute0_lowered;
	s4 =	sadd.s32 s4, s6;
	[dreg:$0x0] =	wrdreg $0x0  }
0xae: {  	s6 =	sshll.u32 s28, $0x1;
	[dreg:$0x2] =	wrdreg s4  }
0xaf: {  	[dreg:$0x3] =	wrdreg s6  }
0xb0: {  	[dreg:$0x4] =	wrdreg $0xC0  }
0xb1: {  	_ =	task [dreg:s8], $0x5FFFF  }
0xb2: {  	[dreg:$0x1] =	wrdreg $0xFFFFFFFF  }
0xb3: {  	[dreg:$0x0] =	wrdreg $0x60  }
0xb4: {  	[dreg:$0x2] =	wrdreg s15  }
0xb5: {  	[dreg:$0x3] =	wrdreg s16  }
0xb6: {  	[dreg:$0x4] =	wrdreg s24  }
0xb7: {  	[dreg:$0x5] =	wrdreg $0xA  }
0xb8: {  	_ =	task.clear_ibuf [dreg:s8], $0x6FFFF;
	_ =	strace $0x9000004F  }
0xb9: {  	s29 =	simm.s32 $0xA;
	_ =	strace $0x80000051  }
0xba: {  	_ =	swait.ge [sflag:s29], $0x1  }
0xbb: {  	[sflag:s29] =	ssyncadd.s32 $0xFFFFFFFF  }
0xbc: {  	_ =	strace $0x90000051  }
0xbd: {  	_ =	sfence  }
0xbe: {  	s30 =	sld [smem:$0x0];
	_ =	sdelay $0x2  }
0xbf: {  	s31 =	sshll.u32 s1, $0xD;
	s1 =	sshrl.u32 s1, $0x2  }
0xc0: {  	s3 =	sand.u32 $0x4000, s31;
	s1 =	sadd.s32 s1, s30  }
0xc1: {  	s0 =	sor.u32 s3, s0;
	s1 =	sshll.u32 s1, $0x11  }
0xc2: {  	s0 =	sor.u32 s1, s0  }
0xc3: {  	s0 =	sadd.s32 $0x8F2B, s0  }
0xc4: {  	[sflag:s0] =	ssyncadd.remote.s32 $0x1  }
0xc5: {  	_ =	sfence.sel $0xFFFF  }
0xc6: {  	[dreg:$0x0] =	wrdreg $0xFFFFFFFF;
	(pc) =	sbr.abs _section_cstart, $3  }
0xc7: {  	[dreg:$0x1] =	wrdreg $0xFFFFFFFF  }
0xc8: {  	_ =	task.clear_ibuf [dreg:s8], $0x2FFFF;
	_ =	strace $0x9FFFFFFF  }
0xc9: {  	(tm) =	ssettm $0x7FFFFFFF  }
tec
execute0_lowered:
.L_overlay_start_1:
0x0: {  	(tag) =	ssettag $0x1  }
0x1: {  	s1 =	srdreg.scid;
	s2 =	rddreg [dreg:$0x0]  }
0x2: {  	s0 =	stileid.u32;
	s3 =	rddreg [dreg:$0x1];
	s1 =	sshll.u32 s1, $0x5  }
0x3: {  	s6 =	rddreg [dreg:$0x2];
	s4 =	sshll.u32 s0, $0x6;
	s1 =	sand.u32 $0x20, s1  }
0x4: {  	s7 =	simm.s32 $0x1;
	s30 =	simm.s32 $0x2;
	s4 =	sor.u32 s4, s1  }
0x5: {  	s31 =	simm.s32 $0x3;
	s11 =	simm.s32 $0x0;
	s5 =	ssub.s32 $0x800, s4  }
0x6: {  	s9 =	simm.s32 $0x0;
	s6 =	sadd.s32 $0x600, s6;
	s8 =	sand.u32 $0x3E0, s5  }
0x7: {  	s1 =	rddreg [dreg:$0x3];
	_ =	strace $0x80000050;
	p0 =	sne.s32 s8, $0x0  }
0x8: {  	[sflag:s7] =	ssyncpa.u1 $0x0;
	s5 =	sshrl.u32 s5, $0xA;
	s7 =	simm.s32 @!p0 $0x0  }
0x9: {  	s10 =	smov.u32 s4;
	[sflag:s30] =	ssyncpa.u1 $0x0;
	s5 =	sadd.s32 s7, s5  }
0xa: {  	[sflag:s31] =	ssyncpa.u1 $0x0;
	s8 =	simm.s32 $0x0;
	s7 =	sadd.s32 $0x1, s5  }
.LBB2_1:
0xb: {  	p0 =	sge.u32 s9, s5  }
0xc: {  	s31 =	sadd.s32 $0xFFFFFFFF, s9;
	s12 =	sxor.u32 @!p0 $0xFFFFFFFF, s8;
	s13 =	sshrl.u32 @!p0 s10, $0x3  }
0xd: {  	s14 =	sand.u32 @!p0 $0x7, s10;
	s12 =	sand.u32 @!p0 $0x20, s12;
	s13 =	sadd.s32 @!p0 s3, s13  }
0xe: {  	[tilespmem:s12], [sflag:$0x2] =	stream.linear.gather @!p0 [hbm4b:s13+s14], $0x20, $0x38;
	[tilespmem:$0x80] =	vst v63  }
0xf: {  	p0 =	sge.u32 s31, s5  }
0x10: {  	s12 =	simm.s32 @!p0 $0x2  }
0x11: {  	_ =	swait.ge @!p0 [sflag:s12], $0x20  }
0x12: {  	[sflag:s12] =	ssyncset.done @!p0 $0x0  }
0x13: {  	[sflag:s12] =	ssyncadd.s32 @!p0 $0xFFFFFFE0;
	s12 =	sand.u32 @!p0 $0x20, s8  }
0x14: {  	(ifvalue) =	ssetifvalue @!p0 $0x7FFFFFFF;
	v0 =	vld.msk @!p0 [tilespmem:s12+$0x0 ss:$0x1], $0xffff;
	_ =	sdelay $0x4  }
0x15: {  	vm0 =	vgt.s32 @!p0 v0, $0x0  }
0x16: {  	v0 =	vnsel @!p0 vm0, $0x0, v0  }
0x17: {  	v0 =	vmin.u32 @!p0 v0, $0x7FFF;
	_ =	sdelay $0x2  }
0x18: {  	s14 =	simm.s32 @!p0 $0x0  }
0x19: {  	s13 =	sor.u32 @!p0 $0x40, s12;
	(ifvalue) =	ssetifvalue @!p0 $0x7FFFFFFF;
	s15 =	sor.u32 @!p0 $0x10, s12;
	vm0 =	vmmov @!p0 $0xffff  }
0x1a: {  	[tilespmem:s13], [sflag:$0x1] =	stream.indirect_vreg.gather @!p0 [hbm4b:s2+s14], $0x1, v0, vm0, $0x4038;
	[tilespmem:$0x80] =	vst v63  }
0x1b: {  	v0 =	vld.msk @!p0 [tilespmem:s15+$0x0 ss:$0x1], $0xffff;
	_ =	sdelay $0x4  }
0x1c: {  	vm1 =	vgt.s32 @!p0 v0, $0x0  }
0x1d: {  	v0 =	vnsel @!p0 vm1, $0x0, v0  }
0x1e: {  	v0 =	vmin.u32 @!p0 v0, $0x7FFF;
	_ =	sdelay $0x3  }
0x1f: {  	s12 =	sor.u32 @!p0 $0x50, s12;
	(ifvalue) =	ssetifvalue @!p0 $0x7FFFFFFF  }
0x20: {  	[tilespmem:s12], [sflag:$0x1] =	stream.indirect_vreg.gather @!p0 [hbm4b:s2+s14], $0x1, v0, vm0, $0x4038;
	[tilespmem:$0x80] =	vst v63  }
0x21: {  	s12 =	simm.s32 @!p0 $0x1  }
0x22: {  	_ =	swait.ge @!p0 [sflag:s12], $0x20  }
0x23: {  	s14 =	sshrl.u32 @!p0 s11, $0x3;
	[sflag:s12] =	ssyncset.done @!p0 $0x0  }
0x24: {  	s11 =	sand.u32 @!p0 $0x7, s11;
	[sflag:s12] =	ssyncadd.s32 @!p0 $0xFFFFFFE0;
	s12 =	sadd.s32 @!p0 s6, s14  }
0x25: {  	[hbm4b:s12+s11] =	stream.linear.scatter @!p0 [tilespmem:s13], [sflag:$0x3], $0x20, $0x38;
	[tilespmem:$0x80] =	vst v63  }
0x26: {  	s13 =	sadd.s32 $0x400, s10  }
0x27: {  	p1 =	sgt.s32 s13, $0x7FF  }
0x28: {  	s13 =	smov.u32 @p1 s4;
	p1 =	sne.s32 s9, s7  }
.Ltmp0:
0x29: {  	p0 =	slt.u32 s9, $0x2;
	(pc) =	sbr.rel @p1 .LBB2_1-.Ltmp0, $4  }
0x2a: {  	s12 =	simm.s32 @!p0 $0x3  }
0x2b: {  	_ =	swait.ge @!p0 [sflag:s12], $0x20  }
0x2c: {  	s8 =	sadd.s32 $0x20, s8;
	s11 =	smov.u32 s10;
	[sflag:s12] =	ssyncset.done @!p0 $0x0  }
0x2d: {  	s9 =	sadd.s32 $0x1, s9;
	s10 =	smov.u32 s13;
	[sflag:s12] =	ssyncadd.s32 @!p0 $0xFFFFFFE0  }
0x2e: {  	_ =	sfence.sel $0x180000  }
0x2f: {  	s2 =	simm.s32 $0x2;
	[bflag:$0x0] =	sbarrier.arrive $0xFFFF  }
0x30: {  	s30 =	simm.s32 $0x3;
	[sflag:s2] =	ssyncpa.u1 $0x1  }
0x31: {  	s31 =	simm.s32 $0x1;
	[sflag:s30] =	ssyncpa.u1 $0x1  }
0x32: {  	[sflag:s31] =	ssyncpa.u1 $0x1  }
0x33: {  	p0 =	sne.s32 s0, $0x0;
	_ =	strace $0x90000050  }
0x34: {  	s0 =	sadd.s32 @!p0 $0x100000, s1;
	[bflag:$0x2] =	sbarrier.arrive $0xFFFF  }
0x35: {  	[sflag:s0] =	ssyncadd.tile.s32 @!p0 $0x1;
	_ =	shalt  }
.Lfunc_end2:
_tile_overlayer_lowered:
.L_overlay_start_2:
0x36: {  	(tag) =	ssettag $0x2  }
0x37: {  	s0 =	rddreg [dreg:$0x0];
	s2 =	stileid.u32  }
0x38: {  	s1 =	rddreg [dreg:$0x1];
	p0 =	sne.s32 s2, $0x0  }
0x39: {  	s3 =	rddreg [dreg:$0x2];
	[bflag:$0x3] =	sbarrier.arrive $0xFFFF;
	s2 =	simm.s32 @!p0 $0x1C01  }
0x3a: {  	[timem:s3], [sflag:s2] =	dma.local @!p0 [hbm:s0], s1  }
0x3b: {  	s0 =	simm.s32 @!p0 $0x1  }
0x3c: {  	_ =	swait.ge @!p0 [sflag:s0], s1  }
0x3d: {  	s1 =	ssub.s32 @!p0 $0x0, s1;
	[sflag:s0] =	ssyncset.done @!p0 $0x0  }
0x3e: {  	[sflag:s0] =	ssyncadd.s32 @!p0 s1  }
0x3f: {  	[bflag:$0x3] =	sbarrier.arrive $0xFFFF  }
0x40: {  	_ =	shalt  }

// kernel: gather_offload_async_start.4
scs
__scs_entry_jumppad:
0x0: {  	(pc) =	sbr.rel $0x88, $3  }
0x1: {  	(tag) =	ssettag $0x0;
	lr =	simm.s32 $0x1  }
0x2: {  	[smem:$0x3F96] =	sst lr;
	_ =	strace $0xD0000000  }
0x3: {  	_ = 	snop  }
0x4: {  	_ = 	snop  }
0x5: {  	_ = 	snop  }
0x6: {  	_ = 	snop  }
0x7: {  	_ = 	snop  }
__scs_overlays_trampoline_lowered:
0x8: {  	[smem:$0x3FA5] =	sst s0  }
0x9: {  	[smem:$0x3FA6] =	sst s1  }
0xa: {  	[smem:$0x3FA7] =	sst s2  }
0xb: {  	[smem:$0x3FA8] =	sst s3  }
0xc: {  	[smem:$0x3FA9] =	sst s4  }
0xd: {  	[smem:$0x3FAA] =	sst s5  }
0xe: {  	[smem:$0x3FAB] =	sst s6  }
0xf: {  	[smem:$0x3FAC] =	sst s7  }
0x10: {  	[smem:$0x3FAD] =	sst s8  }
0x11: {  	[smem:$0x3FAE] =	sst s9;
	s0 =	simm.s32 @!p0 $0x0  }
0x12: {  	s1 =	sld [smem:$0x3F94];
	s0 =	simm.s32 @p0 $0x1  }
0x13: {  	[smem:$0x3FAF] =	sst s0;
	s0 =	simm.s32 @!p1 $0x0  }
0x14: {  	s2 =	sld [smem:$0x3F93];
	s0 =	simm.s32 @p1 $0x1  }
0x15: {  	[smem:$0x3FB0] =	sst s0;
	s0 =	simm.s32 @!p2 $0x0  }
0x16: {  	s3 =	sld [smem:$0x3FDB];
	s0 =	simm.s32 @p2 $0x1  }
0x17: {  	s4 =	simm.s32 $0x1BF5;
	[smem:$0x3FB2] =	sst s0  }
0x18: {  	s0 =	sld [smem:$0x3F95];
	_ =	swait.ge [sflag:s4], $0x0  }
0x19: {  	s7 =	sld [smem:$0x3F96]  }
0x1a: {  	s8 =	sadd.s32 $0xFFFFE003, lr  }
0x1b: {  	s9 =	sadd.s32 $0xFFFFFEF7, lr;
	s5 =	simm.s32 $0xFFFFFFFF;
	p2 =	slt.u32 s8, $0xFFFFF086  }
0x1c: {  	p1 =	slt.u32 s9, $0xF7A;
	s5 =	simm.s32 @!p2 $0x0  }
0x1d: {  	s5 =	simm.s32 @p1 $0x1;
	p0 =	seq.s32 s7, s2  }
0x1e: {  	s7 =	smul.u32 @!p0 $0xF7A, s2;
	p2 =	seq.s32 @!p0 s5, $0x0  }
0x1f: {  	s9 =	smul.u32 $0xF7A, s1;
	s8 =	simm.s32 @!p0 $0x1BF5;
	p2 =	por !p2, p0  }
0x20: {  	[sflag:s8] =	ssyncset.s32 @!p0 $0xFFFFF086;
	s6 =	sadd.s32 @!p0 s3, s7;
	s7 =	simm.s32 @!p0 $0x108  }
0x21: {  	s3 =	sadd.s32 s3, s9;
	s6 =	sadd.s32 @!p0 $0x88, s6;
	s7 =	simm.s32 @p2 $0x1082  }
0x22: {  	[simem:s7], [sflag:s8] =	dma.local @!p0 [hbm:s6], $0xF7A  }
0x23: {  	s9 =	sor.u32 $0xD0000000, s2;
	s6 =	simm.s32 $0x108;
	_ =	swait.ge @!p0 [sflag:s8], $0x0  }
0x24: {  	s3 =	sadd.s32 $0x88, s3;
	s6 =	simm.s32 @!p1 $0x1082;
	[sflag:s4] =	ssyncset.s32 $0xFFFFF086  }
0x25: {  	[simem:s6], [sflag:s4] =	dma.local [hbm:s3], $0xF7A  }
0x26: {  	[smem:$0x3F96] =	sst s1;
	(tag) =	ssettag s2;
	_ =	strace s9  }
0x27: {  	s1 =	sld [smem:$0x3FA6]  }
0x28: {  	s2 =	sld [smem:$0x3FA7]  }
0x29: {  	s4 =	sld [smem:$0x3FA9]  }
0x2a: {  	p0 =	seq.s32 s5, $0x0;
	s5 =	sld [smem:$0x3FAA]  }
0x2b: {  	s6 =	sld [smem:$0x3FAB]  }
0x2c: {  	s7 =	sld [smem:$0x3FAC]  }
0x2d: {  	s3 =	simm.s32 $0x108;
	s8 =	sld [smem:$0x3FAD]  }
0x2e: {  	s3 =	simm.s32 @!p0 $0x1082;
	s9 =	sld [smem:$0x3FAE]  }
0x2f: {  	lr =	sadd.s32 s0, s3;
	s0 =	sld [smem:$0x3FA5]  }
0x30: {  	s3 =	sld [smem:$0x3FA8]  }
0x31: {  	[smem:$0x3FB1] =	sst s10  }
0x32: {  	s10 =	sld [smem:$0x3FAF];
	_ =	sdelay $0x3  }
0x33: {  	p0 =	seq.s32 s10, $0x1;
	s10 =	sld [smem:$0x3FB1];
	_ =	sdelay $0x3  }
0x34: {  	[smem:$0x3FB1] =	sst s10  }
0x35: {  	s10 =	sld [smem:$0x3FB0];
	_ =	sdelay $0x3  }
0x36: {  	p1 =	seq.s32 s10, $0x1;
	s10 =	sld [smem:$0x3FB1];
	_ =	sdelay $0x3  }
0x37: {  	[smem:$0x3FB1] =	sst s10  }
0x38: {  	s10 =	sld [smem:$0x3FB2]  }
0x39: {  	_ = 	snop;
	(pc) =	sbr.ind lr, $3  }
0x3a: {  	_ = 	snop  }
0x3b: {  	_ = 	snop  }
0x3c: {  	p2 =	seq.s32 s10, $0x1;
	s10 =	sld [smem:$0x3FB1]  }
0x3d: {  	_ =	shalt  }
0x3e: {  	_ =	shalt  }
0x3f: {  	_ =	shalt  }
0x40: {  	_ =	shalt  }
0x41: {  	_ =	shalt  }
0x42: {  	_ =	shalt  }
0x43: {  	_ =	shalt  }
0x44: {  	_ =	shalt  }
0x45: {  	_ =	shalt  }
0x46: {  	_ =	shalt  }
0x47: {  	_ =	shalt  }
0x48: {  	_ =	shalt  }
0x49: {  	_ =	shalt  }
0x4a: {  	_ =	shalt  }
0x4b: {  	_ =	shalt  }
0x4c: {  	_ =	shalt  }
0x4d: {  	_ =	shalt  }
0x4e: {  	_ =	shalt  }
0x4f: {  	_ =	shalt  }
0x50: {  	_ =	shalt  }
0x51: {  	_ =	shalt  }
0x52: {  	_ =	shalt  }
0x53: {  	_ =	shalt  }
0x54: {  	_ =	shalt  }
0x55: {  	_ =	shalt  }
0x56: {  	_ =	shalt  }
0x57: {  	_ =	shalt  }
0x58: {  	_ =	shalt  }
0x59: {  	_ =	shalt  }
0x5a: {  	_ =	shalt  }
0x5b: {  	_ =	shalt  }
0x5c: {  	_ =	shalt  }
0x5d: {  	_ =	shalt  }
0x5e: {  	_ =	shalt  }
0x5f: {  	_ =	shalt  }
0x60: {  	_ =	shalt  }
0x61: {  	_ =	shalt  }
0x62: {  	_ =	shalt  }
0x63: {  	_ =	shalt  }
0x64: {  	_ =	shalt  }
0x65: {  	_ =	shalt  }
0x66: {  	_ =	shalt  }
0x67: {  	_ =	shalt  }
0x68: {  	_ =	shalt  }
0x69: {  	_ =	shalt  }
0x6a: {  	_ =	shalt  }
0x6b: {  	_ =	shalt  }
0x6c: {  	_ =	shalt  }
0x6d: {  	_ =	shalt  }
0x6e: {  	_ =	shalt  }
0x6f: {  	_ =	shalt  }
0x70: {  	_ =	shalt  }
0x71: {  	_ =	shalt  }
0x72: {  	_ =	shalt  }
0x73: {  	_ =	shalt  }
0x74: {  	_ =	shalt  }
0x75: {  	_ =	shalt  }
0x76: {  	_ =	shalt  }
0x77: {  	_ =	shalt  }
0x78: {  	_ =	shalt  }
0x79: {  	_ =	shalt  }
0x7a: {  	_ =	shalt  }
0x7b: {  	_ =	shalt  }
0x7c: {  	_ =	shalt  }
0x7d: {  	_ =	shalt  }
0x7e: {  	_ =	shalt  }
0x7f: {  	_ =	shalt  }
0x80: {  	_ =	shalt  }
0x81: {  	_ =	shalt  }
0x82: {  	_ =	shalt  }
0x83: {  	_ =	shalt  }
0x84: {  	_ =	shalt  }
0x85: {  	_ =	shalt  }
0x86: {  	_ =	shalt  }
0x87: {  	_ =	shalt  }
.Lfunc_end0:
.L_simem_size_0:
called_computation.4_lowered:
.L_overlay_start_0:
0x88: {  	s2 =	sld [smem:$0x3FD9]  }
0x89: {  	s3 =	sld [smem:$0x3FFE];
	_ =	sdelay $0x1  }
0x8a: {  	s1 =	srdreg.scid  }
0x8b: {  	s0 =	sand.u32 $0x1, s1  }
0x8c: {  	s14 =	sshll.u32 s0, $0xA;
	s2 =	sadd.s32 s3, s2  }
0x8d: {  	s2 =	sadd.s32 s2, s14  }
0x8e: {  	[smem:$0x3FBD] =	sst s2  }
0x8f: {  	_ = 	snop  }
0x90: {  	s2 =	sld [smem:$0x3FD0];
	_ =	sdelay $0x2  }
0x91: {  	s15 =	simm.s32 $0xB;
	s4 =	simm.s32 $0x10  }
0x92: {  	[smem:s4], [sflag:s15] =	dma.local [hbm:s2], $0x1  }
0x93: {  	_ =	swait.eq [sflag:s15], $0x1  }
0x94: {  	[sflag:s15] =	ssyncset.done $0x0  }
0x95: {  	[sflag:s15] =	ssyncadd.s32 $0xFFFFFFFF  }
0x96: {  	s16 =	sld [smem:$0x11];
	(tm) =	ssettm $0x1  }
0x97: {  	s17 =	sld [smem:$0x3FFB];
	_ =	sdelay $0x3  }
0x98: {  	_ =	strace s17  }
0x99: {  	s3 =	sld [smem:$0x3FFC];
	_ =	sdelay $0x3  }
0x9a: {  	_ =	strace s3  }
0x9b: {  	s3 =	sld [smem:$0x3FFD];
	_ =	sdelay $0x3  }
0x9c: {  	_ =	strace s3  }
0x9d: {  	_ =	strace $0x8FFFFFFF  }
0x9e: {  	s18 =	sld [smem:$0x3FDB];
	_ =	sdelay $0x1  }
0x9f: {  	s19 =	simm.s32 $_scs_section_size  }
0xa0: {  	s5 =	simm.s32 $_size__tile_overlayer_lowered;
	s6 =	simm.s32 $_tile_overlayer_lowered  }
0xa1: {  	s22 =	simm.s32 $0x1BFF;
	s21 =	sshll.u32 s6, $0x1;
	s3 =	sadd.s32 s19, s18  }
0xa2: {  	s7 =	simm.s32 $0x0;
	s20 =	sshll.u32 s5, $0x1;
	s5 =	sadd.s32 s21, s3  }
0xa3: {  	[timem:s7], [sflag:s22] =	dma.local [hbm:s5], s20  }
0xa4: {  	_ =	swait.ge [sflag:s22], s20  }
0xa5: {  	s4 =	ssub.s32 $0x0, s20;
	[sflag:s22] =	ssyncset.done $0x0  }
0xa6: {  	[sflag:s22] =	ssyncadd.s32 s4;
	_ =	sdelay $0x1  }
0xa7: {  	s23 =	simm.s32 $0x1B8B  }
0xa8: {  	_ =	swait.ge [sflag:s23], $0x1  }
0xa9: {  	[sflag:s23] =	ssyncset.done $0x0  }
0xaa: {  	s25 =	simm.s32 $0x1B8E;
	s24 =	sld [smem:$0x3FFE];
	[sflag:s23] =	ssyncadd.s32 $0xFFFFFFFF  }
0xab: {  	s26 =	simm.s32 $execute0_lowered;
	[smem:$0x3FD2] =	sst s25  }
0xac: {  	s5 =	sshll.u32 s26, $0x1;
	_ =	strace $0x80000055;
	[dreg:$0x1] =	wrdreg $0xFFFFFFFF  }
0xad: {  	s28 =	simm.s32 $_size_execute0_lowered;
	s3 =	sadd.s32 s3, s5;
	[dreg:$0x0] =	wrdreg $0x0  }
0xae: {  	s5 =	sshll.u32 s28, $0x1;
	[dreg:$0x2] =	wrdreg s3  }
0xaf: {  	[dreg:$0x3] =	wrdreg s5  }
0xb0: {  	[dreg:$0x4] =	wrdreg $0xC0  }
0xb1: {  	_ =	task [dreg:s7], $0x5FFFF  }
0xb2: {  	[dreg:$0x1] =	wrdreg $0xFFFFFFFF  }
0xb3: {  	[dreg:$0x0] =	wrdreg $0x60  }
0xb4: {  	[dreg:$0x2] =	wrdreg s24  }
0xb5: {  	[dreg:$0x3] =	wrdreg s16  }
0xb6: {  	[dreg:$0x4] =	wrdreg $0x9  }
0xb7: {  	_ =	task.clear_ibuf [dreg:s7], $0x5FFFF;
	_ =	strace $0x90000055  }
0xb8: {  	s29 =	simm.s32 $0x9;
	_ =	strace $0x80000057  }
0xb9: {  	_ =	swait.ge [sflag:s29], $0x1  }
0xba: {  	[sflag:s29] =	ssyncadd.s32 $0xFFFFFFFF  }
0xbb: {  	_ =	strace $0x90000057  }
0xbc: {  	_ =	sfence  }
0xbd: {  	s30 =	sld [smem:$0x0];
	_ =	sdelay $0x2  }
0xbe: {  	s31 =	sshll.u32 s1, $0xD;
	s1 =	sshrl.u32 s1, $0x2  }
0xbf: {  	s3 =	sand.u32 $0x4000, s31;
	s1 =	sadd.s32 s1, s30  }
0xc0: {  	s0 =	sor.u32 s3, s0;
	s1 =	sshll.u32 s1, $0x11  }
0xc1: {  	s0 =	sor.u32 s1, s0  }
0xc2: {  	s0 =	sadd.s32 $0x8F2B, s0  }
0xc3: {  	[sflag:s0] =	ssyncadd.remote.s32 $0x1  }
0xc4: {  	_ =	sfence.sel $0xFFFF  }
0xc5: {  	[dreg:$0x0] =	wrdreg $0xFFFFFFFF;
	(pc) =	sbr.abs _section_cstart, $3  }
0xc6: {  	[dreg:$0x1] =	wrdreg $0xFFFFFFFF  }
0xc7: {  	_ =	task.clear_ibuf [dreg:s7], $0x2FFFF;
	_ =	strace $0x9FFFFFFF  }
0xc8: {  	(tm) =	ssettm $0x7FFFFFFF  }
0xc9: {  	_ =	shalt  }
tec
execute0_lowered:
.L_overlay_start_1:
0x0: {  	(tag) =	ssettag $0x1  }
0x1: {  	s1 =	srdreg.scid;
	s8 =	rddreg [dreg:$0x0]  }
0x2: {  	s0 =	stileid.u32;
	s2 =	rddreg [dreg:$0x1]  }
0x3: {  	s5 =	simm.s32 $0x1;
	s9 =	simm.s32 $0x1;
	s1 =	sshll.u32 s1, $0x5  }
0x4: {  	s10 =	simm.s32 $0x3;
	s3 =	sshll.u32 s0, $0x6;
	s4 =	sand.u32 $0x20, s1  }
0x5: {  	s13 =	simm.s32 $0x0;
	s12 =	simm.s32 $0x0;
	s3 =	sor.u32 s3, s4  }
0x6: {  	s1 =	rddreg [dreg:$0x2];
	_ =	strace $0x80000056;
	s7 =	ssub.s32 $0x800, s3  }
.Ltmp0:
0x7: {  	s4 =	sadd.s32 $0x200, s8;
	s6 =	sand.u32 $0x3E0, s7;
	(pc) =	sbr.rel .LBB2_1-.Ltmp0, $4  }
0x8: {  	[sflag:s5] =	ssyncpa.u1 $0x0;
	s8 =	sadd.s32 $0x600, s8;
	p0 =	sne.s32 s6, $0x0  }
0x9: {  	s7 =	sshrl.u32 s7, $0xA;
	s6 =	simm.s32 $0x2;
	s9 =	simm.s32 @!p0 $0x0  }
0xa: {  	s11 =	smov.u32 s3;
	[sflag:s6] =	ssyncpa.u1 $0x0;
	s7 =	sadd.s32 s9, s7  }
0xb: {  	vm0 =	vmmov $0xffff;
	[sflag:s10] =	ssyncpa.u1 $0x0;
	s10 =	simm.s32 $0x0;
	s9 =	sadd.s32 $0x1, s7  }
.LBB2_5:
0xc: {  	s15 =	sadd.s32 $0x400, s11  }
0xd: {  	p1 =	sgt.s32 s15, $0x7FF  }
0xe: {  	s15 =	smov.u32 @p1 s3;
	p1 =	sne.s32 s12, s9  }
.Ltmp1:
0xf: {  	p0 =	slt.u32 s12, $0x2;
	(pc) =	sbr.rel @!p1 .LBB2_6-.Ltmp1, $4  }
0x10: {  	s14 =	simm.s32 @!p0 $0x3  }
0x11: {  	_ =	swait.ge @!p0 [sflag:s14], $0x20  }
0x12: {  	s16 =	sadd.s32 $0x1, s12;
	s13 =	smov.u32 s11;
	[sflag:s14] =	ssyncset.done @!p0 $0x0  }
0x13: {  	s12 =	smov.u32 s16;
	s11 =	smov.u32 s15;
	[sflag:s14] =	ssyncadd.s32 @!p0 $0xFFFFFFE0  }
.LBB2_1:
0x14: {  	p0 =	sge.u32 s12, s7  }
0x15: {  	s14 =	sxor.u32 @!p0 $0xFFFFFFFF, s12  }
0x16: {  	s31 =	sadd.s32 $0xFFFFFFFF, s12;
	s15 =	sshrl.u32 @!p0 s11, $0x3;
	s14 =	sshll.u32 @!p0 s14, $0x5  }
0x17: {  	s16 =	sand.u32 @!p0 $0x7, s11;
	s15 =	sadd.s32 @!p0 s2, s15;
	s14 =	sand.u32 @!p0 $0x20, s14  }
0x18: {  	[tilespmem:s14], [sflag:$0x2] =	stream.linear.gather @!p0 [hbm4b:s15+s16], $0x20, $0x38;
	[tilespmem:$0x80] =	vst v63  }
0x19: {  	p0 =	sge.u32 s31, s7  }
.Ltmp2:
0x1a: {  	_ = 	snop;
	(pc) =	sbr.rel @p0 .LBB2_5-.Ltmp2, $1  }
0x1b: {  	_ =	sdelay $0x3  }
0x1c: {  	_ =	swait.ge [sflag:s6], $0x20;
	s14 =	sshll.u32 s12, $0x5;
	s16 =	simm.s32 $0x0  }
0x1d: {  	p0 =	por $0x1, $0x1;
	[sflag:s6] =	ssyncset.done $0x0;
	s15 =	sand.u32 $0x20, s14  }
0x1e: {  	[sflag:s6] =	ssyncadd.s32 $0xFFFFFFE0;
	(ifvalue) =	ssetifvalue $0x7FFFFFFF;
	s14 =	sor.u32 $0x40, s15  }
.LBB2_3:
0x1f: {  	s17 =	sadd.s32 s16, s15  }
0x20: {  	v0 =	vld.msk [tilespmem:s17+$0x0 ss:$0x1], $0xffff;
	_ =	sdelay $0x4  }
0x21: {  	v1 =	vshll.u32 v0, $0x2  }
0x22: {  	vm1 =	veq.s32 v0, $0x80000000;
	v0 =	vand.u32 $0x1F, v0;
	v1 =	vand.u32 $0x1F80, v1  }
0x23: {  	v0 =	vsel vm1, $0xFFFFFFFF, v0;
	v1 =	vsel vm1, $0xFFFFFF80, v1  }
0x24: {  	v3 =	vand.u32 $0xFFFFFC00, v0;
	v2 =	vand.u32 $0xFFFFFC00, v1  }
0x25: {  	v1 =	vand.u32 $0x380, v1;
	v2 =	vadd.s32 v3, v2  }
0x26: {  	v0 =	vand.u32 $0x7F, v0;
	v1 =	vor.u32 v1, v2  }
0x27: {  	p1 =	por p0, p0;
	v0 =	vor.u32 v0, v1  }
.Ltmp3:
0x28: {  	_ = 	snop;
	(pc) =	sbr.rel @p1 .LBB2_3-.Ltmp3, $4  }
0x29: {  	_ = 	snop  }
0x2a: {  	s31 =	sadd.s32 s16, s14  }
0x2b: {  	s16 =	simm.s32 $0x10;
	p0 =	por $0x0, $0x0;
	(ifvalue) =	ssetifvalue $0x7FFFFFFF  }
0x2c: {  	[tilespmem:s31], [sflag:$0x1] =	stream.indirect_vreg.gather [hbm4b:s4+s10], $0x1, v0, vm0, $0x4038;
	[tilespmem:$0x80] =	vst v63  }
.Ltmp4:
0x2d: {  	(pc) =	sbr.rel .LBB2_5-.Ltmp4, $4  }
0x2e: {  	_ =	swait.ge [sflag:s5], $0x20  }
0x2f: {  	s15 =	sshrl.u32 s13, $0x3;
	[sflag:s5] =	ssyncset.done $0x0  }
0x30: {  	s31 =	sand.u32 $0x7, s13;
	s15 =	sadd.s32 s8, s15;
	[sflag:s5] =	ssyncadd.s32 $0xFFFFFFE0  }
0x31: {  	[hbm4b:s15+s31] =	stream.linear.scatter [tilespmem:s14], [sflag:$0x3], $0x20, $0x38;
	[tilespmem:$0x80] =	vst v63  }
.LBB2_6:
0x32: {  	_ =	sfence.sel $0x180000  }
0x33: {  	s2 =	simm.s32 $0x2;
	[bflag:$0x0] =	sbarrier.arrive $0xFFFF  }
0x34: {  	s30 =	simm.s32 $0x3;
	[sflag:s2] =	ssyncpa.u1 $0x1  }
0x35: {  	s31 =	simm.s32 $0x1;
	[sflag:s30] =	ssyncpa.u1 $0x1  }
0x36: {  	[sflag:s31] =	ssyncpa.u1 $0x1  }
0x37: {  	p0 =	sne.s32 s0, $0x0;
	_ =	strace $0x90000056  }
0x38: {  	s0 =	sadd.s32 @!p0 $0x100000, s1;
	[bflag:$0x2] =	sbarrier.arrive $0xFFFF  }
0x39: {  	[sflag:s0] =	ssyncadd.tile.s32 @!p0 $0x1;
	_ =	shalt  }
.Lfunc_end2:
_tile_overlayer_lowered:
.L_overlay_start_2:
0x3a: {  	(tag) =	ssettag $0x2  }
0x3b: {  	s0 =	rddreg [dreg:$0x0];
	s2 =	stileid.u32  }
0x3c: {  	s1 =	rddreg [dreg:$0x1];
	p0 =	sne.s32 s2, $0x0  }
0x3d: {  	s3 =	rddreg [dreg:$0x2];
	[bflag:$0x3] =	sbarrier.arrive $0xFFFF;
	s2 =	simm.s32 @!p0 $0x1C01  }
0x3e: {  	[timem:s3], [sflag:s2] =	dma.local @!p0 [hbm:s0], s1  }
0x3f: {  	s0 =	simm.s32 @!p0 $0x1  }
0x40: {  	_ =	swait.ge @!p0 [sflag:s0], s1  }
0x41: {  	s1 =	ssub.s32 @!p0 $0x0, s1;
	[sflag:s0] =	ssyncset.done @!p0 $0x0  }
0x42: {  	[sflag:s0] =	ssyncadd.s32 @!p0 s1  }
0x43: {  	[bflag:$0x3] =	sbarrier.arrive $0xFFFF  }
0x44: {  	_ =	shalt  }

// kernel: gather_offload_async_start
scs
__scs_entry_jumppad:
0x0: {  	(pc) =	sbr.rel $0x88, $3  }
0x1: {  	(tag) =	ssettag $0x0;
	lr =	simm.s32 $0x1  }
0x2: {  	[smem:$0x3F96] =	sst lr;
	_ =	strace $0xD0000000  }
0x3: {  	_ = 	snop  }
0x4: {  	_ = 	snop  }
0x5: {  	_ = 	snop  }
0x6: {  	_ = 	snop  }
0x7: {  	_ = 	snop  }
__scs_overlays_trampoline_lowered:
0x8: {  	[smem:$0x3FA5] =	sst s0  }
0x9: {  	[smem:$0x3FA6] =	sst s1  }
0xa: {  	[smem:$0x3FA7] =	sst s2  }
0xb: {  	[smem:$0x3FA8] =	sst s3  }
0xc: {  	[smem:$0x3FA9] =	sst s4  }
0xd: {  	[smem:$0x3FAA] =	sst s5  }
0xe: {  	[smem:$0x3FAB] =	sst s6  }
0xf: {  	[smem:$0x3FAC] =	sst s7  }
0x10: {  	[smem:$0x3FAD] =	sst s8  }
0x11: {  	[smem:$0x3FAE] =	sst s9;
	s0 =	simm.s32 @!p0 $0x0  }
0x12: {  	s1 =	sld [smem:$0x3F94];
	s0 =	simm.s32 @p0 $0x1  }
0x13: {  	[smem:$0x3FAF] =	sst s0;
	s0 =	simm.s32 @!p1 $0x0  }
0x14: {  	s2 =	sld [smem:$0x3F93];
	s0 =	simm.s32 @p1 $0x1  }
0x15: {  	[smem:$0x3FB0] =	sst s0;
	s0 =	simm.s32 @!p2 $0x0  }
0x16: {  	s3 =	sld [smem:$0x3FDB];
	s0 =	simm.s32 @p2 $0x1  }
0x17: {  	s4 =	simm.s32 $0x1BF5;
	[smem:$0x3FB2] =	sst s0  }
0x18: {  	s0 =	sld [smem:$0x3F95];
	_ =	swait.ge [sflag:s4], $0x0  }
0x19: {  	s7 =	sld [smem:$0x3F96]  }
0x1a: {  	s8 =	sadd.s32 $0xFFFFE003, lr  }
0x1b: {  	s9 =	sadd.s32 $0xFFFFFEF7, lr;
	s5 =	simm.s32 $0xFFFFFFFF;
	p2 =	slt.u32 s8, $0xFFFFF086  }
0x1c: {  	p1 =	slt.u32 s9, $0xF7A;
	s5 =	simm.s32 @!p2 $0x0  }
0x1d: {  	s5 =	simm.s32 @p1 $0x1;
	p0 =	seq.s32 s7, s2  }
0x1e: {  	s7 =	smul.u32 @!p0 $0xF7A, s2;
	p2 =	seq.s32 @!p0 s5, $0x0  }
0x1f: {  	s9 =	smul.u32 $0xF7A, s1;
	s8 =	simm.s32 @!p0 $0x1BF5;
	p2 =	por !p2, p0  }
0x20: {  	[sflag:s8] =	ssyncset.s32 @!p0 $0xFFFFF086;
	s6 =	sadd.s32 @!p0 s3, s7;
	s7 =	simm.s32 @!p0 $0x108  }
0x21: {  	s3 =	sadd.s32 s3, s9;
	s6 =	sadd.s32 @!p0 $0x88, s6;
	s7 =	simm.s32 @p2 $0x1082  }
0x22: {  	[simem:s7], [sflag:s8] =	dma.local @!p0 [hbm:s6], $0xF7A  }
0x23: {  	s9 =	sor.u32 $0xD0000000, s2;
	s6 =	simm.s32 $0x108;
	_ =	swait.ge @!p0 [sflag:s8], $0x0  }
0x24: {  	s3 =	sadd.s32 $0x88, s3;
	s6 =	simm.s32 @!p1 $0x1082;
	[sflag:s4] =	ssyncset.s32 $0xFFFFF086  }
0x25: {  	[simem:s6], [sflag:s4] =	dma.local [hbm:s3], $0xF7A  }
0x26: {  	[smem:$0x3F96] =	sst s1;
	(tag) =	ssettag s2;
	_ =	strace s9  }
0x27: {  	s1 =	sld [smem:$0x3FA6]  }
0x28: {  	s2 =	sld [smem:$0x3FA7]  }
0x29: {  	s4 =	sld [smem:$0x3FA9]  }
0x2a: {  	p0 =	seq.s32 s5, $0x0;
	s5 =	sld [smem:$0x3FAA]  }
0x2b: {  	s6 =	sld [smem:$0x3FAB]  }
0x2c: {  	s7 =	sld [smem:$0x3FAC]  }
0x2d: {  	s3 =	simm.s32 $0x108;
	s8 =	sld [smem:$0x3FAD]  }
0x2e: {  	s3 =	simm.s32 @!p0 $0x1082;
	s9 =	sld [smem:$0x3FAE]  }
0x2f: {  	lr =	sadd.s32 s0, s3;
	s0 =	sld [smem:$0x3FA5]  }
0x30: {  	s3 =	sld [smem:$0x3FA8]  }
0x31: {  	[smem:$0x3FB1] =	sst s10  }
0x32: {  	s10 =	sld [smem:$0x3FAF];
	_ =	sdelay $0x3  }
0x33: {  	p0 =	seq.s32 s10, $0x1;
	s10 =	sld [smem:$0x3FB1];
	_ =	sdelay $0x3  }
0x34: {  	[smem:$0x3FB1] =	sst s10  }
0x35: {  	s10 =	sld [smem:$0x3FB0];
	_ =	sdelay $0x3  }
0x36: {  	p1 =	seq.s32 s10, $0x1;
	s10 =	sld [smem:$0x3FB1];
	_ =	sdelay $0x3  }
0x37: {  	[smem:$0x3FB1] =	sst s10  }
0x38: {  	s10 =	sld [smem:$0x3FB2]  }
0x39: {  	_ = 	snop;
	(pc) =	sbr.ind lr, $3  }
0x3a: {  	_ = 	snop  }
0x3b: {  	_ = 	snop  }
0x3c: {  	p2 =	seq.s32 s10, $0x1;
	s10 =	sld [smem:$0x3FB1]  }
0x3d: {  	_ =	shalt  }
0x3e: {  	_ =	shalt  }
0x3f: {  	_ =	shalt  }
0x40: {  	_ =	shalt  }
0x41: {  	_ =	shalt  }
0x42: {  	_ =	shalt  }
0x43: {  	_ =	shalt  }
0x44: {  	_ =	shalt  }
0x45: {  	_ =	shalt  }
0x46: {  	_ =	shalt  }
0x47: {  	_ =	shalt  }
0x48: {  	_ =	shalt  }
0x49: {  	_ =	shalt  }
0x4a: {  	_ =	shalt  }
0x4b: {  	_ =	shalt  }
0x4c: {  	_ =	shalt  }
0x4d: {  	_ =	shalt  }
0x4e: {  	_ =	shalt  }
0x4f: {  	_ =	shalt  }
0x50: {  	_ =	shalt  }
0x51: {  	_ =	shalt  }
0x52: {  	_ =	shalt  }
0x53: {  	_ =	shalt  }
0x54: {  	_ =	shalt  }
0x55: {  	_ =	shalt  }
0x56: {  	_ =	shalt  }
0x57: {  	_ =	shalt  }
0x58: {  	_ =	shalt  }
0x59: {  	_ =	shalt  }
0x5a: {  	_ =	shalt  }
0x5b: {  	_ =	shalt  }
0x5c: {  	_ =	shalt  }
0x5d: {  	_ =	shalt  }
0x5e: {  	_ =	shalt  }
0x5f: {  	_ =	shalt  }
0x60: {  	_ =	shalt  }
0x61: {  	_ =	shalt  }
0x62: {  	_ =	shalt  }
0x63: {  	_ =	shalt  }
0x64: {  	_ =	shalt  }
0x65: {  	_ =	shalt  }
0x66: {  	_ =	shalt  }
0x67: {  	_ =	shalt  }
0x68: {  	_ =	shalt  }
0x69: {  	_ =	shalt  }
0x6a: {  	_ =	shalt  }
0x6b: {  	_ =	shalt  }
0x6c: {  	_ =	shalt  }
0x6d: {  	_ =	shalt  }
0x6e: {  	_ =	shalt  }
0x6f: {  	_ =	shalt  }
0x70: {  	_ =	shalt  }
0x71: {  	_ =	shalt  }
0x72: {  	_ =	shalt  }
0x73: {  	_ =	shalt  }
0x74: {  	_ =	shalt  }
0x75: {  	_ =	shalt  }
0x76: {  	_ =	shalt  }
0x77: {  	_ =	shalt  }
0x78: {  	_ =	shalt  }
0x79: {  	_ =	shalt  }
0x7a: {  	_ =	shalt  }
0x7b: {  	_ =	shalt  }
0x7c: {  	_ =	shalt  }
0x7d: {  	_ =	shalt  }
0x7e: {  	_ =	shalt  }
0x7f: {  	_ =	shalt  }
0x80: {  	_ =	shalt  }
0x81: {  	_ =	shalt  }
0x82: {  	_ =	shalt  }
0x83: {  	_ =	shalt  }
0x84: {  	_ =	shalt  }
0x85: {  	_ =	shalt  }
0x86: {  	_ =	shalt  }
0x87: {  	_ =	shalt  }
.Lfunc_end0:
.L_simem_size_0:
called_computation_lowered:
.L_overlay_start_0:
0x88: {  	s2 =	sld [smem:$0x3FD9]  }
0x89: {  	s3 =	sld [smem:$0x3FFE];
	_ =	sdelay $0x1  }
0x8a: {  	s1 =	srdreg.scid  }
0x8b: {  	s0 =	sand.u32 $0x1, s1  }
0x8c: {  	s16 =	sshll.u32 s0, $0xA;
	s2 =	sadd.s32 s3, s2  }
0x8d: {  	s2 =	sadd.s32 s2, s16  }
0x8e: {  	[smem:$0x3FBD] =	sst s2  }
0x8f: {  	_ = 	snop  }
0x90: {  	s17 =	sld [smem:$0x3FD0];
	_ =	sdelay $0x2  }
0x91: {  	s5 =	simm.s32 $0xB;
	s4 =	simm.s32 $0x10;
	s2 =	sld [smem:$0x3FC6]  }
0x92: {  	[smem:s4], [sflag:s5] =	dma.local [hbm:s17], $0x1  }
0x93: {  	_ =	swait.eq [sflag:s5], $0x1  }
0x94: {  	[sflag:s5] =	ssyncset.done $0x0  }
0x95: {  	s18 =	sld [smem:$0x10];
	[sflag:s5] =	ssyncadd.s32 $0xFFFFFFFF  }
0x96: {  	s19 =	sld [smem:$0x11];
	(tm) =	ssettm $0x1  }
0x97: {  	s20 =	sld [smem:$0x3FFB];
	_ =	sdelay $0x3  }
0x98: {  	_ =	strace s20  }
0x99: {  	s3 =	sld [smem:$0x3FFC];
	_ =	sdelay $0x3  }
0x9a: {  	_ =	strace s3  }
0x9b: {  	s3 =	sld [smem:$0x3FFD];
	_ =	sdelay $0x3  }
0x9c: {  	_ =	strace s3  }
0x9d: {  	_ =	strace $0x8FFFFFFF  }
0x9e: {  	s21 =	sld [smem:$0x3FDB];
	_ =	sdelay $0x1  }
0x9f: {  	s6 =	simm.s32 $_scs_section_size  }
0xa0: {  	s7 =	simm.s32 $_size__tile_overlayer_lowered;
	s8 =	simm.s32 $_tile_overlayer_lowered  }
0xa1: {  	s9 =	simm.s32 $0x1BFF;
	s22 =	sshll.u32 s8, $0x1;
	s6 =	sadd.s32 s6, s21  }
0xa2: {  	s23 =	simm.s32 $0x0;
	s7 =	sshll.u32 s7, $0x1;
	s8 =	sadd.s32 s22, s6  }
0xa3: {  	[timem:s23], [sflag:s9] =	dma.local [hbm:s8], s7  }
0xa4: {  	_ =	swait.ge [sflag:s9], s7  }
0xa5: {  	s7 =	ssub.s32 $0x0, s7;
	[sflag:s9] =	ssyncset.done $0x0  }
0xa6: {  	[sflag:s9] =	ssyncadd.s32 s7;
	_ =	sdelay $0x1  }
0xa7: {  	s24 =	simm.s32 $0x1B8B  }
0xa8: {  	_ =	swait.ge [sflag:s24], $0x1  }
0xa9: {  	[sflag:s24] =	ssyncset.done $0x0  }
0xaa: {  	[sflag:s24] =	ssyncadd.s32 $0xFFFFFFFF  }
0xab: {  	s7 =	sld [smem:$0x0]  }
0xac: {  	s8 =	sand.u32 $0xFFFFFFFE, s1  }
0xad: {  	p0 =	sne.s32 s1, s8  }
0xae: {  	s8 =	sshll.u32 @p0 s8, $0xE  }
0xaf: {  	s8 =	sadd.s32 @p0 $0x11B8D, s8;
	s9 =	sshll.u32 @p0 s7, $0x11  }
0xb0: {  	s8 =	sor.u32 @p0 s9, s8  }
0xb1: {  	[sflag:s8] =	ssyncadd.remote.s32 @p0 $0x1;
	_ =	sdelay $0x1  }
0xb2: {  	s8 =	simm.s32 @p0 $0x1B8D  }
0xb3: {  	_ =	swait.eq @p0 [sflag:s8], $0x1  }
0xb4: {  	[sflag:s8] =	ssyncadd.s32 @p0 $0xFFFFFFFF  }
0xb5: {  	s9 =	sshll.u32 @!p0 s1, $0xE  }
0xb6: {  	s9 =	sor.u32 @!p0 $0x4000, s9;
	s8 =	simm.s32 @!p0 $0x1B8D  }
0xb7: {  	s7 =	sshll.u32 @!p0 s7, $0x11;
	s9 =	sadd.s32 @!p0 $0x11B8D, s9;
	_ =	swait.eq @!p0 [sflag:s8], $0x1  }
0xb8: {  	s7 =	sor.u32 @!p0 s7, s9;
	[sflag:s8] =	ssyncadd.s32 @!p0 $0xFFFFFFFF  }
0xb9: {  	s25 =	simm.s32 $0x1B8E;
	[sflag:s7] =	ssyncadd.remote.s32 @!p0 $0x1  }
0xba: {  	s26 =	simm.s32 $execute0_lowered;
	[smem:$0x3FD2] =	sst s25  }
0xbb: {  	s7 =	sshll.u32 s26, $0x1;
	_ =	strace $0x8000004C;
	[dreg:$0x1] =	wrdreg $0xFFFFFFFF  }
0xbc: {  	s28 =	simm.s32 $_size_execute0_lowered;
	s6 =	sadd.s32 s6, s7;
	[dreg:$0x0] =	wrdreg $0x0  }
0xbd: {  	s7 =	sshll.u32 s28, $0x1;
	[dreg:$0x2] =	wrdreg s6  }
0xbe: {  	[dreg:$0x3] =	wrdreg s7  }
0xbf: {  	[dreg:$0x4] =	wrdreg $0xC0  }
0xc0: {  	_ =	task [dreg:s23], $0x5FFFF  }
0xc1: {  	[dreg:$0x1] =	wrdreg $0xFFFFFFFF  }
0xc2: {  	[dreg:$0x0] =	wrdreg $0x60  }
0xc3: {  	[dreg:$0x2] =	wrdreg s2  }
0xc4: {  	[dreg:$0x3] =	wrdreg s19  }
0xc5: {  	[dreg:$0x4] =	wrdreg s18  }
0xc6: {  	[dreg:$0x5] =	wrdreg $0x9  }
0xc7: {  	_ =	task.clear_ibuf [dreg:s23], $0x6FFFF;
	_ =	strace $0x9000004C  }
0xc8: {  	s29 =	simm.s32 $0x9;
	_ =	strace $0x8000004E  }
0xc9: {  	_ =	swait.ge [sflag:s29], $0x1  }
0xca: {  	[sflag:s29] =	ssyncadd.s32 $0xFFFFFFFF  }
0xcb: {  	_ =	strace $0x9000004E  }
0xcc: {  	_ =	sfence  }
0xcd: {  	s30 =	sld [smem:$0x0];
	_ =	sdelay $0x2  }
0xce: {  	s31 =	sshll.u32 s1, $0xD;
	s1 =	sshrl.u32 s1, $0x2  }
0xcf: {  	s4 =	sand.u32 $0x4000, s31;
	s1 =	sadd.s32 s1, s30  }
0xd0: {  	s0 =	sor.u32 s4, s0;
	s1 =	sshll.u32 s1, $0x11  }
0xd1: {  	s0 =	sor.u32 s1, s0  }
0xd2: {  	s0 =	sadd.s32 $0x8F2B, s0  }
0xd3: {  	[sflag:s0] =	ssyncadd.remote.s32 $0x1  }
0xd4: {  	_ =	sfence.sel $0xFFFF  }
0xd5: {  	[dreg:$0x0] =	wrdreg $0xFFFFFFFF;
	(pc) =	sbr.abs _section_cstart, $3  }
0xd6: {  	[dreg:$0x1] =	wrdreg $0xFFFFFFFF  }
0xd7: {  	_ =	task.clear_ibuf [dreg:s23], $0x2FFFF;
	_ =	strace $0x9FFFFFFF  }
0xd8: {  	(tm) =	ssettm $0x7FFFFFFF  }
0xd9: {  	_ =	shalt  }
tec
execute0_lowered:
.L_overlay_start_1:
0x0: {  	(tag) =	ssettag $0x1  }
0x1: {  	s1 =	srdreg.scid  }
0x2: {  	s2 =	rddreg [dreg:$0x0];
	s0 =	stileid.u32;
	s1 =	sshll.u32 s1, $0x5  }
0x3: {  	s3 =	rddreg [dreg:$0x1];
	s5 =	sshll.u32 s0, $0x6;
	s1 =	sand.u32 $0x20, s1  }
0x4: {  	s4 =	rddreg [dreg:$0x2];
	s7 =	simm.s32 $0x1;
	s5 =	sor.u32 s5, s1  }
0x5: {  	s30 =	simm.s32 $0x2;
	s31 =	simm.s32 $0x3;
	s6 =	ssub.s32 $0x800, s5  }
0x6: {  	s11 =	simm.s32 $0x0;
	s9 =	simm.s32 $0x0;
	s8 =	sand.u32 $0x3E0, s6  }
0x7: {  	s1 =	rddreg [dreg:$0x3];
	_ =	strace $0x8000004D;
	p0 =	sne.s32 s8, $0x0  }
0x8: {  	[sflag:s7] =	ssyncpa.u1 $0x0;
	s6 =	sshrl.u32 s6, $0xA;
	s7 =	simm.s32 @!p0 $0x0  }
0x9: {  	s10 =	smov.u32 s5;
	[sflag:s30] =	ssyncpa.u1 $0x0;
	s6 =	sadd.s32 s7, s6  }
0xa: {  	[sflag:s31] =	ssyncpa.u1 $0x0;
	s8 =	simm.s32 $0x0;
	s7 =	sadd.s32 $0x1, s6  }
.LBB2_1:
0xb: {  	p0 =	sge.u32 s9, s6  }
0xc: {  	s31 =	sadd.s32 $0xFFFFFFFF, s9;
	s12 =	sxor.u32 @!p0 $0xFFFFFFFF, s8;
	s13 =	sshrl.u32 @!p0 s10, $0x3  }
0xd: {  	s14 =	sand.u32 @!p0 $0x7, s10;
	s12 =	sand.u32 @!p0 $0x20, s12;
	s13 =	sadd.s32 @!p0 s3, s13  }
0xe: {  	[tilespmem:s12], [sflag:$0x2] =	stream.linear.gather @!p0 [hbm4b:s13+s14], $0x20, $0x38;
	[tilespmem:$0x80] =	vst v63  }
0xf: {  	p0 =	sge.u32 s31, s6  }
0x10: {  	s12 =	simm.s32 @!p0 $0x2  }
0x11: {  	_ =	swait.ge @!p0 [sflag:s12], $0x20  }
0x12: {  	[sflag:s12] =	ssyncset.done @!p0 $0x0  }
0x13: {  	[sflag:s12] =	ssyncadd.s32 @!p0 $0xFFFFFFE0;
	s12 =	sand.u32 @!p0 $0x20, s8  }
0x14: {  	(ifvalue) =	ssetifvalue @!p0 $0x7FFFFFFF;
	v0 =	vld.msk @!p0 [tilespmem:s12+$0x0 ss:$0x1], $0xffff;
	_ =	sdelay $0x4  }
0x15: {  	vm0 =	vgt.s32 @!p0 v0, $0x0  }
0x16: {  	v0 =	vnsel @!p0 vm0, $0x0, v0  }
0x17: {  	v0 =	vmin.u32 @!p0 v0, $0x7FFF;
	_ =	sdelay $0x2  }
0x18: {  	s14 =	simm.s32 @!p0 $0x0  }
0x19: {  	s13 =	sor.u32 @!p0 $0x40, s12;
	(ifvalue) =	ssetifvalue @!p0 $0x7FFFFFFF;
	s15 =	sor.u32 @!p0 $0x10, s12;
	vm0 =	vmmov @!p0 $0xffff  }
0x1a: {  	[tilespmem:s13], [sflag:$0x1] =	stream.indirect_vreg.gather @!p0 [hbm4b:s2+s14], $0x1, v0, vm0, $0x4038;
	[tilespmem:$0x80] =	vst v63  }
0x1b: {  	v0 =	vld.msk @!p0 [tilespmem:s15+$0x0 ss:$0x1], $0xffff;
	_ =	sdelay $0x4  }
0x1c: {  	vm1 =	vgt.s32 @!p0 v0, $0x0  }
0x1d: {  	v0 =	vnsel @!p0 vm1, $0x0, v0  }
0x1e: {  	v0 =	vmin.u32 @!p0 v0, $0x7FFF;
	_ =	sdelay $0x3  }
0x1f: {  	s12 =	sor.u32 @!p0 $0x50, s12;
	(ifvalue) =	ssetifvalue @!p0 $0x7FFFFFFF  }
0x20: {  	[tilespmem:s12], [sflag:$0x1] =	stream.indirect_vreg.gather @!p0 [hbm4b:s2+s14], $0x1, v0, vm0, $0x4038;
	[tilespmem:$0x80] =	vst v63  }
0x21: {  	s12 =	simm.s32 @!p0 $0x1  }
0x22: {  	_ =	swait.ge @!p0 [sflag:s12], $0x20  }
0x23: {  	s14 =	sshrl.u32 @!p0 s11, $0x3;
	[sflag:s12] =	ssyncset.done @!p0 $0x0  }
0x24: {  	s11 =	sand.u32 @!p0 $0x7, s11;
	[sflag:s12] =	ssyncadd.s32 @!p0 $0xFFFFFFE0;
	s12 =	sadd.s32 @!p0 s4, s14  }
0x25: {  	[hbm4b:s12+s11] =	stream.linear.scatter @!p0 [tilespmem:s13], [sflag:$0x3], $0x20, $0x38;
	[tilespmem:$0x80] =	vst v63  }
0x26: {  	s13 =	sadd.s32 $0x400, s10  }
0x27: {  	p1 =	sgt.s32 s13, $0x7FF  }
0x28: {  	s13 =	smov.u32 @p1 s5;
	p1 =	sne.s32 s9, s7  }
.Ltmp0:
0x29: {  	p0 =	slt.u32 s9, $0x2;
	(pc) =	sbr.rel @p1 .LBB2_1-.Ltmp0, $4  }
0x2a: {  	s12 =	simm.s32 @!p0 $0x3  }
0x2b: {  	_ =	swait.ge @!p0 [sflag:s12], $0x20  }
0x2c: {  	s8 =	sadd.s32 $0x20, s8;
	s11 =	smov.u32 s10;
	[sflag:s12] =	ssyncset.done @!p0 $0x0  }
0x2d: {  	s9 =	sadd.s32 $0x1, s9;
	s10 =	smov.u32 s13;
	[sflag:s12] =	ssyncadd.s32 @!p0 $0xFFFFFFE0  }
0x2e: {  	_ =	sfence.sel $0x180000  }
0x2f: {  	s2 =	simm.s32 $0x2;
	[bflag:$0x0] =	sbarrier.arrive $0xFFFF  }
0x30: {  	s30 =	simm.s32 $0x3;
	[sflag:s2] =	ssyncpa.u1 $0x1  }
0x31: {  	s31 =	simm.s32 $0x1;
	[sflag:s30] =	ssyncpa.u1 $0x1  }
0x32: {  	[sflag:s31] =	ssyncpa.u1 $0x1  }
0x33: {  	p0 =	sne.s32 s0, $0x0;
	_ =	strace $0x9000004D  }
0x34: {  	s0 =	sadd.s32 @!p0 $0x100000, s1;
	[bflag:$0x2] =	sbarrier.arrive $0xFFFF  }
0x35: {  	[sflag:s0] =	ssyncadd.tile.s32 @!p0 $0x1;
	_ =	shalt  }
.Lfunc_end2:
_tile_overlayer_lowered:
.L_overlay_start_2:
0x36: {  	(tag) =	ssettag $0x2  }
0x37: {  	s0 =	rddreg [dreg:$0x0];
	s2 =	stileid.u32  }
0x38: {  	s1 =	rddreg [dreg:$0x1];
	p0 =	sne.s32 s2, $0x0  }
0x39: {  	s3 =	rddreg [dreg:$0x2];
	[bflag:$0x3] =	sbarrier.arrive $0xFFFF;
	s2 =	simm.s32 @!p0 $0x1C01  }
0x3a: {  	[timem:s3], [sflag:s2] =	dma.local @!p0 [hbm:s0], s1  }
0x3b: {  	s0 =	simm.s32 @!p0 $0x1  }
0x3c: {  	_ =	swait.ge @!p0 [sflag:s0], s1  }
0x3d: {  	s1 =	ssub.s32 @!p0 $0x0, s1;
	[sflag:s0] =	ssyncset.done @!p0 $0x0  }
0x3e: {  	[sflag:s0] =	ssyncadd.s32 @!p0 s1  }
0x3f: {  	[bflag:$0x3] =	sbarrier.arrive $0xFFFF  }
0x40: {  	_ =	shalt  }

// kernel: kernel.4.cloned.1.call-start
scs
__scs_entry_jumppad:
0x0: {  	(pc) =	sbr.rel $0x88, $3  }
0x1: {  	(tag) =	ssettag $0x0;
	lr =	simm.s32 $0x1  }
0x2: {  	[smem:$0x3F96] =	sst lr;
	_ =	strace $0xD0000000  }
0x3: {  	_ = 	snop  }
0x4: {  	_ = 	snop  }
0x5: {  	_ = 	snop  }
0x6: {  	_ = 	snop  }
0x7: {  	_ = 	snop  }
__scs_overlays_trampoline_lowered:
0x8: {  	[smem:$0x3FA5] =	sst s0  }
0x9: {  	[smem:$0x3FA6] =	sst s1  }
0xa: {  	[smem:$0x3FA7] =	sst s2  }
0xb: {  	[smem:$0x3FA8] =	sst s3  }
0xc: {  	[smem:$0x3FA9] =	sst s4  }
0xd: {  	[smem:$0x3FAA] =	sst s5  }
0xe: {  	[smem:$0x3FAB] =	sst s6  }
0xf: {  	[smem:$0x3FAC] =	sst s7  }
0x10: {  	[smem:$0x3FAD] =	sst s8  }
0x11: {  	[smem:$0x3FAE] =	sst s9;
	s0 =	simm.s32 @!p0 $0x0  }
0x12: {  	s1 =	sld [smem:$0x3F94];
	s0 =	simm.s32 @p0 $0x1  }
0x13: {  	[smem:$0x3FAF] =	sst s0;
	s0 =	simm.s32 @!p1 $0x0  }
0x14: {  	s2 =	sld [smem:$0x3F93];
	s0 =	simm.s32 @p1 $0x1  }
0x15: {  	[smem:$0x3FB0] =	sst s0;
	s0 =	simm.s32 @!p2 $0x0  }
0x16: {  	s3 =	sld [smem:$0x3FDB];
	s0 =	simm.s32 @p2 $0x1  }
0x17: {  	s4 =	simm.s32 $0x1BF5;
	[smem:$0x3FB2] =	sst s0  }
0x18: {  	s0 =	sld [smem:$0x3F95];
	_ =	swait.ge [sflag:s4], $0x0  }
0x19: {  	s7 =	sld [smem:$0x3F96]  }
0x1a: {  	s8 =	sadd.s32 $0xFFFFE003, lr  }
0x1b: {  	s9 =	sadd.s32 $0xFFFFFEF7, lr;
	s5 =	simm.s32 $0xFFFFFFFF;
	p2 =	slt.u32 s8, $0xFFFFF086  }
0x1c: {  	p1 =	slt.u32 s9, $0xF7A;
	s5 =	simm.s32 @!p2 $0x0  }
0x1d: {  	s5 =	simm.s32 @p1 $0x1;
	p0 =	seq.s32 s7, s2  }
0x1e: {  	s7 =	smul.u32 @!p0 $0xF7A, s2;
	p2 =	seq.s32 @!p0 s5, $0x0  }
0x1f: {  	s9 =	smul.u32 $0xF7A, s1;
	s8 =	simm.s32 @!p0 $0x1BF5;
	p2 =	por !p2, p0  }
0x20: {  	[sflag:s8] =	ssyncset.s32 @!p0 $0xFFFFF086;
	s6 =	sadd.s32 @!p0 s3, s7;
	s7 =	simm.s32 @!p0 $0x108  }
0x21: {  	s3 =	sadd.s32 s3, s9;
	s6 =	sadd.s32 @!p0 $0x88, s6;
	s7 =	simm.s32 @p2 $0x1082  }
0x22: {  	[simem:s7], [sflag:s8] =	dma.local @!p0 [hbm:s6], $0xF7A  }
0x23: {  	s9 =	sor.u32 $0xD0000000, s2;
	s6 =	simm.s32 $0x108;
	_ =	swait.ge @!p0 [sflag:s8], $0x0  }
0x24: {  	s3 =	sadd.s32 $0x88, s3;
	s6 =	simm.s32 @!p1 $0x1082;
	[sflag:s4] =	ssyncset.s32 $0xFFFFF086  }
0x25: {  	[simem:s6], [sflag:s4] =	dma.local [hbm:s3], $0xF7A  }
0x26: {  	[smem:$0x3F96] =	sst s1;
	(tag) =	ssettag s2;
	_ =	strace s9  }
0x27: {  	s1 =	sld [smem:$0x3FA6]  }
0x28: {  	s2 =	sld [smem:$0x3FA7]  }
0x29: {  	s4 =	sld [smem:$0x3FA9]  }
0x2a: {  	p0 =	seq.s32 s5, $0x0;
	s5 =	sld [smem:$0x3FAA]  }
0x2b: {  	s6 =	sld [smem:$0x3FAB]  }
0x2c: {  	s7 =	sld [smem:$0x3FAC]  }
0x2d: {  	s3 =	simm.s32 $0x108;
	s8 =	sld [smem:$0x3FAD]  }
0x2e: {  	s3 =	simm.s32 @!p0 $0x1082;
	s9 =	sld [smem:$0x3FAE]  }
0x2f: {  	lr =	sadd.s32 s0, s3;
	s0 =	sld [smem:$0x3FA5]  }
0x30: {  	s3 =	sld [smem:$0x3FA8]  }
0x31: {  	[smem:$0x3FB1] =	sst s10  }
0x32: {  	s10 =	sld [smem:$0x3FAF];
	_ =	sdelay $0x3  }
0x33: {  	p0 =	seq.s32 s10, $0x1;
	s10 =	sld [smem:$0x3FB1];
	_ =	sdelay $0x3  }
0x34: {  	[smem:$0x3FB1] =	sst s10  }
0x35: {  	s10 =	sld [smem:$0x3FB0];
	_ =	sdelay $0x3  }
0x36: {  	p1 =	seq.s32 s10, $0x1;
	s10 =	sld [smem:$0x3FB1];
	_ =	sdelay $0x3  }
0x37: {  	[smem:$0x3FB1] =	sst s10  }
0x38: {  	s10 =	sld [smem:$0x3FB2]  }
0x39: {  	_ = 	snop;
	(pc) =	sbr.ind lr, $3  }
0x3a: {  	_ = 	snop  }
0x3b: {  	_ = 	snop  }
0x3c: {  	p2 =	seq.s32 s10, $0x1;
	s10 =	sld [smem:$0x3FB1]  }
0x3d: {  	_ =	shalt  }
0x3e: {  	_ =	shalt  }
0x3f: {  	_ =	shalt  }
0x40: {  	_ =	shalt  }
0x41: {  	_ =	shalt  }
0x42: {  	_ =	shalt  }
0x43: {  	_ =	shalt  }
0x44: {  	_ =	shalt  }
0x45: {  	_ =	shalt  }
0x46: {  	_ =	shalt  }
0x47: {  	_ =	shalt  }
0x48: {  	_ =	shalt  }
0x49: {  	_ =	shalt  }
0x4a: {  	_ =	shalt  }
0x4b: {  	_ =	shalt  }
0x4c: {  	_ =	shalt  }
0x4d: {  	_ =	shalt  }
0x4e: {  	_ =	shalt  }
0x4f: {  	_ =	shalt  }
0x50: {  	_ =	shalt  }
0x51: {  	_ =	shalt  }
0x52: {  	_ =	shalt  }
0x53: {  	_ =	shalt  }
0x54: {  	_ =	shalt  }
0x55: {  	_ =	shalt  }
0x56: {  	_ =	shalt  }
0x57: {  	_ =	shalt  }
0x58: {  	_ =	shalt  }
0x59: {  	_ =	shalt  }
0x5a: {  	_ =	shalt  }
0x5b: {  	_ =	shalt  }
0x5c: {  	_ =	shalt  }
0x5d: {  	_ =	shalt  }
0x5e: {  	_ =	shalt  }
0x5f: {  	_ =	shalt  }
0x60: {  	_ =	shalt  }
0x61: {  	_ =	shalt  }
0x62: {  	_ =	shalt  }
0x63: {  	_ =	shalt  }
0x64: {  	_ =	shalt  }
0x65: {  	_ =	shalt  }
0x66: {  	_ =	shalt  }
0x67: {  	_ =	shalt  }
0x68: {  	_ =	shalt  }
0x69: {  	_ =	shalt  }
0x6a: {  	_ =	shalt  }
0x6b: {  	_ =	shalt  }
0x6c: {  	_ =	shalt  }
0x6d: {  	_ =	shalt  }
0x6e: {  	_ =	shalt  }
0x6f: {  	_ =	shalt  }
0x70: {  	_ =	shalt  }
0x71: {  	_ =	shalt  }
0x72: {  	_ =	shalt  }
0x73: {  	_ =	shalt  }
0x74: {  	_ =	shalt  }
0x75: {  	_ =	shalt  }
0x76: {  	_ =	shalt  }
0x77: {  	_ =	shalt  }
0x78: {  	_ =	shalt  }
0x79: {  	_ =	shalt  }
0x7a: {  	_ =	shalt  }
0x7b: {  	_ =	shalt  }
0x7c: {  	_ =	shalt  }
0x7d: {  	_ =	shalt  }
0x7e: {  	_ =	shalt  }
0x7f: {  	_ =	shalt  }
0x80: {  	_ =	shalt  }
0x81: {  	_ =	shalt  }
0x82: {  	_ =	shalt  }
0x83: {  	_ =	shalt  }
0x84: {  	_ =	shalt  }
0x85: {  	_ =	shalt  }
0x86: {  	_ =	shalt  }
0x87: {  	_ =	shalt  }
.Lfunc_end0:
.L_simem_size_0:
called_computation.5_lowered:
.L_overlay_start_0:
0x88: {  	s2 =	sld [smem:$0x3FD9]  }
0x89: {  	s3 =	sld [smem:$0x3FFE];
	_ =	sdelay $0x1  }
0x8a: {  	s1 =	srdreg.scid  }
0x8b: {  	s0 =	sand.u32 $0x1, s1  }
0x8c: {  	s14 =	sshll.u32 s0, $0xA;
	s2 =	sadd.s32 s3, s2  }
0x8d: {  	s2 =	sadd.s32 s2, s14  }
0x8e: {  	[smem:$0x3FBD] =	sst s2  }
0x8f: {  	_ = 	snop  }
0x90: {  	s2 =	sld [smem:$0x3FD0];
	_ =	sdelay $0x2  }
0x91: {  	s15 =	simm.s32 $0xB;
	s4 =	simm.s32 $0x10  }
0x92: {  	[smem:s4], [sflag:s15] =	dma.local [hbm:s2], $0x1  }
0x93: {  	_ =	swait.eq [sflag:s15], $0x1  }
0x94: {  	[sflag:s15] =	ssyncset.done $0x0  }
0x95: {  	s16 =	sld [smem:$0x10];
	[sflag:s15] =	ssyncadd.s32 $0xFFFFFFFF  }
0x96: {  	s17 =	sld [smem:$0x11];
	(tm) =	ssettm $0x1  }
0x97: {  	s18 =	sld [smem:$0x3FFB];
	_ =	sdelay $0x3  }
0x98: {  	_ =	strace s18  }
0x99: {  	s4 =	sld [smem:$0x3FFC];
	_ =	sdelay $0x3  }
0x9a: {  	_ =	strace s4  }
0x9b: {  	s4 =	sld [smem:$0x3FFD];
	_ =	sdelay $0x3  }
0x9c: {  	_ =	strace s4  }
0x9d: {  	_ =	strace $0x8FFFFFFF  }
0x9e: {  	s19 =	sld [smem:$0x3FDB];
	_ =	sdelay $0x1  }
0x9f: {  	s5 =	simm.s32 $_scs_section_size  }
0xa0: {  	s6 =	simm.s32 $_size__tile_overlayer_lowered;
	s7 =	simm.s32 $_tile_overlayer_lowered  }
0xa1: {  	s22 =	simm.s32 $0x1BFF;
	s21 =	sshll.u32 s7, $0x1;
	s4 =	sadd.s32 s5, s19  }
0xa2: {  	s8 =	simm.s32 $0x0;
	s20 =	sshll.u32 s6, $0x1;
	s6 =	sadd.s32 s21, s4  }
0xa3: {  	[timem:s8], [sflag:s22] =	dma.local [hbm:s6], s20  }
0xa4: {  	_ =	swait.ge [sflag:s22], s20  }
0xa5: {  	s5 =	ssub.s32 $0x0, s20;
	[sflag:s22] =	ssyncset.done $0x0  }
0xa6: {  	[sflag:s22] =	ssyncadd.s32 s5;
	_ =	sdelay $0x1  }
0xa7: {  	s23 =	simm.s32 $0x1B8B  }
0xa8: {  	_ =	swait.ge [sflag:s23], $0x1  }
0xa9: {  	[sflag:s23] =	ssyncset.done $0x0  }
0xaa: {  	s25 =	simm.s32 $0x1B8E;
	s24 =	sld [smem:$0x3FFE];
	[sflag:s23] =	ssyncadd.s32 $0xFFFFFFFF  }
0xab: {  	s26 =	simm.s32 $execute0_lowered;
	[smem:$0x3FD2] =	sst s25  }
0xac: {  	s6 =	sshll.u32 s26, $0x1;
	_ =	strace $0x80000046;
	[dreg:$0x1] =	wrdreg $0xFFFFFFFF  }
0xad: {  	s28 =	simm.s32 $_size_execute0_lowered;
	s4 =	sadd.s32 s4, s6;
	[dreg:$0x0] =	wrdreg $0x0  }
0xae: {  	s6 =	sshll.u32 s28, $0x1;
	[dreg:$0x2] =	wrdreg s4  }
0xaf: {  	[dreg:$0x3] =	wrdreg s6  }
0xb0: {  	[dreg:$0x4] =	wrdreg $0xC0  }
0xb1: {  	_ =	task [dreg:s8], $0x5FFFF  }
0xb2: {  	[dreg:$0x1] =	wrdreg $0xFFFFFFFF  }
0xb3: {  	[dreg:$0x0] =	wrdreg $0x60  }
0xb4: {  	[dreg:$0x2] =	wrdreg s24  }
0xb5: {  	[dreg:$0x3] =	wrdreg s17  }
0xb6: {  	[dreg:$0x4] =	wrdreg s16  }
0xb7: {  	[dreg:$0x5] =	wrdreg $0x9  }
0xb8: {  	_ =	task.clear_ibuf [dreg:s8], $0x6FFFF;
	_ =	strace $0x90000046  }
0xb9: {  	s29 =	simm.s32 $0x9;
	_ =	strace $0x80000048  }
0xba: {  	_ =	swait.ge [sflag:s29], $0x1  }
0xbb: {  	[sflag:s29] =	ssyncadd.s32 $0xFFFFFFFF  }
0xbc: {  	_ =	strace $0x90000048  }
0xbd: {  	_ =	sfence  }
0xbe: {  	s30 =	sld [smem:$0x0];
	_ =	sdelay $0x2  }
0xbf: {  	s31 =	sshll.u32 s1, $0xD;
	s1 =	sshrl.u32 s1, $0x2  }
0xc0: {  	s3 =	sand.u32 $0x4000, s31;
	s1 =	sadd.s32 s1, s30  }
0xc1: {  	s0 =	sor.u32 s3, s0;
	s1 =	sshll.u32 s1, $0x11  }
0xc2: {  	s0 =	sor.u32 s1, s0  }
0xc3: {  	s0 =	sadd.s32 $0x8F2B, s0  }
0xc4: {  	[sflag:s0] =	ssyncadd.remote.s32 $0x1  }
0xc5: {  	_ =	sfence.sel $0xFFFF  }
0xc6: {  	[dreg:$0x0] =	wrdreg $0xFFFFFFFF;
	(pc) =	sbr.abs _section_cstart, $3  }
0xc7: {  	[dreg:$0x1] =	wrdreg $0xFFFFFFFF  }
0xc8: {  	_ =	task.clear_ibuf [dreg:s8], $0x2FFFF;
	_ =	strace $0x9FFFFFFF  }
0xc9: {  	(tm) =	ssettm $0x7FFFFFFF  }
tec
execute0_lowered:
.L_overlay_start_1:
0x0: {  	(tag) =	ssettag $0x1  }
0x1: {  	s3 =	rddreg [dreg:$0x0]  }
0x2: {  	s4 =	rddreg [dreg:$0x1]  }
0x3: {  	s5 =	rddreg [dreg:$0x2]  }
0x4: {  	s0 =	rddreg [dreg:$0x3]  }
0x5: {  	s6 =	srdreg.scid;
	s1 =	stileid.u32  }
0x6: {  	s2 =	simm.s32 $0x0;
	s10 =	simm.s32 $0x8100;
	s11 =	simm.s32 $0x8180  }
0x7: {  	s12 =	simm.s32 $0x0;
	s6 =	sand.u32 $0x1, s6;
	s7 =	sshll.u32 s1, $0x8  }
0x8: {  	s8 =	sshrl.u32 s1, $0x2;
	[smem:$0x7FF] =	sst s2;
	s9 =	sshll.u32 s6, $0x7  }
0x9: {  	s7 =	sand.u32 $0x300, s7;
	s30 =	sshll.u32 s8, $0x12;
	_ =	strace $0x80000047  }
0xa: {  	s6 =	ssub.s32 $0x2, s6;
	s8 =	sshll.u32 s8, $0xA;
	s7 =	sor.u32 s9, s7  }
.Ltmp0:
0xb: {  	s31 =	sshrl.u32 s6, $0x1;
	s9 =	sor.u32 s30, s7;
	(pc) =	sbr.rel .LBB2_1-.Ltmp0, $4  }
0xc: {  	v0 =	vlaneseq.u32;
	s7 =	sor.u32 s8, s7;
	s6 =	ssub.s32 s6, s31;
	s8 =	simm.s32 $0x400  }
0xd: {  	v2 =	vmul.u32 $0xFFFFFFFF, v0;
	s9 =	sshrl.u32 s9, $0x3;
	s7 =	sshrl.u32 s7, $0x3;
	s6 =	smax.u32 s6, $0x1  }
0xe: {  	s3 =	sadd.s32 s9, s3;
	s4 =	sadd.s32 s4, s7;
	s5 =	sadd.s32 s5, s7  }
0xf: {  	v1 =	vimm.s32 $0x0;
	v0 =	vimm.f32 $-3.000000010e+38;
	v2 =	vadd.s32 $0xF, v2;
	s7 =	simm.s32 $0x80;
	s9 =	simm.s32 $0x1;
	s3 =	sadd.s32 $0x200, s3  }
.LBB2_16:
0x10: {  	v3 =	vld [tilespmem:$0x8000]  }
0x11: {  	v4 =	vld [tilespmem:$0x8010]  }
0x12: {  	v5 =	vld [tilespmem:$0x8020]  }
0x13: {  	v6 =	vld [tilespmem:$0x8080]  }
0x14: {  	v7 =	vld [tilespmem:$0x8090]  }
0x15: {  	v8 =	vld [tilespmem:$0x8030]  }
0x16: {  	v9 =	vld [tilespmem:$0x80A0]  }
0x17: {  	v10 =	vld [tilespmem:$0x80B0];
	_ =	sdelay $0x1  }
0x18: {  	(xrf1) =	vsort.dscd.msk.f32 $0xffff, v3, v6  }
0x19: {  	v27 =	vld [tilespmem:$0x8050];
	(xrf1) =	vsort.dscd.msk.f32 $0xffff, v4, v7  }
0x1a: {  	v28 =	vld [tilespmem:$0x8060];
	(xrf1) =	vsort.dscd.msk.f32 $0xffff, v5, v9  }
0x1b: {  	v29 =	vld [tilespmem:$0x80C0];
	(xrf1) =	vsort.dscd.msk.f32 $0xffff, v8, v10  }
0x1c: {  	v30 =	vld [tilespmem:$0x80D0]  }
0x1d: {  	v3 =	vld [tilespmem:$0x8040]  }
0x1e: {  	v31 =	vld [tilespmem:$0x8070]  }
0x1f: {  	v32 =	vld [tilespmem:$0x80E0]  }
0x20: {  	v33 =	vld [tilespmem:$0x80F0];
	_ =	sdelay $0x1  }
0x21: {  	(xrf1) =	vsort.dscd.msk.f32 $0xffff, v3, v29  }
0x22: {  	(xrf1) =	vsort.dscd.msk.f32 $0xffff, v27, v30  }
0x23: {  	(xrf1) =	vsort.dscd.msk.f32 $0xffff, v28, v32  }
0x24: {  	(xrf1) =	vsort.dscd.msk.f32 $0xffff, v31, v33  }
0x25: {  	v3, v34, _ =	vpop (xrf1)  }
0x26: {  	v35, v36, _ =	vpop (xrf1)  }
0x27: {  	v5 =	vperm.xlane v35, v2;
	v37, v38, _ =	vpop (xrf1)  }
0x28: {  	v6 =	vperm.xlane v36, v2;
	v39, v40, _ =	vpop (xrf1)  }
0x29: {  	vm0 =	vge.f32 v3, v5;
	v9 =	vperm.xlane v39, v2  }
0x2a: {  	v41 =	vperm.xlane v40, v2;
	v11 =	vsel vm0, v3, v5;
	v12 =	vsel vm0, v34, v6  }
0x2b: {  	v3 =	vsel vm0, v5, v3;
	v4 =	vsel vm0, v6, v34;
	(xrf1) =	vsort.dscd.msk.f32 $0xffff, v11, v12  }
0x2c: {  	vm11 =	vge.f32 v37, v9;
	(xrf1) =	vsort.dscd.msk.f32 $0xffff, v3, v4  }
0x2d: {  	v3 =	vsel vm11, v37, v9;
	v42 =	vsel vm11, v38, v41;
	v7 =	vsel vm11, v9, v37  }
0x2e: {  	v5 =	vsel vm11, v41, v38;
	(xrf1) =	vsort.dscd.msk.f32 $0xffff, v3, v42  }
0x2f: {  	v44, v43, _ =	vpop (xrf1);
	(xrf1) =	vsort.dscd.msk.f32 $0xffff, v7, v5  }
0x30: {  	v3, v4, _ =	vpop (xrf1)  }
0x31: {  	v3 =	vperm.xlane v3, v2;
	v5, v7, _ =	vpop (xrf1)  }
0x32: {  	v4 =	vperm.xlane v4, v2;
	v46, v45, _ =	vpop (xrf1)  }
0x33: {  	vm12 =	vge.f32 v44, v3;
	v8 =	vperm.xlane v46, v2;
	v49 =	vperm.xlane v45, v2  }
0x34: {  	v47 =	vsel vm12, v44, v3;
	v48 =	vsel vm12, v43, v4;
	v3 =	vsel vm12, v3, v44  }
0x35: {  	v4 =	vsel vm12, v4, v43;
	(xrf1) =	vsort.dscd.msk.f32 $0xffff, v47, v48;
	vm13 =	vge.f32 v5, v8  }
0x36: {  	(xrf1) =	vsort.dscd.msk.f32 $0xffff, v3, v4;
	v3 =	vsel vm13, v5, v8;
	v50 =	vsel vm13, v7, v49  }
0x37: {  	v5 =	vsel vm13, v8, v5;
	v6 =	vsel vm13, v49, v7;
	(xrf1) =	vsort.dscd.msk.f32 $0xffff, v3, v50  }
0x38: {  	(xrf1) =	vsort.dscd.msk.f32 $0xffff, v5, v6;
	_ =	sdelay $0x1  }
0x39: {  	v3, v4, _ =	vpop (xrf1)  }
0x3a: {  	v5, v6, _ =	vpop (xrf1)  }
0x3b: {  	v52, v51, _ =	vpop (xrf1)  }
0x3c: {  	v53, v54, _ =	vpop (xrf1);
	v7 =	vperm.xlane v52, v2  }
0x3d: {  	v8 =	vperm.xlane v51, v2;
	v9 =	vperm.xlane v53, v2  }
0x3e: {  	v10 =	vperm.xlane v54, v2;
	vm1 =	vge.f32 v5, v7  }
0x3f: {  	vm14 =	vge.f32 v3, v9;
	v57 =	vsel vm1, v5, v7;
	v58 =	vsel vm1, v6, v8  }
0x40: {  	v5 =	vsel vm1, v7, v5;
	v6 =	vsel vm1, v8, v6;
	v55 =	vsel vm14, v3, v9  }
0x41: {  	v56 =	vsel vm14, v4, v10;
	v3 =	vsel vm14, v9, v3;
	vm15 =	vge.f32 v55, v57  }
0x42: {  	v4 =	vsel vm14, v10, v4;
	vm4 =	vge.f32 v3, v5;
	v13, v14, _ =	vpop (xrf1);
	v59 =	vsel vm15, v55, v57  }
0x43: {  	v18 =	vsel vm15, v56, v58;
	v9 =	vsel vm15, v57, v55;
	v10 =	vsel vm15, v58, v56;
	v15, v16, _ =	vpop (xrf1)  }
0x44: {  	v62 =	vsel vm4, v3, v5;
	v63 =	vsel vm4, v4, v6;
	(xrf1) =	vsort.dscd.msk.f32 $0xffff, v59, v18;
	v60, v17, _ =	vpop (xrf1)  }
0x45: {  	v3 =	vsel vm4, v5, v3;
	v4 =	vsel vm4, v6, v4;
	(xrf1) =	vsort.dscd.msk.f32 $0xffff, v9, v10;
	v61, v19, _ =	vpop (xrf1)  }
0x46: {  	(xrf1) =	vsort.dscd.msk.f32 $0xffff, v62, v63;
	v20 =	vperm.xlane v60, v2;
	v18 =	vperm.xlane v61, v2  }
0x47: {  	(xrf1) =	vsort.dscd.msk.f32 $0xffff, v3, v4;
	v3 =	vperm.xlane v17, v2  }
0x48: {  	v21 =	vperm.xlane v19, v2;
	vm6 =	vge.f32 v15, v20;
	vm5 =	vge.f32 v13, v18  }
0x49: {  	v25 =	vsel vm6, v15, v20;
	v26 =	vsel vm6, v16, v3;
	v5 =	vsel vm6, v20, v15  }
0x4a: {  	v3 =	vsel vm6, v3, v16;
	v22 =	vsel vm5, v13, v18;
	v23 =	vsel vm5, v14, v21  }
0x4b: {  	v24 =	vsel vm5, v18, v13;
	v6 =	vsel vm5, v21, v14;
	vm7 =	vge.f32 v22, v25  }
0x4c: {  	vm8 =	vge.f32 v24, v5;
	v27 =	vsel vm7, v22, v25;
	v28 =	vsel vm7, v23, v26  }
0x4d: {  	v4 =	vsel vm7, v25, v22;
	v7 =	vsel vm7, v26, v23;
	(xrf1) =	vsort.dscd.msk.f32 $0xffff, v27, v28  }
0x4e: {  	v29 =	vsel vm8, v24, v5;
	v30 =	vsel vm8, v6, v3;
	(xrf1) =	vsort.dscd.msk.f32 $0xffff, v4, v7  }
0x4f: {  	v31 =	vsel vm8, v5, v24;
	v3 =	vsel vm8, v3, v6;
	(xrf1) =	vsort.dscd.msk.f32 $0xffff, v29, v30  }
0x50: {  	(xrf1) =	vsort.dscd.msk.f32 $0xffff, v31, v3;
	_ =	sdelay $0x6  }
0x51: {  	v3, v4, _ =	vpop (xrf1)  }
0x52: {  	v32, v33, _ =	vpop (xrf1)  }
0x53: {  	v34, v35, _ =	vpop (xrf1)  }
0x54: {  	v9, v10, _ =	vpop (xrf1)  }
0x55: {  	v11, v12, _ =	vpop (xrf1)  }
0x56: {  	v36, v37, _ =	vpop (xrf1);
	v11 =	vperm.xlane v11, v2;
	v12 =	vperm.xlane v12, v2  }
0x57: {  	v38, v39, _ =	vpop (xrf1);
	v13 =	vperm.xlane v36, v2;
	v14 =	vperm.xlane v37, v2  }
0x58: {  	v41, v40, _ =	vpop (xrf1);
	v15 =	vperm.xlane v38, v2;
	v16 =	vperm.xlane v39, v2  }
0x59: {  	vm2 =	vge.f32 v9, v11;
	v17 =	vperm.xlane v41, v2;
	v18 =	vperm.xlane v40, v2  }
0x5a: {  	vm11 =	vge.f32 v34, v13;
	v9 =	vsel vm2, v9, v11;
	v10 =	vsel vm2, v10, v12  }
0x5b: {  	vm10 =	vge.f32 v32, v15;
	v7 =	vsel vm11, v34, v13;
	vm9 =	vge.f32 v3, v17  }
0x5c: {  	v8 =	vsel vm11, v35, v14;
	v5 =	vsel vm10, v32, v15;
	v3 =	vsel vm9, v3, v17  }
0x5d: {  	v6 =	vsel vm10, v33, v16;
	vm13 =	vge.f32 v5, v9;
	vm12 =	vge.f32 v3, v7  }
0x5e: {  	v4 =	vsel vm9, v4, v18;
	v43 =	vsel vm13, v5, v9;
	v42 =	vsel vm12, v3, v7  }
0x5f: {  	v45 =	vsel vm13, v6, v10;
	v44 =	vsel vm12, v4, v8;
	vm14 =	vge.f32 v42, v43  }
0x60: {  	v46 =	vsel vm14, v42, v43;
	v47 =	vsel vm14, v44, v45  }
0x61: {  	v5 =	vsel vm13, v9, v5;
	v6 =	vsel vm13, v10, v6;
	(xrf1) =	vsort.dscd.msk.f32 $0xffff, v46, v47  }
0x62: {  	v3 =	vsel vm12, v7, v3;
	v48 =	vsel vm14, v43, v42;
	v49 =	vsel vm14, v45, v44  }
0x63: {  	v4 =	vsel vm12, v8, v4;
	vm15 =	vge.f32 v3, v5;
	(xrf1) =	vsort.dscd.msk.f32 $0xffff, v48, v49  }
0x64: {  	v50 =	vsel vm15, v3, v5;
	v51 =	vsel vm15, v4, v6  }
0x65: {  	(xrf1) =	vsort.dscd.msk.f32 $0xffff, v50, v51  }
0x66: {  	v3 =	vsel vm15, v5, v3;
	v4 =	vsel vm15, v6, v4  }
0x67: {  	(xrf1) =	vsort.dscd.msk.f32 $0xffff, v3, v4;
	_ =	sdelay $0x7  }
0x68: {  	v3, v4, _ =	vpop (xrf1)  }
0x69: {  	v52 =	vshll.u32 v4, $0x2  }
0x6a: {  	v54, v53, _ =	vpop (xrf1);
	v4 =	vshra.s32 v4, $0xD;
	v5 =	vand.u32 $0x7FFC, v52  }
0x6b: {  	[tilespmem:$0x8100] =	vst v3;
	v55 =	vshll.u32 v53, $0x2;
	v3 =	vadd.s32 v4, v5  }
0x6c: {  	v56, v8, _ =	vpop (xrf1);
	v57 =	vshra.s32 v53, $0xD;
	[tilespmem:$0x8180] =	vst v3;
	v3 =	vand.u32 $0x7FFC, v55  }
0x6d: {  	[tilespmem:$0x8110] =	vst v54;
	v58 =	vshll.u32 v8, $0x2;
	v3 =	vadd.s32 v57, v3  }
0x6e: {  	v60, v59, _ =	vpop (xrf1);
	v61 =	vshra.s32 v8, $0xD;
	[tilespmem:$0x8190] =	vst v3;
	v3 =	vand.u32 $0x7FFC, v58  }
0x6f: {  	[tilespmem:$0x8120] =	vst v56;
	v62 =	vshll.u32 v59, $0x2;
	v3 =	vadd.s32 v61, v3  }
0x70: {  	v63 =	vshra.s32 v59, $0xD;
	[tilespmem:$0x81A0] =	vst v3;
	v3 =	vand.u32 $0x7FFC, v62  }
0x71: {  	[tilespmem:$0x8130] =	vst v60;
	v3 =	vadd.s32 v63, v3  }
0x72: {  	[tilespmem:$0x81B0] =	vst v3  }
0x73: {  	[hbm4b:s4+s2] =	stream.linear.scatter [tilespmem:s10], [sflag:$0x1], $0x80, $0x38;
	[tilespmem:$0x8200] =	vst v63  }
0x74: {  	s12 =	sadd.s32 $0x1, s12;
	_ =	swait.ge [sflag:s9], $0x80  }
0x75: {  	p0 =	sne.s32 s12, s6;
	[sflag:s9] =	ssyncset.done $0x0  }
.Ltmp1:
0x76: {  	[sflag:s9] =	ssyncadd.s32 $0xFFFFFF80;
	(pc) =	sbr.rel @!p0 .LBB2_17-.Ltmp1, $4  }
0x77: {  	[hbm4b:s5+s2] =	stream.linear.scatter [tilespmem:s11], [sflag:$0x1], $0x80, $0x38;
	[tilespmem:$0x8200] =	vst v63  }
0x78: {  	_ =	swait.ge [sflag:s9], $0x80  }
0x79: {  	[sflag:s9] =	ssyncset.done $0x0  }
0x7a: {  	[sflag:s9] =	ssyncadd.s32 $0xFFFFFF80  }
.LBB2_1:
0x7b: {  	[tilespmem:s2], [sflag:$0x1] =	stream.strided.gather [hbm4b:s3+s7], $0x8000, s8, s7, $0x38;
	[tilespmem:$0x8200] =	vst v63  }
0x7c: {  	_ =	swait.ge [sflag:s9], $0x8000  }
0x7d: {  	[sflag:s9] =	ssyncset.done $0x0  }
0x7e: {  	[sflag:s9] =	ssyncadd.s32 $0xFFFF8000  }
0x7f: {  	[tilespmem:$0x8000] =	vst v0  }
0x80: {  	[tilespmem:$0x8080] =	vst v1  }
0x81: {  	[tilespmem:$0x8010] =	vst v0  }
0x82: {  	[tilespmem:$0x8090] =	vst v1  }
0x83: {  	[tilespmem:$0x8020] =	vst v0  }
0x84: {  	[tilespmem:$0x80A0] =	vst v1  }
0x85: {  	[tilespmem:$0x8030] =	vst v0  }
0x86: {  	[tilespmem:$0x80B0] =	vst v1  }
0x87: {  	[tilespmem:$0x8040] =	vst v0  }
0x88: {  	[tilespmem:$0x80C0] =	vst v1  }
0x89: {  	[tilespmem:$0x8050] =	vst v0  }
.Ltmp2:
0x8a: {  	[tilespmem:$0x80D0] =	vst v1;
	(pc) =	sbr.rel .LBB2_2-.Ltmp2, $4  }
0x8b: {  	[tilespmem:$0x8060] =	vst v0  }
0x8c: {  	[tilespmem:$0x80E0] =	vst v1  }
0x8d: {  	s16 =	simm.s32 $0x4;
	[tilespmem:$0x8070] =	vst v0  }
0x8e: {  	s15 =	simm.f32 $-3.000000010e+38;
	s13 =	simm.s32 $0x20;
	s14 =	simm.s32 $0x0;
	[tilespmem:$0x80F0] =	vst v1  }
.LBB2_14:
0x8f: {  	v3 =	vld [tilespmem:$0x8000]  }
0x90: {  	v4 =	vld [tilespmem:$0x8010]  }
0x91: {  	v5 =	vld [tilespmem:$0x8020]  }
0x92: {  	v6 =	vld [tilespmem:$0x8080]  }
0x93: {  	v7 =	vld [tilespmem:$0x8090]  }
0x94: {  	v8 =	vld [tilespmem:$0x8030]  }
0x95: {  	v9 =	vld [tilespmem:$0x80A0]  }
0x96: {  	v10 =	vld [tilespmem:$0x80B0];
	_ =	sdelay $0x1  }
0x97: {  	(xrf1) =	vsort.dscd.msk.f32 $0xffff, v3, v6  }
0x98: {  	v46 =	vld [tilespmem:$0x8050];
	(xrf1) =	vsort.dscd.msk.f32 $0xffff, v4, v7  }
0x99: {  	v47 =	vld [tilespmem:$0x8060];
	(xrf1) =	vsort.dscd.msk.f32 $0xffff, v5, v9  }
0x9a: {  	v48 =	vld [tilespmem:$0x80C0];
	(xrf1) =	vsort.dscd.msk.f32 $0xffff, v8, v10  }
0x9b: {  	v49 =	vld [tilespmem:$0x80D0]  }
0x9c: {  	v3 =	vld [tilespmem:$0x8040]  }
0x9d: {  	v50 =	vld [tilespmem:$0x8070]  }
0x9e: {  	v51 =	vld [tilespmem:$0x80E0]  }
0x9f: {  	v52 =	vld [tilespmem:$0x80F0];
	_ =	sdelay $0x1  }
0xa0: {  	(xrf1) =	vsort.dscd.msk.f32 $0xffff, v3, v48  }
0xa1: {  	(xrf1) =	vsort.dscd.msk.f32 $0xffff, v46, v49  }
0xa2: {  	(xrf1) =	vsort.dscd.msk.f32 $0xffff, v47, v51  }
0xa3: {  	(xrf1) =	vsort.dscd.msk.f32 $0xffff, v50, v52  }
0xa4: {  	v3, v53, _ =	vpop (xrf1)  }
0xa5: {  	v54, v55, _ =	vpop (xrf1)  }
0xa6: {  	v5 =	vperm.xlane v54, v2;
	v56, v57, _ =	vpop (xrf1)  }
0xa7: {  	v6 =	vperm.xlane v55, v2;
	v58, v59, _ =	vpop (xrf1)  }
0xa8: {  	vm0 =	vge.f32 v3, v5;
	v9 =	vperm.xlane v58, v2  }
0xa9: {  	v60 =	vperm.xlane v59, v2;
	v11 =	vsel vm0, v3, v5;
	v12 =	vsel vm0, v53, v6  }
0xaa: {  	v3 =	vsel vm0, v5, v3;
	v4 =	vsel vm0, v6, v53;
	(xrf1) =	vsort.dscd.msk.f32 $0xffff, v11, v12  }
0xab: {  	vm4 =	vge.f32 v56, v9;
	(xrf1) =	vsort.dscd.msk.f32 $0xffff, v3, v4  }
0xac: {  	v3 =	vsel vm4, v56, v9;
	v61 =	vsel vm4, v57, v60;
	v7 =	vsel vm4, v9, v56  }
0xad: {  	v5 =	vsel vm4, v60, v57;
	(xrf1) =	vsort.dscd.msk.f32 $0xffff, v3, v61  }
0xae: {  	v63, v62, _ =	vpop (xrf1);
	(xrf1) =	vsort.dscd.msk.f32 $0xffff, v7, v5  }
0xaf: {  	v3, v4, _ =	vpop (xrf1)  }
0xb0: {  	v3 =	vperm.xlane v3, v2;
	v5, v7, _ =	vpop (xrf1)  }
0xb1: {  	v4 =	vperm.xlane v4, v2;
	v17, v16, _ =	vpop (xrf1)  }
0xb2: {  	vm5 =	vge.f32 v63, v3;
	v8 =	vperm.xlane v17, v2;
	v20 =	vperm.xlane v16, v2  }
0xb3: {  	v18 =	vsel vm5, v63, v3;
	v19 =	vsel vm5, v62, v4;
	v3 =	vsel vm5, v3, v63  }
0xb4: {  	v4 =	vsel vm5, v4, v62;
	(xrf1) =	vsort.dscd.msk.f32 $0xffff, v18, v19;
	vm6 =	vge.f32 v5, v8  }
0xb5: {  	(xrf1) =	vsort.dscd.msk.f32 $0xffff, v3, v4;
	v3 =	vsel vm6, v5, v8;
	v21 =	vsel vm6, v7, v20  }
0xb6: {  	v5 =	vsel vm6, v8, v5;
	v6 =	vsel vm6, v20, v7;
	(xrf1) =	vsort.dscd.msk.f32 $0xffff, v3, v21  }
0xb7: {  	(xrf1) =	vsort.dscd.msk.f32 $0xffff, v5, v6;
	_ =	sdelay $0x1  }
0xb8: {  	v3, v4, _ =	vpop (xrf1)  }
0xb9: {  	v5, v6, _ =	vpop (xrf1)  }
0xba: {  	v23, v22, _ =	vpop (xrf1)  }
0xbb: {  	v24, v25, _ =	vpop (xrf1);
	v7 =	vperm.xlane v23, v2  }
0xbc: {  	v8 =	vperm.xlane v22, v2;
	v9 =	vperm.xlane v24, v2  }
0xbd: {  	v10 =	vperm.xlane v25, v2;
	vm1 =	vge.f32 v5, v7  }
0xbe: {  	vm7 =	vge.f32 v3, v9;
	v28 =	vsel vm1, v5, v7;
	v29 =	vsel vm1, v6, v8  }
0xbf: {  	v5 =	vsel vm1, v7, v5;
	v6 =	vsel vm1, v8, v6;
	v26 =	vsel vm7, v3, v9  }
0xc0: {  	v27 =	vsel vm7, v4, v10;
	v3 =	vsel vm7, v9, v3;
	vm8 =	vge.f32 v26, v28  }
0xc1: {  	v4 =	vsel vm7, v10, v4;
	vm9 =	vge.f32 v3, v5;
	v13, v14, _ =	vpop (xrf1);
	v30 =	vsel vm8, v26, v28  }
0xc2: {  	v18 =	vsel vm8, v27, v29;
	v9 =	vsel vm8, v28, v26;
	v10 =	vsel vm8, v29, v27;
	v15, v16, _ =	vpop (xrf1)  }
0xc3: {  	v33 =	vsel vm9, v3, v5;
	v34 =	vsel vm9, v4, v6;
	(xrf1) =	vsort.dscd.msk.f32 $0xffff, v30, v18;
	v31, v17, _ =	vpop (xrf1)  }
0xc4: {  	v3 =	vsel vm9, v5, v3;
	v4 =	vsel vm9, v6, v4;
	(xrf1) =	vsort.dscd.msk.f32 $0xffff, v9, v10;
	v32, v19, _ =	vpop (xrf1)  }
0xc5: {  	(xrf1) =	vsort.dscd.msk.f32 $0xffff, v33, v34;
	v36 =	vperm.xlane v31, v2;
	v35 =	vperm.xlane v32, v2  }
0xc6: {  	(xrf1) =	vsort.dscd.msk.f32 $0xffff, v3, v4;
	v3 =	vperm.xlane v17, v2  }
0xc7: {  	v37 =	vperm.xlane v19, v2;
	vm11 =	vge.f32 v15, v36;
	vm10 =	vge.f32 v13, v35  }
0xc8: {  	v41 =	vsel vm11, v15, v36;
	v42 =	vsel vm11, v16, v3;
	v5 =	vsel vm11, v36, v15  }
0xc9: {  	v3 =	vsel vm11, v3, v16;
	v38 =	vsel vm10, v13, v35;
	v39 =	vsel vm10, v14, v37  }
0xca: {  	v40 =	vsel vm10, v35, v13;
	v6 =	vsel vm10, v37, v14;
	vm12 =	vge.f32 v38, v41  }
0xcb: {  	vm13 =	vge.f32 v40, v5;
	v43 =	vsel vm12, v38, v41;
	v44 =	vsel vm12, v39, v42  }
0xcc: {  	v4 =	vsel vm12, v41, v38;
	v7 =	vsel vm12, v42, v39;
	(xrf1) =	vsort.dscd.msk.f32 $0xffff, v43, v44  }
0xcd: {  	v45 =	vsel vm13, v40, v5;
	v46 =	vsel vm13, v6, v3;
	(xrf1) =	vsort.dscd.msk.f32 $0xffff, v4, v7  }
0xce: {  	v47 =	vsel vm13, v5, v40;
	v3 =	vsel vm13, v3, v6;
	(xrf1) =	vsort.dscd.msk.f32 $0xffff, v45, v46  }
0xcf: {  	(xrf1) =	vsort.dscd.msk.f32 $0xffff, v47, v3;
	_ =	sdelay $0x6  }
0xd0: {  	v3, v4, _ =	vpop (xrf1)  }
0xd1: {  	v48, v49, _ =	vpop (xrf1)  }
0xd2: {  	v50, v51, _ =	vpop (xrf1)  }
0xd3: {  	v9, v10, _ =	vpop (xrf1)  }
0xd4: {  	v11, v12, _ =	vpop (xrf1)  }
0xd5: {  	v52, v53, _ =	vpop (xrf1)  }
0xd6: {  	v54, v55, _ =	vpop (xrf1)  }
0xd7: {  	v11 =	vperm.xlane v11, v2;
	v13 =	vperm.xlane v52, v2;
	v57, v56, _ =	vpop (xrf1)  }
0xd8: {  	v15 =	vperm.xlane v54, v2;
	v17 =	vperm.xlane v57, v2  }
0xd9: {  	vm3 =	vge.f32 v9, v11;
	vm2 =	vge.f32 v50, v13  }
0xda: {  	v9 =	vsel vm3, v9, v11;
	vm15 =	vge.f32 v48, v15;
	vm14 =	vge.f32 v3, v17  }
0xdb: {  	v7 =	vsel vm2, v50, v13;
	v5 =	vsel vm15, v48, v15;
	v3 =	vsel vm14, v3, v17  }
0xdc: {  	v13 =	vmin.f32 v7, v9;
	v58 =	vmin.f32 v3, v5  }
0xdd: {  	v11 =	vmin.f32 v58, v13  }
0xde: {  	(xrf1) =	vsort.ascd.msk.f32 $0xffff, v11, v11;
	_ =	sdelay $0xd  }
0xdf: {  	v60, _, _ =	vpop (xrf1)  }
0xe0: {  	[tilespmem:$0x80C0] =	vst v1;
	(v2sf) =	vpush v60, $0x0  }
0xe1: {  	[tilespmem:$0x8050] =	vst v0  }
0xe2: {  	[tilespmem:$0x80D0] =	vst v1  }
0xe3: {  	[tilespmem:$0x8060] =	vst v0  }
0xe4: {  	[tilespmem:$0x80E0] =	vst v1  }
0xe5: {  	[tilespmem:$0x8070] =	vst v0  }
0xe6: {  	[tilespmem:$0x80F0] =	vst v1  }
0xe7: {  	[tilespmem:$0x8040] =	vst v0  }
0xe8: {  	[tilespmem:$0x8030] =	vst v9  }
0xe9: {  	v59 =	vperm.xlane v56, v2;
	[tilespmem:$0x8020] =	vst v7  }
0xea: {  	v61 =	vperm.xlane v55, v2;
	[tilespmem:$0x8010] =	vst v5  }
0xeb: {  	v62 =	vperm.xlane v53, v2;
	v4 =	vsel vm14, v4, v59;
	[tilespmem:$0x8000] =	vst v3  }
0xec: {  	v63 =	vperm.xlane v12, v2;
	[tilespmem:$0x8080] =	vst v4;
	v3 =	vsel vm15, v49, v61  }
0xed: {  	[tilespmem:$0x8090] =	vst v3;
	v3 =	vsel vm2, v51, v62  }
0xee: {  	[tilespmem:$0x80A0] =	vst v3;
	v3 =	vsel vm3, v10, v63  }
0xef: {  	s16 =	simm.s32 $0x4;
	[tilespmem:$0x80B0] =	vst v3;
	s15 =	spop (v2sf)  }
.LBB2_15:
0xf0: {  	s14 =	sadd.s32 $0x40, s14  }
0xf1: {  	p0 =	sne.s32 s14, $0x8000  }
.Ltmp3:
0xf2: {  	_ = 	snop;
	(pc) =	sbr.rel @!p0 .LBB2_16-.Ltmp3, $2  }
0xf3: {  	_ =	sdelay $0x2  }
0xf4: {  	s13 =	sadd.s32 $0x40, s13  }
.LBB2_2:
0xf5: {  	v7 =	vld [tilespmem:s13+$0xFFFFFFE0]  }
0xf6: {  	v6 =	vld [tilespmem:s13+$0xFFFFFFF0]  }
0xf7: {  	v5 =	vld [tilespmem:s13+$0x0]  }
0xf8: {  	v3 =	vld [tilespmem:s13+$0x10];
	_ =	sdelay $0x2  }
0xf9: {  	vm0 =	vgt.f32 v7, s15;
	vm1 =	vgt.f32 v6, s15  }
0xfa: {  	vm2 =	vgt.f32 v5, s15;
	vm0 =	vmor vm0, vm1  }
0xfb: {  	vm15 =	vgt.f32 v3, s15;
	vm0 =	vmor vm0, vm2  }
0xfc: {  	vm0 =	vmor vm0, vm15  }
0xfd: {  	v4 =	vmpcnt.ones.xlane vm0;
	_ =	sdelay $0x1  }
0xfe: {  	(v2sf) =	vpush v4, $0x0;
	_ =	sdelay $0xe  }
0xff: {  	s17 =	spop (v2sf)  }
0x100: {  	p0 =	slt.s32 s17, $0x1  }
.Ltmp4:
0x101: {  	_ = 	snop;
	(pc) =	sbr.rel @p0 .LBB2_15-.Ltmp4, $1  }
0x102: {  	_ =	sdelay $0x3  }
0x103: {  	v4 =	vmov s15  }
0x104: {  	vm0 =	vgt.f32 v7, v4  }
0x105: {  	v8 =	vmpcnt.ones.xlane vm0;
	_ =	sdelay $0x1  }
0x106: {  	(v2sf) =	vpush v8, $0x0;
	_ =	sdelay $0xe  }
0x107: {  	s17 =	spop (v2sf)  }
0x108: {  	p0 =	slt.s32 s17, $0x1  }
0x109: {  	s17 =	sadd.s32 @!p0 $0x1, s16  }
0x10a: {  	p1 =	sne.s32 @!p0 s17, $0x8  }
0x10b: {  	p1 =	por p0, p1  }
.Ltmp5:
0x10c: {  	_ = 	snop;
	(pc) =	sbr.rel @!p1 .LBB2_5-.Ltmp5, $4  }
0x10d: {  	vm0 =	vgt.f32 @!p0 v7, v4;
	v8 =	vlaneseq.u32 @!p0  }
0x10e: {  	s18 =	sshll.u32 @!p0 s16, $0x4;
	v7 =	vnsel @!p0 vm0, $0xFF61B1E6, v7;
	v8 =	vor.u32 @!p0 s14, v8  }
0x10f: {  	[tilespmem:s18+$0x8000] =	vst @!p0 v7;
	v7 =	vnsel @!p0 vm0, $0x0, v8  }
0x110: {  	[tilespmem:s18+$0x8080] =	vst @!p0 v7  }
.Ltmp6:
0x111: {  	(pc) =	sbr.rel .LBB2_6-.Ltmp6, $2  }
0x112: {  	_ =	sdelay $0x2  }
0x113: {  	s17 =	smov.u32 @p0 s16;
	s15 =	smov.u32 @p0 s15  }
.LBB2_5:
0x114: {  	v7 =	vld [tilespmem:$0x8000]  }
0x115: {  	v8 =	vld [tilespmem:$0x8010]  }
0x116: {  	v9 =	vld [tilespmem:$0x8020]  }
0x117: {  	v10 =	vld [tilespmem:$0x8080]  }
0x118: {  	v11 =	vld [tilespmem:$0x8090]  }
0x119: {  	v12 =	vld [tilespmem:$0x8030]  }
0x11a: {  	v13 =	vld [tilespmem:$0x80A0]  }
0x11b: {  	v14 =	vld [tilespmem:$0x80B0];
	_ =	sdelay $0x1  }
0x11c: {  	(xrf1) =	vsort.dscd.msk.f32 $0xffff, v7, v10  }
0x11d: {  	v50 =	vld [tilespmem:$0x8060];
	(xrf1) =	vsort.dscd.msk.f32 $0xffff, v8, v11  }
0x11e: {  	v51 =	vld [tilespmem:$0x80C0];
	(xrf1) =	vsort.dscd.msk.f32 $0xffff, v9, v13  }
0x11f: {  	v52 =	vld [tilespmem:$0x80D0];
	(xrf1) =	vsort.dscd.msk.f32 $0xffff, v12, v14  }
0x120: {  	v53 =	vld [tilespmem:$0x8070]  }
0x121: {  	v7 =	vld [tilespmem:$0x8040]  }
0x122: {  	v8 =	vld [tilespmem:$0x8050]  }
0x123: {  	v54 =	vld [tilespmem:$0x80E0]  }
0x124: {  	v55 =	vld [tilespmem:$0x80F0];
	_ =	sdelay $0x1  }
0x125: {  	(xrf1) =	vsort.dscd.msk.f32 $0xffff, v7, v51  }
0x126: {  	(xrf1) =	vsort.dscd.msk.f32 $0xffff, v8, v52  }
0x127: {  	(xrf1) =	vsort.dscd.msk.f32 $0xffff, v50, v54  }
0x128: {  	(xrf1) =	vsort.dscd.msk.f32 $0xffff, v53, v55  }
0x129: {  	v7, v8, _ =	vpop (xrf1)  }
0x12a: {  	v56, v57, _ =	vpop (xrf1)  }
0x12b: {  	v9 =	vperm.xlane v56, v2;
	v58, v59, _ =	vpop (xrf1)  }
0x12c: {  	v10 =	vperm.xlane v57, v2;
	v60, v61, _ =	vpop (xrf1)  }
0x12d: {  	vm0 =	vge.f32 v7, v9;
	v13 =	vperm.xlane v60, v2;
	v62 =	vperm.xlane v61, v2  }
0x12e: {  	v15 =	vsel vm0, v7, v9;
	v16 =	vsel vm0, v8, v10;
	v7 =	vsel vm0, v9, v7  }
0x12f: {  	v8 =	vsel vm0, v10, v8;
	(xrf1) =	vsort.dscd.msk.f32 $0xffff, v15, v16;
	vm4 =	vge.f32 v58, v13  }
0x130: {  	(xrf1) =	vsort.dscd.msk.f32 $0xffff, v7, v8;
	v8 =	vsel vm4, v59, v62  }
0x131: {  	v7 =	vsel vm4, v58, v13;
	v11 =	vsel vm4, v13, v58  }
0x132: {  	v9 =	vsel vm4, v62, v59;
	(xrf1) =	vsort.dscd.msk.f32 $0xffff, v7, v8  }
0x133: {  	v20, v63, _ =	vpop (xrf1);
	(xrf1) =	vsort.dscd.msk.f32 $0xffff, v11, v9  }
0x134: {  	v7, v8, _ =	vpop (xrf1)  }
0x135: {  	v7 =	vperm.xlane v7, v2;
	v9, v11, _ =	vpop (xrf1)  }
0x136: {  	v8 =	vperm.xlane v8, v2;
	v22, v21, _ =	vpop (xrf1)  }
0x137: {  	vm5 =	vge.f32 v20, v7;
	v12 =	vperm.xlane v22, v2;
	v25 =	vperm.xlane v21, v2  }
0x138: {  	v23 =	vsel vm5, v20, v7;
	v24 =	vsel vm5, v63, v8;
	v7 =	vsel vm5, v7, v20  }
0x139: {  	v8 =	vsel vm5, v8, v63;
	(xrf1) =	vsort.dscd.msk.f32 $0xffff, v23, v24;
	vm6 =	vge.f32 v9, v12  }
0x13a: {  	(xrf1) =	vsort.dscd.msk.f32 $0xffff, v7, v8;
	v7 =	vsel vm6, v9, v12;
	v8 =	vsel vm6, v11, v25  }
0x13b: {  	v9 =	vsel vm6, v12, v9;
	v10 =	vsel vm6, v25, v11;
	(xrf1) =	vsort.dscd.msk.f32 $0xffff, v7, v8  }
0x13c: {  	(xrf1) =	vsort.dscd.msk.f32 $0xffff, v9, v10;
	_ =	sdelay $0x1  }
0x13d: {  	v7, v8, _ =	vpop (xrf1)  }
0x13e: {  	v9, v10, _ =	vpop (xrf1)  }
0x13f: {  	v27, v26, _ =	vpop (xrf1)  }
0x140: {  	v28, v29, _ =	vpop (xrf1);
	v11 =	vperm.xlane v27, v2  }
0x141: {  	v12 =	vperm.xlane v26, v2;
	v13 =	vperm.xlane v28, v2  }
0x142: {  	v14 =	vperm.xlane v29, v2;
	vm1 =	vge.f32 v9, v11  }
0x143: {  	vm7 =	vge.f32 v7, v13;
	v32 =	vsel vm1, v9, v11;
	v33 =	vsel vm1, v10, v12  }
0x144: {  	v9 =	vsel vm1, v11, v9;
	v10 =	vsel vm1, v12, v10;
	v30 =	vsel vm7, v7, v13  }
0x145: {  	v31 =	vsel vm7, v8, v14;
	v7 =	vsel vm7, v13, v7;
	vm8 =	vge.f32 v30, v32  }
0x146: {  	v8 =	vsel vm7, v14, v8;
	vm9 =	vge.f32 v7, v9;
	v17, v18, _ =	vpop (xrf1);
	v34 =	vsel vm8, v30, v32  }
0x147: {  	v22 =	vsel vm8, v31, v33;
	v13 =	vsel vm8, v32, v30;
	v14 =	vsel vm8, v33, v31;
	v19, v20, _ =	vpop (xrf1)  }
0x148: {  	v37 =	vsel vm9, v7, v9;
	v38 =	vsel vm9, v8, v10;
	(xrf1) =	vsort.dscd.msk.f32 $0xffff, v34, v22;
	v35, v21, _ =	vpop (xrf1)  }
0x149: {  	v7 =	vsel vm9, v9, v7;
	v8 =	vsel vm9, v10, v8;
	(xrf1) =	vsort.dscd.msk.f32 $0xffff, v13, v14;
	v36, v23, _ =	vpop (xrf1)  }
0x14a: {  	(xrf1) =	vsort.dscd.msk.f32 $0xffff, v37, v38;
	v40 =	vperm.xlane v35, v2;
	v39 =	vperm.xlane v36, v2  }
0x14b: {  	(xrf1) =	vsort.dscd.msk.f32 $0xffff, v7, v8;
	v7 =	vperm.xlane v21, v2  }
0x14c: {  	v41 =	vperm.xlane v23, v2;
	vm11 =	vge.f32 v19, v40;
	vm10 =	vge.f32 v17, v39  }
0x14d: {  	v44 =	vsel vm11, v19, v40;
	v45 =	vsel vm11, v20, v7;
	v9 =	vsel vm11, v40, v19  }
0x14e: {  	v7 =	vsel vm11, v7, v20;
	v8 =	vsel vm10, v17, v39;
	v42 =	vsel vm10, v18, v41  }
0x14f: {  	v43 =	vsel vm10, v39, v17;
	v10 =	vsel vm10, v41, v18;
	vm12 =	vge.f32 v8, v44  }
0x150: {  	vm13 =	vge.f32 v43, v9;
	v46 =	vsel vm12, v8, v44;
	v47 =	vsel vm12, v42, v45  }
0x151: {  	v8 =	vsel vm12, v44, v8;
	v11 =	vsel vm12, v45, v42;
	(xrf1) =	vsort.dscd.msk.f32 $0xffff, v46, v47  }
0x152: {  	v48 =	vsel vm13, v43, v9;
	v49 =	vsel vm13, v10, v7;
	(xrf1) =	vsort.dscd.msk.f32 $0xffff, v8, v11  }
0x153: {  	v7 =	vsel vm13, v7, v10;
	v8 =	vsel vm13, v9, v43;
	(xrf1) =	vsort.dscd.msk.f32 $0xffff, v48, v49  }
0x154: {  	(xrf1) =	vsort.dscd.msk.f32 $0xffff, v8, v7;
	_ =	sdelay $0x6  }
0x155: {  	v7, v8, _ =	vpop (xrf1)  }
0x156: {  	v50, v51, _ =	vpop (xrf1)  }
0x157: {  	v52, v53, _ =	vpop (xrf1)  }
0x158: {  	v13, v14, _ =	vpop (xrf1)  }
0x159: {  	v15, v16, _ =	vpop (xrf1)  }
0x15a: {  	v54, v55, _ =	vpop (xrf1)  }
0x15b: {  	v56, v57, _ =	vpop (xrf1)  }
0x15c: {  	v15 =	vperm.xlane v15, v2;
	v17 =	vperm.xlane v54, v2;
	v59, v58, _ =	vpop (xrf1)  }
0x15d: {  	v19 =	vperm.xlane v56, v2;
	v21 =	vperm.xlane v59, v2  }
0x15e: {  	vm3 =	vge.f32 v13, v15;
	vm2 =	vge.f32 v52, v17  }
0x15f: {  	v13 =	vsel vm3, v13, v15;
	vm15 =	vge.f32 v50, v19;
	vm14 =	vge.f32 v7, v21  }
0x160: {  	v11 =	vsel vm2, v52, v17;
	v9 =	vsel vm15, v50, v19;
	v7 =	vsel vm14, v7, v21  }
0x161: {  	v17 =	vmin.f32 v11, v13;
	v60 =	vmin.f32 v7, v9  }
0x162: {  	v15 =	vmin.f32 v60, v17  }
0x163: {  	(xrf1) =	vsort.ascd.msk.f32 $0xffff, v15, v15;
	_ =	sdelay $0xd  }
0x164: {  	v62, _, _ =	vpop (xrf1)  }
0x165: {  	[tilespmem:$0x80C0] =	vst v1;
	(v2sf) =	vpush v62, $0x0  }
0x166: {  	[tilespmem:$0x80D0] =	vst v1  }
0x167: {  	[tilespmem:$0x8060] =	vst v0  }
0x168: {  	[tilespmem:$0x80E0] =	vst v1  }
0x169: {  	[tilespmem:$0x8070] =	vst v0  }
0x16a: {  	[tilespmem:$0x80F0] =	vst v1  }
0x16b: {  	[tilespmem:$0x8040] =	vst v0  }
0x16c: {  	[tilespmem:$0x8050] =	vst v0;
	v61 =	vperm.xlane v58, v2  }
0x16d: {  	[tilespmem:$0x8030] =	vst v13  }
0x16e: {  	v63 =	vperm.xlane v57, v2;
	[tilespmem:$0x8020] =	vst v11;
	v8 =	vsel vm14, v8, v61  }
0x16f: {  	[tilespmem:$0x8080] =	vst v8;
	v8 =	vperm.xlane v55, v2  }
0x170: {  	[tilespmem:$0x8000] =	vst v7;
	v7 =	vsel vm15, v51, v63  }
0x171: {  	[tilespmem:$0x8090] =	vst v7;
	v7 =	vsel vm2, v53, v8;
	v8 =	vperm.xlane v16, v2  }
0x172: {  	[tilespmem:$0x8010] =	vst v9  }
0x173: {  	[tilespmem:$0x80A0] =	vst v7;
	v7 =	vsel vm3, v14, v8  }
0x174: {  	s17 =	simm.s32 $0x4;
	[tilespmem:$0x80B0] =	vst v7;
	s15 =	spop (v2sf)  }
.LBB2_6:
0x175: {  	vm0 =	vgt.f32 v6, v4  }
0x176: {  	v7 =	vmpcnt.ones.xlane vm0;
	_ =	sdelay $0x1  }
0x177: {  	(v2sf) =	vpush v7, $0x0;
	_ =	sdelay $0xe  }
0x178: {  	s16 =	spop (v2sf)  }
0x179: {  	p0 =	slt.s32 s16, $0x1  }
0x17a: {  	s16 =	sadd.s32 @!p0 $0x1, s17  }
0x17b: {  	p1 =	sne.s32 @!p0 s16, $0x8  }
0x17c: {  	p1 =	por p0, p1  }
.Ltmp7:
0x17d: {  	_ = 	snop;
	(pc) =	sbr.rel @!p1 .LBB2_8-.Ltmp7, $4  }
0x17e: {  	s18 =	sadd.s32 $0x10, s14;
	vm0 =	vgt.f32 @!p0 v6, v4;
	v7 =	vlaneseq.u32 @!p0  }
0x17f: {  	v6 =	vnsel @!p0 vm0, $0xFF61B1E6, v6;
	v7 =	vor.u32 @!p0 s18, v7;
	s18 =	sshll.u32 @!p0 s17, $0x4  }
0x180: {  	[tilespmem:s18+$0x8000] =	vst @!p0 v6;
	v6 =	vnsel @!p0 vm0, $0x0, v7  }
0x181: {  	[tilespmem:s18+$0x8080] =	vst @!p0 v6  }
.Ltmp8:
0x182: {  	(pc) =	sbr.rel .LBB2_9-.Ltmp8, $2  }
0x183: {  	_ =	sdelay $0x2  }
0x184: {  	s16 =	smov.u32 @p0 s17;
	s15 =	smov.u32 @p0 s15  }
.LBB2_8:
0x185: {  	v6 =	vld [tilespmem:$0x8000]  }
0x186: {  	v7 =	vld [tilespmem:$0x8010]  }
0x187: {  	v8 =	vld [tilespmem:$0x8020]  }
0x188: {  	v9 =	vld [tilespmem:$0x8080]  }
0x189: {  	v10 =	vld [tilespmem:$0x8090]  }
0x18a: {  	v11 =	vld [tilespmem:$0x8030]  }
0x18b: {  	v12 =	vld [tilespmem:$0x80A0]  }
0x18c: {  	v13 =	vld [tilespmem:$0x80B0];
	_ =	sdelay $0x1  }
0x18d: {  	(xrf1) =	vsort.dscd.msk.f32 $0xffff, v6, v9  }
0x18e: {  	v52 =	vld [tilespmem:$0x8060];
	(xrf1) =	vsort.dscd.msk.f32 $0xffff, v7, v10  }
0x18f: {  	v53 =	vld [tilespmem:$0x80C0];
	(xrf1) =	vsort.dscd.msk.f32 $0xffff, v8, v12  }
0x190: {  	v54 =	vld [tilespmem:$0x80D0];
	(xrf1) =	vsort.dscd.msk.f32 $0xffff, v11, v13  }
0x191: {  	v55 =	vld [tilespmem:$0x8070]  }
0x192: {  	v6 =	vld [tilespmem:$0x8040]  }
0x193: {  	v7 =	vld [tilespmem:$0x8050]  }
0x194: {  	v56 =	vld [tilespmem:$0x80E0]  }
0x195: {  	v57 =	vld [tilespmem:$0x80F0];
	_ =	sdelay $0x1  }
0x196: {  	(xrf1) =	vsort.dscd.msk.f32 $0xffff, v6, v53  }
0x197: {  	(xrf1) =	vsort.dscd.msk.f32 $0xffff, v7, v54  }
0x198: {  	(xrf1) =	vsort.dscd.msk.f32 $0xffff, v52, v56  }
0x199: {  	(xrf1) =	vsort.dscd.msk.f32 $0xffff, v55, v57  }
0x19a: {  	v6, v7, _ =	vpop (xrf1)  }
0x19b: {  	v58, v59, _ =	vpop (xrf1)  }
0x19c: {  	v8 =	vperm.xlane v58, v2;
	v60, v61, _ =	vpop (xrf1)  }
0x19d: {  	v9 =	vperm.xlane v59, v2;
	v62, v63, _ =	vpop (xrf1)  }
0x19e: {  	vm0 =	vge.f32 v6, v8;
	v12 =	vperm.xlane v62, v2;
	v18 =	vperm.xlane v63, v2  }
0x19f: {  	v14 =	vsel vm0, v6, v8;
	v15 =	vsel vm0, v7, v9;
	v6 =	vsel vm0, v8, v6  }
0x1a0: {  	v7 =	vsel vm0, v9, v7;
	(xrf1) =	vsort.dscd.msk.f32 $0xffff, v14, v15;
	vm4 =	vge.f32 v60, v12  }
0x1a1: {  	(xrf1) =	vsort.dscd.msk.f32 $0xffff, v6, v7;
	v7 =	vsel vm4, v61, v18  }
0x1a2: {  	v6 =	vsel vm4, v60, v12;
	v10 =	vsel vm4, v12, v60  }
0x1a3: {  	v8 =	vsel vm4, v18, v61;
	(xrf1) =	vsort.dscd.msk.f32 $0xffff, v6, v7  }
0x1a4: {  	v20, v19, _ =	vpop (xrf1);
	(xrf1) =	vsort.dscd.msk.f32 $0xffff, v10, v8  }
0x1a5: {  	v6, v7, _ =	vpop (xrf1)  }
0x1a6: {  	v6 =	vperm.xlane v6, v2;
	v8, v10, _ =	vpop (xrf1)  }
0x1a7: {  	v7 =	vperm.xlane v7, v2;
	v22, v21, _ =	vpop (xrf1)  }
0x1a8: {  	vm5 =	vge.f32 v20, v6;
	v11 =	vperm.xlane v22, v2;
	v25 =	vperm.xlane v21, v2  }
0x1a9: {  	v23 =	vsel vm5, v20, v6;
	v24 =	vsel vm5, v19, v7;
	v6 =	vsel vm5, v6, v20  }
0x1aa: {  	v7 =	vsel vm5, v7, v19;
	(xrf1) =	vsort.dscd.msk.f32 $0xffff, v23, v24;
	vm6 =	vge.f32 v8, v11  }
0x1ab: {  	(xrf1) =	vsort.dscd.msk.f32 $0xffff, v6, v7;
	v6 =	vsel vm6, v8, v11;
	v7 =	vsel vm6, v10, v25  }
0x1ac: {  	v8 =	vsel vm6, v11, v8;
	v9 =	vsel vm6, v25, v10;
	(xrf1) =	vsort.dscd.msk.f32 $0xffff, v6, v7  }
0x1ad: {  	(xrf1) =	vsort.dscd.msk.f32 $0xffff, v8, v9;
	_ =	sdelay $0x1  }
0x1ae: {  	v6, v7, _ =	vpop (xrf1)  }
0x1af: {  	v8, v9, _ =	vpop (xrf1)  }
0x1b0: {  	v27, v26, _ =	vpop (xrf1)  }
0x1b1: {  	v28, v29, _ =	vpop (xrf1);
	v10 =	vperm.xlane v27, v2  }
0x1b2: {  	v11 =	vperm.xlane v26, v2;
	v12 =	vperm.xlane v28, v2  }
0x1b3: {  	v13 =	vperm.xlane v29, v2;
	vm1 =	vge.f32 v8, v10  }
0x1b4: {  	vm7 =	vge.f32 v6, v12;
	v32 =	vsel vm1, v8, v10;
	v33 =	vsel vm1, v9, v11  }
0x1b5: {  	v8 =	vsel vm1, v10, v8;
	v9 =	vsel vm1, v11, v9;
	v30 =	vsel vm7, v6, v12  }
0x1b6: {  	v31 =	vsel vm7, v7, v13;
	v6 =	vsel vm7, v12, v6;
	vm8 =	vge.f32 v30, v32  }
0x1b7: {  	v7 =	vsel vm7, v13, v7;
	vm9 =	vge.f32 v6, v8;
	v16, v17, _ =	vpop (xrf1);
	v34 =	vsel vm8, v30, v32  }
0x1b8: {  	v21 =	vsel vm8, v31, v33;
	v12 =	vsel vm8, v32, v30;
	v13 =	vsel vm8, v33, v31;
	v18, v19, _ =	vpop (xrf1)  }
0x1b9: {  	v37 =	vsel vm9, v6, v8;
	v38 =	vsel vm9, v7, v9;
	(xrf1) =	vsort.dscd.msk.f32 $0xffff, v34, v21;
	v35, v20, _ =	vpop (xrf1)  }
0x1ba: {  	v6 =	vsel vm9, v8, v6;
	v7 =	vsel vm9, v9, v7;
	(xrf1) =	vsort.dscd.msk.f32 $0xffff, v12, v13;
	v36, v22, _ =	vpop (xrf1)  }
0x1bb: {  	(xrf1) =	vsort.dscd.msk.f32 $0xffff, v37, v38;
	v40 =	vperm.xlane v35, v2;
	v39 =	vperm.xlane v36, v2  }
0x1bc: {  	(xrf1) =	vsort.dscd.msk.f32 $0xffff, v6, v7;
	v6 =	vperm.xlane v20, v2  }
0x1bd: {  	v41 =	vperm.xlane v22, v2;
	vm11 =	vge.f32 v18, v40;
	vm10 =	vge.f32 v16, v39  }
0x1be: {  	v44 =	vsel vm11, v18, v40;
	v45 =	vsel vm11, v19, v6;
	v8 =	vsel vm11, v40, v18  }
0x1bf: {  	v6 =	vsel vm11, v6, v19;
	v7 =	vsel vm10, v16, v39;
	v42 =	vsel vm10, v17, v41  }
0x1c0: {  	v43 =	vsel vm10, v39, v16;
	v9 =	vsel vm10, v41, v17;
	vm12 =	vge.f32 v7, v44  }
0x1c1: {  	vm13 =	vge.f32 v43, v8;
	v46 =	vsel vm12, v7, v44;
	v47 =	vsel vm12, v42, v45  }
0x1c2: {  	v7 =	vsel vm12, v44, v7;
	v10 =	vsel vm12, v45, v42;
	(xrf1) =	vsort.dscd.msk.f32 $0xffff, v46, v47  }
0x1c3: {  	v48 =	vsel vm13, v43, v8;
	v49 =	vsel vm13, v9, v6;
	(xrf1) =	vsort.dscd.msk.f32 $0xffff, v7, v10  }
0x1c4: {  	v6 =	vsel vm13, v6, v9;
	v7 =	vsel vm13, v8, v43;
	(xrf1) =	vsort.dscd.msk.f32 $0xffff, v48, v49  }
0x1c5: {  	(xrf1) =	vsort.dscd.msk.f32 $0xffff, v7, v6;
	_ =	sdelay $0x6  }
0x1c6: {  	v6, v7, _ =	vpop (xrf1)  }
0x1c7: {  	v50, v51, _ =	vpop (xrf1)  }
0x1c8: {  	v52, v53, _ =	vpop (xrf1)  }
0x1c9: {  	v12, v13, _ =	vpop (xrf1)  }
0x1ca: {  	v14, v15, _ =	vpop (xrf1)  }
0x1cb: {  	v54, v55, _ =	vpop (xrf1)  }
0x1cc: {  	v56, v57, _ =	vpop (xrf1)  }
0x1cd: {  	v14 =	vperm.xlane v14, v2;
	v16 =	vperm.xlane v54, v2;
	v59, v58, _ =	vpop (xrf1)  }
0x1ce: {  	v18 =	vperm.xlane v56, v2;
	v20 =	vperm.xlane v59, v2  }
0x1cf: {  	vm3 =	vge.f32 v12, v14;
	vm2 =	vge.f32 v52, v16  }
0x1d0: {  	v12 =	vsel vm3, v12, v14;
	vm15 =	vge.f32 v50, v18;
	vm14 =	vge.f32 v6, v20  }
0x1d1: {  	v10 =	vsel vm2, v52, v16;
	v8 =	vsel vm15, v50, v18;
	v6 =	vsel vm14, v6, v20  }
0x1d2: {  	v16 =	vmin.f32 v10, v12;
	v60 =	vmin.f32 v6, v8  }
0x1d3: {  	v14 =	vmin.f32 v60, v16  }
0x1d4: {  	(xrf1) =	vsort.ascd.msk.f32 $0xffff, v14, v14;
	_ =	sdelay $0xd  }
0x1d5: {  	v62, _, _ =	vpop (xrf1)  }
0x1d6: {  	[tilespmem:$0x80C0] =	vst v1;
	(v2sf) =	vpush v62, $0x0  }
0x1d7: {  	[tilespmem:$0x80D0] =	vst v1  }
0x1d8: {  	[tilespmem:$0x8060] =	vst v0  }
0x1d9: {  	[tilespmem:$0x80E0] =	vst v1  }
0x1da: {  	[tilespmem:$0x8070] =	vst v0  }
0x1db: {  	[tilespmem:$0x80F0] =	vst v1  }
0x1dc: {  	[tilespmem:$0x8040] =	vst v0  }
0x1dd: {  	[tilespmem:$0x8050] =	vst v0;
	v61 =	vperm.xlane v58, v2  }
0x1de: {  	[tilespmem:$0x8030] =	vst v12  }
0x1df: {  	v63 =	vperm.xlane v57, v2;
	[tilespmem:$0x8020] =	vst v10;
	v7 =	vsel vm14, v7, v61  }
0x1e0: {  	[tilespmem:$0x8080] =	vst v7;
	v7 =	vperm.xlane v55, v2  }
0x1e1: {  	[tilespmem:$0x8000] =	vst v6;
	v6 =	vsel vm15, v51, v63  }
0x1e2: {  	[tilespmem:$0x8090] =	vst v6;
	v6 =	vsel vm2, v53, v7;
	v7 =	vperm.xlane v15, v2  }
0x1e3: {  	[tilespmem:$0x8010] =	vst v8  }
0x1e4: {  	[tilespmem:$0x80A0] =	vst v6;
	v6 =	vsel vm3, v13, v7  }
0x1e5: {  	s16 =	simm.s32 $0x4;
	[tilespmem:$0x80B0] =	vst v6;
	s15 =	spop (v2sf)  }
.LBB2_9:
0x1e6: {  	vm0 =	vgt.f32 v5, v4  }
0x1e7: {  	v6 =	vmpcnt.ones.xlane vm0;
	_ =	sdelay $0x1  }
0x1e8: {  	(v2sf) =	vpush v6, $0x0;
	_ =	sdelay $0xe  }
0x1e9: {  	s17 =	spop (v2sf)  }
0x1ea: {  	p0 =	slt.s32 s17, $0x1  }
0x1eb: {  	s17 =	sadd.s32 @!p0 $0x1, s16  }
0x1ec: {  	p1 =	sne.s32 @!p0 s17, $0x8  }
0x1ed: {  	p1 =	por p0, p1  }
.Ltmp9:
0x1ee: {  	_ = 	snop;
	(pc) =	sbr.rel @!p1 .LBB2_11-.Ltmp9, $4  }
0x1ef: {  	s18 =	sadd.s32 $0x20, s14;
	vm0 =	vgt.f32 @!p0 v5, v4;
	v6 =	vlaneseq.u32 @!p0  }
0x1f0: {  	v5 =	vnsel @!p0 vm0, $0xFF61B1E6, v5;
	v6 =	vor.u32 @!p0 s18, v6;
	s18 =	sshll.u32 @!p0 s16, $0x4  }
0x1f1: {  	[tilespmem:s18+$0x8000] =	vst @!p0 v5;
	v5 =	vnsel @!p0 vm0, $0x0, v6  }
0x1f2: {  	[tilespmem:s18+$0x8080] =	vst @!p0 v5  }
.Ltmp10:
0x1f3: {  	(pc) =	sbr.rel .LBB2_12-.Ltmp10, $2  }
0x1f4: {  	_ =	sdelay $0x2  }
0x1f5: {  	s17 =	smov.u32 @p0 s16;
	s15 =	smov.u32 @p0 s15  }
.LBB2_11:
0x1f6: {  	v5 =	vld [tilespmem:$0x8000]  }
0x1f7: {  	v6 =	vld [tilespmem:$0x8010]  }
0x1f8: {  	v7 =	vld [tilespmem:$0x8020]  }
0x1f9: {  	v8 =	vld [tilespmem:$0x8080]  }
0x1fa: {  	v9 =	vld [tilespmem:$0x8090]  }
0x1fb: {  	v10 =	vld [tilespmem:$0x8030]  }
0x1fc: {  	v11 =	vld [tilespmem:$0x80A0]  }
0x1fd: {  	v12 =	vld [tilespmem:$0x80B0]  }
0x1fe: {  	(xrf1) =	vsort.dscd.msk.f32 $0xffff, v5, v8  }
0x1ff: {  	(xrf1) =	vsort.dscd.msk.f32 $0xffff, v6, v9  }
0x200: {  	v59 =	vld [tilespmem:$0x8060]  }
0x201: {  	v60 =	vld [tilespmem:$0x80D0];
	(xrf1) =	vsort.dscd.msk.f32 $0xffff, v7, v11  }
0x202: {  	v61 =	vld [tilespmem:$0x8070];
	(xrf1) =	vsort.dscd.msk.f32 $0xffff, v10, v12  }
0x203: {  	v5 =	vld [tilespmem:$0x8040]  }
0x204: {  	v7 =	vld [tilespmem:$0x80C0]  }
0x205: {  	v6 =	vld [tilespmem:$0x8050]  }
0x206: {  	v62 =	vld [tilespmem:$0x80E0]  }
0x207: {  	v63 =	vld [tilespmem:$0x80F0];
	_ =	sdelay $0x1  }
0x208: {  	(xrf1) =	vsort.dscd.msk.f32 $0xffff, v5, v7  }
0x209: {  	(xrf1) =	vsort.dscd.msk.f32 $0xffff, v6, v60  }
0x20a: {  	(xrf1) =	vsort.dscd.msk.f32 $0xffff, v59, v62  }
0x20b: {  	(xrf1) =	vsort.dscd.msk.f32 $0xffff, v61, v63;
	v5, v6, _ =	vpop (xrf1)  }
0x20c: {  	v7, v16, _ =	vpop (xrf1)  }
0x20d: {  	v7 =	vperm.xlane v7, v2  }
0x20e: {  	v17, v18, _ =	vpop (xrf1)  }
0x20f: {  	v8 =	vperm.xlane v16, v2;
	v19, v20, _ =	vpop (xrf1);
	vm0 =	vge.f32 v5, v7  }
0x210: {  	v11 =	vperm.xlane v19, v2;
	v13 =	vsel vm0, v5, v7  }
0x211: {  	v14 =	vsel vm0, v6, v8;
	v5 =	vsel vm0, v7, v5;
	v7 =	vperm.xlane v20, v2  }
0x212: {  	v6 =	vsel vm0, v8, v6;
	(xrf1) =	vsort.dscd.msk.f32 $0xffff, v13, v14;
	vm4 =	vge.f32 v17, v11  }
0x213: {  	(xrf1) =	vsort.dscd.msk.f32 $0xffff, v5, v6;
	v6 =	vsel vm4, v18, v7  }
0x214: {  	v5 =	vsel vm4, v17, v11;
	v9 =	vsel vm4, v11, v17  }
0x215: {  	v7 =	vsel vm4, v7, v18;
	(xrf1) =	vsort.dscd.msk.f32 $0xffff, v5, v6  }
0x216: {  	v22, v21, _ =	vpop (xrf1);
	(xrf1) =	vsort.dscd.msk.f32 $0xffff, v9, v7  }
0x217: {  	v5, v6, _ =	vpop (xrf1)  }
0x218: {  	v5 =	vperm.xlane v5, v2;
	v7, v9, _ =	vpop (xrf1)  }
0x219: {  	v6 =	vperm.xlane v6, v2;
	v24, v23, _ =	vpop (xrf1)  }
0x21a: {  	vm5 =	vge.f32 v22, v5;
	v10 =	vperm.xlane v24, v2;
	v27 =	vperm.xlane v23, v2  }
0x21b: {  	v25 =	vsel vm5, v22, v5;
	v26 =	vsel vm5, v21, v6;
	v5 =	vsel vm5, v5, v22  }
0x21c: {  	v6 =	vsel vm5, v6, v21;
	(xrf1) =	vsort.dscd.msk.f32 $0xffff, v25, v26;
	vm6 =	vge.f32 v7, v10  }
0x21d: {  	(xrf1) =	vsort.dscd.msk.f32 $0xffff, v5, v6;
	v5 =	vsel vm6, v7, v10;
	v6 =	vsel vm6, v9, v27  }
0x21e: {  	v7 =	vsel vm6, v10, v7;
	v8 =	vsel vm6, v27, v9;
	(xrf1) =	vsort.dscd.msk.f32 $0xffff, v5, v6  }
0x21f: {  	(xrf1) =	vsort.dscd.msk.f32 $0xffff, v7, v8;
	_ =	sdelay $0x1  }
0x220: {  	v5, v6, _ =	vpop (xrf1)  }
0x221: {  	v7, v8, _ =	vpop (xrf1)  }
0x222: {  	v29, v28, _ =	vpop (xrf1)  }
0x223: {  	v30, v31, _ =	vpop (xrf1);
	v9 =	vperm.xlane v29, v2  }
0x224: {  	v10 =	vperm.xlane v28, v2;
	v11 =	vperm.xlane v30, v2  }
0x225: {  	v12 =	vperm.xlane v31, v2;
	vm1 =	vge.f32 v7, v9  }
0x226: {  	vm7 =	vge.f32 v5, v11;
	v34 =	vsel vm1, v7, v9;
	v35 =	vsel vm1, v8, v10  }
0x227: {  	v7 =	vsel vm1, v9, v7;
	v8 =	vsel vm1, v10, v8;
	v32 =	vsel vm7, v5, v11  }
0x228: {  	v33 =	vsel vm7, v6, v12;
	v5 =	vsel vm7, v11, v5;
	vm8 =	vge.f32 v32, v34  }
0x229: {  	v6 =	vsel vm7, v12, v6;
	vm9 =	vge.f32 v5, v7;
	v15, v16, _ =	vpop (xrf1);
	v36 =	vsel vm8, v32, v34  }
0x22a: {  	v20 =	vsel vm8, v33, v35;
	v11 =	vsel vm8, v34, v32;
	v12 =	vsel vm8, v35, v33;
	v17, v18, _ =	vpop (xrf1)  }
0x22b: {  	v39 =	vsel vm9, v5, v7;
	v40 =	vsel vm9, v6, v8;
	(xrf1) =	vsort.dscd.msk.f32 $0xffff, v36, v20;
	v37, v19, _ =	vpop (xrf1)  }
0x22c: {  	v5 =	vsel vm9, v7, v5;
	v6 =	vsel vm9, v8, v6;
	(xrf1) =	vsort.dscd.msk.f32 $0xffff, v11, v12;
	v38, v21, _ =	vpop (xrf1)  }
0x22d: {  	(xrf1) =	vsort.dscd.msk.f32 $0xffff, v39, v40;
	v7 =	vperm.xlane v37, v2;
	v41 =	vperm.xlane v38, v2  }
0x22e: {  	(xrf1) =	vsort.dscd.msk.f32 $0xffff, v5, v6;
	v5 =	vperm.xlane v19, v2  }
0x22f: {  	v42 =	vperm.xlane v21, v2;
	vm11 =	vge.f32 v17, v7;
	vm10 =	vge.f32 v15, v41  }
0x230: {  	v45 =	vsel vm11, v17, v7;
	v46 =	vsel vm11, v18, v5;
	v7 =	vsel vm11, v7, v17  }
0x231: {  	v5 =	vsel vm11, v5, v18;
	v6 =	vsel vm10, v15, v41;
	v43 =	vsel vm10, v16, v42  }
0x232: {  	v44 =	vsel vm10, v41, v15;
	v8 =	vsel vm10, v42, v16;
	vm12 =	vge.f32 v6, v45  }
0x233: {  	vm13 =	vge.f32 v44, v7;
	v47 =	vsel vm12, v6, v45;
	v48 =	vsel vm12, v43, v46  }
0x234: {  	v6 =	vsel vm12, v45, v6;
	v9 =	vsel vm12, v46, v43;
	(xrf1) =	vsort.dscd.msk.f32 $0xffff, v47, v48  }
0x235: {  	v49 =	vsel vm13, v44, v7;
	v50 =	vsel vm13, v8, v5;
	(xrf1) =	vsort.dscd.msk.f32 $0xffff, v6, v9  }
0x236: {  	v5 =	vsel vm13, v5, v8;
	v6 =	vsel vm13, v7, v44;
	(xrf1) =	vsort.dscd.msk.f32 $0xffff, v49, v50  }
0x237: {  	(xrf1) =	vsort.dscd.msk.f32 $0xffff, v6, v5;
	_ =	sdelay $0x6  }
0x238: {  	v5, v6, _ =	vpop (xrf1)  }
0x239: {  	v7, v51, _ =	vpop (xrf1)  }
0x23a: {  	v52, v53, _ =	vpop (xrf1)  }
0x23b: {  	v11, v12, _ =	vpop (xrf1)  }
0x23c: {  	v13, v14, _ =	vpop (xrf1)  }
0x23d: {  	v54, v55, _ =	vpop (xrf1)  }
0x23e: {  	v56, v57, _ =	vpop (xrf1)  }
0x23f: {  	v13 =	vperm.xlane v13, v2;
	v15 =	vperm.xlane v54, v2;
	v59, v58, _ =	vpop (xrf1)  }
0x240: {  	v17 =	vperm.xlane v56, v2;
	v19 =	vperm.xlane v59, v2  }
0x241: {  	vm3 =	vge.f32 v11, v13;
	vm2 =	vge.f32 v52, v15  }
0x242: {  	v11 =	vsel vm3, v11, v13;
	vm15 =	vge.f32 v7, v17;
	vm14 =	vge.f32 v5, v19  }
0x243: {  	v9 =	vsel vm2, v52, v15;
	v7 =	vsel vm15, v7, v17;
	v5 =	vsel vm14, v5, v19  }
0x244: {  	v15 =	vmin.f32 v9, v11;
	v60 =	vmin.f32 v5, v7  }
0x245: {  	v13 =	vmin.f32 v60, v15  }
0x246: {  	(xrf1) =	vsort.ascd.msk.f32 $0xffff, v13, v13;
	_ =	sdelay $0xd  }
0x247: {  	v62, _, _ =	vpop (xrf1)  }
0x248: {  	[tilespmem:$0x80D0] =	vst v1;
	(v2sf) =	vpush v62, $0x0  }
0x249: {  	[tilespmem:$0x8060] =	vst v0  }
0x24a: {  	[tilespmem:$0x80E0] =	vst v1  }
0x24b: {  	[tilespmem:$0x8070] =	vst v0  }
0x24c: {  	[tilespmem:$0x80F0] =	vst v1  }
0x24d: {  	[tilespmem:$0x8040] =	vst v0  }
0x24e: {  	[tilespmem:$0x8050] =	vst v0  }
0x24f: {  	[tilespmem:$0x80C0] =	vst v1;
	v61 =	vperm.xlane v58, v2  }
0x250: {  	[tilespmem:$0x8030] =	vst v11  }
0x251: {  	v63 =	vperm.xlane v57, v2;
	[tilespmem:$0x8020] =	vst v9;
	v6 =	vsel vm14, v6, v61  }
0x252: {  	[tilespmem:$0x8080] =	vst v6;
	v6 =	vperm.xlane v55, v2  }
0x253: {  	[tilespmem:$0x8000] =	vst v5;
	v5 =	vsel vm15, v51, v63  }
0x254: {  	[tilespmem:$0x8090] =	vst v5;
	v5 =	vsel vm2, v53, v6;
	v6 =	vperm.xlane v14, v2  }
0x255: {  	[tilespmem:$0x8010] =	vst v7  }
0x256: {  	[tilespmem:$0x80A0] =	vst v5;
	v5 =	vsel vm3, v12, v6  }
0x257: {  	s17 =	simm.s32 $0x4;
	[tilespmem:$0x80B0] =	vst v5;
	s15 =	spop (v2sf)  }
.LBB2_12:
0x258: {  	vm0 =	vgt.f32 v3, v4  }
0x259: {  	v5 =	vmpcnt.ones.xlane vm0;
	_ =	sdelay $0x1  }
0x25a: {  	(v2sf) =	vpush v5, $0x0;
	_ =	sdelay $0xe  }
0x25b: {  	s16 =	spop (v2sf)  }
0x25c: {  	p0 =	slt.s32 s16, $0x1  }
0x25d: {  	s16 =	sadd.s32 @!p0 $0x1, s17  }
0x25e: {  	p1 =	sne.s32 @!p0 s16, $0x8  }
0x25f: {  	p1 =	por p0, p1  }
.Ltmp11:
0x260: {  	_ = 	snop;
	(pc) =	sbr.rel @!p1 .LBB2_14-.Ltmp11, $4  }
0x261: {  	s18 =	sadd.s32 $0x30, s14;
	vm0 =	vgt.f32 @!p0 v3, v4;
	v4 =	vlaneseq.u32 @!p0  }
0x262: {  	v3 =	vnsel @!p0 vm0, $0xFF61B1E6, v3;
	v4 =	vor.u32 @!p0 s18, v4;
	s18 =	sshll.u32 @!p0 s17, $0x4  }
0x263: {  	[tilespmem:s18+$0x8000] =	vst @!p0 v3;
	v3 =	vnsel @!p0 vm0, $0x0, v4  }
0x264: {  	[tilespmem:s18+$0x8080] =	vst @!p0 v3  }
.Ltmp12:
0x265: {  	(pc) =	sbr.rel .LBB2_15-.Ltmp12, $2  }
0x266: {  	_ =	sdelay $0x2  }
0x267: {  	s16 =	smov.u32 @p0 s17;
	s15 =	smov.u32 @p0 s15  }
.LBB2_17:
0x268: {  	_ =	sfence.sel $0x180000  }
0x269: {  	[bflag:$0x0] =	sbarrier.arrive $0xFFFF  }
0x26a: {  	p0 =	sne.s32 s1, $0x0;
	_ =	strace $0x90000047  }
0x26b: {  	s0 =	sadd.s32 @!p0 $0x100000, s0;
	[bflag:$0x2] =	sbarrier.arrive $0xFFFF  }
0x26c: {  	[sflag:s0] =	ssyncadd.tile.s32 @!p0 $0x1;
	_ =	shalt  }
.Lfunc_end2:
_tile_overlayer_lowered:
.L_overlay_start_2:
0x26d: {  	(tag) =	ssettag $0x2  }
0x26e: {  	s0 =	rddreg [dreg:$0x0];
	s2 =	stileid.u32  }
0x26f: {  	s1 =	rddreg [dreg:$0x1];
	p0 =	sne.s32 s2, $0x0  }
0x270: {  	s3 =	rddreg [dreg:$0x2];
	[bflag:$0x3] =	sbarrier.arrive $0xFFFF;
	s2 =	simm.s32 @!p0 $0x1C01  }
0x271: {  	[timem:s3], [sflag:s2] =	dma.local @!p0 [hbm:s0], s1  }
0x272: {  	s0 =	simm.s32 @!p0 $0x1  }
0x273: {  	_ =	swait.ge @!p0 [sflag:s0], s1  }
0x274: {  	s1 =	ssub.s32 @!p0 $0x0, s1;
	[sflag:s0] =	ssyncset.done @!p0 $0x0  }
0x275: {  	[sflag:s0] =	ssyncadd.s32 @!p0 s1  }
0x276: {  	[bflag:$0x3] =	sbarrier.arrive $0xFFFF  }
0x277: {  	_ =	shalt  }

</sc_bundles>
